<compile_context>
chip_gen: v7x
topology: tpu7x:2x2x1
jax: 0.10.2.dev20260603
libtpu: 0.0.44.dev20260713+nightly
codegen_flags: <defaults>
</compile_context>

<pallas_src>
import functools

import jax
import jax.numpy as jnp
from jax import lax
from jax.experimental import pallas as pl
from jax.experimental.pallas import tpu as pltpu
from jax.experimental.pallas import tpu_sc as plsc

_B, _NRX, _NANT = 32, 1, 8
_NSYM, _FFT = 14, 2048
_NPIL = 2048
_NEFF = 1024
_PILOT_SYMS = (2, 11)
_SPAN_OFF = 512
_SPAN_LEN = 1152
_NC, _NS = 2, 16
_NW = _NC * _NS
_N0_PER_W = _NPIL // _NW


def _sc_body(xt_r, xt_i, n0_hbm, pr_hbm, pi_hbm,
             hr_hbm, hi_hbm, n0e_hbm,
             pr_v, pi_v, xr_b, xi_b, hr_b, hi_b, n0_v, n0e_v,
             in_sems, out_sems):
    wid = lax.axis_index("s") * _NC + lax.axis_index("c")

    def _start_in(u):
        sym = _PILOT_SYMS[u]
        src = (wid, 0, sym, pl.ds(0, _NANT), pl.ds(_SPAN_OFF, _SPAN_LEN))
        dr = pltpu.async_copy(xt_r.at[src], xr_b.at[u], in_sems.at[u, 0])
        di = pltpu.async_copy(xt_i.at[src], xi_b.at[u], in_sems.at[u, 1])
        return dr, di

    d_in = [_start_in(0), _start_in(1)]

    pltpu.sync_copy(pr_hbm, pr_v)
    pltpu.sync_copy(pi_hbm, pi_v)
    pltpu.sync_copy(n0_hbm, n0_v)
    n0_vec = n0_v[...]

    j0 = wid * _N0_PER_W
    def _n0(t, _):
        n0e_v[pl.ds(pl.multiple_of(t * 16, 16), 16)] = n0_vec
        return _
    lax.fori_loop(0, _N0_PER_W // 16, _n0, None)
    pltpu.sync_copy(n0e_v, n0e_hbm.at[pl.ds(j0, _N0_PER_W)])

    lane = lax.iota(jnp.int32, 16)
    rot1 = (lane + 1) & 15
    is15 = lane == 15

    def _dyng(v, idx):
        dn = lax.GatherDimensionNumbers(
            offset_dims=(), collapsed_slice_dims=(0,), start_index_map=(0,))
        return lax.gather(v, idx[:, None], dn, slice_sizes=(1,),
                          mode=lax.GatherScatterMode.PROMISE_IN_BOUNDS)

    def _compute(u):
        base = u * _NEFF

        def _lo(k, _):
            e0 = pl.multiple_of(k * 16, 16)
            a = pr_v[pl.ds(pl.multiple_of(base + e0, 16), 16)]
            bb = pi_v[pl.ds(pl.multiple_of(base + e0, 16), 16)]
            for ant in range(_NANT):
                xr = xr_b[u, ant, pl.ds(e0, 16)]
                xi = xi_b[u, ant, pl.ds(e0, 16)]
                hr_b[u, ant, pl.ds(e0, 16)] = xr * a + xi * bb
                hi_b[u, ant, pl.ds(e0, 16)] = xi * a - xr * bb
            return _
        lax.fori_loop(0, 512 // 16, _lo, None)

        def _hi(k, c):
            e0 = pl.multiple_of(512 + k * 16, 16)
            e1 = pl.multiple_of(e0 + 16, 16)
            a = pr_v[pl.ds(pl.multiple_of(base + e0, 16), 16)]
            bb = pi_v[pl.ds(pl.multiple_of(base + e0, 16), 16)]
            nxt = []
            for ant in range(_NANT):
                rvr, rvi = c[2 * ant], c[2 * ant + 1]
                nr = _dyng(xr_b[u, ant, pl.ds(e1, 16)], rot1)
                ni = _dyng(xi_b[u, ant, pl.ds(e1, 16)], rot1)
                xr = jnp.where(is15, nr, rvr)
                xi = jnp.where(is15, ni, rvi)
                hr_b[u, ant, pl.ds(e0, 16)] = xr * a + xi * bb
                hi_b[u, ant, pl.ds(e0, 16)] = xi * a - xr * bb
                nxt += [nr, ni]
            return tuple(nxt)

        c0 = []
        for ant in range(_NANT):
            c0 += [_dyng(xr_b[u, ant, pl.ds(512, 16)], rot1),
                   _dyng(xi_b[u, ant, pl.ds(512, 16)], rot1)]
        lax.fori_loop(0, 512 // 16, _hi, tuple(c0))

    def _start_out(u):
        base = u * _NEFF
        ds_ = []
        for ant in range(_NANT):
            dst = pl.ds((wid * _NANT + ant) * _NPIL + base, _NEFF)
            ds_.append(pltpu.async_copy(hr_b.at[u, ant], hr_hbm.at[dst],
                                        out_sems.at[u, 0]))
            ds_.append(pltpu.async_copy(hi_b.at[u, ant], hi_hbm.at[dst],
                                        out_sems.at[u, 1]))
        return ds_

    d_out = []
    for u in range(2):
        for d in d_in[u]:
            d.wait()
        _compute(u)
        d_out.append(_start_out(u))
    for ds_ in d_out:
        for d in ds_:
            d.wait()


_sc_call = functools.partial(
    pl.kernel,
    out_type=(
        jax.ShapeDtypeStruct((_B * _NANT * _NPIL,), jnp.float32),
        jax.ShapeDtypeStruct((_B * _NANT * _NPIL,), jnp.float32),
        jax.ShapeDtypeStruct((_NPIL,), jnp.float32),
    ),
    mesh=plsc.VectorSubcoreMesh(core_axis_name="c", subcore_axis_name="s"),
    scratch_types=[
        pltpu.VMEM((_NPIL,), jnp.float32),
        pltpu.VMEM((_NPIL,), jnp.float32),
        pltpu.VMEM((2, _NANT, _SPAN_LEN), jnp.float32),
        pltpu.VMEM((2, _NANT, _SPAN_LEN), jnp.float32),
        pltpu.VMEM((2, _NANT, _NEFF), jnp.float32),
        pltpu.VMEM((2, _NANT, _NEFF), jnp.float32),
        pltpu.VMEM((16,), jnp.float32),
        pltpu.VMEM((_N0_PER_W,), jnp.float32),
        pltpu.SemaphoreType.DMA((2, 2)),
        pltpu.SemaphoreType.DMA((2, 2)),
    ],
)(_sc_body)


def kernel(x_real, x_imag, n0, pilots_real, pilots_imag, eff_sc_ind, pilot_ind):
    del eff_sc_ind, pilot_ind
    xt_r = jnp.transpose(x_real, (0, 1, 3, 2, 4))
    xt_i = jnp.transpose(x_imag, (0, 1, 3, 2, 4))
    n0b = jnp.broadcast_to(n0, (16,))
    hr, hi, n0e = _sc_call(xt_r, xt_i, n0b, pilots_real, pilots_imag)
    h_ls = lax.complex(hr, hi).reshape(_B, _NRX, _NANT, _NPIL)
    n0_eff = n0e.reshape(1, _NPIL)
    return h_ls, n0_eff

# --- scband reference (transcript-rebuilt; emitter-appended) ---
"""Pipeline reference for scband-least-square-estimator-39960375722130 (READ-ONLY COPY).

The authoritative reference and input builder live on the scoring server;
editing this copy changes nothing except your own understanding.
"""

import jax, jax.numpy as jnp
import numpy as np

NUM_SYM = 14
FFT = 2048
GUARD_L = 512
GUARD_R = 511
NUM_EFF = FFT - GUARD_L - GUARD_R - 1  # 1024 (DC nulled)
PILOT_SYMS = (2, 11)
NUM_PILOTS = len(PILOT_SYMS) * NUM_EFF  # 2048
B, NRX, NANT = 32, 1, 8


def _eff_sc_ind():
    sc = np.arange(GUARD_L, FFT - GUARD_R)
    dc = FFT // 2
    sc = sc[sc != dc]
    return sc.astype(np.int32)


def _pilot_ind():
    # mask over effective grid [num_sym, num_eff_sc]; pilots fill whole OFDM symbols 2 and 11
    mask = np.zeros((NUM_SYM, NUM_EFF), np.int64)
    mask[list(PILOT_SYMS), :] = 1
    # argsort DESCENDING (stable) of flattened mask, keep first num_pilot_symbols -> pilot positions
    ind = np.argsort(-mask.reshape(-1), kind='stable')
    return ind[:NUM_PILOTS].astype(np.int64)


def setup_inputs(seed: int = 0):
    key = jax.random.key(seed)
    k1, k2, k3, k4 = jax.random.split(key, 4)
    x_real = jax.random.normal(k1, (B, NRX, NANT, NUM_SYM, FFT), jnp.float32)
    x_imag = jax.random.normal(k2, (B, NRX, NANT, NUM_SYM, FFT), jnp.float32)
    n0 = jax.random.uniform(k3, (1,), jnp.float32, 0.01, 0.1)
    bits = jax.random.randint(k4, (2, NUM_PILOTS), 0, 2).astype(jnp.float32)
    s = np.float32(1.0 / np.sqrt(2.0))
    pilots_real = (2.0 * bits[0] - 1.0) * s
    pilots_imag = (2.0 * bits[1] - 1.0) * s
    return {
        'x_real': x_real,
        'x_imag': x_imag,
        'n0': n0,
        'pilots_real': pilots_real,
        'pilots_imag': pilots_imag,
        'eff_sc_ind': jnp.asarray(_eff_sc_ind()),
        'pilot_ind': jnp.asarray(_pilot_ind()),
    }


def reference(x_real, x_imag, n0, pilots_real, pilots_imag, eff_sc_ind, pilot_ind):
    # RemoveNulledSubcarriers: gather effective subcarriers along last axis
    xr = jnp.take(x_real, eff_sc_ind, axis=-1)
    xi = jnp.take(x_imag, eff_sc_ind, axis=-1)
    # flatten_last_dims(x, 2)
    sh = xr.shape[:-2] + (xr.shape[-2] * xr.shape[-1],)
    xr = xr.reshape(sh)
    xi = xi.reshape(sh)
    # gather pilot-bearing resource elements
    xr = jnp.take(xr, pilot_ind, axis=-1)
    xi = jnp.take(xi, pilot_ind, axis=-1)
    # h_ls = divide_no_nan(x, pilots) in complex arithmetic: x * conj(p) / |p|^2
    p2 = pilots_real * pilots_real + pilots_imag * pilots_imag
    safe = jnp.where(p2 > 0, p2, 1.0)
    inv = jnp.where(p2 > 0, 1.0 / safe, 0.0)
    h_r = (xr * pilots_real + xi * pilots_imag) * inv
    h_i = (xi * pilots_real - xr * pilots_imag) * inv
    h_ls = jax.lax.complex(h_r, h_i)
    # n0_eff = expand_dims(divide_no_nan(n0, |pilots|^2), 0)
    n0_eff = jnp.expand_dims(n0 * inv, axis=0)
    return h_ls, n0_eff

if __name__ == "__main__":
    import jax
    _d = setup_inputs()
    print(jax.jit(kernel)(*tuple(_d.values())))

</pallas_src>

<mosaic_0001>
#map = affine_map<(d0, d1) -> (0, 0, 0, 0, 0)>
#map1 = affine_map<(d0, d1) -> (0)>
module attributes {stable_mosaic.version = 14 : i64} {
  func.func @_sc_body(%arg0: i32, %arg1: i32, %arg2: memref<32x1x14x8x2048xf32, #tpu.memory_space<hbm>>, %arg3: memref<32x1x14x8x2048xf32, #tpu.memory_space<hbm>>, %arg4: memref<16xf32, #tpu.memory_space<hbm>>, %arg5: memref<2048xf32, #tpu.memory_space<hbm>>, %arg6: memref<2048xf32, #tpu.memory_space<hbm>>, %arg7: memref<524288xf32, #tpu.memory_space<hbm>>, %arg8: memref<524288xf32, #tpu.memory_space<hbm>>, %arg9: memref<2048xf32, #tpu.memory_space<hbm>>, %arg10: memref<2048xf32, #tpu.memory_space<vmem>>, %arg11: memref<2048xf32, #tpu.memory_space<vmem>>, %arg12: memref<2x8x1152xf32, #tpu.memory_space<vmem>>, %arg13: memref<2x8x1152xf32, #tpu.memory_space<vmem>>, %arg14: memref<2x8x1024xf32, #tpu.memory_space<vmem>>, %arg15: memref<2x8x1024xf32, #tpu.memory_space<vmem>>, %arg16: memref<16xf32, #tpu.memory_space<vmem>>, %arg17: memref<64xf32, #tpu.memory_space<vmem>>, %arg18: memref<2x2x!tpu.dma_semaphore, #tpu.memory_space<semaphore_mem>>, %arg19: memref<2x2x!tpu.dma_semaphore, #tpu.memory_space<semaphore_mem>>) attributes {dimension_semantics = [#tpu.dimension_semantics<core_parallel>, #tpu.dimension_semantics<subcore_parallel>], iteration_bounds = array<i64: 2, 16>, scalar_prefetch = 0 : i64, scratch_operands = 10 : i64, tpu.core_type = #tpu.core_type<sc_vector_subcore>, window_params = [{transform_indices = #map}, {transform_indices = #map}, {transform_indices = #map1}, {transform_indices = #map1}, {transform_indices = #map1}, {transform_indices = #map1}, {transform_indices = #map1}, {transform_indices = #map1}]} {
    %mul3A = arith.constant 2 : i32
    %mul3A_0 = arith.muli %arg1, %mul3A : i32
    %add3A = arith.addi %mul3A_0, %arg0 : i32
    %dma_start3A = arith.constant 0 : i32
    %dma_start3A_1 = arith.constant 2 : i32
    %dma_start3A_2 = arith.constant 0 : i32
    %dma_start3A_3 = arith.constant 0 : i32
    %dma_start3A_4 = arith.constant 0 : i32
    %dma_start3A_5 = arith.constant 0 : i32
    %dma_start3A_6 = arith.constant 0 : i32
    %dma_start3A_7 = tpu.memref_slice %arg12[%dma_start3A_2, %dma_start3A_5, %dma_start3A_6] : memref<2x8x1152xf32, #tpu.memory_space<vmem>> -> memref<1x8x1152xf32, #tpu.memory_space<vmem>>
    %dma_start3A_8 = tpu.memref_squeeze %dma_start3A_7 : memref<1x8x1152xf32, #tpu.memory_space<vmem>> -> memref<8x1152xf32, #tpu.memory_space<vmem>>
    %dma_start3A_9 = arith.constant 0 : i32
    %dma_start3A_10 = arith.constant 512 : i32
    %dma_start3A_11 = tpu.memref_slice %arg2[%add3A, %dma_start3A, %dma_start3A_1, %dma_start3A_9, %dma_start3A_10] : memref<32x1x14x8x2048xf32, #tpu.memory_space<hbm>> -> memref<1x1x1x8x1152xf32, #tpu.memory_space<hbm>>
    %dma_start3A_12 = tpu.memref_squeeze %dma_start3A_11 : memref<1x1x1x8x1152xf32, #tpu.memory_space<hbm>> -> memref<8x1152xf32, #tpu.memory_space<hbm>>
    %dma_start3A_13 = tpu.memref_slice %arg18[%dma_start3A_3, %dma_start3A_4] : memref<2x2x!tpu.dma_semaphore, #tpu.memory_space<semaphore_mem>> -> memref<1x1x!tpu.dma_semaphore, #tpu.memory_space<semaphore_mem>>
    %dma_start3A_14 = tpu.memref_squeeze %dma_start3A_13 : memref<1x1x!tpu.dma_semaphore, #tpu.memory_space<semaphore_mem>> -> memref<!tpu.dma_semaphore, #tpu.memory_space<semaphore_mem>>
    %dma_start3A_15 = arith.constant 0 : i32
    %dma_start3A_16 = arith.constant 0 : i32
    %dma_start3A_17 = tpu.memref_slice %arg12[%dma_start3A_2, %dma_start3A_15, %dma_start3A_16] : memref<2x8x1152xf32, #tpu.memory_space<vmem>> -> memref<1x8x1152xf32, #tpu.memory_space<vmem>>
    %dma_start3A_18 = tpu.memref_squeeze %dma_start3A_17 : memref<1x8x1152xf32, #tpu.memory_space<vmem>> -> memref<8x1152xf32, #tpu.memory_space<vmem>>
    %dma_start3A_19 = arith.constant 0 : i32
    %dma_start3A_20 = arith.constant 512 : i32
    %dma_start3A_21 = tpu.memref_slice %arg2[%add3A, %dma_start3A, %dma_start3A_1, %dma_start3A_19, %dma_start3A_20] : memref<32x1x14x8x2048xf32, #tpu.memory_space<hbm>> -> memref<1x1x1x8x1152xf32, #tpu.memory_space<hbm>>
    %dma_start3A_22 = tpu.memref_squeeze %dma_start3A_21 : memref<1x1x1x8x1152xf32, #tpu.memory_space<hbm>> -> memref<8x1152xf32, #tpu.memory_space<hbm>>
    tpu.enqueue_dma source(%dma_start3A_22 : memref<8x1152xf32, #tpu.memory_space<hbm>>) target(%dma_start3A_18 : memref<8x1152xf32, #tpu.memory_space<vmem>>) target_semaphore(%dma_start3A_14 : memref<!tpu.dma_semaphore, #tpu.memory_space<semaphore_mem>>)
    %dma_start3A_23 = arith.constant 0 : i32
    %dma_start3A_24 = arith.constant 2 : i32
    %dma_start3A_25 = arith.constant 0 : i32
    %dma_start3A_26 = arith.constant 0 : i32
    %dma_start3A_27 = arith.constant 1 : i32
    %dma_start3A_28 = arith.constant 0 : i32
    %dma_start3A_29 = arith.constant 0 : i32
    %dma_start3A_30 = tpu.memref_slice %arg13[%dma_start3A_25, %dma_start3A_28, %dma_start3A_29] : memref<2x8x1152xf32, #tpu.memory_space<vmem>> -> memref<1x8x1152xf32, #tpu.memory_space<vmem>>
    %dma_start3A_31 = tpu.memref_squeeze %dma_start3A_30 : memref<1x8x1152xf32, #tpu.memory_space<vmem>> -> memref<8x1152xf32, #tpu.memory_space<vmem>>
    %dma_start3A_32 = arith.constant 0 : i32
    %dma_start3A_33 = arith.constant 512 : i32
    %dma_start3A_34 = tpu.memref_slice %arg3[%add3A, %dma_start3A_23, %dma_start3A_24, %dma_start3A_32, %dma_start3A_33] : memref<32x1x14x8x2048xf32, #tpu.memory_space<hbm>> -> memref<1x1x1x8x1152xf32, #tpu.memory_space<hbm>>
    %dma_start3A_35 = tpu.memref_squeeze %dma_start3A_34 : memref<1x1x1x8x1152xf32, #tpu.memory_space<hbm>> -> memref<8x1152xf32, #tpu.memory_space<hbm>>
    %dma_start3A_36 = tpu.memref_slice %arg18[%dma_start3A_26, %dma_start3A_27] : memref<2x2x!tpu.dma_semaphore, #tpu.memory_space<semaphore_mem>> -> memref<1x1x!tpu.dma_semaphore, #tpu.memory_space<semaphore_mem>>
    %dma_start3A_37 = tpu.memref_squeeze %dma_start3A_36 : memref<1x1x!tpu.dma_semaphore, #tpu.memory_space<semaphore_mem>> -> memref<!tpu.dma_semaphore, #tpu.memory_space<semaphore_mem>>
    %dma_start3A_38 = arith.constant 0 : i32
    %dma_start3A_39 = arith.constant 0 : i32
    %dma_start3A_40 = tpu.memref_slice %arg13[%dma_start3A_25, %dma_start3A_38, %dma_start3A_39] : memref<2x8x1152xf32, #tpu.memory_space<vmem>> -> memref<1x8x1152xf32, #tpu.memory_space<vmem>>
    %dma_start3A_41 = tpu.memref_squeeze %dma_start3A_40 : memref<1x8x1152xf32, #tpu.memory_space<vmem>> -> memref<8x1152xf32, #tpu.memory_space<vmem>>
    %dma_start3A_42 = arith.constant 0 : i32
    %dma_start3A_43 = arith.constant 512 : i32
    %dma_start3A_44 = tpu.memref_slice %arg3[%add3A, %dma_start3A_23, %dma_start3A_24, %dma_start3A_42, %dma_start3A_43] : memref<32x1x14x8x2048xf32, #tpu.memory_space<hbm>> -> memref<1x1x1x8x1152xf32, #tpu.memory_space<hbm>>
    %dma_start3A_45 = tpu.memref_squeeze %dma_start3A_44 : memref<1x1x1x8x1152xf32, #tpu.memory_space<hbm>> -> memref<8x1152xf32, #tpu.memory_space<hbm>>
    tpu.enqueue_dma source(%dma_start3A_45 : memref<8x1152xf32, #tpu.memory_space<hbm>>) target(%dma_start3A_41 : memref<8x1152xf32, #tpu.memory_space<vmem>>) target_semaphore(%dma_start3A_37 : memref<!tpu.dma_semaphore, #tpu.memory_space<semaphore_mem>>)
    %dma_start3A_46 = arith.constant 0 : i32
    %dma_start3A_47 = arith.constant 11 : i32
    %dma_start3A_48 = arith.constant 1 : i32
    %dma_start3A_49 = arith.constant 1 : i32
    %dma_start3A_50 = arith.constant 0 : i32
    %dma_start3A_51 = arith.constant 0 : i32
    %dma_start3A_52 = arith.constant 0 : i32
    %dma_start3A_53 = tpu.memref_slice %arg12[%dma_start3A_48, %dma_start3A_51, %dma_start3A_52] : memref<2x8x1152xf32, #tpu.memory_space<vmem>> -> memref<1x8x1152xf32, #tpu.memory_space<vmem>>
    %dma_start3A_54 = tpu.memref_squeeze %dma_start3A_53 : memref<1x8x1152xf32, #tpu.memory_space<vmem>> -> memref<8x1152xf32, #tpu.memory_space<vmem>>
    %dma_start3A_55 = arith.constant 0 : i32
    %dma_start3A_56 = arith.constant 512 : i32
    %dma_start3A_57 = tpu.memref_slice %arg2[%add3A, %dma_start3A_46, %dma_start3A_47, %dma_start3A_55, %dma_start3A_56] : memref<32x1x14x8x2048xf32, #tpu.memory_space<hbm>> -> memref<1x1x1x8x1152xf32, #tpu.memory_space<hbm>>
    %dma_start3A_58 = tpu.memref_squeeze %dma_start3A_57 : memref<1x1x1x8x1152xf32, #tpu.memory_space<hbm>> -> memref<8x1152xf32, #tpu.memory_space<hbm>>
    %dma_start3A_59 = tpu.memref_slice %arg18[%dma_start3A_49, %dma_start3A_50] : memref<2x2x!tpu.dma_semaphore, #tpu.memory_space<semaphore_mem>> -> memref<1x1x!tpu.dma_semaphore, #tpu.memory_space<semaphore_mem>>
    %dma_start3A_60 = tpu.memref_squeeze %dma_start3A_59 : memref<1x1x!tpu.dma_semaphore, #tpu.memory_space<semaphore_mem>> -> memref<!tpu.dma_semaphore, #tpu.memory_space<semaphore_mem>>
    %dma_start3A_61 = arith.constant 0 : i32
    %dma_start3A_62 = arith.constant 0 : i32
    %dma_start3A_63 = tpu.memref_slice %arg12[%dma_start3A_48, %dma_start3A_61, %dma_start3A_62] : memref<2x8x1152xf32, #tpu.memory_space<vmem>> -> memref<1x8x1152xf32, #tpu.memory_space<vmem>>
    %dma_start3A_64 = tpu.memref_squeeze %dma_start3A_63 : memref<1x8x1152xf32, #tpu.memory_space<vmem>> -> memref<8x1152xf32, #tpu.memory_space<vmem>>
    %dma_start3A_65 = arith.constant 0 : i32
    %dma_start3A_66 = arith.constant 512 : i32
    %dma_start3A_67 = tpu.memref_slice %arg2[%add3A, %dma_start3A_46, %dma_start3A_47, %dma_start3A_65, %dma_start3A_66] : memref<32x1x14x8x2048xf32, #tpu.memory_space<hbm>> -> memref<1x1x1x8x1152xf32, #tpu.memory_space<hbm>>
    %dma_start3A_68 = tpu.memref_squeeze %dma_start3A_67 : memref<1x1x1x8x1152xf32, #tpu.memory_space<hbm>> -> memref<8x1152xf32, #tpu.memory_space<hbm>>
    tpu.enqueue_dma source(%dma_start3A_68 : memref<8x1152xf32, #tpu.memory_space<hbm>>) target(%dma_start3A_64 : memref<8x1152xf32, #tpu.memory_space<vmem>>) target_semaphore(%dma_start3A_60 : memref<!tpu.dma_semaphore, #tpu.memory_space<semaphore_mem>>)
    %dma_start3A_69 = arith.constant 0 : i32
    %dma_start3A_70 = arith.constant 11 : i32
    %dma_start3A_71 = arith.constant 1 : i32
    %dma_start3A_72 = arith.constant 1 : i32
    %dma_start3A_73 = arith.constant 1 : i32
    %dma_start3A_74 = arith.constant 0 : i32
    %dma_start3A_75 = arith.constant 0 : i32
    %dma_start3A_76 = tpu.memref_slice %arg13[%dma_start3A_71, %dma_start3A_74, %dma_start3A_75] : memref<2x8x1152xf32, #tpu.memory_space<vmem>> -> memref<1x8x1152xf32, #tpu.memory_space<vmem>>
    %dma_start3A_77 = tpu.memref_squeeze %dma_start3A_76 : memref<1x8x1152xf32, #tpu.memory_space<vmem>> -> memref<8x1152xf32, #tpu.memory_space<vmem>>
    %dma_start3A_78 = arith.constant 0 : i32
    %dma_start3A_79 = arith.constant 512 : i32
    %dma_start3A_80 = tpu.memref_slice %arg3[%add3A, %dma_start3A_69, %dma_start3A_70, %dma_start3A_78, %dma_start3A_79] : memref<32x1x14x8x2048xf32, #tpu.memory_space<hbm>> -> memref<1x1x1x8x1152xf32, #tpu.memory_space<hbm>>
    %dma_start3A_81 = tpu.memref_squeeze %dma_start3A_80 : memref<1x1x1x8x1152xf32, #tpu.memory_space<hbm>> -> memref<8x1152xf32, #tpu.memory_space<hbm>>
    %dma_start3A_82 = tpu.memref_slice %arg18[%dma_start3A_72, %dma_start3A_73] : memref<2x2x!tpu.dma_semaphore, #tpu.memory_space<semaphore_mem>> -> memref<1x1x!tpu.dma_semaphore, #tpu.memory_space<semaphore_mem>>
    %dma_start3A_83 = tpu.memref_squeeze %dma_start3A_82 : memref<1x1x!tpu.dma_semaphore, #tpu.memory_space<semaphore_mem>> -> memref<!tpu.dma_semaphore, #tpu.memory_space<semaphore_mem>>
    %dma_start3A_84 = arith.constant 0 : i32
    %dma_start3A_85 = arith.constant 0 : i32
    %dma_start3A_86 = tpu.memref_slice %arg13[%dma_start3A_71, %dma_start3A_84, %dma_start3A_85] : memref<2x8x1152xf32, #tpu.memory_space<vmem>> -> memref<1x8x1152xf32, #tpu.memory_space<vmem>>
    %dma_start3A_87 = tpu.memref_squeeze %dma_start3A_86 : memref<1x8x1152xf32, #tpu.memory_space<vmem>> -> memref<8x1152xf32, #tpu.memory_space<vmem>>
    %dma_start3A_88 = arith.constant 0 : i32
    %dma_start3A_89 = arith.constant 512 : i32
    %dma_start3A_90 = tpu.memref_slice %arg3[%add3A, %dma_start3A_69, %dma_start3A_70, %dma_start3A_88, %dma_start3A_89] : memref<32x1x14x8x2048xf32, #tpu.memory_space<hbm>> -> memref<1x1x1x8x1152xf32, #tpu.memory_space<hbm>>
    %dma_start3A_91 = tpu.memref_squeeze %dma_start3A_90 : memref<1x1x1x8x1152xf32, #tpu.memory_space<hbm>> -> memref<8x1152xf32, #tpu.memory_space<hbm>>
    tpu.enqueue_dma source(%dma_start3A_91 : memref<8x1152xf32, #tpu.memory_space<hbm>>) target(%dma_start3A_87 : memref<8x1152xf32, #tpu.memory_space<vmem>>) target_semaphore(%dma_start3A_83 : memref<!tpu.dma_semaphore, #tpu.memory_space<semaphore_mem>>)
    "tpu.region"() ({
      %run_scoped3A = tpu.sem_alloc : memref<!tpu.dma_semaphore, #tpu.memory_space<semaphore_mem>>
      tpu.enqueue_dma source(%arg5 : memref<2048xf32, #tpu.memory_space<hbm>>) target(%arg10 : memref<2048xf32, #tpu.memory_space<vmem>>) target_semaphore(%run_scoped3A : memref<!tpu.dma_semaphore, #tpu.memory_space<semaphore_mem>>)
      tpu.wait_dma2 semaphore(%run_scoped3A : memref<!tpu.dma_semaphore, #tpu.memory_space<semaphore_mem>>) src(%arg5 : memref<2048xf32, #tpu.memory_space<hbm>>) dst(%arg10 : memref<2048xf32, #tpu.memory_space<vmem>>)
      tpu.yield
    }) : () -> ()
    "tpu.region"() ({
      %run_scoped3A = tpu.sem_alloc : memref<!tpu.dma_semaphore, #tpu.memory_space<semaphore_mem>>
      tpu.enqueue_dma source(%arg6 : memref<2048xf32, #tpu.memory_space<hbm>>) target(%arg11 : memref<2048xf32, #tpu.memory_space<vmem>>) target_semaphore(%run_scoped3A : memref<!tpu.dma_semaphore, #tpu.memory_space<semaphore_mem>>)
      tpu.wait_dma2 semaphore(%run_scoped3A : memref<!tpu.dma_semaphore, #tpu.memory_space<semaphore_mem>>) src(%arg6 : memref<2048xf32, #tpu.memory_space<hbm>>) dst(%arg11 : memref<2048xf32, #tpu.memory_space<vmem>>)
      tpu.yield
    }) : () -> ()
    "tpu.region"() ({
      %run_scoped3A = tpu.sem_alloc : memref<!tpu.dma_semaphore, #tpu.memory_space<semaphore_mem>>
      tpu.enqueue_dma source(%arg4 : memref<16xf32, #tpu.memory_space<hbm>>) target(%arg16 : memref<16xf32, #tpu.memory_space<vmem>>) target_semaphore(%run_scoped3A : memref<!tpu.dma_semaphore, #tpu.memory_space<semaphore_mem>>)
      tpu.wait_dma2 semaphore(%run_scoped3A : memref<!tpu.dma_semaphore, #tpu.memory_space<semaphore_mem>>) src(%arg4 : memref<16xf32, #tpu.memory_space<hbm>>) dst(%arg16 : memref<16xf32, #tpu.memory_space<vmem>>)
      tpu.yield
    }) : () -> ()
    %get3A = arith.constant 0 : index
    %get3A_92 = tpu.vector_load %arg16[%get3A] {strides = array<i32>} : memref<16xf32, #tpu.memory_space<vmem>>, vector<16xf32>,
    %get3A_93 = vector.shape_cast %get3A_92 : vector<16xf32> to vector<16xf32>
    %mul3A_94 = arith.constant 64 : i32
    %mul3A_95 = arith.muli %add3A, %mul3A_94 : i32
    %scan3A = arith.constant 0 : i32
    %scan3A_96 = arith.constant 4 : i32
    %scan3A_97 = arith.addi %scan3A, %scan3A_96 : i32
    %scan3A_98 = arith.constant 1 : i32
    scf.for %scan3A_1562 = %scan3A to %scan3A_97 step %scan3A_98  : i32 {
      %mul3A_1563 = arith.constant 16 : i32
      %mul3A_1564 = arith.muli %scan3A_1562, %mul3A_1563 : i32
      %multiple_of3A = tpu.assume_multiple %mul3A_1564, 16 : i32
      %swap3A = arith.index_cast %multiple_of3A : i32 to index
      %swap3A_1565 = tpu.vector_load %arg17[%swap3A] {strides = array<i32>} : memref<64xf32, #tpu.memory_space<vmem>>, vector<16xf32>,
      %swap3A_1566 = vector.shape_cast %swap3A_1565 : vector<16xf32> to vector<16xf32>
      %swap3A_1567 = vector.shape_cast %get3A_93 : vector<16xf32> to vector<16xf32>
      tpu.vector_store %arg17[%swap3A], %swap3A_1567 {strides = array<i32>} : memref<64xf32, #tpu.memory_space<vmem>>, vector<16xf32>,
    }
    %scan3A_99 = arith.constant 4 : i32
    "tpu.region"() ({
      %run_scoped3A = tpu.sem_alloc : memref<!tpu.dma_semaphore, #tpu.memory_space<semaphore_mem>>
      %dma_start3A_1562 = tpu.memref_slice %arg9[%mul3A_95] : memref<2048xf32, #tpu.memory_space<hbm>> -> memref<64xf32, #tpu.memory_space<hbm>>
      %dma_start3A_1563 = tpu.memref_slice %arg9[%mul3A_95] : memref<2048xf32, #tpu.memory_space<hbm>> -> memref<64xf32, #tpu.memory_space<hbm>>
      tpu.enqueue_dma source(%arg17 : memref<64xf32, #tpu.memory_space<vmem>>) target(%dma_start3A_1563 : memref<64xf32, #tpu.memory_space<hbm>>) target_semaphore(%run_scoped3A : memref<!tpu.dma_semaphore, #tpu.memory_space<semaphore_mem>>)
      %dma_wait3A_1564 = tpu.memref_slice %arg9[%mul3A_95] : memref<2048xf32, #tpu.memory_space<hbm>> -> memref<64xf32, #tpu.memory_space<hbm>>
      %dma_wait3A_1565 = tpu.memref_slice %arg9[%mul3A_95] : memref<2048xf32, #tpu.memory_space<hbm>> -> memref<64xf32, #tpu.memory_space<hbm>>
      tpu.wait_dma2 semaphore(%run_scoped3A : memref<!tpu.dma_semaphore, #tpu.memory_space<semaphore_mem>>) src(%arg17 : memref<64xf32, #tpu.memory_space<vmem>>) dst(%dma_wait3A_1565 : memref<64xf32, #tpu.memory_space<hbm>>)
      tpu.yield
    }) : () -> ()
    %iota3A = tpu.iota {dimensions = array<i32: 0>} : vector<16xi32>
    %add3A_100 = arith.constant 1 : i32
    %add3A_101 = vector.broadcast %add3A_100 : i32 to vector<16xi32>
    %add3A_102 = arith.addi %iota3A, %add3A_101 : vector<16xi32>
    %and3A = arith.constant 15 : i32
    %and3A_103 = vector.broadcast %and3A : i32 to vector<16xi32>
    %and3A_104 = arith.andi %add3A_102, %and3A_103 : vector<16xi32>
    %eq3A = arith.constant 15 : i32
    %eq3A_105 = vector.broadcast %eq3A : i32 to vector<16xi32>
    %eq3A_106 = arith.cmpi eq, %iota3A, %eq3A_105 : vector<16xi32>
    %dma_wait3A = arith.constant 0 : i32
    %dma_wait3A_107 = arith.constant 2 : i32
    %dma_wait3A_108 = arith.constant 0 : i32
    %dma_wait3A_109 = arith.constant 0 : i32
    %dma_wait3A_110 = arith.constant 0 : i32
    %dma_wait3A_111 = arith.constant 0 : i32
    %dma_wait3A_112 = arith.constant 0 : i32
    %dma_wait3A_113 = tpu.memref_slice %arg12[%dma_wait3A_108, %dma_wait3A_111, %dma_wait3A_112] : memref<2x8x1152xf32, #tpu.memory_space<vmem>> -> memref<1x8x1152xf32, #tpu.memory_space<vmem>>
    %dma_wait3A_114 = tpu.memref_squeeze %dma_wait3A_113 : memref<1x8x1152xf32, #tpu.memory_space<vmem>> -> memref<8x1152xf32, #tpu.memory_space<vmem>>
    %dma_wait3A_115 = arith.constant 0 : i32
    %dma_wait3A_116 = arith.constant 512 : i32
    %dma_wait3A_117 = tpu.memref_slice %arg2[%add3A, %dma_wait3A, %dma_wait3A_107, %dma_wait3A_115, %dma_wait3A_116] : memref<32x1x14x8x2048xf32, #tpu.memory_space<hbm>> -> memref<1x1x1x8x1152xf32, #tpu.memory_space<hbm>>
    %dma_wait3A_118 = tpu.memref_squeeze %dma_wait3A_117 : memref<1x1x1x8x1152xf32, #tpu.memory_space<hbm>> -> memref<8x1152xf32, #tpu.memory_space<hbm>>
    %dma_wait3A_119 = tpu.memref_slice %arg18[%dma_wait3A_109, %dma_wait3A_110] : memref<2x2x!tpu.dma_semaphore, #tpu.memory_space<semaphore_mem>> -> memref<1x1x!tpu.dma_semaphore, #tpu.memory_space<semaphore_mem>>
    %dma_wait3A_120 = tpu.memref_squeeze %dma_wait3A_119 : memref<1x1x!tpu.dma_semaphore, #tpu.memory_space<semaphore_mem>> -> memref<!tpu.dma_semaphore, #tpu.memory_space<semaphore_mem>>
    %dma_wait3A_121 = arith.constant 0 : i32
    %dma_wait3A_122 = arith.constant 0 : i32
    %dma_wait3A_123 = tpu.memref_slice %arg12[%dma_wait3A_108, %dma_wait3A_121, %dma_wait3A_122] : memref<2x8x1152xf32, #tpu.memory_space<vmem>> -> memref<1x8x1152xf32, #tpu.memory_space<vmem>>
    %dma_wait3A_124 = tpu.memref_squeeze %dma_wait3A_123 : memref<1x8x1152xf32, #tpu.memory_space<vmem>> -> memref<8x1152xf32, #tpu.memory_space<vmem>>
    %dma_wait3A_125 = arith.constant 0 : i32
    %dma_wait3A_126 = arith.constant 512 : i32
    %dma_wait3A_127 = tpu.memref_slice %arg2[%add3A, %dma_wait3A, %dma_wait3A_107, %dma_wait3A_125, %dma_wait3A_126] : memref<32x1x14x8x2048xf32, #tpu.memory_space<hbm>> -> memref<1x1x1x8x1152xf32, #tpu.memory_space<hbm>>
    %dma_wait3A_128 = tpu.memref_squeeze %dma_wait3A_127 : memref<1x1x1x8x1152xf32, #tpu.memory_space<hbm>> -> memref<8x1152xf32, #tpu.memory_space<hbm>>
    tpu.wait_dma2 semaphore(%dma_wait3A_120 : memref<!tpu.dma_semaphore, #tpu.memory_space<semaphore_mem>>) src(%dma_wait3A_128 : memref<8x1152xf32, #tpu.memory_space<hbm>>) dst(%dma_wait3A_124 : memref<8x1152xf32, #tpu.memory_space<vmem>>)
    %dma_wait3A_129 = arith.constant 0 : i32
    %dma_wait3A_130 = arith.constant 2 : i32
    %dma_wait3A_131 = arith.constant 0 : i32
    %dma_wait3A_132 = arith.constant 0 : i32
    %dma_wait3A_133 = arith.constant 1 : i32
    %dma_wait3A_134 = arith.constant 0 : i32
    %dma_wait3A_135 = arith.constant 0 : i32
    %dma_wait3A_136 = tpu.memref_slice %arg13[%dma_wait3A_131, %dma_wait3A_134, %dma_wait3A_135] : memref<2x8x1152xf32, #tpu.memory_space<vmem>> -> memref<1x8x1152xf32, #tpu.memory_space<vmem>>
    %dma_wait3A_137 = tpu.memref_squeeze %dma_wait3A_136 : memref<1x8x1152xf32, #tpu.memory_space<vmem>> -> memref<8x1152xf32, #tpu.memory_space<vmem>>
    %dma_wait3A_138 = arith.constant 0 : i32
    %dma_wait3A_139 = arith.constant 512 : i32
    %dma_wait3A_140 = tpu.memref_slice %arg3[%add3A, %dma_wait3A_129, %dma_wait3A_130, %dma_wait3A_138, %dma_wait3A_139] : memref<32x1x14x8x2048xf32, #tpu.memory_space<hbm>> -> memref<1x1x1x8x1152xf32, #tpu.memory_space<hbm>>
    %dma_wait3A_141 = tpu.memref_squeeze %dma_wait3A_140 : memref<1x1x1x8x1152xf32, #tpu.memory_space<hbm>> -> memref<8x1152xf32, #tpu.memory_space<hbm>>
    %dma_wait3A_142 = tpu.memref_slice %arg18[%dma_wait3A_132, %dma_wait3A_133] : memref<2x2x!tpu.dma_semaphore, #tpu.memory_space<semaphore_mem>> -> memref<1x1x!tpu.dma_semaphore, #tpu.memory_space<semaphore_mem>>
    %dma_wait3A_143 = tpu.memref_squeeze %dma_wait3A_142 : memref<1x1x!tpu.dma_semaphore, #tpu.memory_space<semaphore_mem>> -> memref<!tpu.dma_semaphore, #tpu.memory_space<semaphore_mem>>
    %dma_wait3A_144 = arith.constant 0 : i32
    %dma_wait3A_145 = arith.constant 0 : i32
    %dma_wait3A_146 = tpu.memref_slice %arg13[%dma_wait3A_131, %dma_wait3A_144, %dma_wait3A_145] : memref<2x8x1152xf32, #tpu.memory_space<vmem>> -> memref<1x8x1152xf32, #tpu.memory_space<vmem>>
    %dma_wait3A_147 = tpu.memref_squeeze %dma_wait3A_146 : memref<1x8x1152xf32, #tpu.memory_space<vmem>> -> memref<8x1152xf32, #tpu.memory_space<vmem>>
    %dma_wait3A_148 = arith.constant 0 : i32
    %dma_wait3A_149 = arith.constant 512 : i32
    %dma_wait3A_150 = tpu.memref_slice %arg3[%add3A, %dma_wait3A_129, %dma_wait3A_130, %dma_wait3A_148, %dma_wait3A_149] : memref<32x1x14x8x2048xf32, #tpu.memory_space<hbm>> -> memref<1x1x1x8x1152xf32, #tpu.memory_space<hbm>>
    %dma_wait3A_151 = tpu.memref_squeeze %dma_wait3A_150 : memref<1x1x1x8x1152xf32, #tpu.memory_space<hbm>> -> memref<8x1152xf32, #tpu.memory_space<hbm>>
    tpu.wait_dma2 semaphore(%dma_wait3A_143 : memref<!tpu.dma_semaphore, #tpu.memory_space<semaphore_mem>>) src(%dma_wait3A_151 : memref<8x1152xf32, #tpu.memory_space<hbm>>) dst(%dma_wait3A_147 : memref<8x1152xf32, #tpu.memory_space<vmem>>)
    %scan3A_152 = arith.constant 0 : i32
    %scan3A_153 = arith.constant 32 : i32
    %scan3A_154 = arith.addi %scan3A_152, %scan3A_153 : i32
    %scan3A_155 = arith.constant 1 : i32
    scf.for %scan3A_1562 = %scan3A_152 to %scan3A_154 step %scan3A_155  : i32 {
      %mul3A_1563 = arith.constant 16 : i32
      %mul3A_1564 = arith.muli %scan3A_1562, %mul3A_1563 : i32
      %multiple_of3A = tpu.assume_multiple %mul3A_1564, 16 : i32
      %add3A_1565 = arith.constant 0 : i32
      %add3A_1566 = arith.addi %add3A_1565, %multiple_of3A : i32
      %multiple_of3A_1567 = tpu.assume_multiple %add3A_1566, 16 : i32
      %get3A_1568 = arith.index_cast %multiple_of3A_1567 : i32 to index
      %get3A_1569 = tpu.vector_load %arg10[%get3A_1568] {strides = array<i32>} : memref<2048xf32, #tpu.memory_space<vmem>>, vector<16xf32>,
      %get3A_1570 = vector.shape_cast %get3A_1569 : vector<16xf32> to vector<16xf32>
      %add3A_1571 = arith.constant 0 : i32
      %add3A_1572 = arith.addi %add3A_1571, %multiple_of3A : i32
      %multiple_of3A_1573 = tpu.assume_multiple %add3A_1572, 16 : i32
      %get3A_1574 = arith.index_cast %multiple_of3A_1573 : i32 to index
      %get3A_1575 = tpu.vector_load %arg11[%get3A_1574] {strides = array<i32>} : memref<2048xf32, #tpu.memory_space<vmem>>, vector<16xf32>,
      %get3A_1576 = vector.shape_cast %get3A_1575 : vector<16xf32> to vector<16xf32>
      %get3A_1577 = arith.constant 0 : i32
      %get3A_1578 = arith.constant 0 : i32
      %get3A_1579 = arith.index_cast %get3A_1577 : i32 to index
      %get3A_1580 = arith.index_cast %get3A_1578 : i32 to index
      %get3A_1581 = arith.index_cast %multiple_of3A : i32 to index
      %get3A_1582 = tpu.vector_load %arg12[%get3A_1579, %get3A_1580, %get3A_1581] {strides = array<i32>} : memref<2x8x1152xf32, #tpu.memory_space<vmem>>, vector<1x1x16xf32>,
      %get3A_1583 = vector.shape_cast %get3A_1582 : vector<1x1x16xf32> to vector<16xf32>
      %get3A_1584 = arith.constant 0 : i32
      %get3A_1585 = arith.constant 0 : i32
      %get3A_1586 = arith.index_cast %get3A_1584 : i32 to index
      %get3A_1587 = arith.index_cast %get3A_1585 : i32 to index
      %get3A_1588 = arith.index_cast %multiple_of3A : i32 to index
      %get3A_1589 = tpu.vector_load %arg13[%get3A_1586, %get3A_1587, %get3A_1588] {strides = array<i32>} : memref<2x8x1152xf32, #tpu.memory_space<vmem>>, vector<1x1x16xf32>,
      %get3A_1590 = vector.shape_cast %get3A_1589 : vector<1x1x16xf32> to vector<16xf32>
      %mul3A_1591 = arith.mulf %get3A_1583, %get3A_1570 : vector<16xf32>
      %mul3A_1592 = arith.mulf %get3A_1590, %get3A_1576 : vector<16xf32>
      %add3A_1593 = arith.addf %mul3A_1591, %mul3A_1592 : vector<16xf32>
      %swap3A = arith.constant 0 : i32
      %swap3A_1594 = arith.constant 0 : i32
      %swap3A_1595 = arith.index_cast %swap3A : i32 to index
      %swap3A_1596 = arith.index_cast %swap3A_1594 : i32 to index
      %swap3A_1597 = arith.index_cast %multiple_of3A : i32 to index
      %swap3A_1598 = tpu.vector_load %arg14[%swap3A_1595, %swap3A_1596, %swap3A_1597] {strides = array<i32>} : memref<2x8x1024xf32, #tpu.memory_space<vmem>>, vector<1x1x16xf32>,
      %swap3A_1599 = vector.shape_cast %swap3A_1598 : vector<1x1x16xf32> to vector<16xf32>
      %swap3A_1600 = vector.shape_cast %add3A_1593 : vector<16xf32> to vector<1x1x16xf32>
      tpu.vector_store %arg14[%swap3A_1595, %swap3A_1596, %swap3A_1597], %swap3A_1600 {strides = array<i32>} : memref<2x8x1024xf32, #tpu.memory_space<vmem>>, vector<1x1x16xf32>,
      %mul3A_1601 = arith.mulf %get3A_1590, %get3A_1570 : vector<16xf32>
      %mul3A_1602 = arith.mulf %get3A_1583, %get3A_1576 : vector<16xf32>
      %sub3A = arith.subf %mul3A_1601, %mul3A_1602 : vector<16xf32>
      %swap3A_1603 = arith.constant 0 : i32
      %swap3A_1604 = arith.constant 0 : i32
      %swap3A_1605 = arith.index_cast %swap3A_1603 : i32 to index
      %swap3A_1606 = arith.index_cast %swap3A_1604 : i32 to index
      %swap3A_1607 = arith.index_cast %multiple_of3A : i32 to index
      %swap3A_1608 = tpu.vector_load %arg15[%swap3A_1605, %swap3A_1606, %swap3A_1607] {strides = array<i32>} : memref<2x8x1024xf32, #tpu.memory_space<vmem>>, vector<1x1x16xf32>,
      %swap3A_1609 = vector.shape_cast %swap3A_1608 : vector<1x1x16xf32> to vector<16xf32>
      %swap3A_1610 = vector.shape_cast %sub3A : vector<16xf32> to vector<1x1x16xf32>
      tpu.vector_store %arg15[%swap3A_1605, %swap3A_1606, %swap3A_1607], %swap3A_1610 {strides = array<i32>} : memref<2x8x1024xf32, #tpu.memory_space<vmem>>, vector<1x1x16xf32>,
      %get3A_1611 = arith.constant 0 : i32
      %get3A_1612 = arith.constant 1 : i32
      %get3A_1613 = arith.index_cast %get3A_1611 : i32 to index
      %get3A_1614 = arith.index_cast %get3A_1612 : i32 to index
      %get3A_1615 = arith.index_cast %multiple_of3A : i32 to index
      %get3A_1616 = tpu.vector_load %arg12[%get3A_1613, %get3A_1614, %get3A_1615] {strides = array<i32>} : memref<2x8x1152xf32, #tpu.memory_space<vmem>>, vector<1x1x16xf32>,
      %get3A_1617 = vector.shape_cast %get3A_1616 : vector<1x1x16xf32> to vector<16xf32>
      %get3A_1618 = arith.constant 0 : i32
      %get3A_1619 = arith.constant 1 : i32
      %get3A_1620 = arith.index_cast %get3A_1618 : i32 to index
      %get3A_1621 = arith.index_cast %get3A_1619 : i32 to index
      %get3A_1622 = arith.index_cast %multiple_of3A : i32 to index
      %get3A_1623 = tpu.vector_load %arg13[%get3A_1620, %get3A_1621, %get3A_1622] {strides = array<i32>} : memref<2x8x1152xf32, #tpu.memory_space<vmem>>, vector<1x1x16xf32>,
      %get3A_1624 = vector.shape_cast %get3A_1623 : vector<1x1x16xf32> to vector<16xf32>
      %mul3A_1625 = arith.mulf %get3A_1617, %get3A_1570 : vector<16xf32>
      %mul3A_1626 = arith.mulf %get3A_1624, %get3A_1576 : vector<16xf32>
      %add3A_1627 = arith.addf %mul3A_1625, %mul3A_1626 : vector<16xf32>
      %swap3A_1628 = arith.constant 0 : i32
      %swap3A_1629 = arith.constant 1 : i32
      %swap3A_1630 = arith.index_cast %swap3A_1628 : i32 to index
      %swap3A_1631 = arith.index_cast %swap3A_1629 : i32 to index
      %swap3A_1632 = arith.index_cast %multiple_of3A : i32 to index
      %swap3A_1633 = tpu.vector_load %arg14[%swap3A_1630, %swap3A_1631, %swap3A_1632] {strides = array<i32>} : memref<2x8x1024xf32, #tpu.memory_space<vmem>>, vector<1x1x16xf32>,
      %swap3A_1634 = vector.shape_cast %swap3A_1633 : vector<1x1x16xf32> to vector<16xf32>
      %swap3A_1635 = vector.shape_cast %add3A_1627 : vector<16xf32> to vector<1x1x16xf32>
      tpu.vector_store %arg14[%swap3A_1630, %swap3A_1631, %swap3A_1632], %swap3A_1635 {strides = array<i32>} : memref<2x8x1024xf32, #tpu.memory_space<vmem>>, vector<1x1x16xf32>,
      %mul3A_1636 = arith.mulf %get3A_1624, %get3A_1570 : vector<16xf32>
      %mul3A_1637 = arith.mulf %get3A_1617, %get3A_1576 : vector<16xf32>
      %sub3A_1638 = arith.subf %mul3A_1636, %mul3A_1637 : vector<16xf32>
      %swap3A_1639 = arith.constant 0 : i32
      %swap3A_1640 = arith.constant 1 : i32
      %swap3A_1641 = arith.index_cast %swap3A_1639 : i32 to index
      %swap3A_1642 = arith.index_cast %swap3A_1640 : i32 to index
      %swap3A_1643 = arith.index_cast %multiple_of3A : i32 to index
      %swap3A_1644 = tpu.vector_load %arg15[%swap3A_1641, %swap3A_1642, %swap3A_1643] {strides = array<i32>} : memref<2x8x1024xf32, #tpu.memory_space<vmem>>, vector<1x1x16xf32>,
      %swap3A_1645 = vector.shape_cast %swap3A_1644 : vector<1x1x16xf32> to vector<16xf32>
      %swap3A_1646 = vector.shape_cast %sub3A_1638 : vector<16xf32> to vector<1x1x16xf32>
      tpu.vector_store %arg15[%swap3A_1641, %swap3A_1642, %swap3A_1643], %swap3A_1646 {strides = array<i32>} : memref<2x8x1024xf32, #tpu.memory_space<vmem>>, vector<1x1x16xf32>,
      %get3A_1647 = arith.constant 0 : i32
      %get3A_1648 = arith.constant 2 : i32
      %get3A_1649 = arith.index_cast %get3A_1647 : i32 to index
      %get3A_1650 = arith.index_cast %get3A_1648 : i32 to index
      %get3A_1651 = arith.index_cast %multiple_of3A : i32 to index
      %get3A_1652 = tpu.vector_load %arg12[%get3A_1649, %get3A_1650, %get3A_1651] {strides = array<i32>} : memref<2x8x1152xf32, #tpu.memory_space<vmem>>, vector<1x1x16xf32>,
      %get3A_1653 = vector.shape_cast %get3A_1652 : vector<1x1x16xf32> to vector<16xf32>
      %get3A_1654 = arith.constant 0 : i32
      %get3A_1655 = arith.constant 2 : i32
      %get3A_1656 = arith.index_cast %get3A_1654 : i32 to index
      %get3A_1657 = arith.index_cast %get3A_1655 : i32 to index
      %get3A_1658 = arith.index_cast %multiple_of3A : i32 to index
      %get3A_1659 = tpu.vector_load %arg13[%get3A_1656, %get3A_1657, %get3A_1658] {strides = array<i32>} : memref<2x8x1152xf32, #tpu.memory_space<vmem>>, vector<1x1x16xf32>,
      %get3A_1660 = vector.shape_cast %get3A_1659 : vector<1x1x16xf32> to vector<16xf32>
      %mul3A_1661 = arith.mulf %get3A_1653, %get3A_1570 : vector<16xf32>
      %mul3A_1662 = arith.mulf %get3A_1660, %get3A_1576 : vector<16xf32>
      %add3A_1663 = arith.addf %mul3A_1661, %mul3A_1662 : vector<16xf32>
      %swap3A_1664 = arith.constant 0 : i32
      %swap3A_1665 = arith.constant 2 : i32
      %swap3A_1666 = arith.index_cast %swap3A_1664 : i32 to index
      %swap3A_1667 = arith.index_cast %swap3A_1665 : i32 to index
      %swap3A_1668 = arith.index_cast %multiple_of3A : i32 to index
      %swap3A_1669 = tpu.vector_load %arg14[%swap3A_1666, %swap3A_1667, %swap3A_1668] {strides = array<i32>} : memref<2x8x1024xf32, #tpu.memory_space<vmem>>, vector<1x1x16xf32>,
      %swap3A_1670 = vector.shape_cast %swap3A_1669 : vector<1x1x16xf32> to vector<16xf32>
      %swap3A_1671 = vector.shape_cast %add3A_1663 : vector<16xf32> to vector<1x1x16xf32>
      tpu.vector_store %arg14[%swap3A_1666, %swap3A_1667, %swap3A_1668], %swap3A_1671 {strides = array<i32>} : memref<2x8x1024xf32, #tpu.memory_space<vmem>>, vector<1x1x16xf32>,
      %mul3A_1672 = arith.mulf %get3A_1660, %get3A_1570 : vector<16xf32>
      %mul3A_1673 = arith.mulf %get3A_1653, %get3A_1576 : vector<16xf32>
      %sub3A_1674 = arith.subf %mul3A_1672, %mul3A_1673 : vector<16xf32>
      %swap3A_1675 = arith.constant 0 : i32
      %swap3A_1676 = arith.constant 2 : i32
      %swap3A_1677 = arith.index_cast %swap3A_1675 : i32 to index
      %swap3A_1678 = arith.index_cast %swap3A_1676 : i32 to index
      %swap3A_1679 = arith.index_cast %multiple_of3A : i32 to index
      %swap3A_1680 = tpu.vector_load %arg15[%swap3A_1677, %swap3A_1678, %swap3A_1679] {strides = array<i32>} : memref<2x8x1024xf32, #tpu.memory_space<vmem>>, vector<1x1x16xf32>,
      %swap3A_1681 = vector.shape_cast %swap3A_1680 : vector<1x1x16xf32> to vector<16xf32>
      %swap3A_1682 = vector.shape_cast %sub3A_1674 : vector<16xf32> to vector<1x1x16xf32>
      tpu.vector_store %arg15[%swap3A_1677, %swap3A_1678, %swap3A_1679], %swap3A_1682 {strides = array<i32>} : memref<2x8x1024xf32, #tpu.memory_space<vmem>>, vector<1x1x16xf32>,
      %get3A_1683 = arith.constant 0 : i32
      %get3A_1684 = arith.constant 3 : i32
      %get3A_1685 = arith.index_cast %get3A_1683 : i32 to index
      %get3A_1686 = arith.index_cast %get3A_1684 : i32 to index
      %get3A_1687 = arith.index_cast %multiple_of3A : i32 to index
      %get3A_1688 = tpu.vector_load %arg12[%get3A_1685, %get3A_1686, %get3A_1687] {strides = array<i32>} : memref<2x8x1152xf32, #tpu.memory_space<vmem>>, vector<1x1x16xf32>,
      %get3A_1689 = vector.shape_cast %get3A_1688 : vector<1x1x16xf32> to vector<16xf32>
      %get3A_1690 = arith.constant 0 : i32
      %get3A_1691 = arith.constant 3 : i32
      %get3A_1692 = arith.index_cast %get3A_1690 : i32 to index
      %get3A_1693 = arith.index_cast %get3A_1691 : i32 to index
      %get3A_1694 = arith.index_cast %multiple_of3A : i32 to index
      %get3A_1695 = tpu.vector_load %arg13[%get3A_1692, %get3A_1693, %get3A_1694] {strides = array<i32>} : memref<2x8x1152xf32, #tpu.memory_space<vmem>>, vector<1x1x16xf32>,
      %get3A_1696 = vector.shape_cast %get3A_1695 : vector<1x1x16xf32> to vector<16xf32>
      %mul3A_1697 = arith.mulf %get3A_1689, %get3A_1570 : vector<16xf32>
      %mul3A_1698 = arith.mulf %get3A_1696, %get3A_1576 : vector<16xf32>
      %add3A_1699 = arith.addf %mul3A_1697, %mul3A_1698 : vector<16xf32>
      %swap3A_1700 = arith.constant 0 : i32
      %swap3A_1701 = arith.constant 3 : i32
      %swap3A_1702 = arith.index_cast %swap3A_1700 : i32 to index
      %swap3A_1703 = arith.index_cast %swap3A_1701 : i32 to index
      %swap3A_1704 = arith.index_cast %multiple_of3A : i32 to index
      %swap3A_1705 = tpu.vector_load %arg14[%swap3A_1702, %swap3A_1703, %swap3A_1704] {strides = array<i32>} : memref<2x8x1024xf32, #tpu.memory_space<vmem>>, vector<1x1x16xf32>,
      %swap3A_1706 = vector.shape_cast %swap3A_1705 : vector<1x1x16xf32> to vector<16xf32>
      %swap3A_1707 = vector.shape_cast %add3A_1699 : vector<16xf32> to vector<1x1x16xf32>
      tpu.vector_store %arg14[%swap3A_1702, %swap3A_1703, %swap3A_1704], %swap3A_1707 {strides = array<i32>} : memref<2x8x1024xf32, #tpu.memory_space<vmem>>, vector<1x1x16xf32>,
      %mul3A_1708 = arith.mulf %get3A_1696, %get3A_1570 : vector<16xf32>
      %mul3A_1709 = arith.mulf %get3A_1689, %get3A_1576 : vector<16xf32>
      %sub3A_1710 = arith.subf %mul3A_1708, %mul3A_1709 : vector<16xf32>
      %swap3A_1711 = arith.constant 0 : i32
      %swap3A_1712 = arith.constant 3 : i32
      %swap3A_1713 = arith.index_cast %swap3A_1711 : i32 to index
      %swap3A_1714 = arith.index_cast %swap3A_1712 : i32 to index
      %swap3A_1715 = arith.index_cast %multiple_of3A : i32 to index
      %swap3A_1716 = tpu.vector_load %arg15[%swap3A_1713, %swap3A_1714, %swap3A_1715] {strides = array<i32>} : memref<2x8x1024xf32, #tpu.memory_space<vmem>>, vector<1x1x16xf32>,
      %swap3A_1717 = vector.shape_cast %swap3A_1716 : vector<1x1x16xf32> to vector<16xf32>
      %swap3A_1718 = vector.shape_cast %sub3A_1710 : vector<16xf32> to vector<1x1x16xf32>
      tpu.vector_store %arg15[%swap3A_1713, %swap3A_1714, %swap3A_1715], %swap3A_1718 {strides = array<i32>} : memref<2x8x1024xf32, #tpu.memory_space<vmem>>, vector<1x1x16xf32>,
      %get3A_1719 = arith.constant 0 : i32
      %get3A_1720 = arith.constant 4 : i32
      %get3A_1721 = arith.index_cast %get3A_1719 : i32 to index
      %get3A_1722 = arith.index_cast %get3A_1720 : i32 to index
      %get3A_1723 = arith.index_cast %multiple_of3A : i32 to index
      %get3A_1724 = tpu.vector_load %arg12[%get3A_1721, %get3A_1722, %get3A_1723] {strides = array<i32>} : memref<2x8x1152xf32, #tpu.memory_space<vmem>>, vector<1x1x16xf32>,
      %get3A_1725 = vector.shape_cast %get3A_1724 : vector<1x1x16xf32> to vector<16xf32>
      %get3A_1726 = arith.constant 0 : i32
      %get3A_1727 = arith.constant 4 : i32
      %get3A_1728 = arith.index_cast %get3A_1726 : i32 to index
      %get3A_1729 = arith.index_cast %get3A_1727 : i32 to index
      %get3A_1730 = arith.index_cast %multiple_of3A : i32 to index
      %get3A_1731 = tpu.vector_load %arg13[%get3A_1728, %get3A_1729, %get3A_1730] {strides = array<i32>} : memref<2x8x1152xf32, #tpu.memory_space<vmem>>, vector<1x1x16xf32>,
      %get3A_1732 = vector.shape_cast %get3A_1731 : vector<1x1x16xf32> to vector<16xf32>
      %mul3A_1733 = arith.mulf %get3A_1725, %get3A_1570 : vector<16xf32>
      %mul3A_1734 = arith.mulf %get3A_1732, %get3A_1576 : vector<16xf32>
      %add3A_1735 = arith.addf %mul3A_1733, %mul3A_1734 : vector<16xf32>
      %swap3A_1736 = arith.constant 0 : i32
      %swap3A_1737 = arith.constant 4 : i32
      %swap3A_1738 = arith.index_cast %swap3A_1736 : i32 to index
      %swap3A_1739 = arith.index_cast %swap3A_1737 : i32 to index
      %swap3A_1740 = arith.index_cast %multiple_of3A : i32 to index
      %swap3A_1741 = tpu.vector_load %arg14[%swap3A_1738, %swap3A_1739, %swap3A_1740] {strides = array<i32>} : memref<2x8x1024xf32, #tpu.memory_space<vmem>>, vector<1x1x16xf32>,
      %swap3A_1742 = vector.shape_cast %swap3A_1741 : vector<1x1x16xf32> to vector<16xf32>
      %swap3A_1743 = vector.shape_cast %add3A_1735 : vector<16xf32> to vector<1x1x16xf32>
      tpu.vector_store %arg14[%swap3A_1738, %swap3A_1739, %swap3A_1740], %swap3A_1743 {strides = array<i32>} : memref<2x8x1024xf32, #tpu.memory_space<vmem>>, vector<1x1x16xf32>,
      %mul3A_1744 = arith.mulf %get3A_1732, %get3A_1570 : vector<16xf32>
      %mul3A_1745 = arith.mulf %get3A_1725, %get3A_1576 : vector<16xf32>
      %sub3A_1746 = arith.subf %mul3A_1744, %mul3A_1745 : vector<16xf32>
      %swap3A_1747 = arith.constant 0 : i32
      %swap3A_1748 = arith.constant 4 : i32
      %swap3A_1749 = arith.index_cast %swap3A_1747 : i32 to index
      %swap3A_1750 = arith.index_cast %swap3A_1748 : i32 to index
      %swap3A_1751 = arith.index_cast %multiple_of3A : i32 to index
      %swap3A_1752 = tpu.vector_load %arg15[%swap3A_1749, %swap3A_1750, %swap3A_1751] {strides = array<i32>} : memref<2x8x1024xf32, #tpu.memory_space<vmem>>, vector<1x1x16xf32>,
      %swap3A_1753 = vector.shape_cast %swap3A_1752 : vector<1x1x16xf32> to vector<16xf32>
      %swap3A_1754 = vector.shape_cast %sub3A_1746 : vector<16xf32> to vector<1x1x16xf32>
      tpu.vector_store %arg15[%swap3A_1749, %swap3A_1750, %swap3A_1751], %swap3A_1754 {strides = array<i32>} : memref<2x8x1024xf32, #tpu.memory_space<vmem>>, vector<1x1x16xf32>,
      %get3A_1755 = arith.constant 0 : i32
      %get3A_1756 = arith.constant 5 : i32
      %get3A_1757 = arith.index_cast %get3A_1755 : i32 to index
      %get3A_1758 = arith.index_cast %get3A_1756 : i32 to index
      %get3A_1759 = arith.index_cast %multiple_of3A : i32 to index
      %get3A_1760 = tpu.vector_load %arg12[%get3A_1757, %get3A_1758, %get3A_1759] {strides = array<i32>} : memref<2x8x1152xf32, #tpu.memory_space<vmem>>, vector<1x1x16xf32>,
      %get3A_1761 = vector.shape_cast %get3A_1760 : vector<1x1x16xf32> to vector<16xf32>
      %get3A_1762 = arith.constant 0 : i32
      %get3A_1763 = arith.constant 5 : i32
      %get3A_1764 = arith.index_cast %get3A_1762 : i32 to index
      %get3A_1765 = arith.index_cast %get3A_1763 : i32 to index
      %get3A_1766 = arith.index_cast %multiple_of3A : i32 to index
      %get3A_1767 = tpu.vector_load %arg13[%get3A_1764, %get3A_1765, %get3A_1766] {strides = array<i32>} : memref<2x8x1152xf32, #tpu.memory_space<vmem>>, vector<1x1x16xf32>,
      %get3A_1768 = vector.shape_cast %get3A_1767 : vector<1x1x16xf32> to vector<16xf32>
      %mul3A_1769 = arith.mulf %get3A_1761, %get3A_1570 : vector<16xf32>
      %mul3A_1770 = arith.mulf %get3A_1768, %get3A_1576 : vector<16xf32>
      %add3A_1771 = arith.addf %mul3A_1769, %mul3A_1770 : vector<16xf32>
      %swap3A_1772 = arith.constant 0 : i32
      %swap3A_1773 = arith.constant 5 : i32
      %swap3A_1774 = arith.index_cast %swap3A_1772 : i32 to index
      %swap3A_1775 = arith.index_cast %swap3A_1773 : i32 to index
      %swap3A_1776 = arith.index_cast %multiple_of3A : i32 to index
      %swap3A_1777 = tpu.vector_load %arg14[%swap3A_1774, %swap3A_1775, %swap3A_1776] {strides = array<i32>} : memref<2x8x1024xf32, #tpu.memory_space<vmem>>, vector<1x1x16xf32>,
      %swap3A_1778 = vector.shape_cast %swap3A_1777 : vector<1x1x16xf32> to vector<16xf32>
      %swap3A_1779 = vector.shape_cast %add3A_1771 : vector<16xf32> to vector<1x1x16xf32>
      tpu.vector_store %arg14[%swap3A_1774, %swap3A_1775, %swap3A_1776], %swap3A_1779 {strides = array<i32>} : memref<2x8x1024xf32, #tpu.memory_space<vmem>>, vector<1x1x16xf32>,
      %mul3A_1780 = arith.mulf %get3A_1768, %get3A_1570 : vector<16xf32>
      %mul3A_1781 = arith.mulf %get3A_1761, %get3A_1576 : vector<16xf32>
      %sub3A_1782 = arith.subf %mul3A_1780, %mul3A_1781 : vector<16xf32>
      %swap3A_1783 = arith.constant 0 : i32
      %swap3A_1784 = arith.constant 5 : i32
      %swap3A_1785 = arith.index_cast %swap3A_1783 : i32 to index
      %swap3A_1786 = arith.index_cast %swap3A_1784 : i32 to index
      %swap3A_1787 = arith.index_cast %multiple_of3A : i32 to index
      %swap3A_1788 = tpu.vector_load %arg15[%swap3A_1785, %swap3A_1786, %swap3A_1787] {strides = array<i32>} : memref<2x8x1024xf32, #tpu.memory_space<vmem>>, vector<1x1x16xf32>,
      %swap3A_1789 = vector.shape_cast %swap3A_1788 : vector<1x1x16xf32> to vector<16xf32>
      %swap3A_1790 = vector.shape_cast %sub3A_1782 : vector<16xf32> to vector<1x1x16xf32>
      tpu.vector_store %arg15[%swap3A_1785, %swap3A_1786, %swap3A_1787], %swap3A_1790 {strides = array<i32>} : memref<2x8x1024xf32, #tpu.memory_space<vmem>>, vector<1x1x16xf32>,
      %get3A_1791 = arith.constant 0 : i32
      %get3A_1792 = arith.constant 6 : i32
      %get3A_1793 = arith.index_cast %get3A_1791 : i32 to index
      %get3A_1794 = arith.index_cast %get3A_1792 : i32 to index
      %get3A_1795 = arith.index_cast %multiple_of3A : i32 to index
      %get3A_1796 = tpu.vector_load %arg12[%get3A_1793, %get3A_1794, %get3A_1795] {strides = array<i32>} : memref<2x8x1152xf32, #tpu.memory_space<vmem>>, vector<1x1x16xf32>,
      %get3A_1797 = vector.shape_cast %get3A_1796 : vector<1x1x16xf32> to vector<16xf32>
      %get3A_1798 = arith.constant 0 : i32
      %get3A_1799 = arith.constant 6 : i32
      %get3A_1800 = arith.index_cast %get3A_1798 : i32 to index
      %get3A_1801 = arith.index_cast %get3A_1799 : i32 to index
      %get3A_1802 = arith.index_cast %multiple_of3A : i32 to index
      %get3A_1803 = tpu.vector_load %arg13[%get3A_1800, %get3A_1801, %get3A_1802] {strides = array<i32>} : memref<2x8x1152xf32, #tpu.memory_space<vmem>>, vector<1x1x16xf32>,
      %get3A_1804 = vector.shape_cast %get3A_1803 : vector<1x1x16xf32> to vector<16xf32>
      %mul3A_1805 = arith.mulf %get3A_1797, %get3A_1570 : vector<16xf32>
      %mul3A_1806 = arith.mulf %get3A_1804, %get3A_1576 : vector<16xf32>
      %add3A_1807 = arith.addf %mul3A_1805, %mul3A_1806 : vector<16xf32>
      %swap3A_1808 = arith.constant 0 : i32
      %swap3A_1809 = arith.constant 6 : i32
      %swap3A_1810 = arith.index_cast %swap3A_1808 : i32 to index
      %swap3A_1811 = arith.index_cast %swap3A_1809 : i32 to index
      %swap3A_1812 = arith.index_cast %multiple_of3A : i32 to index
      %swap3A_1813 = tpu.vector_load %arg14[%swap3A_1810, %swap3A_1811, %swap3A_1812] {strides = array<i32>} : memref<2x8x1024xf32, #tpu.memory_space<vmem>>, vector<1x1x16xf32>,
      %swap3A_1814 = vector.shape_cast %swap3A_1813 : vector<1x1x16xf32> to vector<16xf32>
      %swap3A_1815 = vector.shape_cast %add3A_1807 : vector<16xf32> to vector<1x1x16xf32>
      tpu.vector_store %arg14[%swap3A_1810, %swap3A_1811, %swap3A_1812], %swap3A_1815 {strides = array<i32>} : memref<2x8x1024xf32, #tpu.memory_space<vmem>>, vector<1x1x16xf32>,
      %mul3A_1816 = arith.mulf %get3A_1804, %get3A_1570 : vector<16xf32>
      %mul3A_1817 = arith.mulf %get3A_1797, %get3A_1576 : vector<16xf32>
      %sub3A_1818 = arith.subf %mul3A_1816, %mul3A_1817 : vector<16xf32>
      %swap3A_1819 = arith.constant 0 : i32
      %swap3A_1820 = arith.constant 6 : i32
      %swap3A_1821 = arith.index_cast %swap3A_1819 : i32 to index
      %swap3A_1822 = arith.index_cast %swap3A_1820 : i32 to index
      %swap3A_1823 = arith.index_cast %multiple_of3A : i32 to index
      %swap3A_1824 = tpu.vector_load %arg15[%swap3A_1821, %swap3A_1822, %swap3A_1823] {strides = array<i32>} : memref<2x8x1024xf32, #tpu.memory_space<vmem>>, vector<1x1x16xf32>,
      %swap3A_1825 = vector.shape_cast %swap3A_1824 : vector<1x1x16xf32> to vector<16xf32>
      %swap3A_1826 = vector.shape_cast %sub3A_1818 : vector<16xf32> to vector<1x1x16xf32>
      tpu.vector_store %arg15[%swap3A_1821, %swap3A_1822, %swap3A_1823], %swap3A_1826 {strides = array<i32>} : memref<2x8x1024xf32, #tpu.memory_space<vmem>>, vector<1x1x16xf32>,
      %get3A_1827 = arith.constant 0 : i32
      %get3A_1828 = arith.constant 7 : i32
      %get3A_1829 = arith.index_cast %get3A_1827 : i32 to index
      %get3A_1830 = arith.index_cast %get3A_1828 : i32 to index
      %get3A_1831 = arith.index_cast %multiple_of3A : i32 to index
      %get3A_1832 = tpu.vector_load %arg12[%get3A_1829, %get3A_1830, %get3A_1831] {strides = array<i32>} : memref<2x8x1152xf32, #tpu.memory_space<vmem>>, vector<1x1x16xf32>,
      %get3A_1833 = vector.shape_cast %get3A_1832 : vector<1x1x16xf32> to vector<16xf32>
      %get3A_1834 = arith.constant 0 : i32
      %get3A_1835 = arith.constant 7 : i32
      %get3A_1836 = arith.index_cast %get3A_1834 : i32 to index
      %get3A_1837 = arith.index_cast %get3A_1835 : i32 to index
      %get3A_1838 = arith.index_cast %multiple_of3A : i32 to index
      %get3A_1839 = tpu.vector_load %arg13[%get3A_1836, %get3A_1837, %get3A_1838] {strides = array<i32>} : memref<2x8x1152xf32, #tpu.memory_space<vmem>>, vector<1x1x16xf32>,
      %get3A_1840 = vector.shape_cast %get3A_1839 : vector<1x1x16xf32> to vector<16xf32>
      %mul3A_1841 = arith.mulf %get3A_1833, %get3A_1570 : vector<16xf32>
      %mul3A_1842 = arith.mulf %get3A_1840, %get3A_1576 : vector<16xf32>
      %add3A_1843 = arith.addf %mul3A_1841, %mul3A_1842 : vector<16xf32>
      %swap3A_1844 = arith.constant 0 : i32
      %swap3A_1845 = arith.constant 7 : i32
      %swap3A_1846 = arith.index_cast %swap3A_1844 : i32 to index
      %swap3A_1847 = arith.index_cast %swap3A_1845 : i32 to index
      %swap3A_1848 = arith.index_cast %multiple_of3A : i32 to index
      %swap3A_1849 = tpu.vector_load %arg14[%swap3A_1846, %swap3A_1847, %swap3A_1848] {strides = array<i32>} : memref<2x8x1024xf32, #tpu.memory_space<vmem>>, vector<1x1x16xf32>,
      %swap3A_1850 = vector.shape_cast %swap3A_1849 : vector<1x1x16xf32> to vector<16xf32>
      %swap3A_1851 = vector.shape_cast %add3A_1843 : vector<16xf32> to vector<1x1x16xf32>
      tpu.vector_store %arg14[%swap3A_1846, %swap3A_1847, %swap3A_1848], %swap3A_1851 {strides = array<i32>} : memref<2x8x1024xf32, #tpu.memory_space<vmem>>, vector<1x1x16xf32>,
      %mul3A_1852 = arith.mulf %get3A_1840, %get3A_1570 : vector<16xf32>
      %mul3A_1853 = arith.mulf %get3A_1833, %get3A_1576 : vector<16xf32>
      %sub3A_1854 = arith.subf %mul3A_1852, %mul3A_1853 : vector<16xf32>
      %swap3A_1855 = arith.constant 0 : i32
      %swap3A_1856 = arith.constant 7 : i32
      %swap3A_1857 = arith.index_cast %swap3A_1855 : i32 to index
      %swap3A_1858 = arith.index_cast %swap3A_1856 : i32 to index
      %swap3A_1859 = arith.index_cast %multiple_of3A : i32 to index
      %swap3A_1860 = tpu.vector_load %arg15[%swap3A_1857, %swap3A_1858, %swap3A_1859] {strides = array<i32>} : memref<2x8x1024xf32, #tpu.memory_space<vmem>>, vector<1x1x16xf32>,
      %swap3A_1861 = vector.shape_cast %swap3A_1860 : vector<1x1x16xf32> to vector<16xf32>
      %swap3A_1862 = vector.shape_cast %sub3A_1854 : vector<16xf32> to vector<1x1x16xf32>
      tpu.vector_store %arg15[%swap3A_1857, %swap3A_1858, %swap3A_1859], %swap3A_1862 {strides = array<i32>} : memref<2x8x1024xf32, #tpu.memory_space<vmem>>, vector<1x1x16xf32>,
    }
    %scan3A_156 = arith.constant 32 : i32
    %get3A_157 = arith.constant 0 : i32
    %get3A_158 = arith.constant 0 : i32
    %get3A_159 = arith.index_cast %get3A_157 : i32 to index
    %get3A_160 = arith.index_cast %get3A_158 : i32 to index
    %get3A_161 = arith.constant 512 : index
    %get3A_162 = tpu.vector_load %arg12[%get3A_159, %get3A_160, %get3A_161] {strides = array<i32>} : memref<2x8x1152xf32, #tpu.memory_space<vmem>>, vector<1x1x16xf32>,
    %get3A_163 = vector.shape_cast %get3A_162 : vector<1x1x16xf32> to vector<16xf32>
    %broadcast_in_dim3A = vector.shape_cast %and3A_104 : vector<16xi32> to vector<16x1xi32>
    %gather3A = vector.shape_cast %broadcast_in_dim3A : vector<16x1xi32> to vector<16xi32>
    %gather3A_164 = tpu.dynamic_gather %get3A_163[%gather3A] in [0] : vector<16xf32>, vector<16xi32> -> vector<16xf32>
    %get3A_165 = arith.constant 0 : i32
    %get3A_166 = arith.constant 0 : i32
    %get3A_167 = arith.index_cast %get3A_165 : i32 to index
    %get3A_168 = arith.index_cast %get3A_166 : i32 to index
    %get3A_169 = arith.constant 512 : index
    %get3A_170 = tpu.vector_load %arg13[%get3A_167, %get3A_168, %get3A_169] {strides = array<i32>} : memref<2x8x1152xf32, #tpu.memory_space<vmem>>, vector<1x1x16xf32>,
    %get3A_171 = vector.shape_cast %get3A_170 : vector<1x1x16xf32> to vector<16xf32>
    %broadcast_in_dim3A_172 = vector.shape_cast %and3A_104 : vector<16xi32> to vector<16x1xi32>
    %gather3A_173 = vector.shape_cast %broadcast_in_dim3A_172 : vector<16x1xi32> to vector<16xi32>
    %gather3A_174 = tpu.dynamic_gather %get3A_171[%gather3A_173] in [0] : vector<16xf32>, vector<16xi32> -> vector<16xf32>
    %get3A_175 = arith.constant 0 : i32
    %get3A_176 = arith.constant 1 : i32
    %get3A_177 = arith.index_cast %get3A_175 : i32 to index
    %get3A_178 = arith.index_cast %get3A_176 : i32 to index
    %get3A_179 = arith.constant 512 : index
    %get3A_180 = tpu.vector_load %arg12[%get3A_177, %get3A_178, %get3A_179] {strides = array<i32>} : memref<2x8x1152xf32, #tpu.memory_space<vmem>>, vector<1x1x16xf32>,
    %get3A_181 = vector.shape_cast %get3A_180 : vector<1x1x16xf32> to vector<16xf32>
    %broadcast_in_dim3A_182 = vector.shape_cast %and3A_104 : vector<16xi32> to vector<16x1xi32>
    %gather3A_183 = vector.shape_cast %broadcast_in_dim3A_182 : vector<16x1xi32> to vector<16xi32>
    %gather3A_184 = tpu.dynamic_gather %get3A_181[%gather3A_183] in [0] : vector<16xf32>, vector<16xi32> -> vector<16xf32>
    %get3A_185 = arith.constant 0 : i32
    %get3A_186 = arith.constant 1 : i32
    %get3A_187 = arith.index_cast %get3A_185 : i32 to index
    %get3A_188 = arith.index_cast %get3A_186 : i32 to index
    %get3A_189 = arith.constant 512 : index
    %get3A_190 = tpu.vector_load %arg13[%get3A_187, %get3A_188, %get3A_189] {strides = array<i32>} : memref<2x8x1152xf32, #tpu.memory_space<vmem>>, vector<1x1x16xf32>,
    %get3A_191 = vector.shape_cast %get3A_190 : vector<1x1x16xf32> to vector<16xf32>
    %broadcast_in_dim3A_192 = vector.shape_cast %and3A_104 : vector<16xi32> to vector<16x1xi32>
    %gather3A_193 = vector.shape_cast %broadcast_in_dim3A_192 : vector<16x1xi32> to vector<16xi32>
    %gather3A_194 = tpu.dynamic_gather %get3A_191[%gather3A_193] in [0] : vector<16xf32>, vector<16xi32> -> vector<16xf32>
    %get3A_195 = arith.constant 0 : i32
    %get3A_196 = arith.constant 2 : i32
    %get3A_197 = arith.index_cast %get3A_195 : i32 to index
    %get3A_198 = arith.index_cast %get3A_196 : i32 to index
    %get3A_199 = arith.constant 512 : index
    %get3A_200 = tpu.vector_load %arg12[%get3A_197, %get3A_198, %get3A_199] {strides = array<i32>} : memref<2x8x1152xf32, #tpu.memory_space<vmem>>, vector<1x1x16xf32>,
    %get3A_201 = vector.shape_cast %get3A_200 : vector<1x1x16xf32> to vector<16xf32>
    %broadcast_in_dim3A_202 = vector.shape_cast %and3A_104 : vector<16xi32> to vector<16x1xi32>
    %gather3A_203 = vector.shape_cast %broadcast_in_dim3A_202 : vector<16x1xi32> to vector<16xi32>
    %gather3A_204 = tpu.dynamic_gather %get3A_201[%gather3A_203] in [0] : vector<16xf32>, vector<16xi32> -> vector<16xf32>
    %get3A_205 = arith.constant 0 : i32
    %get3A_206 = arith.constant 2 : i32
    %get3A_207 = arith.index_cast %get3A_205 : i32 to index
    %get3A_208 = arith.index_cast %get3A_206 : i32 to index
    %get3A_209 = arith.constant 512 : index
    %get3A_210 = tpu.vector_load %arg13[%get3A_207, %get3A_208, %get3A_209] {strides = array<i32>} : memref<2x8x1152xf32, #tpu.memory_space<vmem>>, vector<1x1x16xf32>,
    %get3A_211 = vector.shape_cast %get3A_210 : vector<1x1x16xf32> to vector<16xf32>
    %broadcast_in_dim3A_212 = vector.shape_cast %and3A_104 : vector<16xi32> to vector<16x1xi32>
    %gather3A_213 = vector.shape_cast %broadcast_in_dim3A_212 : vector<16x1xi32> to vector<16xi32>
    %gather3A_214 = tpu.dynamic_gather %get3A_211[%gather3A_213] in [0] : vector<16xf32>, vector<16xi32> -> vector<16xf32>
    %get3A_215 = arith.constant 0 : i32
    %get3A_216 = arith.constant 3 : i32
    %get3A_217 = arith.index_cast %get3A_215 : i32 to index
    %get3A_218 = arith.index_cast %get3A_216 : i32 to index
    %get3A_219 = arith.constant 512 : index
    %get3A_220 = tpu.vector_load %arg12[%get3A_217, %get3A_218, %get3A_219] {strides = array<i32>} : memref<2x8x1152xf32, #tpu.memory_space<vmem>>, vector<1x1x16xf32>,
    %get3A_221 = vector.shape_cast %get3A_220 : vector<1x1x16xf32> to vector<16xf32>
    %broadcast_in_dim3A_222 = vector.shape_cast %and3A_104 : vector<16xi32> to vector<16x1xi32>
    %gather3A_223 = vector.shape_cast %broadcast_in_dim3A_222 : vector<16x1xi32> to vector<16xi32>
    %gather3A_224 = tpu.dynamic_gather %get3A_221[%gather3A_223] in [0] : vector<16xf32>, vector<16xi32> -> vector<16xf32>
    %get3A_225 = arith.constant 0 : i32
    %get3A_226 = arith.constant 3 : i32
    %get3A_227 = arith.index_cast %get3A_225 : i32 to index
    %get3A_228 = arith.index_cast %get3A_226 : i32 to index
    %get3A_229 = arith.constant 512 : index
    %get3A_230 = tpu.vector_load %arg13[%get3A_227, %get3A_228, %get3A_229] {strides = array<i32>} : memref<2x8x1152xf32, #tpu.memory_space<vmem>>, vector<1x1x16xf32>,
    %get3A_231 = vector.shape_cast %get3A_230 : vector<1x1x16xf32> to vector<16xf32>
    %broadcast_in_dim3A_232 = vector.shape_cast %and3A_104 : vector<16xi32> to vector<16x1xi32>
    %gather3A_233 = vector.shape_cast %broadcast_in_dim3A_232 : vector<16x1xi32> to vector<16xi32>
    %gather3A_234 = tpu.dynamic_gather %get3A_231[%gather3A_233] in [0] : vector<16xf32>, vector<16xi32> -> vector<16xf32>
    %get3A_235 = arith.constant 0 : i32
    %get3A_236 = arith.constant 4 : i32
    %get3A_237 = arith.index_cast %get3A_235 : i32 to index
    %get3A_238 = arith.index_cast %get3A_236 : i32 to index
    %get3A_239 = arith.constant 512 : index
    %get3A_240 = tpu.vector_load %arg12[%get3A_237, %get3A_238, %get3A_239] {strides = array<i32>} : memref<2x8x1152xf32, #tpu.memory_space<vmem>>, vector<1x1x16xf32>,
    %get3A_241 = vector.shape_cast %get3A_240 : vector<1x1x16xf32> to vector<16xf32>
    %broadcast_in_dim3A_242 = vector.shape_cast %and3A_104 : vector<16xi32> to vector<16x1xi32>
    %gather3A_243 = vector.shape_cast %broadcast_in_dim3A_242 : vector<16x1xi32> to vector<16xi32>
    %gather3A_244 = tpu.dynamic_gather %get3A_241[%gather3A_243] in [0] : vector<16xf32>, vector<16xi32> -> vector<16xf32>
    %get3A_245 = arith.constant 0 : i32
    %get3A_246 = arith.constant 4 : i32
    %get3A_247 = arith.index_cast %get3A_245 : i32 to index
    %get3A_248 = arith.index_cast %get3A_246 : i32 to index
    %get3A_249 = arith.constant 512 : index
    %get3A_250 = tpu.vector_load %arg13[%get3A_247, %get3A_248, %get3A_249] {strides = array<i32>} : memref<2x8x1152xf32, #tpu.memory_space<vmem>>, vector<1x1x16xf32>,
    %get3A_251 = vector.shape_cast %get3A_250 : vector<1x1x16xf32> to vector<16xf32>
    %broadcast_in_dim3A_252 = vector.shape_cast %and3A_104 : vector<16xi32> to vector<16x1xi32>
    %gather3A_253 = vector.shape_cast %broadcast_in_dim3A_252 : vector<16x1xi32> to vector<16xi32>
    %gather3A_254 = tpu.dynamic_gather %get3A_251[%gather3A_253] in [0] : vector<16xf32>, vector<16xi32> -> vector<16xf32>
    %get3A_255 = arith.constant 0 : i32
    %get3A_256 = arith.constant 5 : i32
    %get3A_257 = arith.index_cast %get3A_255 : i32 to index
    %get3A_258 = arith.index_cast %get3A_256 : i32 to index
    %get3A_259 = arith.constant 512 : index
    %get3A_260 = tpu.vector_load %arg12[%get3A_257, %get3A_258, %get3A_259] {strides = array<i32>} : memref<2x8x1152xf32, #tpu.memory_space<vmem>>, vector<1x1x16xf32>,
    %get3A_261 = vector.shape_cast %get3A_260 : vector<1x1x16xf32> to vector<16xf32>
    %broadcast_in_dim3A_262 = vector.shape_cast %and3A_104 : vector<16xi32> to vector<16x1xi32>
    %gather3A_263 = vector.shape_cast %broadcast_in_dim3A_262 : vector<16x1xi32> to vector<16xi32>
    %gather3A_264 = tpu.dynamic_gather %get3A_261[%gather3A_263] in [0] : vector<16xf32>, vector<16xi32> -> vector<16xf32>
    %get3A_265 = arith.constant 0 : i32
    %get3A_266 = arith.constant 5 : i32
    %get3A_267 = arith.index_cast %get3A_265 : i32 to index
    %get3A_268 = arith.index_cast %get3A_266 : i32 to index
    %get3A_269 = arith.constant 512 : index
    %get3A_270 = tpu.vector_load %arg13[%get3A_267, %get3A_268, %get3A_269] {strides = array<i32>} : memref<2x8x1152xf32, #tpu.memory_space<vmem>>, vector<1x1x16xf32>,
    %get3A_271 = vector.shape_cast %get3A_270 : vector<1x1x16xf32> to vector<16xf32>
    %broadcast_in_dim3A_272 = vector.shape_cast %and3A_104 : vector<16xi32> to vector<16x1xi32>
    %gather3A_273 = vector.shape_cast %broadcast_in_dim3A_272 : vector<16x1xi32> to vector<16xi32>
    %gather3A_274 = tpu.dynamic_gather %get3A_271[%gather3A_273] in [0] : vector<16xf32>, vector<16xi32> -> vector<16xf32>
    %get3A_275 = arith.constant 0 : i32
    %get3A_276 = arith.constant 6 : i32
    %get3A_277 = arith.index_cast %get3A_275 : i32 to index
    %get3A_278 = arith.index_cast %get3A_276 : i32 to index
    %get3A_279 = arith.constant 512 : index
    %get3A_280 = tpu.vector_load %arg12[%get3A_277, %get3A_278, %get3A_279] {strides = array<i32>} : memref<2x8x1152xf32, #tpu.memory_space<vmem>>, vector<1x1x16xf32>,
    %get3A_281 = vector.shape_cast %get3A_280 : vector<1x1x16xf32> to vector<16xf32>
    %broadcast_in_dim3A_282 = vector.shape_cast %and3A_104 : vector<16xi32> to vector<16x1xi32>
    %gather3A_283 = vector.shape_cast %broadcast_in_dim3A_282 : vector<16x1xi32> to vector<16xi32>
    %gather3A_284 = tpu.dynamic_gather %get3A_281[%gather3A_283] in [0] : vector<16xf32>, vector<16xi32> -> vector<16xf32>
    %get3A_285 = arith.constant 0 : i32
    %get3A_286 = arith.constant 6 : i32
    %get3A_287 = arith.index_cast %get3A_285 : i32 to index
    %get3A_288 = arith.index_cast %get3A_286 : i32 to index
    %get3A_289 = arith.constant 512 : index
    %get3A_290 = tpu.vector_load %arg13[%get3A_287, %get3A_288, %get3A_289] {strides = array<i32>} : memref<2x8x1152xf32, #tpu.memory_space<vmem>>, vector<1x1x16xf32>,
    %get3A_291 = vector.shape_cast %get3A_290 : vector<1x1x16xf32> to vector<16xf32>
    %broadcast_in_dim3A_292 = vector.shape_cast %and3A_104 : vector<16xi32> to vector<16x1xi32>
    %gather3A_293 = vector.shape_cast %broadcast_in_dim3A_292 : vector<16x1xi32> to vector<16xi32>
    %gather3A_294 = tpu.dynamic_gather %get3A_291[%gather3A_293] in [0] : vector<16xf32>, vector<16xi32> -> vector<16xf32>
    %get3A_295 = arith.constant 0 : i32
    %get3A_296 = arith.constant 7 : i32
    %get3A_297 = arith.index_cast %get3A_295 : i32 to index
    %get3A_298 = arith.index_cast %get3A_296 : i32 to index
    %get3A_299 = arith.constant 512 : index
    %get3A_300 = tpu.vector_load %arg12[%get3A_297, %get3A_298, %get3A_299] {strides = array<i32>} : memref<2x8x1152xf32, #tpu.memory_space<vmem>>, vector<1x1x16xf32>,
    %get3A_301 = vector.shape_cast %get3A_300 : vector<1x1x16xf32> to vector<16xf32>
    %broadcast_in_dim3A_302 = vector.shape_cast %and3A_104 : vector<16xi32> to vector<16x1xi32>
    %gather3A_303 = vector.shape_cast %broadcast_in_dim3A_302 : vector<16x1xi32> to vector<16xi32>
    %gather3A_304 = tpu.dynamic_gather %get3A_301[%gather3A_303] in [0] : vector<16xf32>, vector<16xi32> -> vector<16xf32>
    %get3A_305 = arith.constant 0 : i32
    %get3A_306 = arith.constant 7 : i32
    %get3A_307 = arith.index_cast %get3A_305 : i32 to index
    %get3A_308 = arith.index_cast %get3A_306 : i32 to index
    %get3A_309 = arith.constant 512 : index
    %get3A_310 = tpu.vector_load %arg13[%get3A_307, %get3A_308, %get3A_309] {strides = array<i32>} : memref<2x8x1152xf32, #tpu.memory_space<vmem>>, vector<1x1x16xf32>,
    %get3A_311 = vector.shape_cast %get3A_310 : vector<1x1x16xf32> to vector<16xf32>
    %broadcast_in_dim3A_312 = vector.shape_cast %and3A_104 : vector<16xi32> to vector<16x1xi32>
    %gather3A_313 = vector.shape_cast %broadcast_in_dim3A_312 : vector<16x1xi32> to vector<16xi32>
    %gather3A_314 = tpu.dynamic_gather %get3A_311[%gather3A_313] in [0] : vector<16xf32>, vector<16xi32> -> vector<16xf32>
    %scan3A_315 = arith.constant 0 : i32
    %scan3A_316 = arith.constant 32 : i32
    %scan3A_317 = arith.addi %scan3A_315, %scan3A_316 : i32
    %scan3A_318 = arith.constant 1 : i32
    %scan3A_319:16 = scf.for %scan3A_1562 = %scan3A_315 to %scan3A_317 step %scan3A_318 iter_args(%scan3A_1563 = %gather3A_164, %scan3A_1564 = %gather3A_174, %scan3A_1565 = %gather3A_184, %scan3A_1566 = %gather3A_194, %scan3A_1567 = %gather3A_204, %scan3A_1568 = %gather3A_214, %scan3A_1569 = %gather3A_224, %scan3A_1570 = %gather3A_234, %scan3A_1571 = %gather3A_244, %scan3A_1572 = %gather3A_254, %scan3A_1573 = %gather3A_264, %scan3A_1574 = %gather3A_274, %scan3A_1575 = %gather3A_284, %scan3A_1576 = %gather3A_294, %scan3A_1577 = %gather3A_304, %scan3A_1578 = %gather3A_314) -> (vector<16xf32>, vector<16xf32>, vector<16xf32>, vector<16xf32>, vector<16xf32>, vector<16xf32>, vector<16xf32>, vector<16xf32>, vector<16xf32>, vector<16xf32>, vector<16xf32>, vector<16xf32>, vector<16xf32>, vector<16xf32>, vector<16xf32>, vector<16xf32>)  : i32 {
      %mul3A_1579 = arith.constant 16 : i32
      %mul3A_1580 = arith.muli %scan3A_1562, %mul3A_1579 : i32
      %add3A_1581 = arith.constant 512 : i32
      %add3A_1582 = arith.addi %add3A_1581, %mul3A_1580 : i32
      %multiple_of3A = tpu.assume_multiple %add3A_1582, 16 : i32
      %add3A_1583 = arith.constant 16 : i32
      %add3A_1584 = arith.addi %multiple_of3A, %add3A_1583 : i32
      %multiple_of3A_1585 = tpu.assume_multiple %add3A_1584, 16 : i32
      %add3A_1586 = arith.constant 0 : i32
      %add3A_1587 = arith.addi %add3A_1586, %multiple_of3A : i32
      %multiple_of3A_1588 = tpu.assume_multiple %add3A_1587, 16 : i32
      %get3A_1589 = arith.index_cast %multiple_of3A_1588 : i32 to index
      %get3A_1590 = tpu.vector_load %arg10[%get3A_1589] {strides = array<i32>} : memref<2048xf32, #tpu.memory_space<vmem>>, vector<16xf32>,
      %get3A_1591 = vector.shape_cast %get3A_1590 : vector<16xf32> to vector<16xf32>
      %add3A_1592 = arith.constant 0 : i32
      %add3A_1593 = arith.addi %add3A_1592, %multiple_of3A : i32
      %multiple_of3A_1594 = tpu.assume_multiple %add3A_1593, 16 : i32
      %get3A_1595 = arith.index_cast %multiple_of3A_1594 : i32 to index
      %get3A_1596 = tpu.vector_load %arg11[%get3A_1595] {strides = array<i32>} : memref<2048xf32, #tpu.memory_space<vmem>>, vector<16xf32>,
      %get3A_1597 = vector.shape_cast %get3A_1596 : vector<16xf32> to vector<16xf32>
      %get3A_1598 = arith.constant 0 : i32
      %get3A_1599 = arith.constant 0 : i32
      %get3A_1600 = arith.index_cast %get3A_1598 : i32 to index
      %get3A_1601 = arith.index_cast %get3A_1599 : i32 to index
      %get3A_1602 = arith.index_cast %multiple_of3A_1585 : i32 to index
      %get3A_1603 = tpu.vector_load %arg12[%get3A_1600, %get3A_1601, %get3A_1602] {strides = array<i32>} : memref<2x8x1152xf32, #tpu.memory_space<vmem>>, vector<1x1x16xf32>,
      %get3A_1604 = vector.shape_cast %get3A_1603 : vector<1x1x16xf32> to vector<16xf32>
      %broadcast_in_dim3A_1605 = vector.shape_cast %and3A_104 : vector<16xi32> to vector<16x1xi32>
      %gather3A_1606 = vector.shape_cast %broadcast_in_dim3A_1605 : vector<16x1xi32> to vector<16xi32>
      %gather3A_1607 = tpu.dynamic_gather %get3A_1604[%gather3A_1606] in [0] : vector<16xf32>, vector<16xi32> -> vector<16xf32>
      %get3A_1608 = arith.constant 0 : i32
      %get3A_1609 = arith.constant 0 : i32
      %get3A_1610 = arith.index_cast %get3A_1608 : i32 to index
      %get3A_1611 = arith.index_cast %get3A_1609 : i32 to index
      %get3A_1612 = arith.index_cast %multiple_of3A_1585 : i32 to index
      %get3A_1613 = tpu.vector_load %arg13[%get3A_1610, %get3A_1611, %get3A_1612] {strides = array<i32>} : memref<2x8x1152xf32, #tpu.memory_space<vmem>>, vector<1x1x16xf32>,
      %get3A_1614 = vector.shape_cast %get3A_1613 : vector<1x1x16xf32> to vector<16xf32>
      %broadcast_in_dim3A_1615 = vector.shape_cast %and3A_104 : vector<16xi32> to vector<16x1xi32>
      %gather3A_1616 = vector.shape_cast %broadcast_in_dim3A_1615 : vector<16x1xi32> to vector<16xi32>
      %gather3A_1617 = tpu.dynamic_gather %get3A_1614[%gather3A_1616] in [0] : vector<16xf32>, vector<16xi32> -> vector<16xf32>
      %select_n3A = arith.select %eq3A_106, %gather3A_1607, %scan3A_1563 : vector<16xi1>, vector<16xf32>
      %select_n3A_1618 = arith.select %eq3A_106, %gather3A_1617, %scan3A_1564 : vector<16xi1>, vector<16xf32>
      %mul3A_1619 = arith.mulf %select_n3A, %get3A_1591 : vector<16xf32>
      %mul3A_1620 = arith.mulf %select_n3A_1618, %get3A_1597 : vector<16xf32>
      %add3A_1621 = arith.addf %mul3A_1619, %mul3A_1620 : vector<16xf32>
      %swap3A = arith.constant 0 : i32
      %swap3A_1622 = arith.constant 0 : i32
      %swap3A_1623 = arith.index_cast %swap3A : i32 to index
      %swap3A_1624 = arith.index_cast %swap3A_1622 : i32 to index
      %swap3A_1625 = arith.index_cast %multiple_of3A : i32 to index
      %swap3A_1626 = tpu.vector_load %arg14[%swap3A_1623, %swap3A_1624, %swap3A_1625] {strides = array<i32>} : memref<2x8x1024xf32, #tpu.memory_space<vmem>>, vector<1x1x16xf32>,
      %swap3A_1627 = vector.shape_cast %swap3A_1626 : vector<1x1x16xf32> to vector<16xf32>
      %swap3A_1628 = vector.shape_cast %add3A_1621 : vector<16xf32> to vector<1x1x16xf32>
      tpu.vector_store %arg14[%swap3A_1623, %swap3A_1624, %swap3A_1625], %swap3A_1628 {strides = array<i32>} : memref<2x8x1024xf32, #tpu.memory_space<vmem>>, vector<1x1x16xf32>,
      %mul3A_1629 = arith.mulf %select_n3A_1618, %get3A_1591 : vector<16xf32>
      %mul3A_1630 = arith.mulf %select_n3A, %get3A_1597 : vector<16xf32>
      %sub3A = arith.subf %mul3A_1629, %mul3A_1630 : vector<16xf32>
      %swap3A_1631 = arith.constant 0 : i32
      %swap3A_1632 = arith.constant 0 : i32
      %swap3A_1633 = arith.index_cast %swap3A_1631 : i32 to index
      %swap3A_1634 = arith.index_cast %swap3A_1632 : i32 to index
      %swap3A_1635 = arith.index_cast %multiple_of3A : i32 to index
      %swap3A_1636 = tpu.vector_load %arg15[%swap3A_1633, %swap3A_1634, %swap3A_1635] {strides = array<i32>} : memref<2x8x1024xf32, #tpu.memory_space<vmem>>, vector<1x1x16xf32>,
      %swap3A_1637 = vector.shape_cast %swap3A_1636 : vector<1x1x16xf32> to vector<16xf32>
      %swap3A_1638 = vector.shape_cast %sub3A : vector<16xf32> to vector<1x1x16xf32>
      tpu.vector_store %arg15[%swap3A_1633, %swap3A_1634, %swap3A_1635], %swap3A_1638 {strides = array<i32>} : memref<2x8x1024xf32, #tpu.memory_space<vmem>>, vector<1x1x16xf32>,
      %get3A_1639 = arith.constant 0 : i32
      %get3A_1640 = arith.constant 1 : i32
      %get3A_1641 = arith.index_cast %get3A_1639 : i32 to index
      %get3A_1642 = arith.index_cast %get3A_1640 : i32 to index
      %get3A_1643 = arith.index_cast %multiple_of3A_1585 : i32 to index
      %get3A_1644 = tpu.vector_load %arg12[%get3A_1641, %get3A_1642, %get3A_1643] {strides = array<i32>} : memref<2x8x1152xf32, #tpu.memory_space<vmem>>, vector<1x1x16xf32>,
      %get3A_1645 = vector.shape_cast %get3A_1644 : vector<1x1x16xf32> to vector<16xf32>
      %broadcast_in_dim3A_1646 = vector.shape_cast %and3A_104 : vector<16xi32> to vector<16x1xi32>
      %gather3A_1647 = vector.shape_cast %broadcast_in_dim3A_1646 : vector<16x1xi32> to vector<16xi32>
      %gather3A_1648 = tpu.dynamic_gather %get3A_1645[%gather3A_1647] in [0] : vector<16xf32>, vector<16xi32> -> vector<16xf32>
      %get3A_1649 = arith.constant 0 : i32
      %get3A_1650 = arith.constant 1 : i32
      %get3A_1651 = arith.index_cast %get3A_1649 : i32 to index
      %get3A_1652 = arith.index_cast %get3A_1650 : i32 to index
      %get3A_1653 = arith.index_cast %multiple_of3A_1585 : i32 to index
      %get3A_1654 = tpu.vector_load %arg13[%get3A_1651, %get3A_1652, %get3A_1653] {strides = array<i32>} : memref<2x8x1152xf32, #tpu.memory_space<vmem>>, vector<1x1x16xf32>,
      %get3A_1655 = vector.shape_cast %get3A_1654 : vector<1x1x16xf32> to vector<16xf32>
      %broadcast_in_dim3A_1656 = vector.shape_cast %and3A_104 : vector<16xi32> to vector<16x1xi32>
      %gather3A_1657 = vector.shape_cast %broadcast_in_dim3A_1656 : vector<16x1xi32> to vector<16xi32>
      %gather3A_1658 = tpu.dynamic_gather %get3A_1655[%gather3A_1657] in [0] : vector<16xf32>, vector<16xi32> -> vector<16xf32>
      %select_n3A_1659 = arith.select %eq3A_106, %gather3A_1648, %scan3A_1565 : vector<16xi1>, vector<16xf32>
      %select_n3A_1660 = arith.select %eq3A_106, %gather3A_1658, %scan3A_1566 : vector<16xi1>, vector<16xf32>
      %mul3A_1661 = arith.mulf %select_n3A_1659, %get3A_1591 : vector<16xf32>
      %mul3A_1662 = arith.mulf %select_n3A_1660, %get3A_1597 : vector<16xf32>
      %add3A_1663 = arith.addf %mul3A_1661, %mul3A_1662 : vector<16xf32>
      %swap3A_1664 = arith.constant 0 : i32
      %swap3A_1665 = arith.constant 1 : i32
      %swap3A_1666 = arith.index_cast %swap3A_1664 : i32 to index
      %swap3A_1667 = arith.index_cast %swap3A_1665 : i32 to index
      %swap3A_1668 = arith.index_cast %multiple_of3A : i32 to index
      %swap3A_1669 = tpu.vector_load %arg14[%swap3A_1666, %swap3A_1667, %swap3A_1668] {strides = array<i32>} : memref<2x8x1024xf32, #tpu.memory_space<vmem>>, vector<1x1x16xf32>,
      %swap3A_1670 = vector.shape_cast %swap3A_1669 : vector<1x1x16xf32> to vector<16xf32>
      %swap3A_1671 = vector.shape_cast %add3A_1663 : vector<16xf32> to vector<1x1x16xf32>
      tpu.vector_store %arg14[%swap3A_1666, %swap3A_1667, %swap3A_1668], %swap3A_1671 {strides = array<i32>} : memref<2x8x1024xf32, #tpu.memory_space<vmem>>, vector<1x1x16xf32>,
      %mul3A_1672 = arith.mulf %select_n3A_1660, %get3A_1591 : vector<16xf32>
      %mul3A_1673 = arith.mulf %select_n3A_1659, %get3A_1597 : vector<16xf32>
      %sub3A_1674 = arith.subf %mul3A_1672, %mul3A_1673 : vector<16xf32>
      %swap3A_1675 = arith.constant 0 : i32
      %swap3A_1676 = arith.constant 1 : i32
      %swap3A_1677 = arith.index_cast %swap3A_1675 : i32 to index
      %swap3A_1678 = arith.index_cast %swap3A_1676 : i32 to index
      %swap3A_1679 = arith.index_cast %multiple_of3A : i32 to index
      %swap3A_1680 = tpu.vector_load %arg15[%swap3A_1677, %swap3A_1678, %swap3A_1679] {strides = array<i32>} : memref<2x8x1024xf32, #tpu.memory_space<vmem>>, vector<1x1x16xf32>,
      %swap3A_1681 = vector.shape_cast %swap3A_1680 : vector<1x1x16xf32> to vector<16xf32>
      %swap3A_1682 = vector.shape_cast %sub3A_1674 : vector<16xf32> to vector<1x1x16xf32>
      tpu.vector_store %arg15[%swap3A_1677, %swap3A_1678, %swap3A_1679], %swap3A_1682 {strides = array<i32>} : memref<2x8x1024xf32, #tpu.memory_space<vmem>>, vector<1x1x16xf32>,
      %get3A_1683 = arith.constant 0 : i32
      %get3A_1684 = arith.constant 2 : i32
      %get3A_1685 = arith.index_cast %get3A_1683 : i32 to index
      %get3A_1686 = arith.index_cast %get3A_1684 : i32 to index
      %get3A_1687 = arith.index_cast %multiple_of3A_1585 : i32 to index
      %get3A_1688 = tpu.vector_load %arg12[%get3A_1685, %get3A_1686, %get3A_1687] {strides = array<i32>} : memref<2x8x1152xf32, #tpu.memory_space<vmem>>, vector<1x1x16xf32>,
      %get3A_1689 = vector.shape_cast %get3A_1688 : vector<1x1x16xf32> to vector<16xf32>
      %broadcast_in_dim3A_1690 = vector.shape_cast %and3A_104 : vector<16xi32> to vector<16x1xi32>
      %gather3A_1691 = vector.shape_cast %broadcast_in_dim3A_1690 : vector<16x1xi32> to vector<16xi32>
      %gather3A_1692 = tpu.dynamic_gather %get3A_1689[%gather3A_1691] in [0] : vector<16xf32>, vector<16xi32> -> vector<16xf32>
      %get3A_1693 = arith.constant 0 : i32
      %get3A_1694 = arith.constant 2 : i32
      %get3A_1695 = arith.index_cast %get3A_1693 : i32 to index
      %get3A_1696 = arith.index_cast %get3A_1694 : i32 to index
      %get3A_1697 = arith.index_cast %multiple_of3A_1585 : i32 to index
      %get3A_1698 = tpu.vector_load %arg13[%get3A_1695, %get3A_1696, %get3A_1697] {strides = array<i32>} : memref<2x8x1152xf32, #tpu.memory_space<vmem>>, vector<1x1x16xf32>,
      %get3A_1699 = vector.shape_cast %get3A_1698 : vector<1x1x16xf32> to vector<16xf32>
      %broadcast_in_dim3A_1700 = vector.shape_cast %and3A_104 : vector<16xi32> to vector<16x1xi32>
      %gather3A_1701 = vector.shape_cast %broadcast_in_dim3A_1700 : vector<16x1xi32> to vector<16xi32>
      %gather3A_1702 = tpu.dynamic_gather %get3A_1699[%gather3A_1701] in [0] : vector<16xf32>, vector<16xi32> -> vector<16xf32>
      %select_n3A_1703 = arith.select %eq3A_106, %gather3A_1692, %scan3A_1567 : vector<16xi1>, vector<16xf32>
      %select_n3A_1704 = arith.select %eq3A_106, %gather3A_1702, %scan3A_1568 : vector<16xi1>, vector<16xf32>
      %mul3A_1705 = arith.mulf %select_n3A_1703, %get3A_1591 : vector<16xf32>
      %mul3A_1706 = arith.mulf %select_n3A_1704, %get3A_1597 : vector<16xf32>
      %add3A_1707 = arith.addf %mul3A_1705, %mul3A_1706 : vector<16xf32>
      %swap3A_1708 = arith.constant 0 : i32
      %swap3A_1709 = arith.constant 2 : i32
      %swap3A_1710 = arith.index_cast %swap3A_1708 : i32 to index
      %swap3A_1711 = arith.index_cast %swap3A_1709 : i32 to index
      %swap3A_1712 = arith.index_cast %multiple_of3A : i32 to index
      %swap3A_1713 = tpu.vector_load %arg14[%swap3A_1710, %swap3A_1711, %swap3A_1712] {strides = array<i32>} : memref<2x8x1024xf32, #tpu.memory_space<vmem>>, vector<1x1x16xf32>,
      %swap3A_1714 = vector.shape_cast %swap3A_1713 : vector<1x1x16xf32> to vector<16xf32>
      %swap3A_1715 = vector.shape_cast %add3A_1707 : vector<16xf32> to vector<1x1x16xf32>
      tpu.vector_store %arg14[%swap3A_1710, %swap3A_1711, %swap3A_1712], %swap3A_1715 {strides = array<i32>} : memref<2x8x1024xf32, #tpu.memory_space<vmem>>, vector<1x1x16xf32>,
      %mul3A_1716 = arith.mulf %select_n3A_1704, %get3A_1591 : vector<16xf32>
      %mul3A_1717 = arith.mulf %select_n3A_1703, %get3A_1597 : vector<16xf32>
      %sub3A_1718 = arith.subf %mul3A_1716, %mul3A_1717 : vector<16xf32>
      %swap3A_1719 = arith.constant 0 : i32
      %swap3A_1720 = arith.constant 2 : i32
      %swap3A_1721 = arith.index_cast %swap3A_1719 : i32 to index
      %swap3A_1722 = arith.index_cast %swap3A_1720 : i32 to index
      %swap3A_1723 = arith.index_cast %multiple_of3A : i32 to index
      %swap3A_1724 = tpu.vector_load %arg15[%swap3A_1721, %swap3A_1722, %swap3A_1723] {strides = array<i32>} : memref<2x8x1024xf32, #tpu.memory_space<vmem>>, vector<1x1x16xf32>,
      %swap3A_1725 = vector.shape_cast %swap3A_1724 : vector<1x1x16xf32> to vector<16xf32>
      %swap3A_1726 = vector.shape_cast %sub3A_1718 : vector<16xf32> to vector<1x1x16xf32>
      tpu.vector_store %arg15[%swap3A_1721, %swap3A_1722, %swap3A_1723], %swap3A_1726 {strides = array<i32>} : memref<2x8x1024xf32, #tpu.memory_space<vmem>>, vector<1x1x16xf32>,
      %get3A_1727 = arith.constant 0 : i32
      %get3A_1728 = arith.constant 3 : i32
      %get3A_1729 = arith.index_cast %get3A_1727 : i32 to index
      %get3A_1730 = arith.index_cast %get3A_1728 : i32 to index
      %get3A_1731 = arith.index_cast %multiple_of3A_1585 : i32 to index
      %get3A_1732 = tpu.vector_load %arg12[%get3A_1729, %get3A_1730, %get3A_1731] {strides = array<i32>} : memref<2x8x1152xf32, #tpu.memory_space<vmem>>, vector<1x1x16xf32>,
      %get3A_1733 = vector.shape_cast %get3A_1732 : vector<1x1x16xf32> to vector<16xf32>
      %broadcast_in_dim3A_1734 = vector.shape_cast %and3A_104 : vector<16xi32> to vector<16x1xi32>
      %gather3A_1735 = vector.shape_cast %broadcast_in_dim3A_1734 : vector<16x1xi32> to vector<16xi32>
      %gather3A_1736 = tpu.dynamic_gather %get3A_1733[%gather3A_1735] in [0] : vector<16xf32>, vector<16xi32> -> vector<16xf32>
      %get3A_1737 = arith.constant 0 : i32
      %get3A_1738 = arith.constant 3 : i32
      %get3A_1739 = arith.index_cast %get3A_1737 : i32 to index
      %get3A_1740 = arith.index_cast %get3A_1738 : i32 to index
      %get3A_1741 = arith.index_cast %multiple_of3A_1585 : i32 to index
      %get3A_1742 = tpu.vector_load %arg13[%get3A_1739, %get3A_1740, %get3A_1741] {strides = array<i32>} : memref<2x8x1152xf32, #tpu.memory_space<vmem>>, vector<1x1x16xf32>,
      %get3A_1743 = vector.shape_cast %get3A_1742 : vector<1x1x16xf32> to vector<16xf32>
      %broadcast_in_dim3A_1744 = vector.shape_cast %and3A_104 : vector<16xi32> to vector<16x1xi32>
      %gather3A_1745 = vector.shape_cast %broadcast_in_dim3A_1744 : vector<16x1xi32> to vector<16xi32>
      %gather3A_1746 = tpu.dynamic_gather %get3A_1743[%gather3A_1745] in [0] : vector<16xf32>, vector<16xi32> -> vector<16xf32>
      %select_n3A_1747 = arith.select %eq3A_106, %gather3A_1736, %scan3A_1569 : vector<16xi1>, vector<16xf32>
      %select_n3A_1748 = arith.select %eq3A_106, %gather3A_1746, %scan3A_1570 : vector<16xi1>, vector<16xf32>
      %mul3A_1749 = arith.mulf %select_n3A_1747, %get3A_1591 : vector<16xf32>
      %mul3A_1750 = arith.mulf %select_n3A_1748, %get3A_1597 : vector<16xf32>
      %add3A_1751 = arith.addf %mul3A_1749, %mul3A_1750 : vector<16xf32>
      %swap3A_1752 = arith.constant 0 : i32
      %swap3A_1753 = arith.constant 3 : i32
      %swap3A_1754 = arith.index_cast %swap3A_1752 : i32 to index
      %swap3A_1755 = arith.index_cast %swap3A_1753 : i32 to index
      %swap3A_1756 = arith.index_cast %multiple_of3A : i32 to index
      %swap3A_1757 = tpu.vector_load %arg14[%swap3A_1754, %swap3A_1755, %swap3A_1756] {strides = array<i32>} : memref<2x8x1024xf32, #tpu.memory_space<vmem>>, vector<1x1x16xf32>,
      %swap3A_1758 = vector.shape_cast %swap3A_1757 : vector<1x1x16xf32> to vector<16xf32>
      %swap3A_1759 = vector.shape_cast %add3A_1751 : vector<16xf32> to vector<1x1x16xf32>
      tpu.vector_store %arg14[%swap3A_1754, %swap3A_1755, %swap3A_1756], %swap3A_1759 {strides = array<i32>} : memref<2x8x1024xf32, #tpu.memory_space<vmem>>, vector<1x1x16xf32>,
      %mul3A_1760 = arith.mulf %select_n3A_1748, %get3A_1591 : vector<16xf32>
      %mul3A_1761 = arith.mulf %select_n3A_1747, %get3A_1597 : vector<16xf32>
      %sub3A_1762 = arith.subf %mul3A_1760, %mul3A_1761 : vector<16xf32>
      %swap3A_1763 = arith.constant 0 : i32
      %swap3A_1764 = arith.constant 3 : i32
      %swap3A_1765 = arith.index_cast %swap3A_1763 : i32 to index
      %swap3A_1766 = arith.index_cast %swap3A_1764 : i32 to index
      %swap3A_1767 = arith.index_cast %multiple_of3A : i32 to index
      %swap3A_1768 = tpu.vector_load %arg15[%swap3A_1765, %swap3A_1766, %swap3A_1767] {strides = array<i32>} : memref<2x8x1024xf32, #tpu.memory_space<vmem>>, vector<1x1x16xf32>,
      %swap3A_1769 = vector.shape_cast %swap3A_1768 : vector<1x1x16xf32> to vector<16xf32>
      %swap3A_1770 = vector.shape_cast %sub3A_1762 : vector<16xf32> to vector<1x1x16xf32>
      tpu.vector_store %arg15[%swap3A_1765, %swap3A_1766, %swap3A_1767], %swap3A_1770 {strides = array<i32>} : memref<2x8x1024xf32, #tpu.memory_space<vmem>>, vector<1x1x16xf32>,
      %get3A_1771 = arith.constant 0 : i32
      %get3A_1772 = arith.constant 4 : i32
      %get3A_1773 = arith.index_cast %get3A_1771 : i32 to index
      %get3A_1774 = arith.index_cast %get3A_1772 : i32 to index
      %get3A_1775 = arith.index_cast %multiple_of3A_1585 : i32 to index
      %get3A_1776 = tpu.vector_load %arg12[%get3A_1773, %get3A_1774, %get3A_1775] {strides = array<i32>} : memref<2x8x1152xf32, #tpu.memory_space<vmem>>, vector<1x1x16xf32>,
      %get3A_1777 = vector.shape_cast %get3A_1776 : vector<1x1x16xf32> to vector<16xf32>
      %broadcast_in_dim3A_1778 = vector.shape_cast %and3A_104 : vector<16xi32> to vector<16x1xi32>
      %gather3A_1779 = vector.shape_cast %broadcast_in_dim3A_1778 : vector<16x1xi32> to vector<16xi32>
      %gather3A_1780 = tpu.dynamic_gather %get3A_1777[%gather3A_1779] in [0] : vector<16xf32>, vector<16xi32> -> vector<16xf32>
      %get3A_1781 = arith.constant 0 : i32
      %get3A_1782 = arith.constant 4 : i32
      %get3A_1783 = arith.index_cast %get3A_1781 : i32 to index
      %get3A_1784 = arith.index_cast %get3A_1782 : i32 to index
      %get3A_1785 = arith.index_cast %multiple_of3A_1585 : i32 to index
      %get3A_1786 = tpu.vector_load %arg13[%get3A_1783, %get3A_1784, %get3A_1785] {strides = array<i32>} : memref<2x8x1152xf32, #tpu.memory_space<vmem>>, vector<1x1x16xf32>,
      %get3A_1787 = vector.shape_cast %get3A_1786 : vector<1x1x16xf32> to vector<16xf32>
      %broadcast_in_dim3A_1788 = vector.shape_cast %and3A_104 : vector<16xi32> to vector<16x1xi32>
      %gather3A_1789 = vector.shape_cast %broadcast_in_dim3A_1788 : vector<16x1xi32> to vector<16xi32>
      %gather3A_1790 = tpu.dynamic_gather %get3A_1787[%gather3A_1789] in [0] : vector<16xf32>, vector<16xi32> -> vector<16xf32>
      %select_n3A_1791 = arith.select %eq3A_106, %gather3A_1780, %scan3A_1571 : vector<16xi1>, vector<16xf32>
      %select_n3A_1792 = arith.select %eq3A_106, %gather3A_1790, %scan3A_1572 : vector<16xi1>, vector<16xf32>
      %mul3A_1793 = arith.mulf %select_n3A_1791, %get3A_1591 : vector<16xf32>
      %mul3A_1794 = arith.mulf %select_n3A_1792, %get3A_1597 : vector<16xf32>
      %add3A_1795 = arith.addf %mul3A_1793, %mul3A_1794 : vector<16xf32>
      %swap3A_1796 = arith.constant 0 : i32
      %swap3A_1797 = arith.constant 4 : i32
      %swap3A_1798 = arith.index_cast %swap3A_1796 : i32 to index
      %swap3A_1799 = arith.index_cast %swap3A_1797 : i32 to index
      %swap3A_1800 = arith.index_cast %multiple_of3A : i32 to index
      %swap3A_1801 = tpu.vector_load %arg14[%swap3A_1798, %swap3A_1799, %swap3A_1800] {strides = array<i32>} : memref<2x8x1024xf32, #tpu.memory_space<vmem>>, vector<1x1x16xf32>,
      %swap3A_1802 = vector.shape_cast %swap3A_1801 : vector<1x1x16xf32> to vector<16xf32>
      %swap3A_1803 = vector.shape_cast %add3A_1795 : vector<16xf32> to vector<1x1x16xf32>
      tpu.vector_store %arg14[%swap3A_1798, %swap3A_1799, %swap3A_1800], %swap3A_1803 {strides = array<i32>} : memref<2x8x1024xf32, #tpu.memory_space<vmem>>, vector<1x1x16xf32>,
      %mul3A_1804 = arith.mulf %select_n3A_1792, %get3A_1591 : vector<16xf32>
      %mul3A_1805 = arith.mulf %select_n3A_1791, %get3A_1597 : vector<16xf32>
      %sub3A_1806 = arith.subf %mul3A_1804, %mul3A_1805 : vector<16xf32>
      %swap3A_1807 = arith.constant 0 : i32
      %swap3A_1808 = arith.constant 4 : i32
      %swap3A_1809 = arith.index_cast %swap3A_1807 : i32 to index
      %swap3A_1810 = arith.index_cast %swap3A_1808 : i32 to index
      %swap3A_1811 = arith.index_cast %multiple_of3A : i32 to index
      %swap3A_1812 = tpu.vector_load %arg15[%swap3A_1809, %swap3A_1810, %swap3A_1811] {strides = array<i32>} : memref<2x8x1024xf32, #tpu.memory_space<vmem>>, vector<1x1x16xf32>,
      %swap3A_1813 = vector.shape_cast %swap3A_1812 : vector<1x1x16xf32> to vector<16xf32>
      %swap3A_1814 = vector.shape_cast %sub3A_1806 : vector<16xf32> to vector<1x1x16xf32>
      tpu.vector_store %arg15[%swap3A_1809, %swap3A_1810, %swap3A_1811], %swap3A_1814 {strides = array<i32>} : memref<2x8x1024xf32, #tpu.memory_space<vmem>>, vector<1x1x16xf32>,
      %get3A_1815 = arith.constant 0 : i32
      %get3A_1816 = arith.constant 5 : i32
      %get3A_1817 = arith.index_cast %get3A_1815 : i32 to index
      %get3A_1818 = arith.index_cast %get3A_1816 : i32 to index
      %get3A_1819 = arith.index_cast %multiple_of3A_1585 : i32 to index
      %get3A_1820 = tpu.vector_load %arg12[%get3A_1817, %get3A_1818, %get3A_1819] {strides = array<i32>} : memref<2x8x1152xf32, #tpu.memory_space<vmem>>, vector<1x1x16xf32>,
      %get3A_1821 = vector.shape_cast %get3A_1820 : vector<1x1x16xf32> to vector<16xf32>
      %broadcast_in_dim3A_1822 = vector.shape_cast %and3A_104 : vector<16xi32> to vector<16x1xi32>
      %gather3A_1823 = vector.shape_cast %broadcast_in_dim3A_1822 : vector<16x1xi32> to vector<16xi32>
      %gather3A_1824 = tpu.dynamic_gather %get3A_1821[%gather3A_1823] in [0] : vector<16xf32>, vector<16xi32> -> vector<16xf32>
      %get3A_1825 = arith.constant 0 : i32
      %get3A_1826 = arith.constant 5 : i32
      %get3A_1827 = arith.index_cast %get3A_1825 : i32 to index
      %get3A_1828 = arith.index_cast %get3A_1826 : i32 to index
      %get3A_1829 = arith.index_cast %multiple_of3A_1585 : i32 to index
      %get3A_1830 = tpu.vector_load %arg13[%get3A_1827, %get3A_1828, %get3A_1829] {strides = array<i32>} : memref<2x8x1152xf32, #tpu.memory_space<vmem>>, vector<1x1x16xf32>,
      %get3A_1831 = vector.shape_cast %get3A_1830 : vector<1x1x16xf32> to vector<16xf32>
      %broadcast_in_dim3A_1832 = vector.shape_cast %and3A_104 : vector<16xi32> to vector<16x1xi32>
      %gather3A_1833 = vector.shape_cast %broadcast_in_dim3A_1832 : vector<16x1xi32> to vector<16xi32>
      %gather3A_1834 = tpu.dynamic_gather %get3A_1831[%gather3A_1833] in [0] : vector<16xf32>, vector<16xi32> -> vector<16xf32>
      %select_n3A_1835 = arith.select %eq3A_106, %gather3A_1824, %scan3A_1573 : vector<16xi1>, vector<16xf32>
      %select_n3A_1836 = arith.select %eq3A_106, %gather3A_1834, %scan3A_1574 : vector<16xi1>, vector<16xf32>
      %mul3A_1837 = arith.mulf %select_n3A_1835, %get3A_1591 : vector<16xf32>
      %mul3A_1838 = arith.mulf %select_n3A_1836, %get3A_1597 : vector<16xf32>
      %add3A_1839 = arith.addf %mul3A_1837, %mul3A_1838 : vector<16xf32>
      %swap3A_1840 = arith.constant 0 : i32
      %swap3A_1841 = arith.constant 5 : i32
      %swap3A_1842 = arith.index_cast %swap3A_1840 : i32 to index
      %swap3A_1843 = arith.index_cast %swap3A_1841 : i32 to index
      %swap3A_1844 = arith.index_cast %multiple_of3A : i32 to index
      %swap3A_1845 = tpu.vector_load %arg14[%swap3A_1842, %swap3A_1843, %swap3A_1844] {strides = array<i32>} : memref<2x8x1024xf32, #tpu.memory_space<vmem>>, vector<1x1x16xf32>,
      %swap3A_1846 = vector.shape_cast %swap3A_1845 : vector<1x1x16xf32> to vector<16xf32>
      %swap3A_1847 = vector.shape_cast %add3A_1839 : vector<16xf32> to vector<1x1x16xf32>
      tpu.vector_store %arg14[%swap3A_1842, %swap3A_1843, %swap3A_1844], %swap3A_1847 {strides = array<i32>} : memref<2x8x1024xf32, #tpu.memory_space<vmem>>, vector<1x1x16xf32>,
      %mul3A_1848 = arith.mulf %select_n3A_1836, %get3A_1591 : vector<16xf32>
      %mul3A_1849 = arith.mulf %select_n3A_1835, %get3A_1597 : vector<16xf32>
      %sub3A_1850 = arith.subf %mul3A_1848, %mul3A_1849 : vector<16xf32>
      %swap3A_1851 = arith.constant 0 : i32
      %swap3A_1852 = arith.constant 5 : i32
      %swap3A_1853 = arith.index_cast %swap3A_1851 : i32 to index
      %swap3A_1854 = arith.index_cast %swap3A_1852 : i32 to index
      %swap3A_1855 = arith.index_cast %multiple_of3A : i32 to index
      %swap3A_1856 = tpu.vector_load %arg15[%swap3A_1853, %swap3A_1854, %swap3A_1855] {strides = array<i32>} : memref<2x8x1024xf32, #tpu.memory_space<vmem>>, vector<1x1x16xf32>,
      %swap3A_1857 = vector.shape_cast %swap3A_1856 : vector<1x1x16xf32> to vector<16xf32>
      %swap3A_1858 = vector.shape_cast %sub3A_1850 : vector<16xf32> to vector<1x1x16xf32>
      tpu.vector_store %arg15[%swap3A_1853, %swap3A_1854, %swap3A_1855], %swap3A_1858 {strides = array<i32>} : memref<2x8x1024xf32, #tpu.memory_space<vmem>>, vector<1x1x16xf32>,
      %get3A_1859 = arith.constant 0 : i32
      %get3A_1860 = arith.constant 6 : i32
      %get3A_1861 = arith.index_cast %get3A_1859 : i32 to index
      %get3A_1862 = arith.index_cast %get3A_1860 : i32 to index
      %get3A_1863 = arith.index_cast %multiple_of3A_1585 : i32 to index
      %get3A_1864 = tpu.vector_load %arg12[%get3A_1861, %get3A_1862, %get3A_1863] {strides = array<i32>} : memref<2x8x1152xf32, #tpu.memory_space<vmem>>, vector<1x1x16xf32>,
      %get3A_1865 = vector.shape_cast %get3A_1864 : vector<1x1x16xf32> to vector<16xf32>
      %broadcast_in_dim3A_1866 = vector.shape_cast %and3A_104 : vector<16xi32> to vector<16x1xi32>
      %gather3A_1867 = vector.shape_cast %broadcast_in_dim3A_1866 : vector<16x1xi32> to vector<16xi32>
      %gather3A_1868 = tpu.dynamic_gather %get3A_1865[%gather3A_1867] in [0] : vector<16xf32>, vector<16xi32> -> vector<16xf32>
      %get3A_1869 = arith.constant 0 : i32
      %get3A_1870 = arith.constant 6 : i32
      %get3A_1871 = arith.index_cast %get3A_1869 : i32 to index
      %get3A_1872 = arith.index_cast %get3A_1870 : i32 to index
      %get3A_1873 = arith.index_cast %multiple_of3A_1585 : i32 to index
      %get3A_1874 = tpu.vector_load %arg13[%get3A_1871, %get3A_1872, %get3A_1873] {strides = array<i32>} : memref<2x8x1152xf32, #tpu.memory_space<vmem>>, vector<1x1x16xf32>,
      %get3A_1875 = vector.shape_cast %get3A_1874 : vector<1x1x16xf32> to vector<16xf32>
      %broadcast_in_dim3A_1876 = vector.shape_cast %and3A_104 : vector<16xi32> to vector<16x1xi32>
      %gather3A_1877 = vector.shape_cast %broadcast_in_dim3A_1876 : vector<16x1xi32> to vector<16xi32>
      %gather3A_1878 = tpu.dynamic_gather %get3A_1875[%gather3A_1877] in [0] : vector<16xf32>, vector<16xi32> -> vector<16xf32>
      %select_n3A_1879 = arith.select %eq3A_106, %gather3A_1868, %scan3A_1575 : vector<16xi1>, vector<16xf32>
      %select_n3A_1880 = arith.select %eq3A_106, %gather3A_1878, %scan3A_1576 : vector<16xi1>, vector<16xf32>
      %mul3A_1881 = arith.mulf %select_n3A_1879, %get3A_1591 : vector<16xf32>
      %mul3A_1882 = arith.mulf %select_n3A_1880, %get3A_1597 : vector<16xf32>
      %add3A_1883 = arith.addf %mul3A_1881, %mul3A_1882 : vector<16xf32>
      %swap3A_1884 = arith.constant 0 : i32
      %swap3A_1885 = arith.constant 6 : i32
      %swap3A_1886 = arith.index_cast %swap3A_1884 : i32 to index
      %swap3A_1887 = arith.index_cast %swap3A_1885 : i32 to index
      %swap3A_1888 = arith.index_cast %multiple_of3A : i32 to index
      %swap3A_1889 = tpu.vector_load %arg14[%swap3A_1886, %swap3A_1887, %swap3A_1888] {strides = array<i32>} : memref<2x8x1024xf32, #tpu.memory_space<vmem>>, vector<1x1x16xf32>,
      %swap3A_1890 = vector.shape_cast %swap3A_1889 : vector<1x1x16xf32> to vector<16xf32>
      %swap3A_1891 = vector.shape_cast %add3A_1883 : vector<16xf32> to vector<1x1x16xf32>
      tpu.vector_store %arg14[%swap3A_1886, %swap3A_1887, %swap3A_1888], %swap3A_1891 {strides = array<i32>} : memref<2x8x1024xf32, #tpu.memory_space<vmem>>, vector<1x1x16xf32>,
      %mul3A_1892 = arith.mulf %select_n3A_1880, %get3A_1591 : vector<16xf32>
      %mul3A_1893 = arith.mulf %select_n3A_1879, %get3A_1597 : vector<16xf32>
      %sub3A_1894 = arith.subf %mul3A_1892, %mul3A_1893 : vector<16xf32>
      %swap3A_1895 = arith.constant 0 : i32
      %swap3A_1896 = arith.constant 6 : i32
      %swap3A_1897 = arith.index_cast %swap3A_1895 : i32 to index
      %swap3A_1898 = arith.index_cast %swap3A_1896 : i32 to index
      %swap3A_1899 = arith.index_cast %multiple_of3A : i32 to index
      %swap3A_1900 = tpu.vector_load %arg15[%swap3A_1897, %swap3A_1898, %swap3A_1899] {strides = array<i32>} : memref<2x8x1024xf32, #tpu.memory_space<vmem>>, vector<1x1x16xf32>,
      %swap3A_1901 = vector.shape_cast %swap3A_1900 : vector<1x1x16xf32> to vector<16xf32>
      %swap3A_1902 = vector.shape_cast %sub3A_1894 : vector<16xf32> to vector<1x1x16xf32>
      tpu.vector_store %arg15[%swap3A_1897, %swap3A_1898, %swap3A_1899], %swap3A_1902 {strides = array<i32>} : memref<2x8x1024xf32, #tpu.memory_space<vmem>>, vector<1x1x16xf32>,
      %get3A_1903 = arith.constant 0 : i32
      %get3A_1904 = arith.constant 7 : i32
      %get3A_1905 = arith.index_cast %get3A_1903 : i32 to index
      %get3A_1906 = arith.index_cast %get3A_1904 : i32 to index
      %get3A_1907 = arith.index_cast %multiple_of3A_1585 : i32 to index
      %get3A_1908 = tpu.vector_load %arg12[%get3A_1905, %get3A_1906, %get3A_1907] {strides = array<i32>} : memref<2x8x1152xf32, #tpu.memory_space<vmem>>, vector<1x1x16xf32>,
      %get3A_1909 = vector.shape_cast %get3A_1908 : vector<1x1x16xf32> to vector<16xf32>
      %broadcast_in_dim3A_1910 = vector.shape_cast %and3A_104 : vector<16xi32> to vector<16x1xi32>
      %gather3A_1911 = vector.shape_cast %broadcast_in_dim3A_1910 : vector<16x1xi32> to vector<16xi32>
      %gather3A_1912 = tpu.dynamic_gather %get3A_1909[%gather3A_1911] in [0] : vector<16xf32>, vector<16xi32> -> vector<16xf32>
      %get3A_1913 = arith.constant 0 : i32
      %get3A_1914 = arith.constant 7 : i32
      %get3A_1915 = arith.index_cast %get3A_1913 : i32 to index
      %get3A_1916 = arith.index_cast %get3A_1914 : i32 to index
      %get3A_1917 = arith.index_cast %multiple_of3A_1585 : i32 to index
      %get3A_1918 = tpu.vector_load %arg13[%get3A_1915, %get3A_1916, %get3A_1917] {strides = array<i32>} : memref<2x8x1152xf32, #tpu.memory_space<vmem>>, vector<1x1x16xf32>,
      %get3A_1919 = vector.shape_cast %get3A_1918 : vector<1x1x16xf32> to vector<16xf32>
      %broadcast_in_dim3A_1920 = vector.shape_cast %and3A_104 : vector<16xi32> to vector<16x1xi32>
      %gather3A_1921 = vector.shape_cast %broadcast_in_dim3A_1920 : vector<16x1xi32> to vector<16xi32>
      %gather3A_1922 = tpu.dynamic_gather %get3A_1919[%gather3A_1921] in [0] : vector<16xf32>, vector<16xi32> -> vector<16xf32>
      %select_n3A_1923 = arith.select %eq3A_106, %gather3A_1912, %scan3A_1577 : vector<16xi1>, vector<16xf32>
      %select_n3A_1924 = arith.select %eq3A_106, %gather3A_1922, %scan3A_1578 : vector<16xi1>, vector<16xf32>
      %mul3A_1925 = arith.mulf %select_n3A_1923, %get3A_1591 : vector<16xf32>
      %mul3A_1926 = arith.mulf %select_n3A_1924, %get3A_1597 : vector<16xf32>
      %add3A_1927 = arith.addf %mul3A_1925, %mul3A_1926 : vector<16xf32>
      %swap3A_1928 = arith.constant 0 : i32
      %swap3A_1929 = arith.constant 7 : i32
      %swap3A_1930 = arith.index_cast %swap3A_1928 : i32 to index
      %swap3A_1931 = arith.index_cast %swap3A_1929 : i32 to index
      %swap3A_1932 = arith.index_cast %multiple_of3A : i32 to index
      %swap3A_1933 = tpu.vector_load %arg14[%swap3A_1930, %swap3A_1931, %swap3A_1932] {strides = array<i32>} : memref<2x8x1024xf32, #tpu.memory_space<vmem>>, vector<1x1x16xf32>,
      %swap3A_1934 = vector.shape_cast %swap3A_1933 : vector<1x1x16xf32> to vector<16xf32>
      %swap3A_1935 = vector.shape_cast %add3A_1927 : vector<16xf32> to vector<1x1x16xf32>
      tpu.vector_store %arg14[%swap3A_1930, %swap3A_1931, %swap3A_1932], %swap3A_1935 {strides = array<i32>} : memref<2x8x1024xf32, #tpu.memory_space<vmem>>, vector<1x1x16xf32>,
      %mul3A_1936 = arith.mulf %select_n3A_1924, %get3A_1591 : vector<16xf32>
      %mul3A_1937 = arith.mulf %select_n3A_1923, %get3A_1597 : vector<16xf32>
      %sub3A_1938 = arith.subf %mul3A_1936, %mul3A_1937 : vector<16xf32>
      %swap3A_1939 = arith.constant 0 : i32
      %swap3A_1940 = arith.constant 7 : i32
      %swap3A_1941 = arith.index_cast %swap3A_1939 : i32 to index
      %swap3A_1942 = arith.index_cast %swap3A_1940 : i32 to index
      %swap3A_1943 = arith.index_cast %multiple_of3A : i32 to index
      %swap3A_1944 = tpu.vector_load %arg15[%swap3A_1941, %swap3A_1942, %swap3A_1943] {strides = array<i32>} : memref<2x8x1024xf32, #tpu.memory_space<vmem>>, vector<1x1x16xf32>,
      %swap3A_1945 = vector.shape_cast %swap3A_1944 : vector<1x1x16xf32> to vector<16xf32>
      %swap3A_1946 = vector.shape_cast %sub3A_1938 : vector<16xf32> to vector<1x1x16xf32>
      tpu.vector_store %arg15[%swap3A_1941, %swap3A_1942, %swap3A_1943], %swap3A_1946 {strides = array<i32>} : memref<2x8x1024xf32, #tpu.memory_space<vmem>>, vector<1x1x16xf32>,
      scf.yield %gather3A_1607, %gather3A_1617, %gather3A_1648, %gather3A_1658, %gather3A_1692, %gather3A_1702, %gather3A_1736, %gather3A_1746, %gather3A_1780, %gather3A_1790, %gather3A_1824, %gather3A_1834, %gather3A_1868, %gather3A_1878, %gather3A_1912, %gather3A_1922 : vector<16xf32>, vector<16xf32>, vector<16xf32>, vector<16xf32>, vector<16xf32>, vector<16xf32>, vector<16xf32>, vector<16xf32>, vector<16xf32>, vector<16xf32>, vector<16xf32>, vector<16xf32>, vector<16xf32>, vector<16xf32>, vector<16xf32>, vector<16xf32>
    }
    %scan3A_320 = arith.constant 32 : i32
    %mul3A_321 = arith.constant 8 : i32
    %mul3A_322 = arith.muli %add3A, %mul3A_321 : i32
    %add3A_323 = arith.constant 0 : i32
    %add3A_324 = arith.addi %mul3A_322, %add3A_323 : i32
    %mul3A_325 = arith.constant 2048 : i32
    %mul3A_326 = arith.muli %add3A_324, %mul3A_325 : i32
    %add3A_327 = arith.constant 0 : i32
    %add3A_328 = arith.addi %mul3A_326, %add3A_327 : i32
    %dma_start3A_329 = arith.constant 0 : i32
    %dma_start3A_330 = arith.constant 0 : i32
    %dma_start3A_331 = arith.constant 0 : i32
    %dma_start3A_332 = arith.constant 0 : i32
    %dma_start3A_333 = arith.constant 0 : i32
    %dma_start3A_334 = tpu.memref_slice %arg14[%dma_start3A_329, %dma_start3A_330, %dma_start3A_333] : memref<2x8x1024xf32, #tpu.memory_space<vmem>> -> memref<1x1x1024xf32, #tpu.memory_space<vmem>>
    %dma_start3A_335 = tpu.memref_squeeze %dma_start3A_334 : memref<1x1x1024xf32, #tpu.memory_space<vmem>> -> memref<1024xf32, #tpu.memory_space<vmem>>
    %dma_start3A_336 = tpu.memref_slice %arg7[%add3A_328] : memref<524288xf32, #tpu.memory_space<hbm>> -> memref<1024xf32, #tpu.memory_space<hbm>>
    %dma_start3A_337 = tpu.memref_slice %arg19[%dma_start3A_331, %dma_start3A_332] : memref<2x2x!tpu.dma_semaphore, #tpu.memory_space<semaphore_mem>> -> memref<1x1x!tpu.dma_semaphore, #tpu.memory_space<semaphore_mem>>
    %dma_start3A_338 = tpu.memref_squeeze %dma_start3A_337 : memref<1x1x!tpu.dma_semaphore, #tpu.memory_space<semaphore_mem>> -> memref<!tpu.dma_semaphore, #tpu.memory_space<semaphore_mem>>
    %dma_start3A_339 = tpu.memref_slice %arg7[%add3A_328] : memref<524288xf32, #tpu.memory_space<hbm>> -> memref<1024xf32, #tpu.memory_space<hbm>>
    %dma_start3A_340 = arith.constant 0 : i32
    %dma_start3A_341 = tpu.memref_slice %arg14[%dma_start3A_329, %dma_start3A_330, %dma_start3A_340] : memref<2x8x1024xf32, #tpu.memory_space<vmem>> -> memref<1x1x1024xf32, #tpu.memory_space<vmem>>
    %dma_start3A_342 = tpu.memref_squeeze %dma_start3A_341 : memref<1x1x1024xf32, #tpu.memory_space<vmem>> -> memref<1024xf32, #tpu.memory_space<vmem>>
    tpu.enqueue_dma source(%dma_start3A_342 : memref<1024xf32, #tpu.memory_space<vmem>>) target(%dma_start3A_339 : memref<1024xf32, #tpu.memory_space<hbm>>) target_semaphore(%dma_start3A_338 : memref<!tpu.dma_semaphore, #tpu.memory_space<semaphore_mem>>)
    %dma_start3A_343 = arith.constant 0 : i32
    %dma_start3A_344 = arith.constant 0 : i32
    %dma_start3A_345 = arith.constant 0 : i32
    %dma_start3A_346 = arith.constant 1 : i32
    %dma_start3A_347 = arith.constant 0 : i32
    %dma_start3A_348 = tpu.memref_slice %arg15[%dma_start3A_343, %dma_start3A_344, %dma_start3A_347] : memref<2x8x1024xf32, #tpu.memory_space<vmem>> -> memref<1x1x1024xf32, #tpu.memory_space<vmem>>
    %dma_start3A_349 = tpu.memref_squeeze %dma_start3A_348 : memref<1x1x1024xf32, #tpu.memory_space<vmem>> -> memref<1024xf32, #tpu.memory_space<vmem>>
    %dma_start3A_350 = tpu.memref_slice %arg8[%add3A_328] : memref<524288xf32, #tpu.memory_space<hbm>> -> memref<1024xf32, #tpu.memory_space<hbm>>
    %dma_start3A_351 = tpu.memref_slice %arg19[%dma_start3A_345, %dma_start3A_346] : memref<2x2x!tpu.dma_semaphore, #tpu.memory_space<semaphore_mem>> -> memref<1x1x!tpu.dma_semaphore, #tpu.memory_space<semaphore_mem>>
    %dma_start3A_352 = tpu.memref_squeeze %dma_start3A_351 : memref<1x1x!tpu.dma_semaphore, #tpu.memory_space<semaphore_mem>> -> memref<!tpu.dma_semaphore, #tpu.memory_space<semaphore_mem>>
    %dma_start3A_353 = tpu.memref_slice %arg8[%add3A_328] : memref<524288xf32, #tpu.memory_space<hbm>> -> memref<1024xf32, #tpu.memory_space<hbm>>
    %dma_start3A_354 = arith.constant 0 : i32
    %dma_start3A_355 = tpu.memref_slice %arg15[%dma_start3A_343, %dma_start3A_344, %dma_start3A_354] : memref<2x8x1024xf32, #tpu.memory_space<vmem>> -> memref<1x1x1024xf32, #tpu.memory_space<vmem>>
    %dma_start3A_356 = tpu.memref_squeeze %dma_start3A_355 : memref<1x1x1024xf32, #tpu.memory_space<vmem>> -> memref<1024xf32, #tpu.memory_space<vmem>>
    tpu.enqueue_dma source(%dma_start3A_356 : memref<1024xf32, #tpu.memory_space<vmem>>) target(%dma_start3A_353 : memref<1024xf32, #tpu.memory_space<hbm>>) target_semaphore(%dma_start3A_352 : memref<!tpu.dma_semaphore, #tpu.memory_space<semaphore_mem>>)
    %mul3A_357 = arith.constant 8 : i32
    %mul3A_358 = arith.muli %add3A, %mul3A_357 : i32
    %add3A_359 = arith.constant 1 : i32
    %add3A_360 = arith.addi %mul3A_358, %add3A_359 : i32
    %mul3A_361 = arith.constant 2048 : i32
    %mul3A_362 = arith.muli %add3A_360, %mul3A_361 : i32
    %add3A_363 = arith.constant 0 : i32
    %add3A_364 = arith.addi %mul3A_362, %add3A_363 : i32
    %dma_start3A_365 = arith.constant 0 : i32
    %dma_start3A_366 = arith.constant 1 : i32
    %dma_start3A_367 = arith.constant 0 : i32
    %dma_start3A_368 = arith.constant 0 : i32
    %dma_start3A_369 = arith.constant 0 : i32
    %dma_start3A_370 = tpu.memref_slice %arg14[%dma_start3A_365, %dma_start3A_366, %dma_start3A_369] : memref<2x8x1024xf32, #tpu.memory_space<vmem>> -> memref<1x1x1024xf32, #tpu.memory_space<vmem>>
    %dma_start3A_371 = tpu.memref_squeeze %dma_start3A_370 : memref<1x1x1024xf32, #tpu.memory_space<vmem>> -> memref<1024xf32, #tpu.memory_space<vmem>>
    %dma_start3A_372 = tpu.memref_slice %arg7[%add3A_364] : memref<524288xf32, #tpu.memory_space<hbm>> -> memref<1024xf32, #tpu.memory_space<hbm>>
    %dma_start3A_373 = tpu.memref_slice %arg19[%dma_start3A_367, %dma_start3A_368] : memref<2x2x!tpu.dma_semaphore, #tpu.memory_space<semaphore_mem>> -> memref<1x1x!tpu.dma_semaphore, #tpu.memory_space<semaphore_mem>>
    %dma_start3A_374 = tpu.memref_squeeze %dma_start3A_373 : memref<1x1x!tpu.dma_semaphore, #tpu.memory_space<semaphore_mem>> -> memref<!tpu.dma_semaphore, #tpu.memory_space<semaphore_mem>>
    %dma_start3A_375 = tpu.memref_slice %arg7[%add3A_364] : memref<524288xf32, #tpu.memory_space<hbm>> -> memref<1024xf32, #tpu.memory_space<hbm>>
    %dma_start3A_376 = arith.constant 0 : i32
    %dma_start3A_377 = tpu.memref_slice %arg14[%dma_start3A_365, %dma_start3A_366, %dma_start3A_376] : memref<2x8x1024xf32, #tpu.memory_space<vmem>> -> memref<1x1x1024xf32, #tpu.memory_space<vmem>>
    %dma_start3A_378 = tpu.memref_squeeze %dma_start3A_377 : memref<1x1x1024xf32, #tpu.memory_space<vmem>> -> memref<1024xf32, #tpu.memory_space<vmem>>
    tpu.enqueue_dma source(%dma_start3A_378 : memref<1024xf32, #tpu.memory_space<vmem>>) target(%dma_start3A_375 : memref<1024xf32, #tpu.memory_space<hbm>>) target_semaphore(%dma_start3A_374 : memref<!tpu.dma_semaphore, #tpu.memory_space<semaphore_mem>>)
    %dma_start3A_379 = arith.constant 0 : i32
    %dma_start3A_380 = arith.constant 1 : i32
    %dma_start3A_381 = arith.constant 0 : i32
    %dma_start3A_382 = arith.constant 1 : i32
    %dma_start3A_383 = arith.constant 0 : i32
    %dma_start3A_384 = tpu.memref_slice %arg15[%dma_start3A_379, %dma_start3A_380, %dma_start3A_383] : memref<2x8x1024xf32, #tpu.memory_space<vmem>> -> memref<1x1x1024xf32, #tpu.memory_space<vmem>>
    %dma_start3A_385 = tpu.memref_squeeze %dma_start3A_384 : memref<1x1x1024xf32, #tpu.memory_space<vmem>> -> memref<1024xf32, #tpu.memory_space<vmem>>
    %dma_start3A_386 = tpu.memref_slice %arg8[%add3A_364] : memref<524288xf32, #tpu.memory_space<hbm>> -> memref<1024xf32, #tpu.memory_space<hbm>>
    %dma_start3A_387 = tpu.memref_slice %arg19[%dma_start3A_381, %dma_start3A_382] : memref<2x2x!tpu.dma_semaphore, #tpu.memory_space<semaphore_mem>> -> memref<1x1x!tpu.dma_semaphore, #tpu.memory_space<semaphore_mem>>
    %dma_start3A_388 = tpu.memref_squeeze %dma_start3A_387 : memref<1x1x!tpu.dma_semaphore, #tpu.memory_space<semaphore_mem>> -> memref<!tpu.dma_semaphore, #tpu.memory_space<semaphore_mem>>
    %dma_start3A_389 = tpu.memref_slice %arg8[%add3A_364] : memref<524288xf32, #tpu.memory_space<hbm>> -> memref<1024xf32, #tpu.memory_space<hbm>>
    %dma_start3A_390 = arith.constant 0 : i32
    %dma_start3A_391 = tpu.memref_slice %arg15[%dma_start3A_379, %dma_start3A_380, %dma_start3A_390] : memref<2x8x1024xf32, #tpu.memory_space<vmem>> -> memref<1x1x1024xf32, #tpu.memory_space<vmem>>
    %dma_start3A_392 = tpu.memref_squeeze %dma_start3A_391 : memref<1x1x1024xf32, #tpu.memory_space<vmem>> -> memref<1024xf32, #tpu.memory_space<vmem>>
    tpu.enqueue_dma source(%dma_start3A_392 : memref<1024xf32, #tpu.memory_space<vmem>>) target(%dma_start3A_389 : memref<1024xf32, #tpu.memory_space<hbm>>) target_semaphore(%dma_start3A_388 : memref<!tpu.dma_semaphore, #tpu.memory_space<semaphore_mem>>)
    %mul3A_393 = arith.constant 8 : i32
    %mul3A_394 = arith.muli %add3A, %mul3A_393 : i32
    %add3A_395 = arith.constant 2 : i32
    %add3A_396 = arith.addi %mul3A_394, %add3A_395 : i32
    %mul3A_397 = arith.constant 2048 : i32
    %mul3A_398 = arith.muli %add3A_396, %mul3A_397 : i32
    %add3A_399 = arith.constant 0 : i32
    %add3A_400 = arith.addi %mul3A_398, %add3A_399 : i32
    %dma_start3A_401 = arith.constant 0 : i32
    %dma_start3A_402 = arith.constant 2 : i32
    %dma_start3A_403 = arith.constant 0 : i32
    %dma_start3A_404 = arith.constant 0 : i32
    %dma_start3A_405 = arith.constant 0 : i32
    %dma_start3A_406 = tpu.memref_slice %arg14[%dma_start3A_401, %dma_start3A_402, %dma_start3A_405] : memref<2x8x1024xf32, #tpu.memory_space<vmem>> -> memref<1x1x1024xf32, #tpu.memory_space<vmem>>
    %dma_start3A_407 = tpu.memref_squeeze %dma_start3A_406 : memref<1x1x1024xf32, #tpu.memory_space<vmem>> -> memref<1024xf32, #tpu.memory_space<vmem>>
    %dma_start3A_408 = tpu.memref_slice %arg7[%add3A_400] : memref<524288xf32, #tpu.memory_space<hbm>> -> memref<1024xf32, #tpu.memory_space<hbm>>
    %dma_start3A_409 = tpu.memref_slice %arg19[%dma_start3A_403, %dma_start3A_404] : memref<2x2x!tpu.dma_semaphore, #tpu.memory_space<semaphore_mem>> -> memref<1x1x!tpu.dma_semaphore, #tpu.memory_space<semaphore_mem>>
    %dma_start3A_410 = tpu.memref_squeeze %dma_start3A_409 : memref<1x1x!tpu.dma_semaphore, #tpu.memory_space<semaphore_mem>> -> memref<!tpu.dma_semaphore, #tpu.memory_space<semaphore_mem>>
    %dma_start3A_411 = tpu.memref_slice %arg7[%add3A_400] : memref<524288xf32, #tpu.memory_space<hbm>> -> memref<1024xf32, #tpu.memory_space<hbm>>
    %dma_start3A_412 = arith.constant 0 : i32
    %dma_start3A_413 = tpu.memref_slice %arg14[%dma_start3A_401, %dma_start3A_402, %dma_start3A_412] : memref<2x8x1024xf32, #tpu.memory_space<vmem>> -> memref<1x1x1024xf32, #tpu.memory_space<vmem>>
    %dma_start3A_414 = tpu.memref_squeeze %dma_start3A_413 : memref<1x1x1024xf32, #tpu.memory_space<vmem>> -> memref<1024xf32, #tpu.memory_space<vmem>>
    tpu.enqueue_dma source(%dma_start3A_414 : memref<1024xf32, #tpu.memory_space<vmem>>) target(%dma_start3A_411 : memref<1024xf32, #tpu.memory_space<hbm>>) target_semaphore(%dma_start3A_410 : memref<!tpu.dma_semaphore, #tpu.memory_space<semaphore_mem>>)
    %dma_start3A_415 = arith.constant 0 : i32
    %dma_start3A_416 = arith.constant 2 : i32
    %dma_start3A_417 = arith.constant 0 : i32
    %dma_start3A_418 = arith.constant 1 : i32
    %dma_start3A_419 = arith.constant 0 : i32
    %dma_start3A_420 = tpu.memref_slice %arg15[%dma_start3A_415, %dma_start3A_416, %dma_start3A_419] : memref<2x8x1024xf32, #tpu.memory_space<vmem>> -> memref<1x1x1024xf32, #tpu.memory_space<vmem>>
    %dma_start3A_421 = tpu.memref_squeeze %dma_start3A_420 : memref<1x1x1024xf32, #tpu.memory_space<vmem>> -> memref<1024xf32, #tpu.memory_space<vmem>>
    %dma_start3A_422 = tpu.memref_slice %arg8[%add3A_400] : memref<524288xf32, #tpu.memory_space<hbm>> -> memref<1024xf32, #tpu.memory_space<hbm>>
    %dma_start3A_423 = tpu.memref_slice %arg19[%dma_start3A_417, %dma_start3A_418] : memref<2x2x!tpu.dma_semaphore, #tpu.memory_space<semaphore_mem>> -> memref<1x1x!tpu.dma_semaphore, #tpu.memory_space<semaphore_mem>>
    %dma_start3A_424 = tpu.memref_squeeze %dma_start3A_423 : memref<1x1x!tpu.dma_semaphore, #tpu.memory_space<semaphore_mem>> -> memref<!tpu.dma_semaphore, #tpu.memory_space<semaphore_mem>>
    %dma_start3A_425 = tpu.memref_slice %arg8[%add3A_400] : memref<524288xf32, #tpu.memory_space<hbm>> -> memref<1024xf32, #tpu.memory_space<hbm>>
    %dma_start3A_426 = arith.constant 0 : i32
    %dma_start3A_427 = tpu.memref_slice %arg15[%dma_start3A_415, %dma_start3A_416, %dma_start3A_426] : memref<2x8x1024xf32, #tpu.memory_space<vmem>> -> memref<1x1x1024xf32, #tpu.memory_space<vmem>>
    %dma_start3A_428 = tpu.memref_squeeze %dma_start3A_427 : memref<1x1x1024xf32, #tpu.memory_space<vmem>> -> memref<1024xf32, #tpu.memory_space<vmem>>
    tpu.enqueue_dma source(%dma_start3A_428 : memref<1024xf32, #tpu.memory_space<vmem>>) target(%dma_start3A_425 : memref<1024xf32, #tpu.memory_space<hbm>>) target_semaphore(%dma_start3A_424 : memref<!tpu.dma_semaphore, #tpu.memory_space<semaphore_mem>>)
    %mul3A_429 = arith.constant 8 : i32
    %mul3A_430 = arith.muli %add3A, %mul3A_429 : i32
    %add3A_431 = arith.constant 3 : i32
    %add3A_432 = arith.addi %mul3A_430, %add3A_431 : i32
    %mul3A_433 = arith.constant 2048 : i32
    %mul3A_434 = arith.muli %add3A_432, %mul3A_433 : i32
    %add3A_435 = arith.constant 0 : i32
    %add3A_436 = arith.addi %mul3A_434, %add3A_435 : i32
    %dma_start3A_437 = arith.constant 0 : i32
    %dma_start3A_438 = arith.constant 3 : i32
    %dma_start3A_439 = arith.constant 0 : i32
    %dma_start3A_440 = arith.constant 0 : i32
    %dma_start3A_441 = arith.constant 0 : i32
    %dma_start3A_442 = tpu.memref_slice %arg14[%dma_start3A_437, %dma_start3A_438, %dma_start3A_441] : memref<2x8x1024xf32, #tpu.memory_space<vmem>> -> memref<1x1x1024xf32, #tpu.memory_space<vmem>>
    %dma_start3A_443 = tpu.memref_squeeze %dma_start3A_442 : memref<1x1x1024xf32, #tpu.memory_space<vmem>> -> memref<1024xf32, #tpu.memory_space<vmem>>
    %dma_start3A_444 = tpu.memref_slice %arg7[%add3A_436] : memref<524288xf32, #tpu.memory_space<hbm>> -> memref<1024xf32, #tpu.memory_space<hbm>>
    %dma_start3A_445 = tpu.memref_slice %arg19[%dma_start3A_439, %dma_start3A_440] : memref<2x2x!tpu.dma_semaphore, #tpu.memory_space<semaphore_mem>> -> memref<1x1x!tpu.dma_semaphore, #tpu.memory_space<semaphore_mem>>
    %dma_start3A_446 = tpu.memref_squeeze %dma_start3A_445 : memref<1x1x!tpu.dma_semaphore, #tpu.memory_space<semaphore_mem>> -> memref<!tpu.dma_semaphore, #tpu.memory_space<semaphore_mem>>
    %dma_start3A_447 = tpu.memref_slice %arg7[%add3A_436] : memref<524288xf32, #tpu.memory_space<hbm>> -> memref<1024xf32, #tpu.memory_space<hbm>>
    %dma_start3A_448 = arith.constant 0 : i32
    %dma_start3A_449 = tpu.memref_slice %arg14[%dma_start3A_437, %dma_start3A_438, %dma_start3A_448] : memref<2x8x1024xf32, #tpu.memory_space<vmem>> -> memref<1x1x1024xf32, #tpu.memory_space<vmem>>
    %dma_start3A_450 = tpu.memref_squeeze %dma_start3A_449 : memref<1x1x1024xf32, #tpu.memory_space<vmem>> -> memref<1024xf32, #tpu.memory_space<vmem>>
    tpu.enqueue_dma source(%dma_start3A_450 : memref<1024xf32, #tpu.memory_space<vmem>>) target(%dma_start3A_447 : memref<1024xf32, #tpu.memory_space<hbm>>) target_semaphore(%dma_start3A_446 : memref<!tpu.dma_semaphore, #tpu.memory_space<semaphore_mem>>)
    %dma_start3A_451 = arith.constant 0 : i32
    %dma_start3A_452 = arith.constant 3 : i32
    %dma_start3A_453 = arith.constant 0 : i32
    %dma_start3A_454 = arith.constant 1 : i32
    %dma_start3A_455 = arith.constant 0 : i32
    %dma_start3A_456 = tpu.memref_slice %arg15[%dma_start3A_451, %dma_start3A_452, %dma_start3A_455] : memref<2x8x1024xf32, #tpu.memory_space<vmem>> -> memref<1x1x1024xf32, #tpu.memory_space<vmem>>
    %dma_start3A_457 = tpu.memref_squeeze %dma_start3A_456 : memref<1x1x1024xf32, #tpu.memory_space<vmem>> -> memref<1024xf32, #tpu.memory_space<vmem>>
    %dma_start3A_458 = tpu.memref_slice %arg8[%add3A_436] : memref<524288xf32, #tpu.memory_space<hbm>> -> memref<1024xf32, #tpu.memory_space<hbm>>
    %dma_start3A_459 = tpu.memref_slice %arg19[%dma_start3A_453, %dma_start3A_454] : memref<2x2x!tpu.dma_semaphore, #tpu.memory_space<semaphore_mem>> -> memref<1x1x!tpu.dma_semaphore, #tpu.memory_space<semaphore_mem>>
    %dma_start3A_460 = tpu.memref_squeeze %dma_start3A_459 : memref<1x1x!tpu.dma_semaphore, #tpu.memory_space<semaphore_mem>> -> memref<!tpu.dma_semaphore, #tpu.memory_space<semaphore_mem>>
    %dma_start3A_461 = tpu.memref_slice %arg8[%add3A_436] : memref<524288xf32, #tpu.memory_space<hbm>> -> memref<1024xf32, #tpu.memory_space<hbm>>
    %dma_start3A_462 = arith.constant 0 : i32
    %dma_start3A_463 = tpu.memref_slice %arg15[%dma_start3A_451, %dma_start3A_452, %dma_start3A_462] : memref<2x8x1024xf32, #tpu.memory_space<vmem>> -> memref<1x1x1024xf32, #tpu.memory_space<vmem>>
    %dma_start3A_464 = tpu.memref_squeeze %dma_start3A_463 : memref<1x1x1024xf32, #tpu.memory_space<vmem>> -> memref<1024xf32, #tpu.memory_space<vmem>>
    tpu.enqueue_dma source(%dma_start3A_464 : memref<1024xf32, #tpu.memory_space<vmem>>) target(%dma_start3A_461 : memref<1024xf32, #tpu.memory_space<hbm>>) target_semaphore(%dma_start3A_460 : memref<!tpu.dma_semaphore, #tpu.memory_space<semaphore_mem>>)
    %mul3A_465 = arith.constant 8 : i32
    %mul3A_466 = arith.muli %add3A, %mul3A_465 : i32
    %add3A_467 = arith.constant 4 : i32
    %add3A_468 = arith.addi %mul3A_466, %add3A_467 : i32
    %mul3A_469 = arith.constant 2048 : i32
    %mul3A_470 = arith.muli %add3A_468, %mul3A_469 : i32
    %add3A_471 = arith.constant 0 : i32
    %add3A_472 = arith.addi %mul3A_470, %add3A_471 : i32
    %dma_start3A_473 = arith.constant 0 : i32
    %dma_start3A_474 = arith.constant 4 : i32
    %dma_start3A_475 = arith.constant 0 : i32
    %dma_start3A_476 = arith.constant 0 : i32
    %dma_start3A_477 = arith.constant 0 : i32
    %dma_start3A_478 = tpu.memref_slice %arg14[%dma_start3A_473, %dma_start3A_474, %dma_start3A_477] : memref<2x8x1024xf32, #tpu.memory_space<vmem>> -> memref<1x1x1024xf32, #tpu.memory_space<vmem>>
    %dma_start3A_479 = tpu.memref_squeeze %dma_start3A_478 : memref<1x1x1024xf32, #tpu.memory_space<vmem>> -> memref<1024xf32, #tpu.memory_space<vmem>>
    %dma_start3A_480 = tpu.memref_slice %arg7[%add3A_472] : memref<524288xf32, #tpu.memory_space<hbm>> -> memref<1024xf32, #tpu.memory_space<hbm>>
    %dma_start3A_481 = tpu.memref_slice %arg19[%dma_start3A_475, %dma_start3A_476] : memref<2x2x!tpu.dma_semaphore, #tpu.memory_space<semaphore_mem>> -> memref<1x1x!tpu.dma_semaphore, #tpu.memory_space<semaphore_mem>>
    %dma_start3A_482 = tpu.memref_squeeze %dma_start3A_481 : memref<1x1x!tpu.dma_semaphore, #tpu.memory_space<semaphore_mem>> -> memref<!tpu.dma_semaphore, #tpu.memory_space<semaphore_mem>>
    %dma_start3A_483 = tpu.memref_slice %arg7[%add3A_472] : memref<524288xf32, #tpu.memory_space<hbm>> -> memref<1024xf32, #tpu.memory_space<hbm>>
    %dma_start3A_484 = arith.constant 0 : i32
    %dma_start3A_485 = tpu.memref_slice %arg14[%dma_start3A_473, %dma_start3A_474, %dma_start3A_484] : memref<2x8x1024xf32, #tpu.memory_space<vmem>> -> memref<1x1x1024xf32, #tpu.memory_space<vmem>>
    %dma_start3A_486 = tpu.memref_squeeze %dma_start3A_485 : memref<1x1x1024xf32, #tpu.memory_space<vmem>> -> memref<1024xf32, #tpu.memory_space<vmem>>
    tpu.enqueue_dma source(%dma_start3A_486 : memref<1024xf32, #tpu.memory_space<vmem>>) target(%dma_start3A_483 : memref<1024xf32, #tpu.memory_space<hbm>>) target_semaphore(%dma_start3A_482 : memref<!tpu.dma_semaphore, #tpu.memory_space<semaphore_mem>>)
    %dma_start3A_487 = arith.constant 0 : i32
    %dma_start3A_488 = arith.constant 4 : i32
    %dma_start3A_489 = arith.constant 0 : i32
    %dma_start3A_490 = arith.constant 1 : i32
    %dma_start3A_491 = arith.constant 0 : i32
    %dma_start3A_492 = tpu.memref_slice %arg15[%dma_start3A_487, %dma_start3A_488, %dma_start3A_491] : memref<2x8x1024xf32, #tpu.memory_space<vmem>> -> memref<1x1x1024xf32, #tpu.memory_space<vmem>>
    %dma_start3A_493 = tpu.memref_squeeze %dma_start3A_492 : memref<1x1x1024xf32, #tpu.memory_space<vmem>> -> memref<1024xf32, #tpu.memory_space<vmem>>
    %dma_start3A_494 = tpu.memref_slice %arg8[%add3A_472] : memref<524288xf32, #tpu.memory_space<hbm>> -> memref<1024xf32, #tpu.memory_space<hbm>>
    %dma_start3A_495 = tpu.memref_slice %arg19[%dma_start3A_489, %dma_start3A_490] : memref<2x2x!tpu.dma_semaphore, #tpu.memory_space<semaphore_mem>> -> memref<1x1x!tpu.dma_semaphore, #tpu.memory_space<semaphore_mem>>
    %dma_start3A_496 = tpu.memref_squeeze %dma_start3A_495 : memref<1x1x!tpu.dma_semaphore, #tpu.memory_space<semaphore_mem>> -> memref<!tpu.dma_semaphore, #tpu.memory_space<semaphore_mem>>
    %dma_start3A_497 = tpu.memref_slice %arg8[%add3A_472] : memref<524288xf32, #tpu.memory_space<hbm>> -> memref<1024xf32, #tpu.memory_space<hbm>>
    %dma_start3A_498 = arith.constant 0 : i32
    %dma_start3A_499 = tpu.memref_slice %arg15[%dma_start3A_487, %dma_start3A_488, %dma_start3A_498] : memref<2x8x1024xf32, #tpu.memory_space<vmem>> -> memref<1x1x1024xf32, #tpu.memory_space<vmem>>
    %dma_start3A_500 = tpu.memref_squeeze %dma_start3A_499 : memref<1x1x1024xf32, #tpu.memory_space<vmem>> -> memref<1024xf32, #tpu.memory_space<vmem>>
    tpu.enqueue_dma source(%dma_start3A_500 : memref<1024xf32, #tpu.memory_space<vmem>>) target(%dma_start3A_497 : memref<1024xf32, #tpu.memory_space<hbm>>) target_semaphore(%dma_start3A_496 : memref<!tpu.dma_semaphore, #tpu.memory_space<semaphore_mem>>)
    %mul3A_501 = arith.constant 8 : i32
    %mul3A_502 = arith.muli %add3A, %mul3A_501 : i32
    %add3A_503 = arith.constant 5 : i32
    %add3A_504 = arith.addi %mul3A_502, %add3A_503 : i32
    %mul3A_505 = arith.constant 2048 : i32
    %mul3A_506 = arith.muli %add3A_504, %mul3A_505 : i32
    %add3A_507 = arith.constant 0 : i32
    %add3A_508 = arith.addi %mul3A_506, %add3A_507 : i32
    %dma_start3A_509 = arith.constant 0 : i32
    %dma_start3A_510 = arith.constant 5 : i32
    %dma_start3A_511 = arith.constant 0 : i32
    %dma_start3A_512 = arith.constant 0 : i32
    %dma_start3A_513 = arith.constant 0 : i32
    %dma_start3A_514 = tpu.memref_slice %arg14[%dma_start3A_509, %dma_start3A_510, %dma_start3A_513] : memref<2x8x1024xf32, #tpu.memory_space<vmem>> -> memref<1x1x1024xf32, #tpu.memory_space<vmem>>
    %dma_start3A_515 = tpu.memref_squeeze %dma_start3A_514 : memref<1x1x1024xf32, #tpu.memory_space<vmem>> -> memref<1024xf32, #tpu.memory_space<vmem>>
    %dma_start3A_516 = tpu.memref_slice %arg7[%add3A_508] : memref<524288xf32, #tpu.memory_space<hbm>> -> memref<1024xf32, #tpu.memory_space<hbm>>
    %dma_start3A_517 = tpu.memref_slice %arg19[%dma_start3A_511, %dma_start3A_512] : memref<2x2x!tpu.dma_semaphore, #tpu.memory_space<semaphore_mem>> -> memref<1x1x!tpu.dma_semaphore, #tpu.memory_space<semaphore_mem>>
    %dma_start3A_518 = tpu.memref_squeeze %dma_start3A_517 : memref<1x1x!tpu.dma_semaphore, #tpu.memory_space<semaphore_mem>> -> memref<!tpu.dma_semaphore, #tpu.memory_space<semaphore_mem>>
    %dma_start3A_519 = tpu.memref_slice %arg7[%add3A_508] : memref<524288xf32, #tpu.memory_space<hbm>> -> memref<1024xf32, #tpu.memory_space<hbm>>
    %dma_start3A_520 = arith.constant 0 : i32
    %dma_start3A_521 = tpu.memref_slice %arg14[%dma_start3A_509, %dma_start3A_510, %dma_start3A_520] : memref<2x8x1024xf32, #tpu.memory_space<vmem>> -> memref<1x1x1024xf32, #tpu.memory_space<vmem>>
    %dma_start3A_522 = tpu.memref_squeeze %dma_start3A_521 : memref<1x1x1024xf32, #tpu.memory_space<vmem>> -> memref<1024xf32, #tpu.memory_space<vmem>>
    tpu.enqueue_dma source(%dma_start3A_522 : memref<1024xf32, #tpu.memory_space<vmem>>) target(%dma_start3A_519 : memref<1024xf32, #tpu.memory_space<hbm>>) target_semaphore(%dma_start3A_518 : memref<!tpu.dma_semaphore, #tpu.memory_space<semaphore_mem>>)
    %dma_start3A_523 = arith.constant 0 : i32
    %dma_start3A_524 = arith.constant 5 : i32
    %dma_start3A_525 = arith.constant 0 : i32
    %dma_start3A_526 = arith.constant 1 : i32
    %dma_start3A_527 = arith.constant 0 : i32
    %dma_start3A_528 = tpu.memref_slice %arg15[%dma_start3A_523, %dma_start3A_524, %dma_start3A_527] : memref<2x8x1024xf32, #tpu.memory_space<vmem>> -> memref<1x1x1024xf32, #tpu.memory_space<vmem>>
    %dma_start3A_529 = tpu.memref_squeeze %dma_start3A_528 : memref<1x1x1024xf32, #tpu.memory_space<vmem>> -> memref<1024xf32, #tpu.memory_space<vmem>>
    %dma_start3A_530 = tpu.memref_slice %arg8[%add3A_508] : memref<524288xf32, #tpu.memory_space<hbm>> -> memref<1024xf32, #tpu.memory_space<hbm>>
    %dma_start3A_531 = tpu.memref_slice %arg19[%dma_start3A_525, %dma_start3A_526] : memref<2x2x!tpu.dma_semaphore, #tpu.memory_space<semaphore_mem>> -> memref<1x1x!tpu.dma_semaphore, #tpu.memory_space<semaphore_mem>>
    %dma_start3A_532 = tpu.memref_squeeze %dma_start3A_531 : memref<1x1x!tpu.dma_semaphore, #tpu.memory_space<semaphore_mem>> -> memref<!tpu.dma_semaphore, #tpu.memory_space<semaphore_mem>>
    %dma_start3A_533 = tpu.memref_slice %arg8[%add3A_508] : memref<524288xf32, #tpu.memory_space<hbm>> -> memref<1024xf32, #tpu.memory_space<hbm>>
    %dma_start3A_534 = arith.constant 0 : i32
    %dma_start3A_535 = tpu.memref_slice %arg15[%dma_start3A_523, %dma_start3A_524, %dma_start3A_534] : memref<2x8x1024xf32, #tpu.memory_space<vmem>> -> memref<1x1x1024xf32, #tpu.memory_space<vmem>>
    %dma_start3A_536 = tpu.memref_squeeze %dma_start3A_535 : memref<1x1x1024xf32, #tpu.memory_space<vmem>> -> memref<1024xf32, #tpu.memory_space<vmem>>
    tpu.enqueue_dma source(%dma_start3A_536 : memref<1024xf32, #tpu.memory_space<vmem>>) target(%dma_start3A_533 : memref<1024xf32, #tpu.memory_space<hbm>>) target_semaphore(%dma_start3A_532 : memref<!tpu.dma_semaphore, #tpu.memory_space<semaphore_mem>>)
    %mul3A_537 = arith.constant 8 : i32
    %mul3A_538 = arith.muli %add3A, %mul3A_537 : i32
    %add3A_539 = arith.constant 6 : i32
    %add3A_540 = arith.addi %mul3A_538, %add3A_539 : i32
    %mul3A_541 = arith.constant 2048 : i32
    %mul3A_542 = arith.muli %add3A_540, %mul3A_541 : i32
    %add3A_543 = arith.constant 0 : i32
    %add3A_544 = arith.addi %mul3A_542, %add3A_543 : i32
    %dma_start3A_545 = arith.constant 0 : i32
    %dma_start3A_546 = arith.constant 6 : i32
    %dma_start3A_547 = arith.constant 0 : i32
    %dma_start3A_548 = arith.constant 0 : i32
    %dma_start3A_549 = arith.constant 0 : i32
    %dma_start3A_550 = tpu.memref_slice %arg14[%dma_start3A_545, %dma_start3A_546, %dma_start3A_549] : memref<2x8x1024xf32, #tpu.memory_space<vmem>> -> memref<1x1x1024xf32, #tpu.memory_space<vmem>>
    %dma_start3A_551 = tpu.memref_squeeze %dma_start3A_550 : memref<1x1x1024xf32, #tpu.memory_space<vmem>> -> memref<1024xf32, #tpu.memory_space<vmem>>
    %dma_start3A_552 = tpu.memref_slice %arg7[%add3A_544] : memref<524288xf32, #tpu.memory_space<hbm>> -> memref<1024xf32, #tpu.memory_space<hbm>>
    %dma_start3A_553 = tpu.memref_slice %arg19[%dma_start3A_547, %dma_start3A_548] : memref<2x2x!tpu.dma_semaphore, #tpu.memory_space<semaphore_mem>> -> memref<1x1x!tpu.dma_semaphore, #tpu.memory_space<semaphore_mem>>
    %dma_start3A_554 = tpu.memref_squeeze %dma_start3A_553 : memref<1x1x!tpu.dma_semaphore, #tpu.memory_space<semaphore_mem>> -> memref<!tpu.dma_semaphore, #tpu.memory_space<semaphore_mem>>
    %dma_start3A_555 = tpu.memref_slice %arg7[%add3A_544] : memref<524288xf32, #tpu.memory_space<hbm>> -> memref<1024xf32, #tpu.memory_space<hbm>>
    %dma_start3A_556 = arith.constant 0 : i32
    %dma_start3A_557 = tpu.memref_slice %arg14[%dma_start3A_545, %dma_start3A_546, %dma_start3A_556] : memref<2x8x1024xf32, #tpu.memory_space<vmem>> -> memref<1x1x1024xf32, #tpu.memory_space<vmem>>
    %dma_start3A_558 = tpu.memref_squeeze %dma_start3A_557 : memref<1x1x1024xf32, #tpu.memory_space<vmem>> -> memref<1024xf32, #tpu.memory_space<vmem>>
    tpu.enqueue_dma source(%dma_start3A_558 : memref<1024xf32, #tpu.memory_space<vmem>>) target(%dma_start3A_555 : memref<1024xf32, #tpu.memory_space<hbm>>) target_semaphore(%dma_start3A_554 : memref<!tpu.dma_semaphore, #tpu.memory_space<semaphore_mem>>)
    %dma_start3A_559 = arith.constant 0 : i32
    %dma_start3A_560 = arith.constant 6 : i32
    %dma_start3A_561 = arith.constant 0 : i32
    %dma_start3A_562 = arith.constant 1 : i32
    %dma_start3A_563 = arith.constant 0 : i32
    %dma_start3A_564 = tpu.memref_slice %arg15[%dma_start3A_559, %dma_start3A_560, %dma_start3A_563] : memref<2x8x1024xf32, #tpu.memory_space<vmem>> -> memref<1x1x1024xf32, #tpu.memory_space<vmem>>
    %dma_start3A_565 = tpu.memref_squeeze %dma_start3A_564 : memref<1x1x1024xf32, #tpu.memory_space<vmem>> -> memref<1024xf32, #tpu.memory_space<vmem>>
    %dma_start3A_566 = tpu.memref_slice %arg8[%add3A_544] : memref<524288xf32, #tpu.memory_space<hbm>> -> memref<1024xf32, #tpu.memory_space<hbm>>
    %dma_start3A_567 = tpu.memref_slice %arg19[%dma_start3A_561, %dma_start3A_562] : memref<2x2x!tpu.dma_semaphore, #tpu.memory_space<semaphore_mem>> -> memref<1x1x!tpu.dma_semaphore, #tpu.memory_space<semaphore_mem>>
    %dma_start3A_568 = tpu.memref_squeeze %dma_start3A_567 : memref<1x1x!tpu.dma_semaphore, #tpu.memory_space<semaphore_mem>> -> memref<!tpu.dma_semaphore, #tpu.memory_space<semaphore_mem>>
    %dma_start3A_569 = tpu.memref_slice %arg8[%add3A_544] : memref<524288xf32, #tpu.memory_space<hbm>> -> memref<1024xf32, #tpu.memory_space<hbm>>
    %dma_start3A_570 = arith.constant 0 : i32
    %dma_start3A_571 = tpu.memref_slice %arg15[%dma_start3A_559, %dma_start3A_560, %dma_start3A_570] : memref<2x8x1024xf32, #tpu.memory_space<vmem>> -> memref<1x1x1024xf32, #tpu.memory_space<vmem>>
    %dma_start3A_572 = tpu.memref_squeeze %dma_start3A_571 : memref<1x1x1024xf32, #tpu.memory_space<vmem>> -> memref<1024xf32, #tpu.memory_space<vmem>>
    tpu.enqueue_dma source(%dma_start3A_572 : memref<1024xf32, #tpu.memory_space<vmem>>) target(%dma_start3A_569 : memref<1024xf32, #tpu.memory_space<hbm>>) target_semaphore(%dma_start3A_568 : memref<!tpu.dma_semaphore, #tpu.memory_space<semaphore_mem>>)
    %mul3A_573 = arith.constant 8 : i32
    %mul3A_574 = arith.muli %add3A, %mul3A_573 : i32
    %add3A_575 = arith.constant 7 : i32
    %add3A_576 = arith.addi %mul3A_574, %add3A_575 : i32
    %mul3A_577 = arith.constant 2048 : i32
    %mul3A_578 = arith.muli %add3A_576, %mul3A_577 : i32
    %add3A_579 = arith.constant 0 : i32
    %add3A_580 = arith.addi %mul3A_578, %add3A_579 : i32
    %dma_start3A_581 = arith.constant 0 : i32
    %dma_start3A_582 = arith.constant 7 : i32
    %dma_start3A_583 = arith.constant 0 : i32
    %dma_start3A_584 = arith.constant 0 : i32
    %dma_start3A_585 = arith.constant 0 : i32
    %dma_start3A_586 = tpu.memref_slice %arg14[%dma_start3A_581, %dma_start3A_582, %dma_start3A_585] : memref<2x8x1024xf32, #tpu.memory_space<vmem>> -> memref<1x1x1024xf32, #tpu.memory_space<vmem>>
    %dma_start3A_587 = tpu.memref_squeeze %dma_start3A_586 : memref<1x1x1024xf32, #tpu.memory_space<vmem>> -> memref<1024xf32, #tpu.memory_space<vmem>>
    %dma_start3A_588 = tpu.memref_slice %arg7[%add3A_580] : memref<524288xf32, #tpu.memory_space<hbm>> -> memref<1024xf32, #tpu.memory_space<hbm>>
    %dma_start3A_589 = tpu.memref_slice %arg19[%dma_start3A_583, %dma_start3A_584] : memref<2x2x!tpu.dma_semaphore, #tpu.memory_space<semaphore_mem>> -> memref<1x1x!tpu.dma_semaphore, #tpu.memory_space<semaphore_mem>>
    %dma_start3A_590 = tpu.memref_squeeze %dma_start3A_589 : memref<1x1x!tpu.dma_semaphore, #tpu.memory_space<semaphore_mem>> -> memref<!tpu.dma_semaphore, #tpu.memory_space<semaphore_mem>>
    %dma_start3A_591 = tpu.memref_slice %arg7[%add3A_580] : memref<524288xf32, #tpu.memory_space<hbm>> -> memref<1024xf32, #tpu.memory_space<hbm>>
    %dma_start3A_592 = arith.constant 0 : i32
    %dma_start3A_593 = tpu.memref_slice %arg14[%dma_start3A_581, %dma_start3A_582, %dma_start3A_592] : memref<2x8x1024xf32, #tpu.memory_space<vmem>> -> memref<1x1x1024xf32, #tpu.memory_space<vmem>>
    %dma_start3A_594 = tpu.memref_squeeze %dma_start3A_593 : memref<1x1x1024xf32, #tpu.memory_space<vmem>> -> memref<1024xf32, #tpu.memory_space<vmem>>
    tpu.enqueue_dma source(%dma_start3A_594 : memref<1024xf32, #tpu.memory_space<vmem>>) target(%dma_start3A_591 : memref<1024xf32, #tpu.memory_space<hbm>>) target_semaphore(%dma_start3A_590 : memref<!tpu.dma_semaphore, #tpu.memory_space<semaphore_mem>>)
    %dma_start3A_595 = arith.constant 0 : i32
    %dma_start3A_596 = arith.constant 7 : i32
    %dma_start3A_597 = arith.constant 0 : i32
    %dma_start3A_598 = arith.constant 1 : i32
    %dma_start3A_599 = arith.constant 0 : i32
    %dma_start3A_600 = tpu.memref_slice %arg15[%dma_start3A_595, %dma_start3A_596, %dma_start3A_599] : memref<2x8x1024xf32, #tpu.memory_space<vmem>> -> memref<1x1x1024xf32, #tpu.memory_space<vmem>>
    %dma_start3A_601 = tpu.memref_squeeze %dma_start3A_600 : memref<1x1x1024xf32, #tpu.memory_space<vmem>> -> memref<1024xf32, #tpu.memory_space<vmem>>
    %dma_start3A_602 = tpu.memref_slice %arg8[%add3A_580] : memref<524288xf32, #tpu.memory_space<hbm>> -> memref<1024xf32, #tpu.memory_space<hbm>>
    %dma_start3A_603 = tpu.memref_slice %arg19[%dma_start3A_597, %dma_start3A_598] : memref<2x2x!tpu.dma_semaphore, #tpu.memory_space<semaphore_mem>> -> memref<1x1x!tpu.dma_semaphore, #tpu.memory_space<semaphore_mem>>
    %dma_start3A_604 = tpu.memref_squeeze %dma_start3A_603 : memref<1x1x!tpu.dma_semaphore, #tpu.memory_space<semaphore_mem>> -> memref<!tpu.dma_semaphore, #tpu.memory_space<semaphore_mem>>
    %dma_start3A_605 = tpu.memref_slice %arg8[%add3A_580] : memref<524288xf32, #tpu.memory_space<hbm>> -> memref<1024xf32, #tpu.memory_space<hbm>>
    %dma_start3A_606 = arith.constant 0 : i32
    %dma_start3A_607 = tpu.memref_slice %arg15[%dma_start3A_595, %dma_start3A_596, %dma_start3A_606] : memref<2x8x1024xf32, #tpu.memory_space<vmem>> -> memref<1x1x1024xf32, #tpu.memory_space<vmem>>
    %dma_start3A_608 = tpu.memref_squeeze %dma_start3A_607 : memref<1x1x1024xf32, #tpu.memory_space<vmem>> -> memref<1024xf32, #tpu.memory_space<vmem>>
    tpu.enqueue_dma source(%dma_start3A_608 : memref<1024xf32, #tpu.memory_space<vmem>>) target(%dma_start3A_605 : memref<1024xf32, #tpu.memory_space<hbm>>) target_semaphore(%dma_start3A_604 : memref<!tpu.dma_semaphore, #tpu.memory_space<semaphore_mem>>)
    %dma_wait3A_609 = arith.constant 0 : i32
    %dma_wait3A_610 = arith.constant 11 : i32
    %dma_wait3A_611 = arith.constant 1 : i32
    %dma_wait3A_612 = arith.constant 1 : i32
    %dma_wait3A_613 = arith.constant 0 : i32
    %dma_wait3A_614 = arith.constant 0 : i32
    %dma_wait3A_615 = arith.constant 0 : i32
    %dma_wait3A_616 = tpu.memref_slice %arg12[%dma_wait3A_611, %dma_wait3A_614, %dma_wait3A_615] : memref<2x8x1152xf32, #tpu.memory_space<vmem>> -> memref<1x8x1152xf32, #tpu.memory_space<vmem>>
    %dma_wait3A_617 = tpu.memref_squeeze %dma_wait3A_616 : memref<1x8x1152xf32, #tpu.memory_space<vmem>> -> memref<8x1152xf32, #tpu.memory_space<vmem>>
    %dma_wait3A_618 = arith.constant 0 : i32
    %dma_wait3A_619 = arith.constant 512 : i32
    %dma_wait3A_620 = tpu.memref_slice %arg2[%add3A, %dma_wait3A_609, %dma_wait3A_610, %dma_wait3A_618, %dma_wait3A_619] : memref<32x1x14x8x2048xf32, #tpu.memory_space<hbm>> -> memref<1x1x1x8x1152xf32, #tpu.memory_space<hbm>>
    %dma_wait3A_621 = tpu.memref_squeeze %dma_wait3A_620 : memref<1x1x1x8x1152xf32, #tpu.memory_space<hbm>> -> memref<8x1152xf32, #tpu.memory_space<hbm>>
    %dma_wait3A_622 = tpu.memref_slice %arg18[%dma_wait3A_612, %dma_wait3A_613] : memref<2x2x!tpu.dma_semaphore, #tpu.memory_space<semaphore_mem>> -> memref<1x1x!tpu.dma_semaphore, #tpu.memory_space<semaphore_mem>>
    %dma_wait3A_623 = tpu.memref_squeeze %dma_wait3A_622 : memref<1x1x!tpu.dma_semaphore, #tpu.memory_space<semaphore_mem>> -> memref<!tpu.dma_semaphore, #tpu.memory_space<semaphore_mem>>
    %dma_wait3A_624 = arith.constant 0 : i32
    %dma_wait3A_625 = arith.constant 0 : i32
    %dma_wait3A_626 = tpu.memref_slice %arg12[%dma_wait3A_611, %dma_wait3A_624, %dma_wait3A_625] : memref<2x8x1152xf32, #tpu.memory_space<vmem>> -> memref<1x8x1152xf32, #tpu.memory_space<vmem>>
    %dma_wait3A_627 = tpu.memref_squeeze %dma_wait3A_626 : memref<1x8x1152xf32, #tpu.memory_space<vmem>> -> memref<8x1152xf32, #tpu.memory_space<vmem>>
    %dma_wait3A_628 = arith.constant 0 : i32
    %dma_wait3A_629 = arith.constant 512 : i32
    %dma_wait3A_630 = tpu.memref_slice %arg2[%add3A, %dma_wait3A_609, %dma_wait3A_610, %dma_wait3A_628, %dma_wait3A_629] : memref<32x1x14x8x2048xf32, #tpu.memory_space<hbm>> -> memref<1x1x1x8x1152xf32, #tpu.memory_space<hbm>>
    %dma_wait3A_631 = tpu.memref_squeeze %dma_wait3A_630 : memref<1x1x1x8x1152xf32, #tpu.memory_space<hbm>> -> memref<8x1152xf32, #tpu.memory_space<hbm>>
    tpu.wait_dma2 semaphore(%dma_wait3A_623 : memref<!tpu.dma_semaphore, #tpu.memory_space<semaphore_mem>>) src(%dma_wait3A_631 : memref<8x1152xf32, #tpu.memory_space<hbm>>) dst(%dma_wait3A_627 : memref<8x1152xf32, #tpu.memory_space<vmem>>)
    %dma_wait3A_632 = arith.constant 0 : i32
    %dma_wait3A_633 = arith.constant 11 : i32
    %dma_wait3A_634 = arith.constant 1 : i32
    %dma_wait3A_635 = arith.constant 1 : i32
    %dma_wait3A_636 = arith.constant 1 : i32
    %dma_wait3A_637 = arith.constant 0 : i32
    %dma_wait3A_638 = arith.constant 0 : i32
    %dma_wait3A_639 = tpu.memref_slice %arg13[%dma_wait3A_634, %dma_wait3A_637, %dma_wait3A_638] : memref<2x8x1152xf32, #tpu.memory_space<vmem>> -> memref<1x8x1152xf32, #tpu.memory_space<vmem>>
    %dma_wait3A_640 = tpu.memref_squeeze %dma_wait3A_639 : memref<1x8x1152xf32, #tpu.memory_space<vmem>> -> memref<8x1152xf32, #tpu.memory_space<vmem>>
    %dma_wait3A_641 = arith.constant 0 : i32
    %dma_wait3A_642 = arith.constant 512 : i32
    %dma_wait3A_643 = tpu.memref_slice %arg3[%add3A, %dma_wait3A_632, %dma_wait3A_633, %dma_wait3A_641, %dma_wait3A_642] : memref<32x1x14x8x2048xf32, #tpu.memory_space<hbm>> -> memref<1x1x1x8x1152xf32, #tpu.memory_space<hbm>>
    %dma_wait3A_644 = tpu.memref_squeeze %dma_wait3A_643 : memref<1x1x1x8x1152xf32, #tpu.memory_space<hbm>> -> memref<8x1152xf32, #tpu.memory_space<hbm>>
    %dma_wait3A_645 = tpu.memref_slice %arg18[%dma_wait3A_635, %dma_wait3A_636] : memref<2x2x!tpu.dma_semaphore, #tpu.memory_space<semaphore_mem>> -> memref<1x1x!tpu.dma_semaphore, #tpu.memory_space<semaphore_mem>>
    %dma_wait3A_646 = tpu.memref_squeeze %dma_wait3A_645 : memref<1x1x!tpu.dma_semaphore, #tpu.memory_space<semaphore_mem>> -> memref<!tpu.dma_semaphore, #tpu.memory_space<semaphore_mem>>
    %dma_wait3A_647 = arith.constant 0 : i32
    %dma_wait3A_648 = arith.constant 0 : i32
    %dma_wait3A_649 = tpu.memref_slice %arg13[%dma_wait3A_634, %dma_wait3A_647, %dma_wait3A_648] : memref<2x8x1152xf32, #tpu.memory_space<vmem>> -> memref<1x8x1152xf32, #tpu.memory_space<vmem>>
    %dma_wait3A_650 = tpu.memref_squeeze %dma_wait3A_649 : memref<1x8x1152xf32, #tpu.memory_space<vmem>> -> memref<8x1152xf32, #tpu.memory_space<vmem>>
    %dma_wait3A_651 = arith.constant 0 : i32
    %dma_wait3A_652 = arith.constant 512 : i32
    %dma_wait3A_653 = tpu.memref_slice %arg3[%add3A, %dma_wait3A_632, %dma_wait3A_633, %dma_wait3A_651, %dma_wait3A_652] : memref<32x1x14x8x2048xf32, #tpu.memory_space<hbm>> -> memref<1x1x1x8x1152xf32, #tpu.memory_space<hbm>>
    %dma_wait3A_654 = tpu.memref_squeeze %dma_wait3A_653 : memref<1x1x1x8x1152xf32, #tpu.memory_space<hbm>> -> memref<8x1152xf32, #tpu.memory_space<hbm>>
    tpu.wait_dma2 semaphore(%dma_wait3A_646 : memref<!tpu.dma_semaphore, #tpu.memory_space<semaphore_mem>>) src(%dma_wait3A_654 : memref<8x1152xf32, #tpu.memory_space<hbm>>) dst(%dma_wait3A_650 : memref<8x1152xf32, #tpu.memory_space<vmem>>)
    %scan3A_655 = arith.constant 0 : i32
    %scan3A_656 = arith.constant 32 : i32
    %scan3A_657 = arith.addi %scan3A_655, %scan3A_656 : i32
    %scan3A_658 = arith.constant 1 : i32
    scf.for %scan3A_1562 = %scan3A_655 to %scan3A_657 step %scan3A_658  : i32 {
      %mul3A_1563 = arith.constant 16 : i32
      %mul3A_1564 = arith.muli %scan3A_1562, %mul3A_1563 : i32
      %multiple_of3A = tpu.assume_multiple %mul3A_1564, 16 : i32
      %add3A_1565 = arith.constant 1024 : i32
      %add3A_1566 = arith.addi %add3A_1565, %multiple_of3A : i32
      %multiple_of3A_1567 = tpu.assume_multiple %add3A_1566, 16 : i32
      %get3A_1568 = arith.index_cast %multiple_of3A_1567 : i32 to index
      %get3A_1569 = tpu.vector_load %arg10[%get3A_1568] {strides = array<i32>} : memref<2048xf32, #tpu.memory_space<vmem>>, vector<16xf32>,
      %get3A_1570 = vector.shape_cast %get3A_1569 : vector<16xf32> to vector<16xf32>
      %add3A_1571 = arith.constant 1024 : i32
      %add3A_1572 = arith.addi %add3A_1571, %multiple_of3A : i32
      %multiple_of3A_1573 = tpu.assume_multiple %add3A_1572, 16 : i32
      %get3A_1574 = arith.index_cast %multiple_of3A_1573 : i32 to index
      %get3A_1575 = tpu.vector_load %arg11[%get3A_1574] {strides = array<i32>} : memref<2048xf32, #tpu.memory_space<vmem>>, vector<16xf32>,
      %get3A_1576 = vector.shape_cast %get3A_1575 : vector<16xf32> to vector<16xf32>
      %get3A_1577 = arith.constant 1 : i32
      %get3A_1578 = arith.constant 0 : i32
      %get3A_1579 = arith.index_cast %get3A_1577 : i32 to index
      %get3A_1580 = arith.index_cast %get3A_1578 : i32 to index
      %get3A_1581 = arith.index_cast %multiple_of3A : i32 to index
      %get3A_1582 = tpu.vector_load %arg12[%get3A_1579, %get3A_1580, %get3A_1581] {strides = array<i32>} : memref<2x8x1152xf32, #tpu.memory_space<vmem>>, vector<1x1x16xf32>,
      %get3A_1583 = vector.shape_cast %get3A_1582 : vector<1x1x16xf32> to vector<16xf32>
      %get3A_1584 = arith.constant 1 : i32
      %get3A_1585 = arith.constant 0 : i32
      %get3A_1586 = arith.index_cast %get3A_1584 : i32 to index
      %get3A_1587 = arith.index_cast %get3A_1585 : i32 to index
      %get3A_1588 = arith.index_cast %multiple_of3A : i32 to index
      %get3A_1589 = tpu.vector_load %arg13[%get3A_1586, %get3A_1587, %get3A_1588] {strides = array<i32>} : memref<2x8x1152xf32, #tpu.memory_space<vmem>>, vector<1x1x16xf32>,
      %get3A_1590 = vector.shape_cast %get3A_1589 : vector<1x1x16xf32> to vector<16xf32>
      %mul3A_1591 = arith.mulf %get3A_1583, %get3A_1570 : vector<16xf32>
      %mul3A_1592 = arith.mulf %get3A_1590, %get3A_1576 : vector<16xf32>
      %add3A_1593 = arith.addf %mul3A_1591, %mul3A_1592 : vector<16xf32>
      %swap3A = arith.constant 1 : i32
      %swap3A_1594 = arith.constant 0 : i32
      %swap3A_1595 = arith.index_cast %swap3A : i32 to index
      %swap3A_1596 = arith.index_cast %swap3A_1594 : i32 to index
      %swap3A_1597 = arith.index_cast %multiple_of3A : i32 to index
      %swap3A_1598 = tpu.vector_load %arg14[%swap3A_1595, %swap3A_1596, %swap3A_1597] {strides = array<i32>} : memref<2x8x1024xf32, #tpu.memory_space<vmem>>, vector<1x1x16xf32>,
      %swap3A_1599 = vector.shape_cast %swap3A_1598 : vector<1x1x16xf32> to vector<16xf32>
      %swap3A_1600 = vector.shape_cast %add3A_1593 : vector<16xf32> to vector<1x1x16xf32>
      tpu.vector_store %arg14[%swap3A_1595, %swap3A_1596, %swap3A_1597], %swap3A_1600 {strides = array<i32>} : memref<2x8x1024xf32, #tpu.memory_space<vmem>>, vector<1x1x16xf32>,
      %mul3A_1601 = arith.mulf %get3A_1590, %get3A_1570 : vector<16xf32>
      %mul3A_1602 = arith.mulf %get3A_1583, %get3A_1576 : vector<16xf32>
      %sub3A = arith.subf %mul3A_1601, %mul3A_1602 : vector<16xf32>
      %swap3A_1603 = arith.constant 1 : i32
      %swap3A_1604 = arith.constant 0 : i32
      %swap3A_1605 = arith.index_cast %swap3A_1603 : i32 to index
      %swap3A_1606 = arith.index_cast %swap3A_1604 : i32 to index
      %swap3A_1607 = arith.index_cast %multiple_of3A : i32 to index
      %swap3A_1608 = tpu.vector_load %arg15[%swap3A_1605, %swap3A_1606, %swap3A_1607] {strides = array<i32>} : memref<2x8x1024xf32, #tpu.memory_space<vmem>>, vector<1x1x16xf32>,
      %swap3A_1609 = vector.shape_cast %swap3A_1608 : vector<1x1x16xf32> to vector<16xf32>
      %swap3A_1610 = vector.shape_cast %sub3A : vector<16xf32> to vector<1x1x16xf32>
      tpu.vector_store %arg15[%swap3A_1605, %swap3A_1606, %swap3A_1607], %swap3A_1610 {strides = array<i32>} : memref<2x8x1024xf32, #tpu.memory_space<vmem>>, vector<1x1x16xf32>,
      %get3A_1611 = arith.constant 1 : i32
      %get3A_1612 = arith.constant 1 : i32
      %get3A_1613 = arith.index_cast %get3A_1611 : i32 to index
      %get3A_1614 = arith.index_cast %get3A_1612 : i32 to index
      %get3A_1615 = arith.index_cast %multiple_of3A : i32 to index
      %get3A_1616 = tpu.vector_load %arg12[%get3A_1613, %get3A_1614, %get3A_1615] {strides = array<i32>} : memref<2x8x1152xf32, #tpu.memory_space<vmem>>, vector<1x1x16xf32>,
      %get3A_1617 = vector.shape_cast %get3A_1616 : vector<1x1x16xf32> to vector<16xf32>
      %get3A_1618 = arith.constant 1 : i32
      %get3A_1619 = arith.constant 1 : i32
      %get3A_1620 = arith.index_cast %get3A_1618 : i32 to index
      %get3A_1621 = arith.index_cast %get3A_1619 : i32 to index
      %get3A_1622 = arith.index_cast %multiple_of3A : i32 to index
      %get3A_1623 = tpu.vector_load %arg13[%get3A_1620, %get3A_1621, %get3A_1622] {strides = array<i32>} : memref<2x8x1152xf32, #tpu.memory_space<vmem>>, vector<1x1x16xf32>,
      %get3A_1624 = vector.shape_cast %get3A_1623 : vector<1x1x16xf32> to vector<16xf32>
      %mul3A_1625 = arith.mulf %get3A_1617, %get3A_1570 : vector<16xf32>
      %mul3A_1626 = arith.mulf %get3A_1624, %get3A_1576 : vector<16xf32>
      %add3A_1627 = arith.addf %mul3A_1625, %mul3A_1626 : vector<16xf32>
      %swap3A_1628 = arith.constant 1 : i32
      %swap3A_1629 = arith.constant 1 : i32
      %swap3A_1630 = arith.index_cast %swap3A_1628 : i32 to index
      %swap3A_1631 = arith.index_cast %swap3A_1629 : i32 to index
      %swap3A_1632 = arith.index_cast %multiple_of3A : i32 to index
      %swap3A_1633 = tpu.vector_load %arg14[%swap3A_1630, %swap3A_1631, %swap3A_1632] {strides = array<i32>} : memref<2x8x1024xf32, #tpu.memory_space<vmem>>, vector<1x1x16xf32>,
      %swap3A_1634 = vector.shape_cast %swap3A_1633 : vector<1x1x16xf32> to vector<16xf32>
      %swap3A_1635 = vector.shape_cast %add3A_1627 : vector<16xf32> to vector<1x1x16xf32>
      tpu.vector_store %arg14[%swap3A_1630, %swap3A_1631, %swap3A_1632], %swap3A_1635 {strides = array<i32>} : memref<2x8x1024xf32, #tpu.memory_space<vmem>>, vector<1x1x16xf32>,
      %mul3A_1636 = arith.mulf %get3A_1624, %get3A_1570 : vector<16xf32>
      %mul3A_1637 = arith.mulf %get3A_1617, %get3A_1576 : vector<16xf32>
      %sub3A_1638 = arith.subf %mul3A_1636, %mul3A_1637 : vector<16xf32>
      %swap3A_1639 = arith.constant 1 : i32
      %swap3A_1640 = arith.constant 1 : i32
      %swap3A_1641 = arith.index_cast %swap3A_1639 : i32 to index
      %swap3A_1642 = arith.index_cast %swap3A_1640 : i32 to index
      %swap3A_1643 = arith.index_cast %multiple_of3A : i32 to index
      %swap3A_1644 = tpu.vector_load %arg15[%swap3A_1641, %swap3A_1642, %swap3A_1643] {strides = array<i32>} : memref<2x8x1024xf32, #tpu.memory_space<vmem>>, vector<1x1x16xf32>,
      %swap3A_1645 = vector.shape_cast %swap3A_1644 : vector<1x1x16xf32> to vector<16xf32>
      %swap3A_1646 = vector.shape_cast %sub3A_1638 : vector<16xf32> to vector<1x1x16xf32>
      tpu.vector_store %arg15[%swap3A_1641, %swap3A_1642, %swap3A_1643], %swap3A_1646 {strides = array<i32>} : memref<2x8x1024xf32, #tpu.memory_space<vmem>>, vector<1x1x16xf32>,
      %get3A_1647 = arith.constant 1 : i32
      %get3A_1648 = arith.constant 2 : i32
      %get3A_1649 = arith.index_cast %get3A_1647 : i32 to index
      %get3A_1650 = arith.index_cast %get3A_1648 : i32 to index
      %get3A_1651 = arith.index_cast %multiple_of3A : i32 to index
      %get3A_1652 = tpu.vector_load %arg12[%get3A_1649, %get3A_1650, %get3A_1651] {strides = array<i32>} : memref<2x8x1152xf32, #tpu.memory_space<vmem>>, vector<1x1x16xf32>,
      %get3A_1653 = vector.shape_cast %get3A_1652 : vector<1x1x16xf32> to vector<16xf32>
      %get3A_1654 = arith.constant 1 : i32
      %get3A_1655 = arith.constant 2 : i32
      %get3A_1656 = arith.index_cast %get3A_1654 : i32 to index
      %get3A_1657 = arith.index_cast %get3A_1655 : i32 to index
      %get3A_1658 = arith.index_cast %multiple_of3A : i32 to index
      %get3A_1659 = tpu.vector_load %arg13[%get3A_1656, %get3A_1657, %get3A_1658] {strides = array<i32>} : memref<2x8x1152xf32, #tpu.memory_space<vmem>>, vector<1x1x16xf32>,
      %get3A_1660 = vector.shape_cast %get3A_1659 : vector<1x1x16xf32> to vector<16xf32>
      %mul3A_1661 = arith.mulf %get3A_1653, %get3A_1570 : vector<16xf32>
      %mul3A_1662 = arith.mulf %get3A_1660, %get3A_1576 : vector<16xf32>
      %add3A_1663 = arith.addf %mul3A_1661, %mul3A_1662 : vector<16xf32>
      %swap3A_1664 = arith.constant 1 : i32
      %swap3A_1665 = arith.constant 2 : i32
      %swap3A_1666 = arith.index_cast %swap3A_1664 : i32 to index
      %swap3A_1667 = arith.index_cast %swap3A_1665 : i32 to index
      %swap3A_1668 = arith.index_cast %multiple_of3A : i32 to index
      %swap3A_1669 = tpu.vector_load %arg14[%swap3A_1666, %swap3A_1667, %swap3A_1668] {strides = array<i32>} : memref<2x8x1024xf32, #tpu.memory_space<vmem>>, vector<1x1x16xf32>,
      %swap3A_1670 = vector.shape_cast %swap3A_1669 : vector<1x1x16xf32> to vector<16xf32>
      %swap3A_1671 = vector.shape_cast %add3A_1663 : vector<16xf32> to vector<1x1x16xf32>
      tpu.vector_store %arg14[%swap3A_1666, %swap3A_1667, %swap3A_1668], %swap3A_1671 {strides = array<i32>} : memref<2x8x1024xf32, #tpu.memory_space<vmem>>, vector<1x1x16xf32>,
      %mul3A_1672 = arith.mulf %get3A_1660, %get3A_1570 : vector<16xf32>
      %mul3A_1673 = arith.mulf %get3A_1653, %get3A_1576 : vector<16xf32>
      %sub3A_1674 = arith.subf %mul3A_1672, %mul3A_1673 : vector<16xf32>
      %swap3A_1675 = arith.constant 1 : i32
      %swap3A_1676 = arith.constant 2 : i32
      %swap3A_1677 = arith.index_cast %swap3A_1675 : i32 to index
      %swap3A_1678 = arith.index_cast %swap3A_1676 : i32 to index
      %swap3A_1679 = arith.index_cast %multiple_of3A : i32 to index
      %swap3A_1680 = tpu.vector_load %arg15[%swap3A_1677, %swap3A_1678, %swap3A_1679] {strides = array<i32>} : memref<2x8x1024xf32, #tpu.memory_space<vmem>>, vector<1x1x16xf32>,
      %swap3A_1681 = vector.shape_cast %swap3A_1680 : vector<1x1x16xf32> to vector<16xf32>
      %swap3A_1682 = vector.shape_cast %sub3A_1674 : vector<16xf32> to vector<1x1x16xf32>
      tpu.vector_store %arg15[%swap3A_1677, %swap3A_1678, %swap3A_1679], %swap3A_1682 {strides = array<i32>} : memref<2x8x1024xf32, #tpu.memory_space<vmem>>, vector<1x1x16xf32>,
      %get3A_1683 = arith.constant 1 : i32
      %get3A_1684 = arith.constant 3 : i32
      %get3A_1685 = arith.index_cast %get3A_1683 : i32 to index
      %get3A_1686 = arith.index_cast %get3A_1684 : i32 to index
      %get3A_1687 = arith.index_cast %multiple_of3A : i32 to index
      %get3A_1688 = tpu.vector_load %arg12[%get3A_1685, %get3A_1686, %get3A_1687] {strides = array<i32>} : memref<2x8x1152xf32, #tpu.memory_space<vmem>>, vector<1x1x16xf32>,
      %get3A_1689 = vector.shape_cast %get3A_1688 : vector<1x1x16xf32> to vector<16xf32>
      %get3A_1690 = arith.constant 1 : i32
      %get3A_1691 = arith.constant 3 : i32
      %get3A_1692 = arith.index_cast %get3A_1690 : i32 to index
      %get3A_1693 = arith.index_cast %get3A_1691 : i32 to index
      %get3A_1694 = arith.index_cast %multiple_of3A : i32 to index
      %get3A_1695 = tpu.vector_load %arg13[%get3A_1692, %get3A_1693, %get3A_1694] {strides = array<i32>} : memref<2x8x1152xf32, #tpu.memory_space<vmem>>, vector<1x1x16xf32>,
      %get3A_1696 = vector.shape_cast %get3A_1695 : vector<1x1x16xf32> to vector<16xf32>
      %mul3A_1697 = arith.mulf %get3A_1689, %get3A_1570 : vector<16xf32>
      %mul3A_1698 = arith.mulf %get3A_1696, %get3A_1576 : vector<16xf32>
      %add3A_1699 = arith.addf %mul3A_1697, %mul3A_1698 : vector<16xf32>
      %swap3A_1700 = arith.constant 1 : i32
      %swap3A_1701 = arith.constant 3 : i32
      %swap3A_1702 = arith.index_cast %swap3A_1700 : i32 to index
      %swap3A_1703 = arith.index_cast %swap3A_1701 : i32 to index
      %swap3A_1704 = arith.index_cast %multiple_of3A : i32 to index
      %swap3A_1705 = tpu.vector_load %arg14[%swap3A_1702, %swap3A_1703, %swap3A_1704] {strides = array<i32>} : memref<2x8x1024xf32, #tpu.memory_space<vmem>>, vector<1x1x16xf32>,
      %swap3A_1706 = vector.shape_cast %swap3A_1705 : vector<1x1x16xf32> to vector<16xf32>
      %swap3A_1707 = vector.shape_cast %add3A_1699 : vector<16xf32> to vector<1x1x16xf32>
      tpu.vector_store %arg14[%swap3A_1702, %swap3A_1703, %swap3A_1704], %swap3A_1707 {strides = array<i32>} : memref<2x8x1024xf32, #tpu.memory_space<vmem>>, vector<1x1x16xf32>,
      %mul3A_1708 = arith.mulf %get3A_1696, %get3A_1570 : vector<16xf32>
      %mul3A_1709 = arith.mulf %get3A_1689, %get3A_1576 : vector<16xf32>
      %sub3A_1710 = arith.subf %mul3A_1708, %mul3A_1709 : vector<16xf32>
      %swap3A_1711 = arith.constant 1 : i32
      %swap3A_1712 = arith.constant 3 : i32
      %swap3A_1713 = arith.index_cast %swap3A_1711 : i32 to index
      %swap3A_1714 = arith.index_cast %swap3A_1712 : i32 to index
      %swap3A_1715 = arith.index_cast %multiple_of3A : i32 to index
      %swap3A_1716 = tpu.vector_load %arg15[%swap3A_1713, %swap3A_1714, %swap3A_1715] {strides = array<i32>} : memref<2x8x1024xf32, #tpu.memory_space<vmem>>, vector<1x1x16xf32>,
      %swap3A_1717 = vector.shape_cast %swap3A_1716 : vector<1x1x16xf32> to vector<16xf32>
      %swap3A_1718 = vector.shape_cast %sub3A_1710 : vector<16xf32> to vector<1x1x16xf32>
      tpu.vector_store %arg15[%swap3A_1713, %swap3A_1714, %swap3A_1715], %swap3A_1718 {strides = array<i32>} : memref<2x8x1024xf32, #tpu.memory_space<vmem>>, vector<1x1x16xf32>,
      %get3A_1719 = arith.constant 1 : i32
      %get3A_1720 = arith.constant 4 : i32
      %get3A_1721 = arith.index_cast %get3A_1719 : i32 to index
      %get3A_1722 = arith.index_cast %get3A_1720 : i32 to index
      %get3A_1723 = arith.index_cast %multiple_of3A : i32 to index
      %get3A_1724 = tpu.vector_load %arg12[%get3A_1721, %get3A_1722, %get3A_1723] {strides = array<i32>} : memref<2x8x1152xf32, #tpu.memory_space<vmem>>, vector<1x1x16xf32>,
      %get3A_1725 = vector.shape_cast %get3A_1724 : vector<1x1x16xf32> to vector<16xf32>
      %get3A_1726 = arith.constant 1 : i32
      %get3A_1727 = arith.constant 4 : i32
      %get3A_1728 = arith.index_cast %get3A_1726 : i32 to index
      %get3A_1729 = arith.index_cast %get3A_1727 : i32 to index
      %get3A_1730 = arith.index_cast %multiple_of3A : i32 to index
      %get3A_1731 = tpu.vector_load %arg13[%get3A_1728, %get3A_1729, %get3A_1730] {strides = array<i32>} : memref<2x8x1152xf32, #tpu.memory_space<vmem>>, vector<1x1x16xf32>,
      %get3A_1732 = vector.shape_cast %get3A_1731 : vector<1x1x16xf32> to vector<16xf32>
      %mul3A_1733 = arith.mulf %get3A_1725, %get3A_1570 : vector<16xf32>
      %mul3A_1734 = arith.mulf %get3A_1732, %get3A_1576 : vector<16xf32>
      %add3A_1735 = arith.addf %mul3A_1733, %mul3A_1734 : vector<16xf32>
      %swap3A_1736 = arith.constant 1 : i32
      %swap3A_1737 = arith.constant 4 : i32
      %swap3A_1738 = arith.index_cast %swap3A_1736 : i32 to index
      %swap3A_1739 = arith.index_cast %swap3A_1737 : i32 to index
      %swap3A_1740 = arith.index_cast %multiple_of3A : i32 to index
      %swap3A_1741 = tpu.vector_load %arg14[%swap3A_1738, %swap3A_1739, %swap3A_1740] {strides = array<i32>} : memref<2x8x1024xf32, #tpu.memory_space<vmem>>, vector<1x1x16xf32>,
      %swap3A_1742 = vector.shape_cast %swap3A_1741 : vector<1x1x16xf32> to vector<16xf32>
      %swap3A_1743 = vector.shape_cast %add3A_1735 : vector<16xf32> to vector<1x1x16xf32>
      tpu.vector_store %arg14[%swap3A_1738, %swap3A_1739, %swap3A_1740], %swap3A_1743 {strides = array<i32>} : memref<2x8x1024xf32, #tpu.memory_space<vmem>>, vector<1x1x16xf32>,
      %mul3A_1744 = arith.mulf %get3A_1732, %get3A_1570 : vector<16xf32>
      %mul3A_1745 = arith.mulf %get3A_1725, %get3A_1576 : vector<16xf32>
      %sub3A_1746 = arith.subf %mul3A_1744, %mul3A_1745 : vector<16xf32>
      %swap3A_1747 = arith.constant 1 : i32
      %swap3A_1748 = arith.constant 4 : i32
      %swap3A_1749 = arith.index_cast %swap3A_1747 : i32 to index
      %swap3A_1750 = arith.index_cast %swap3A_1748 : i32 to index
      %swap3A_1751 = arith.index_cast %multiple_of3A : i32 to index
      %swap3A_1752 = tpu.vector_load %arg15[%swap3A_1749, %swap3A_1750, %swap3A_1751] {strides = array<i32>} : memref<2x8x1024xf32, #tpu.memory_space<vmem>>, vector<1x1x16xf32>,
      %swap3A_1753 = vector.shape_cast %swap3A_1752 : vector<1x1x16xf32> to vector<16xf32>
      %swap3A_1754 = vector.shape_cast %sub3A_1746 : vector<16xf32> to vector<1x1x16xf32>
      tpu.vector_store %arg15[%swap3A_1749, %swap3A_1750, %swap3A_1751], %swap3A_1754 {strides = array<i32>} : memref<2x8x1024xf32, #tpu.memory_space<vmem>>, vector<1x1x16xf32>,
      %get3A_1755 = arith.constant 1 : i32
      %get3A_1756 = arith.constant 5 : i32
      %get3A_1757 = arith.index_cast %get3A_1755 : i32 to index
      %get3A_1758 = arith.index_cast %get3A_1756 : i32 to index
      %get3A_1759 = arith.index_cast %multiple_of3A : i32 to index
      %get3A_1760 = tpu.vector_load %arg12[%get3A_1757, %get3A_1758, %get3A_1759] {strides = array<i32>} : memref<2x8x1152xf32, #tpu.memory_space<vmem>>, vector<1x1x16xf32>,
      %get3A_1761 = vector.shape_cast %get3A_1760 : vector<1x1x16xf32> to vector<16xf32>
      %get3A_1762 = arith.constant 1 : i32
      %get3A_1763 = arith.constant 5 : i32
      %get3A_1764 = arith.index_cast %get3A_1762 : i32 to index
      %get3A_1765 = arith.index_cast %get3A_1763 : i32 to index
      %get3A_1766 = arith.index_cast %multiple_of3A : i32 to index
      %get3A_1767 = tpu.vector_load %arg13[%get3A_1764, %get3A_1765, %get3A_1766] {strides = array<i32>} : memref<2x8x1152xf32, #tpu.memory_space<vmem>>, vector<1x1x16xf32>,
      %get3A_1768 = vector.shape_cast %get3A_1767 : vector<1x1x16xf32> to vector<16xf32>
      %mul3A_1769 = arith.mulf %get3A_1761, %get3A_1570 : vector<16xf32>
      %mul3A_1770 = arith.mulf %get3A_1768, %get3A_1576 : vector<16xf32>
      %add3A_1771 = arith.addf %mul3A_1769, %mul3A_1770 : vector<16xf32>
      %swap3A_1772 = arith.constant 1 : i32
      %swap3A_1773 = arith.constant 5 : i32
      %swap3A_1774 = arith.index_cast %swap3A_1772 : i32 to index
      %swap3A_1775 = arith.index_cast %swap3A_1773 : i32 to index
      %swap3A_1776 = arith.index_cast %multiple_of3A : i32 to index
      %swap3A_1777 = tpu.vector_load %arg14[%swap3A_1774, %swap3A_1775, %swap3A_1776] {strides = array<i32>} : memref<2x8x1024xf32, #tpu.memory_space<vmem>>, vector<1x1x16xf32>,
      %swap3A_1778 = vector.shape_cast %swap3A_1777 : vector<1x1x16xf32> to vector<16xf32>
      %swap3A_1779 = vector.shape_cast %add3A_1771 : vector<16xf32> to vector<1x1x16xf32>
      tpu.vector_store %arg14[%swap3A_1774, %swap3A_1775, %swap3A_1776], %swap3A_1779 {strides = array<i32>} : memref<2x8x1024xf32, #tpu.memory_space<vmem>>, vector<1x1x16xf32>,
      %mul3A_1780 = arith.mulf %get3A_1768, %get3A_1570 : vector<16xf32>
      %mul3A_1781 = arith.mulf %get3A_1761, %get3A_1576 : vector<16xf32>
      %sub3A_1782 = arith.subf %mul3A_1780, %mul3A_1781 : vector<16xf32>
      %swap3A_1783 = arith.constant 1 : i32
      %swap3A_1784 = arith.constant 5 : i32
      %swap3A_1785 = arith.index_cast %swap3A_1783 : i32 to index
      %swap3A_1786 = arith.index_cast %swap3A_1784 : i32 to index
      %swap3A_1787 = arith.index_cast %multiple_of3A : i32 to index
      %swap3A_1788 = tpu.vector_load %arg15[%swap3A_1785, %swap3A_1786, %swap3A_1787] {strides = array<i32>} : memref<2x8x1024xf32, #tpu.memory_space<vmem>>, vector<1x1x16xf32>,
      %swap3A_1789 = vector.shape_cast %swap3A_1788 : vector<1x1x16xf32> to vector<16xf32>
      %swap3A_1790 = vector.shape_cast %sub3A_1782 : vector<16xf32> to vector<1x1x16xf32>
      tpu.vector_store %arg15[%swap3A_1785, %swap3A_1786, %swap3A_1787], %swap3A_1790 {strides = array<i32>} : memref<2x8x1024xf32, #tpu.memory_space<vmem>>, vector<1x1x16xf32>,
      %get3A_1791 = arith.constant 1 : i32
      %get3A_1792 = arith.constant 6 : i32
      %get3A_1793 = arith.index_cast %get3A_1791 : i32 to index
      %get3A_1794 = arith.index_cast %get3A_1792 : i32 to index
      %get3A_1795 = arith.index_cast %multiple_of3A : i32 to index
      %get3A_1796 = tpu.vector_load %arg12[%get3A_1793, %get3A_1794, %get3A_1795] {strides = array<i32>} : memref<2x8x1152xf32, #tpu.memory_space<vmem>>, vector<1x1x16xf32>,
      %get3A_1797 = vector.shape_cast %get3A_1796 : vector<1x1x16xf32> to vector<16xf32>
      %get3A_1798 = arith.constant 1 : i32
      %get3A_1799 = arith.constant 6 : i32
      %get3A_1800 = arith.index_cast %get3A_1798 : i32 to index
      %get3A_1801 = arith.index_cast %get3A_1799 : i32 to index
      %get3A_1802 = arith.index_cast %multiple_of3A : i32 to index
      %get3A_1803 = tpu.vector_load %arg13[%get3A_1800, %get3A_1801, %get3A_1802] {strides = array<i32>} : memref<2x8x1152xf32, #tpu.memory_space<vmem>>, vector<1x1x16xf32>,
      %get3A_1804 = vector.shape_cast %get3A_1803 : vector<1x1x16xf32> to vector<16xf32>
      %mul3A_1805 = arith.mulf %get3A_1797, %get3A_1570 : vector<16xf32>
      %mul3A_1806 = arith.mulf %get3A_1804, %get3A_1576 : vector<16xf32>
      %add3A_1807 = arith.addf %mul3A_1805, %mul3A_1806 : vector<16xf32>
      %swap3A_1808 = arith.constant 1 : i32
      %swap3A_1809 = arith.constant 6 : i32
      %swap3A_1810 = arith.index_cast %swap3A_1808 : i32 to index
      %swap3A_1811 = arith.index_cast %swap3A_1809 : i32 to index
      %swap3A_1812 = arith.index_cast %multiple_of3A : i32 to index
      %swap3A_1813 = tpu.vector_load %arg14[%swap3A_1810, %swap3A_1811, %swap3A_1812] {strides = array<i32>} : memref<2x8x1024xf32, #tpu.memory_space<vmem>>, vector<1x1x16xf32>,
      %swap3A_1814 = vector.shape_cast %swap3A_1813 : vector<1x1x16xf32> to vector<16xf32>
      %swap3A_1815 = vector.shape_cast %add3A_1807 : vector<16xf32> to vector<1x1x16xf32>
      tpu.vector_store %arg14[%swap3A_1810, %swap3A_1811, %swap3A_1812], %swap3A_1815 {strides = array<i32>} : memref<2x8x1024xf32, #tpu.memory_space<vmem>>, vector<1x1x16xf32>,
      %mul3A_1816 = arith.mulf %get3A_1804, %get3A_1570 : vector<16xf32>
      %mul3A_1817 = arith.mulf %get3A_1797, %get3A_1576 : vector<16xf32>
      %sub3A_1818 = arith.subf %mul3A_1816, %mul3A_1817 : vector<16xf32>
      %swap3A_1819 = arith.constant 1 : i32
      %swap3A_1820 = arith.constant 6 : i32
      %swap3A_1821 = arith.index_cast %swap3A_1819 : i32 to index
      %swap3A_1822 = arith.index_cast %swap3A_1820 : i32 to index
      %swap3A_1823 = arith.index_cast %multiple_of3A : i32 to index
      %swap3A_1824 = tpu.vector_load %arg15[%swap3A_1821, %swap3A_1822, %swap3A_1823] {strides = array<i32>} : memref<2x8x1024xf32, #tpu.memory_space<vmem>>, vector<1x1x16xf32>,
      %swap3A_1825 = vector.shape_cast %swap3A_1824 : vector<1x1x16xf32> to vector<16xf32>
      %swap3A_1826 = vector.shape_cast %sub3A_1818 : vector<16xf32> to vector<1x1x16xf32>
      tpu.vector_store %arg15[%swap3A_1821, %swap3A_1822, %swap3A_1823], %swap3A_1826 {strides = array<i32>} : memref<2x8x1024xf32, #tpu.memory_space<vmem>>, vector<1x1x16xf32>,
      %get3A_1827 = arith.constant 1 : i32
      %get3A_1828 = arith.constant 7 : i32
      %get3A_1829 = arith.index_cast %get3A_1827 : i32 to index
      %get3A_1830 = arith.index_cast %get3A_1828 : i32 to index
      %get3A_1831 = arith.index_cast %multiple_of3A : i32 to index
      %get3A_1832 = tpu.vector_load %arg12[%get3A_1829, %get3A_1830, %get3A_1831] {strides = array<i32>} : memref<2x8x1152xf32, #tpu.memory_space<vmem>>, vector<1x1x16xf32>,
      %get3A_1833 = vector.shape_cast %get3A_1832 : vector<1x1x16xf32> to vector<16xf32>
      %get3A_1834 = arith.constant 1 : i32
      %get3A_1835 = arith.constant 7 : i32
      %get3A_1836 = arith.index_cast %get3A_1834 : i32 to index
      %get3A_1837 = arith.index_cast %get3A_1835 : i32 to index
      %get3A_1838 = arith.index_cast %multiple_of3A : i32 to index
      %get3A_1839 = tpu.vector_load %arg13[%get3A_1836, %get3A_1837, %get3A_1838] {strides = array<i32>} : memref<2x8x1152xf32, #tpu.memory_space<vmem>>, vector<1x1x16xf32>,
      %get3A_1840 = vector.shape_cast %get3A_1839 : vector<1x1x16xf32> to vector<16xf32>
      %mul3A_1841 = arith.mulf %get3A_1833, %get3A_1570 : vector<16xf32>
      %mul3A_1842 = arith.mulf %get3A_1840, %get3A_1576 : vector<16xf32>
      %add3A_1843 = arith.addf %mul3A_1841, %mul3A_1842 : vector<16xf32>
      %swap3A_1844 = arith.constant 1 : i32
      %swap3A_1845 = arith.constant 7 : i32
      %swap3A_1846 = arith.index_cast %swap3A_1844 : i32 to index
      %swap3A_1847 = arith.index_cast %swap3A_1845 : i32 to index
      %swap3A_1848 = arith.index_cast %multiple_of3A : i32 to index
      %swap3A_1849 = tpu.vector_load %arg14[%swap3A_1846, %swap3A_1847, %swap3A_1848] {strides = array<i32>} : memref<2x8x1024xf32, #tpu.memory_space<vmem>>, vector<1x1x16xf32>,
      %swap3A_1850 = vector.shape_cast %swap3A_1849 : vector<1x1x16xf32> to vector<16xf32>
      %swap3A_1851 = vector.shape_cast %add3A_1843 : vector<16xf32> to vector<1x1x16xf32>
      tpu.vector_store %arg14[%swap3A_1846, %swap3A_1847, %swap3A_1848], %swap3A_1851 {strides = array<i32>} : memref<2x8x1024xf32, #tpu.memory_space<vmem>>, vector<1x1x16xf32>,
      %mul3A_1852 = arith.mulf %get3A_1840, %get3A_1570 : vector<16xf32>
      %mul3A_1853 = arith.mulf %get3A_1833, %get3A_1576 : vector<16xf32>
      %sub3A_1854 = arith.subf %mul3A_1852, %mul3A_1853 : vector<16xf32>
      %swap3A_1855 = arith.constant 1 : i32
      %swap3A_1856 = arith.constant 7 : i32
      %swap3A_1857 = arith.index_cast %swap3A_1855 : i32 to index
      %swap3A_1858 = arith.index_cast %swap3A_1856 : i32 to index
      %swap3A_1859 = arith.index_cast %multiple_of3A : i32 to index
      %swap3A_1860 = tpu.vector_load %arg15[%swap3A_1857, %swap3A_1858, %swap3A_1859] {strides = array<i32>} : memref<2x8x1024xf32, #tpu.memory_space<vmem>>, vector<1x1x16xf32>,
      %swap3A_1861 = vector.shape_cast %swap3A_1860 : vector<1x1x16xf32> to vector<16xf32>
      %swap3A_1862 = vector.shape_cast %sub3A_1854 : vector<16xf32> to vector<1x1x16xf32>
      tpu.vector_store %arg15[%swap3A_1857, %swap3A_1858, %swap3A_1859], %swap3A_1862 {strides = array<i32>} : memref<2x8x1024xf32, #tpu.memory_space<vmem>>, vector<1x1x16xf32>,
    }
    %scan3A_659 = arith.constant 32 : i32
    %get3A_660 = arith.constant 1 : i32
    %get3A_661 = arith.constant 0 : i32
    %get3A_662 = arith.index_cast %get3A_660 : i32 to index
    %get3A_663 = arith.index_cast %get3A_661 : i32 to index
    %get3A_664 = arith.constant 512 : index
    %get3A_665 = tpu.vector_load %arg12[%get3A_662, %get3A_663, %get3A_664] {strides = array<i32>} : memref<2x8x1152xf32, #tpu.memory_space<vmem>>, vector<1x1x16xf32>,
    %get3A_666 = vector.shape_cast %get3A_665 : vector<1x1x16xf32> to vector<16xf32>
    %broadcast_in_dim3A_667 = vector.shape_cast %and3A_104 : vector<16xi32> to vector<16x1xi32>
    %gather3A_668 = vector.shape_cast %broadcast_in_dim3A_667 : vector<16x1xi32> to vector<16xi32>
    %gather3A_669 = tpu.dynamic_gather %get3A_666[%gather3A_668] in [0] : vector<16xf32>, vector<16xi32> -> vector<16xf32>
    %get3A_670 = arith.constant 1 : i32
    %get3A_671 = arith.constant 0 : i32
    %get3A_672 = arith.index_cast %get3A_670 : i32 to index
    %get3A_673 = arith.index_cast %get3A_671 : i32 to index
    %get3A_674 = arith.constant 512 : index
    %get3A_675 = tpu.vector_load %arg13[%get3A_672, %get3A_673, %get3A_674] {strides = array<i32>} : memref<2x8x1152xf32, #tpu.memory_space<vmem>>, vector<1x1x16xf32>,
    %get3A_676 = vector.shape_cast %get3A_675 : vector<1x1x16xf32> to vector<16xf32>
    %broadcast_in_dim3A_677 = vector.shape_cast %and3A_104 : vector<16xi32> to vector<16x1xi32>
    %gather3A_678 = vector.shape_cast %broadcast_in_dim3A_677 : vector<16x1xi32> to vector<16xi32>
    %gather3A_679 = tpu.dynamic_gather %get3A_676[%gather3A_678] in [0] : vector<16xf32>, vector<16xi32> -> vector<16xf32>
    %get3A_680 = arith.constant 1 : i32
    %get3A_681 = arith.constant 1 : i32
    %get3A_682 = arith.index_cast %get3A_680 : i32 to index
    %get3A_683 = arith.index_cast %get3A_681 : i32 to index
    %get3A_684 = arith.constant 512 : index
    %get3A_685 = tpu.vector_load %arg12[%get3A_682, %get3A_683, %get3A_684] {strides = array<i32>} : memref<2x8x1152xf32, #tpu.memory_space<vmem>>, vector<1x1x16xf32>,
    %get3A_686 = vector.shape_cast %get3A_685 : vector<1x1x16xf32> to vector<16xf32>
    %broadcast_in_dim3A_687 = vector.shape_cast %and3A_104 : vector<16xi32> to vector<16x1xi32>
    %gather3A_688 = vector.shape_cast %broadcast_in_dim3A_687 : vector<16x1xi32> to vector<16xi32>
    %gather3A_689 = tpu.dynamic_gather %get3A_686[%gather3A_688] in [0] : vector<16xf32>, vector<16xi32> -> vector<16xf32>
    %get3A_690 = arith.constant 1 : i32
    %get3A_691 = arith.constant 1 : i32
    %get3A_692 = arith.index_cast %get3A_690 : i32 to index
    %get3A_693 = arith.index_cast %get3A_691 : i32 to index
    %get3A_694 = arith.constant 512 : index
    %get3A_695 = tpu.vector_load %arg13[%get3A_692, %get3A_693, %get3A_694] {strides = array<i32>} : memref<2x8x1152xf32, #tpu.memory_space<vmem>>, vector<1x1x16xf32>,
    %get3A_696 = vector.shape_cast %get3A_695 : vector<1x1x16xf32> to vector<16xf32>
    %broadcast_in_dim3A_697 = vector.shape_cast %and3A_104 : vector<16xi32> to vector<16x1xi32>
    %gather3A_698 = vector.shape_cast %broadcast_in_dim3A_697 : vector<16x1xi32> to vector<16xi32>
    %gather3A_699 = tpu.dynamic_gather %get3A_696[%gather3A_698] in [0] : vector<16xf32>, vector<16xi32> -> vector<16xf32>
    %get3A_700 = arith.constant 1 : i32
    %get3A_701 = arith.constant 2 : i32
    %get3A_702 = arith.index_cast %get3A_700 : i32 to index
    %get3A_703 = arith.index_cast %get3A_701 : i32 to index
    %get3A_704 = arith.constant 512 : index
    %get3A_705 = tpu.vector_load %arg12[%get3A_702, %get3A_703, %get3A_704] {strides = array<i32>} : memref<2x8x1152xf32, #tpu.memory_space<vmem>>, vector<1x1x16xf32>,
    %get3A_706 = vector.shape_cast %get3A_705 : vector<1x1x16xf32> to vector<16xf32>
    %broadcast_in_dim3A_707 = vector.shape_cast %and3A_104 : vector<16xi32> to vector<16x1xi32>
    %gather3A_708 = vector.shape_cast %broadcast_in_dim3A_707 : vector<16x1xi32> to vector<16xi32>
    %gather3A_709 = tpu.dynamic_gather %get3A_706[%gather3A_708] in [0] : vector<16xf32>, vector<16xi32> -> vector<16xf32>
    %get3A_710 = arith.constant 1 : i32
    %get3A_711 = arith.constant 2 : i32
    %get3A_712 = arith.index_cast %get3A_710 : i32 to index
    %get3A_713 = arith.index_cast %get3A_711 : i32 to index
    %get3A_714 = arith.constant 512 : index
    %get3A_715 = tpu.vector_load %arg13[%get3A_712, %get3A_713, %get3A_714] {strides = array<i32>} : memref<2x8x1152xf32, #tpu.memory_space<vmem>>, vector<1x1x16xf32>,
    %get3A_716 = vector.shape_cast %get3A_715 : vector<1x1x16xf32> to vector<16xf32>
    %broadcast_in_dim3A_717 = vector.shape_cast %and3A_104 : vector<16xi32> to vector<16x1xi32>
    %gather3A_718 = vector.shape_cast %broadcast_in_dim3A_717 : vector<16x1xi32> to vector<16xi32>
    %gather3A_719 = tpu.dynamic_gather %get3A_716[%gather3A_718] in [0] : vector<16xf32>, vector<16xi32> -> vector<16xf32>
    %get3A_720 = arith.constant 1 : i32
    %get3A_721 = arith.constant 3 : i32
    %get3A_722 = arith.index_cast %get3A_720 : i32 to index
    %get3A_723 = arith.index_cast %get3A_721 : i32 to index
    %get3A_724 = arith.constant 512 : index
    %get3A_725 = tpu.vector_load %arg12[%get3A_722, %get3A_723, %get3A_724] {strides = array<i32>} : memref<2x8x1152xf32, #tpu.memory_space<vmem>>, vector<1x1x16xf32>,
    %get3A_726 = vector.shape_cast %get3A_725 : vector<1x1x16xf32> to vector<16xf32>
    %broadcast_in_dim3A_727 = vector.shape_cast %and3A_104 : vector<16xi32> to vector<16x1xi32>
    %gather3A_728 = vector.shape_cast %broadcast_in_dim3A_727 : vector<16x1xi32> to vector<16xi32>
    %gather3A_729 = tpu.dynamic_gather %get3A_726[%gather3A_728] in [0] : vector<16xf32>, vector<16xi32> -> vector<16xf32>
    %get3A_730 = arith.constant 1 : i32
    %get3A_731 = arith.constant 3 : i32
    %get3A_732 = arith.index_cast %get3A_730 : i32 to index
    %get3A_733 = arith.index_cast %get3A_731 : i32 to index
    %get3A_734 = arith.constant 512 : index
    %get3A_735 = tpu.vector_load %arg13[%get3A_732, %get3A_733, %get3A_734] {strides = array<i32>} : memref<2x8x1152xf32, #tpu.memory_space<vmem>>, vector<1x1x16xf32>,
    %get3A_736 = vector.shape_cast %get3A_735 : vector<1x1x16xf32> to vector<16xf32>
    %broadcast_in_dim3A_737 = vector.shape_cast %and3A_104 : vector<16xi32> to vector<16x1xi32>
    %gather3A_738 = vector.shape_cast %broadcast_in_dim3A_737 : vector<16x1xi32> to vector<16xi32>
    %gather3A_739 = tpu.dynamic_gather %get3A_736[%gather3A_738] in [0] : vector<16xf32>, vector<16xi32> -> vector<16xf32>
    %get3A_740 = arith.constant 1 : i32
    %get3A_741 = arith.constant 4 : i32
    %get3A_742 = arith.index_cast %get3A_740 : i32 to index
    %get3A_743 = arith.index_cast %get3A_741 : i32 to index
    %get3A_744 = arith.constant 512 : index
    %get3A_745 = tpu.vector_load %arg12[%get3A_742, %get3A_743, %get3A_744] {strides = array<i32>} : memref<2x8x1152xf32, #tpu.memory_space<vmem>>, vector<1x1x16xf32>,
    %get3A_746 = vector.shape_cast %get3A_745 : vector<1x1x16xf32> to vector<16xf32>
    %broadcast_in_dim3A_747 = vector.shape_cast %and3A_104 : vector<16xi32> to vector<16x1xi32>
    %gather3A_748 = vector.shape_cast %broadcast_in_dim3A_747 : vector<16x1xi32> to vector<16xi32>
    %gather3A_749 = tpu.dynamic_gather %get3A_746[%gather3A_748] in [0] : vector<16xf32>, vector<16xi32> -> vector<16xf32>
    %get3A_750 = arith.constant 1 : i32
    %get3A_751 = arith.constant 4 : i32
    %get3A_752 = arith.index_cast %get3A_750 : i32 to index
    %get3A_753 = arith.index_cast %get3A_751 : i32 to index
    %get3A_754 = arith.constant 512 : index
    %get3A_755 = tpu.vector_load %arg13[%get3A_752, %get3A_753, %get3A_754] {strides = array<i32>} : memref<2x8x1152xf32, #tpu.memory_space<vmem>>, vector<1x1x16xf32>,
    %get3A_756 = vector.shape_cast %get3A_755 : vector<1x1x16xf32> to vector<16xf32>
    %broadcast_in_dim3A_757 = vector.shape_cast %and3A_104 : vector<16xi32> to vector<16x1xi32>
    %gather3A_758 = vector.shape_cast %broadcast_in_dim3A_757 : vector<16x1xi32> to vector<16xi32>
    %gather3A_759 = tpu.dynamic_gather %get3A_756[%gather3A_758] in [0] : vector<16xf32>, vector<16xi32> -> vector<16xf32>
    %get3A_760 = arith.constant 1 : i32
    %get3A_761 = arith.constant 5 : i32
    %get3A_762 = arith.index_cast %get3A_760 : i32 to index
    %get3A_763 = arith.index_cast %get3A_761 : i32 to index
    %get3A_764 = arith.constant 512 : index
    %get3A_765 = tpu.vector_load %arg12[%get3A_762, %get3A_763, %get3A_764] {strides = array<i32>} : memref<2x8x1152xf32, #tpu.memory_space<vmem>>, vector<1x1x16xf32>,
    %get3A_766 = vector.shape_cast %get3A_765 : vector<1x1x16xf32> to vector<16xf32>
    %broadcast_in_dim3A_767 = vector.shape_cast %and3A_104 : vector<16xi32> to vector<16x1xi32>
    %gather3A_768 = vector.shape_cast %broadcast_in_dim3A_767 : vector<16x1xi32> to vector<16xi32>
    %gather3A_769 = tpu.dynamic_gather %get3A_766[%gather3A_768] in [0] : vector<16xf32>, vector<16xi32> -> vector<16xf32>
    %get3A_770 = arith.constant 1 : i32
    %get3A_771 = arith.constant 5 : i32
    %get3A_772 = arith.index_cast %get3A_770 : i32 to index
    %get3A_773 = arith.index_cast %get3A_771 : i32 to index
    %get3A_774 = arith.constant 512 : index
    %get3A_775 = tpu.vector_load %arg13[%get3A_772, %get3A_773, %get3A_774] {strides = array<i32>} : memref<2x8x1152xf32, #tpu.memory_space<vmem>>, vector<1x1x16xf32>,
    %get3A_776 = vector.shape_cast %get3A_775 : vector<1x1x16xf32> to vector<16xf32>
    %broadcast_in_dim3A_777 = vector.shape_cast %and3A_104 : vector<16xi32> to vector<16x1xi32>
    %gather3A_778 = vector.shape_cast %broadcast_in_dim3A_777 : vector<16x1xi32> to vector<16xi32>
    %gather3A_779 = tpu.dynamic_gather %get3A_776[%gather3A_778] in [0] : vector<16xf32>, vector<16xi32> -> vector<16xf32>
    %get3A_780 = arith.constant 1 : i32
    %get3A_781 = arith.constant 6 : i32
    %get3A_782 = arith.index_cast %get3A_780 : i32 to index
    %get3A_783 = arith.index_cast %get3A_781 : i32 to index
    %get3A_784 = arith.constant 512 : index
    %get3A_785 = tpu.vector_load %arg12[%get3A_782, %get3A_783, %get3A_784] {strides = array<i32>} : memref<2x8x1152xf32, #tpu.memory_space<vmem>>, vector<1x1x16xf32>,
    %get3A_786 = vector.shape_cast %get3A_785 : vector<1x1x16xf32> to vector<16xf32>
    %broadcast_in_dim3A_787 = vector.shape_cast %and3A_104 : vector<16xi32> to vector<16x1xi32>
    %gather3A_788 = vector.shape_cast %broadcast_in_dim3A_787 : vector<16x1xi32> to vector<16xi32>
    %gather3A_789 = tpu.dynamic_gather %get3A_786[%gather3A_788] in [0] : vector<16xf32>, vector<16xi32> -> vector<16xf32>
    %get3A_790 = arith.constant 1 : i32
    %get3A_791 = arith.constant 6 : i32
    %get3A_792 = arith.index_cast %get3A_790 : i32 to index
    %get3A_793 = arith.index_cast %get3A_791 : i32 to index
    %get3A_794 = arith.constant 512 : index
    %get3A_795 = tpu.vector_load %arg13[%get3A_792, %get3A_793, %get3A_794] {strides = array<i32>} : memref<2x8x1152xf32, #tpu.memory_space<vmem>>, vector<1x1x16xf32>,
    %get3A_796 = vector.shape_cast %get3A_795 : vector<1x1x16xf32> to vector<16xf32>
    %broadcast_in_dim3A_797 = vector.shape_cast %and3A_104 : vector<16xi32> to vector<16x1xi32>
    %gather3A_798 = vector.shape_cast %broadcast_in_dim3A_797 : vector<16x1xi32> to vector<16xi32>
    %gather3A_799 = tpu.dynamic_gather %get3A_796[%gather3A_798] in [0] : vector<16xf32>, vector<16xi32> -> vector<16xf32>
    %get3A_800 = arith.constant 1 : i32
    %get3A_801 = arith.constant 7 : i32
    %get3A_802 = arith.index_cast %get3A_800 : i32 to index
    %get3A_803 = arith.index_cast %get3A_801 : i32 to index
    %get3A_804 = arith.constant 512 : index
    %get3A_805 = tpu.vector_load %arg12[%get3A_802, %get3A_803, %get3A_804] {strides = array<i32>} : memref<2x8x1152xf32, #tpu.memory_space<vmem>>, vector<1x1x16xf32>,
    %get3A_806 = vector.shape_cast %get3A_805 : vector<1x1x16xf32> to vector<16xf32>
    %broadcast_in_dim3A_807 = vector.shape_cast %and3A_104 : vector<16xi32> to vector<16x1xi32>
    %gather3A_808 = vector.shape_cast %broadcast_in_dim3A_807 : vector<16x1xi32> to vector<16xi32>
    %gather3A_809 = tpu.dynamic_gather %get3A_806[%gather3A_808] in [0] : vector<16xf32>, vector<16xi32> -> vector<16xf32>
    %get3A_810 = arith.constant 1 : i32
    %get3A_811 = arith.constant 7 : i32
    %get3A_812 = arith.index_cast %get3A_810 : i32 to index
    %get3A_813 = arith.index_cast %get3A_811 : i32 to index
    %get3A_814 = arith.constant 512 : index
    %get3A_815 = tpu.vector_load %arg13[%get3A_812, %get3A_813, %get3A_814] {strides = array<i32>} : memref<2x8x1152xf32, #tpu.memory_space<vmem>>, vector<1x1x16xf32>,
    %get3A_816 = vector.shape_cast %get3A_815 : vector<1x1x16xf32> to vector<16xf32>
    %broadcast_in_dim3A_817 = vector.shape_cast %and3A_104 : vector<16xi32> to vector<16x1xi32>
    %gather3A_818 = vector.shape_cast %broadcast_in_dim3A_817 : vector<16x1xi32> to vector<16xi32>
    %gather3A_819 = tpu.dynamic_gather %get3A_816[%gather3A_818] in [0] : vector<16xf32>, vector<16xi32> -> vector<16xf32>
    %scan3A_820 = arith.constant 0 : i32
    %scan3A_821 = arith.constant 32 : i32
    %scan3A_822 = arith.addi %scan3A_820, %scan3A_821 : i32
    %scan3A_823 = arith.constant 1 : i32
    %scan3A_824:16 = scf.for %scan3A_1562 = %scan3A_820 to %scan3A_822 step %scan3A_823 iter_args(%scan3A_1563 = %gather3A_669, %scan3A_1564 = %gather3A_679, %scan3A_1565 = %gather3A_689, %scan3A_1566 = %gather3A_699, %scan3A_1567 = %gather3A_709, %scan3A_1568 = %gather3A_719, %scan3A_1569 = %gather3A_729, %scan3A_1570 = %gather3A_739, %scan3A_1571 = %gather3A_749, %scan3A_1572 = %gather3A_759, %scan3A_1573 = %gather3A_769, %scan3A_1574 = %gather3A_779, %scan3A_1575 = %gather3A_789, %scan3A_1576 = %gather3A_799, %scan3A_1577 = %gather3A_809, %scan3A_1578 = %gather3A_819) -> (vector<16xf32>, vector<16xf32>, vector<16xf32>, vector<16xf32>, vector<16xf32>, vector<16xf32>, vector<16xf32>, vector<16xf32>, vector<16xf32>, vector<16xf32>, vector<16xf32>, vector<16xf32>, vector<16xf32>, vector<16xf32>, vector<16xf32>, vector<16xf32>)  : i32 {
      %mul3A_1579 = arith.constant 16 : i32
      %mul3A_1580 = arith.muli %scan3A_1562, %mul3A_1579 : i32
      %add3A_1581 = arith.constant 512 : i32
      %add3A_1582 = arith.addi %add3A_1581, %mul3A_1580 : i32
      %multiple_of3A = tpu.assume_multiple %add3A_1582, 16 : i32
      %add3A_1583 = arith.constant 16 : i32
      %add3A_1584 = arith.addi %multiple_of3A, %add3A_1583 : i32
      %multiple_of3A_1585 = tpu.assume_multiple %add3A_1584, 16 : i32
      %add3A_1586 = arith.constant 1024 : i32
      %add3A_1587 = arith.addi %add3A_1586, %multiple_of3A : i32
      %multiple_of3A_1588 = tpu.assume_multiple %add3A_1587, 16 : i32
      %get3A_1589 = arith.index_cast %multiple_of3A_1588 : i32 to index
      %get3A_1590 = tpu.vector_load %arg10[%get3A_1589] {strides = array<i32>} : memref<2048xf32, #tpu.memory_space<vmem>>, vector<16xf32>,
      %get3A_1591 = vector.shape_cast %get3A_1590 : vector<16xf32> to vector<16xf32>
      %add3A_1592 = arith.constant 1024 : i32
      %add3A_1593 = arith.addi %add3A_1592, %multiple_of3A : i32
      %multiple_of3A_1594 = tpu.assume_multiple %add3A_1593, 16 : i32
      %get3A_1595 = arith.index_cast %multiple_of3A_1594 : i32 to index
      %get3A_1596 = tpu.vector_load %arg11[%get3A_1595] {strides = array<i32>} : memref<2048xf32, #tpu.memory_space<vmem>>, vector<16xf32>,
      %get3A_1597 = vector.shape_cast %get3A_1596 : vector<16xf32> to vector<16xf32>
      %get3A_1598 = arith.constant 1 : i32
      %get3A_1599 = arith.constant 0 : i32
      %get3A_1600 = arith.index_cast %get3A_1598 : i32 to index
      %get3A_1601 = arith.index_cast %get3A_1599 : i32 to index
      %get3A_1602 = arith.index_cast %multiple_of3A_1585 : i32 to index
      %get3A_1603 = tpu.vector_load %arg12[%get3A_1600, %get3A_1601, %get3A_1602] {strides = array<i32>} : memref<2x8x1152xf32, #tpu.memory_space<vmem>>, vector<1x1x16xf32>,
      %get3A_1604 = vector.shape_cast %get3A_1603 : vector<1x1x16xf32> to vector<16xf32>
      %broadcast_in_dim3A_1605 = vector.shape_cast %and3A_104 : vector<16xi32> to vector<16x1xi32>
      %gather3A_1606 = vector.shape_cast %broadcast_in_dim3A_1605 : vector<16x1xi32> to vector<16xi32>
      %gather3A_1607 = tpu.dynamic_gather %get3A_1604[%gather3A_1606] in [0] : vector<16xf32>, vector<16xi32> -> vector<16xf32>
      %get3A_1608 = arith.constant 1 : i32
      %get3A_1609 = arith.constant 0 : i32
      %get3A_1610 = arith.index_cast %get3A_1608 : i32 to index
      %get3A_1611 = arith.index_cast %get3A_1609 : i32 to index
      %get3A_1612 = arith.index_cast %multiple_of3A_1585 : i32 to index
      %get3A_1613 = tpu.vector_load %arg13[%get3A_1610, %get3A_1611, %get3A_1612] {strides = array<i32>} : memref<2x8x1152xf32, #tpu.memory_space<vmem>>, vector<1x1x16xf32>,
      %get3A_1614 = vector.shape_cast %get3A_1613 : vector<1x1x16xf32> to vector<16xf32>
      %broadcast_in_dim3A_1615 = vector.shape_cast %and3A_104 : vector<16xi32> to vector<16x1xi32>
      %gather3A_1616 = vector.shape_cast %broadcast_in_dim3A_1615 : vector<16x1xi32> to vector<16xi32>
      %gather3A_1617 = tpu.dynamic_gather %get3A_1614[%gather3A_1616] in [0] : vector<16xf32>, vector<16xi32> -> vector<16xf32>
      %select_n3A = arith.select %eq3A_106, %gather3A_1607, %scan3A_1563 : vector<16xi1>, vector<16xf32>
      %select_n3A_1618 = arith.select %eq3A_106, %gather3A_1617, %scan3A_1564 : vector<16xi1>, vector<16xf32>
      %mul3A_1619 = arith.mulf %select_n3A, %get3A_1591 : vector<16xf32>
      %mul3A_1620 = arith.mulf %select_n3A_1618, %get3A_1597 : vector<16xf32>
      %add3A_1621 = arith.addf %mul3A_1619, %mul3A_1620 : vector<16xf32>
      %swap3A = arith.constant 1 : i32
      %swap3A_1622 = arith.constant 0 : i32
      %swap3A_1623 = arith.index_cast %swap3A : i32 to index
      %swap3A_1624 = arith.index_cast %swap3A_1622 : i32 to index
      %swap3A_1625 = arith.index_cast %multiple_of3A : i32 to index
      %swap3A_1626 = tpu.vector_load %arg14[%swap3A_1623, %swap3A_1624, %swap3A_1625] {strides = array<i32>} : memref<2x8x1024xf32, #tpu.memory_space<vmem>>, vector<1x1x16xf32>,
      %swap3A_1627 = vector.shape_cast %swap3A_1626 : vector<1x1x16xf32> to vector<16xf32>
      %swap3A_1628 = vector.shape_cast %add3A_1621 : vector<16xf32> to vector<1x1x16xf32>
      tpu.vector_store %arg14[%swap3A_1623, %swap3A_1624, %swap3A_1625], %swap3A_1628 {strides = array<i32>} : memref<2x8x1024xf32, #tpu.memory_space<vmem>>, vector<1x1x16xf32>,
      %mul3A_1629 = arith.mulf %select_n3A_1618, %get3A_1591 : vector<16xf32>
      %mul3A_1630 = arith.mulf %select_n3A, %get3A_1597 : vector<16xf32>
      %sub3A = arith.subf %mul3A_1629, %mul3A_1630 : vector<16xf32>
      %swap3A_1631 = arith.constant 1 : i32
      %swap3A_1632 = arith.constant 0 : i32
      %swap3A_1633 = arith.index_cast %swap3A_1631 : i32 to index
      %swap3A_1634 = arith.index_cast %swap3A_1632 : i32 to index
      %swap3A_1635 = arith.index_cast %multiple_of3A : i32 to index
      %swap3A_1636 = tpu.vector_load %arg15[%swap3A_1633, %swap3A_1634, %swap3A_1635] {strides = array<i32>} : memref<2x8x1024xf32, #tpu.memory_space<vmem>>, vector<1x1x16xf32>,
      %swap3A_1637 = vector.shape_cast %swap3A_1636 : vector<1x1x16xf32> to vector<16xf32>
      %swap3A_1638 = vector.shape_cast %sub3A : vector<16xf32> to vector<1x1x16xf32>
      tpu.vector_store %arg15[%swap3A_1633, %swap3A_1634, %swap3A_1635], %swap3A_1638 {strides = array<i32>} : memref<2x8x1024xf32, #tpu.memory_space<vmem>>, vector<1x1x16xf32>,
      %get3A_1639 = arith.constant 1 : i32
      %get3A_1640 = arith.constant 1 : i32
      %get3A_1641 = arith.index_cast %get3A_1639 : i32 to index
      %get3A_1642 = arith.index_cast %get3A_1640 : i32 to index
      %get3A_1643 = arith.index_cast %multiple_of3A_1585 : i32 to index
      %get3A_1644 = tpu.vector_load %arg12[%get3A_1641, %get3A_1642, %get3A_1643] {strides = array<i32>} : memref<2x8x1152xf32, #tpu.memory_space<vmem>>, vector<1x1x16xf32>,
      %get3A_1645 = vector.shape_cast %get3A_1644 : vector<1x1x16xf32> to vector<16xf32>
      %broadcast_in_dim3A_1646 = vector.shape_cast %and3A_104 : vector<16xi32> to vector<16x1xi32>
      %gather3A_1647 = vector.shape_cast %broadcast_in_dim3A_1646 : vector<16x1xi32> to vector<16xi32>
      %gather3A_1648 = tpu.dynamic_gather %get3A_1645[%gather3A_1647] in [0] : vector<16xf32>, vector<16xi32> -> vector<16xf32>
      %get3A_1649 = arith.constant 1 : i32
      %get3A_1650 = arith.constant 1 : i32
      %get3A_1651 = arith.index_cast %get3A_1649 : i32 to index
      %get3A_1652 = arith.index_cast %get3A_1650 : i32 to index
      %get3A_1653 = arith.index_cast %multiple_of3A_1585 : i32 to index
      %get3A_1654 = tpu.vector_load %arg13[%get3A_1651, %get3A_1652, %get3A_1653] {strides = array<i32>} : memref<2x8x1152xf32, #tpu.memory_space<vmem>>, vector<1x1x16xf32>,
      %get3A_1655 = vector.shape_cast %get3A_1654 : vector<1x1x16xf32> to vector<16xf32>
      %broadcast_in_dim3A_1656 = vector.shape_cast %and3A_104 : vector<16xi32> to vector<16x1xi32>
      %gather3A_1657 = vector.shape_cast %broadcast_in_dim3A_1656 : vector<16x1xi32> to vector<16xi32>
      %gather3A_1658 = tpu.dynamic_gather %get3A_1655[%gather3A_1657] in [0] : vector<16xf32>, vector<16xi32> -> vector<16xf32>
      %select_n3A_1659 = arith.select %eq3A_106, %gather3A_1648, %scan3A_1565 : vector<16xi1>, vector<16xf32>
      %select_n3A_1660 = arith.select %eq3A_106, %gather3A_1658, %scan3A_1566 : vector<16xi1>, vector<16xf32>
      %mul3A_1661 = arith.mulf %select_n3A_1659, %get3A_1591 : vector<16xf32>
      %mul3A_1662 = arith.mulf %select_n3A_1660, %get3A_1597 : vector<16xf32>
      %add3A_1663 = arith.addf %mul3A_1661, %mul3A_1662 : vector<16xf32>
      %swap3A_1664 = arith.constant 1 : i32
      %swap3A_1665 = arith.constant 1 : i32
      %swap3A_1666 = arith.index_cast %swap3A_1664 : i32 to index
      %swap3A_1667 = arith.index_cast %swap3A_1665 : i32 to index
      %swap3A_1668 = arith.index_cast %multiple_of3A : i32 to index
      %swap3A_1669 = tpu.vector_load %arg14[%swap3A_1666, %swap3A_1667, %swap3A_1668] {strides = array<i32>} : memref<2x8x1024xf32, #tpu.memory_space<vmem>>, vector<1x1x16xf32>,
      %swap3A_1670 = vector.shape_cast %swap3A_1669 : vector<1x1x16xf32> to vector<16xf32>
      %swap3A_1671 = vector.shape_cast %add3A_1663 : vector<16xf32> to vector<1x1x16xf32>
      tpu.vector_store %arg14[%swap3A_1666, %swap3A_1667, %swap3A_1668], %swap3A_1671 {strides = array<i32>} : memref<2x8x1024xf32, #tpu.memory_space<vmem>>, vector<1x1x16xf32>,
      %mul3A_1672 = arith.mulf %select_n3A_1660, %get3A_1591 : vector<16xf32>
      %mul3A_1673 = arith.mulf %select_n3A_1659, %get3A_1597 : vector<16xf32>
      %sub3A_1674 = arith.subf %mul3A_1672, %mul3A_1673 : vector<16xf32>
      %swap3A_1675 = arith.constant 1 : i32
      %swap3A_1676 = arith.constant 1 : i32
      %swap3A_1677 = arith.index_cast %swap3A_1675 : i32 to index
      %swap3A_1678 = arith.index_cast %swap3A_1676 : i32 to index
      %swap3A_1679 = arith.index_cast %multiple_of3A : i32 to index
      %swap3A_1680 = tpu.vector_load %arg15[%swap3A_1677, %swap3A_1678, %swap3A_1679] {strides = array<i32>} : memref<2x8x1024xf32, #tpu.memory_space<vmem>>, vector<1x1x16xf32>,
      %swap3A_1681 = vector.shape_cast %swap3A_1680 : vector<1x1x16xf32> to vector<16xf32>
      %swap3A_1682 = vector.shape_cast %sub3A_1674 : vector<16xf32> to vector<1x1x16xf32>
      tpu.vector_store %arg15[%swap3A_1677, %swap3A_1678, %swap3A_1679], %swap3A_1682 {strides = array<i32>} : memref<2x8x1024xf32, #tpu.memory_space<vmem>>, vector<1x1x16xf32>,
      %get3A_1683 = arith.constant 1 : i32
      %get3A_1684 = arith.constant 2 : i32
      %get3A_1685 = arith.index_cast %get3A_1683 : i32 to index
      %get3A_1686 = arith.index_cast %get3A_1684 : i32 to index
      %get3A_1687 = arith.index_cast %multiple_of3A_1585 : i32 to index
      %get3A_1688 = tpu.vector_load %arg12[%get3A_1685, %get3A_1686, %get3A_1687] {strides = array<i32>} : memref<2x8x1152xf32, #tpu.memory_space<vmem>>, vector<1x1x16xf32>,
      %get3A_1689 = vector.shape_cast %get3A_1688 : vector<1x1x16xf32> to vector<16xf32>
      %broadcast_in_dim3A_1690 = vector.shape_cast %and3A_104 : vector<16xi32> to vector<16x1xi32>
      %gather3A_1691 = vector.shape_cast %broadcast_in_dim3A_1690 : vector<16x1xi32> to vector<16xi32>
      %gather3A_1692 = tpu.dynamic_gather %get3A_1689[%gather3A_1691] in [0] : vector<16xf32>, vector<16xi32> -> vector<16xf32>
      %get3A_1693 = arith.constant 1 : i32
      %get3A_1694 = arith.constant 2 : i32
      %get3A_1695 = arith.index_cast %get3A_1693 : i32 to index
      %get3A_1696 = arith.index_cast %get3A_1694 : i32 to index
      %get3A_1697 = arith.index_cast %multiple_of3A_1585 : i32 to index
      %get3A_1698 = tpu.vector_load %arg13[%get3A_1695, %get3A_1696, %get3A_1697] {strides = array<i32>} : memref<2x8x1152xf32, #tpu.memory_space<vmem>>, vector<1x1x16xf32>,
      %get3A_1699 = vector.shape_cast %get3A_1698 : vector<1x1x16xf32> to vector<16xf32>
      %broadcast_in_dim3A_1700 = vector.shape_cast %and3A_104 : vector<16xi32> to vector<16x1xi32>
      %gather3A_1701 = vector.shape_cast %broadcast_in_dim3A_1700 : vector<16x1xi32> to vector<16xi32>
      %gather3A_1702 = tpu.dynamic_gather %get3A_1699[%gather3A_1701] in [0] : vector<16xf32>, vector<16xi32> -> vector<16xf32>
      %select_n3A_1703 = arith.select %eq3A_106, %gather3A_1692, %scan3A_1567 : vector<16xi1>, vector<16xf32>
      %select_n3A_1704 = arith.select %eq3A_106, %gather3A_1702, %scan3A_1568 : vector<16xi1>, vector<16xf32>
      %mul3A_1705 = arith.mulf %select_n3A_1703, %get3A_1591 : vector<16xf32>
      %mul3A_1706 = arith.mulf %select_n3A_1704, %get3A_1597 : vector<16xf32>
      %add3A_1707 = arith.addf %mul3A_1705, %mul3A_1706 : vector<16xf32>
      %swap3A_1708 = arith.constant 1 : i32
      %swap3A_1709 = arith.constant 2 : i32
      %swap3A_1710 = arith.index_cast %swap3A_1708 : i32 to index
      %swap3A_1711 = arith.index_cast %swap3A_1709 : i32 to index
      %swap3A_1712 = arith.index_cast %multiple_of3A : i32 to index
      %swap3A_1713 = tpu.vector_load %arg14[%swap3A_1710, %swap3A_1711, %swap3A_1712] {strides = array<i32>} : memref<2x8x1024xf32, #tpu.memory_space<vmem>>, vector<1x1x16xf32>,
      %swap3A_1714 = vector.shape_cast %swap3A_1713 : vector<1x1x16xf32> to vector<16xf32>
      %swap3A_1715 = vector.shape_cast %add3A_1707 : vector<16xf32> to vector<1x1x16xf32>
      tpu.vector_store %arg14[%swap3A_1710, %swap3A_1711, %swap3A_1712], %swap3A_1715 {strides = array<i32>} : memref<2x8x1024xf32, #tpu.memory_space<vmem>>, vector<1x1x16xf32>,
      %mul3A_1716 = arith.mulf %select_n3A_1704, %get3A_1591 : vector<16xf32>
      %mul3A_1717 = arith.mulf %select_n3A_1703, %get3A_1597 : vector<16xf32>
      %sub3A_1718 = arith.subf %mul3A_1716, %mul3A_1717 : vector<16xf32>
      %swap3A_1719 = arith.constant 1 : i32
      %swap3A_1720 = arith.constant 2 : i32
      %swap3A_1721 = arith.index_cast %swap3A_1719 : i32 to index
      %swap3A_1722 = arith.index_cast %swap3A_1720 : i32 to index
      %swap3A_1723 = arith.index_cast %multiple_of3A : i32 to index
      %swap3A_1724 = tpu.vector_load %arg15[%swap3A_1721, %swap3A_1722, %swap3A_1723] {strides = array<i32>} : memref<2x8x1024xf32, #tpu.memory_space<vmem>>, vector<1x1x16xf32>,
      %swap3A_1725 = vector.shape_cast %swap3A_1724 : vector<1x1x16xf32> to vector<16xf32>
      %swap3A_1726 = vector.shape_cast %sub3A_1718 : vector<16xf32> to vector<1x1x16xf32>
      tpu.vector_store %arg15[%swap3A_1721, %swap3A_1722, %swap3A_1723], %swap3A_1726 {strides = array<i32>} : memref<2x8x1024xf32, #tpu.memory_space<vmem>>, vector<1x1x16xf32>,
      %get3A_1727 = arith.constant 1 : i32
      %get3A_1728 = arith.constant 3 : i32
      %get3A_1729 = arith.index_cast %get3A_1727 : i32 to index
      %get3A_1730 = arith.index_cast %get3A_1728 : i32 to index
      %get3A_1731 = arith.index_cast %multiple_of3A_1585 : i32 to index
      %get3A_1732 = tpu.vector_load %arg12[%get3A_1729, %get3A_1730, %get3A_1731] {strides = array<i32>} : memref<2x8x1152xf32, #tpu.memory_space<vmem>>, vector<1x1x16xf32>,
      %get3A_1733 = vector.shape_cast %get3A_1732 : vector<1x1x16xf32> to vector<16xf32>
      %broadcast_in_dim3A_1734 = vector.shape_cast %and3A_104 : vector<16xi32> to vector<16x1xi32>
      %gather3A_1735 = vector.shape_cast %broadcast_in_dim3A_1734 : vector<16x1xi32> to vector<16xi32>
      %gather3A_1736 = tpu.dynamic_gather %get3A_1733[%gather3A_1735] in [0] : vector<16xf32>, vector<16xi32> -> vector<16xf32>
      %get3A_1737 = arith.constant 1 : i32
      %get3A_1738 = arith.constant 3 : i32
      %get3A_1739 = arith.index_cast %get3A_1737 : i32 to index
      %get3A_1740 = arith.index_cast %get3A_1738 : i32 to index
      %get3A_1741 = arith.index_cast %multiple_of3A_1585 : i32 to index
      %get3A_1742 = tpu.vector_load %arg13[%get3A_1739, %get3A_1740, %get3A_1741] {strides = array<i32>} : memref<2x8x1152xf32, #tpu.memory_space<vmem>>, vector<1x1x16xf32>,
      %get3A_1743 = vector.shape_cast %get3A_1742 : vector<1x1x16xf32> to vector<16xf32>
      %broadcast_in_dim3A_1744 = vector.shape_cast %and3A_104 : vector<16xi32> to vector<16x1xi32>
      %gather3A_1745 = vector.shape_cast %broadcast_in_dim3A_1744 : vector<16x1xi32> to vector<16xi32>
      %gather3A_1746 = tpu.dynamic_gather %get3A_1743[%gather3A_1745] in [0] : vector<16xf32>, vector<16xi32> -> vector<16xf32>
      %select_n3A_1747 = arith.select %eq3A_106, %gather3A_1736, %scan3A_1569 : vector<16xi1>, vector<16xf32>
      %select_n3A_1748 = arith.select %eq3A_106, %gather3A_1746, %scan3A_1570 : vector<16xi1>, vector<16xf32>
      %mul3A_1749 = arith.mulf %select_n3A_1747, %get3A_1591 : vector<16xf32>
      %mul3A_1750 = arith.mulf %select_n3A_1748, %get3A_1597 : vector<16xf32>
      %add3A_1751 = arith.addf %mul3A_1749, %mul3A_1750 : vector<16xf32>
      %swap3A_1752 = arith.constant 1 : i32
      %swap3A_1753 = arith.constant 3 : i32
      %swap3A_1754 = arith.index_cast %swap3A_1752 : i32 to index
      %swap3A_1755 = arith.index_cast %swap3A_1753 : i32 to index
      %swap3A_1756 = arith.index_cast %multiple_of3A : i32 to index
      %swap3A_1757 = tpu.vector_load %arg14[%swap3A_1754, %swap3A_1755, %swap3A_1756] {strides = array<i32>} : memref<2x8x1024xf32, #tpu.memory_space<vmem>>, vector<1x1x16xf32>,
      %swap3A_1758 = vector.shape_cast %swap3A_1757 : vector<1x1x16xf32> to vector<16xf32>
      %swap3A_1759 = vector.shape_cast %add3A_1751 : vector<16xf32> to vector<1x1x16xf32>
      tpu.vector_store %arg14[%swap3A_1754, %swap3A_1755, %swap3A_1756], %swap3A_1759 {strides = array<i32>} : memref<2x8x1024xf32, #tpu.memory_space<vmem>>, vector<1x1x16xf32>,
      %mul3A_1760 = arith.mulf %select_n3A_1748, %get3A_1591 : vector<16xf32>
      %mul3A_1761 = arith.mulf %select_n3A_1747, %get3A_1597 : vector<16xf32>
      %sub3A_1762 = arith.subf %mul3A_1760, %mul3A_1761 : vector<16xf32>
      %swap3A_1763 = arith.constant 1 : i32
      %swap3A_1764 = arith.constant 3 : i32
      %swap3A_1765 = arith.index_cast %swap3A_1763 : i32 to index
      %swap3A_1766 = arith.index_cast %swap3A_1764 : i32 to index
      %swap3A_1767 = arith.index_cast %multiple_of3A : i32 to index
      %swap3A_1768 = tpu.vector_load %arg15[%swap3A_1765, %swap3A_1766, %swap3A_1767] {strides = array<i32>} : memref<2x8x1024xf32, #tpu.memory_space<vmem>>, vector<1x1x16xf32>,
      %swap3A_1769 = vector.shape_cast %swap3A_1768 : vector<1x1x16xf32> to vector<16xf32>
      %swap3A_1770 = vector.shape_cast %sub3A_1762 : vector<16xf32> to vector<1x1x16xf32>
      tpu.vector_store %arg15[%swap3A_1765, %swap3A_1766, %swap3A_1767], %swap3A_1770 {strides = array<i32>} : memref<2x8x1024xf32, #tpu.memory_space<vmem>>, vector<1x1x16xf32>,
      %get3A_1771 = arith.constant 1 : i32
      %get3A_1772 = arith.constant 4 : i32
      %get3A_1773 = arith.index_cast %get3A_1771 : i32 to index
      %get3A_1774 = arith.index_cast %get3A_1772 : i32 to index
      %get3A_1775 = arith.index_cast %multiple_of3A_1585 : i32 to index
      %get3A_1776 = tpu.vector_load %arg12[%get3A_1773, %get3A_1774, %get3A_1775] {strides = array<i32>} : memref<2x8x1152xf32, #tpu.memory_space<vmem>>, vector<1x1x16xf32>,
      %get3A_1777 = vector.shape_cast %get3A_1776 : vector<1x1x16xf32> to vector<16xf32>
      %broadcast_in_dim3A_1778 = vector.shape_cast %and3A_104 : vector<16xi32> to vector<16x1xi32>
      %gather3A_1779 = vector.shape_cast %broadcast_in_dim3A_1778 : vector<16x1xi32> to vector<16xi32>
      %gather3A_1780 = tpu.dynamic_gather %get3A_1777[%gather3A_1779] in [0] : vector<16xf32>, vector<16xi32> -> vector<16xf32>
      %get3A_1781 = arith.constant 1 : i32
      %get3A_1782 = arith.constant 4 : i32
      %get3A_1783 = arith.index_cast %get3A_1781 : i32 to index
      %get3A_1784 = arith.index_cast %get3A_1782 : i32 to index
      %get3A_1785 = arith.index_cast %multiple_of3A_1585 : i32 to index
      %get3A_1786 = tpu.vector_load %arg13[%get3A_1783, %get3A_1784, %get3A_1785] {strides = array<i32>} : memref<2x8x1152xf32, #tpu.memory_space<vmem>>, vector<1x1x16xf32>,
      %get3A_1787 = vector.shape_cast %get3A_1786 : vector<1x1x16xf32> to vector<16xf32>
      %broadcast_in_dim3A_1788 = vector.shape_cast %and3A_104 : vector<16xi32> to vector<16x1xi32>
      %gather3A_1789 = vector.shape_cast %broadcast_in_dim3A_1788 : vector<16x1xi32> to vector<16xi32>
      %gather3A_1790 = tpu.dynamic_gather %get3A_1787[%gather3A_1789] in [0] : vector<16xf32>, vector<16xi32> -> vector<16xf32>
      %select_n3A_1791 = arith.select %eq3A_106, %gather3A_1780, %scan3A_1571 : vector<16xi1>, vector<16xf32>
      %select_n3A_1792 = arith.select %eq3A_106, %gather3A_1790, %scan3A_1572 : vector<16xi1>, vector<16xf32>
      %mul3A_1793 = arith.mulf %select_n3A_1791, %get3A_1591 : vector<16xf32>
      %mul3A_1794 = arith.mulf %select_n3A_1792, %get3A_1597 : vector<16xf32>
      %add3A_1795 = arith.addf %mul3A_1793, %mul3A_1794 : vector<16xf32>
      %swap3A_1796 = arith.constant 1 : i32
      %swap3A_1797 = arith.constant 4 : i32
      %swap3A_1798 = arith.index_cast %swap3A_1796 : i32 to index
      %swap3A_1799 = arith.index_cast %swap3A_1797 : i32 to index
      %swap3A_1800 = arith.index_cast %multiple_of3A : i32 to index
      %swap3A_1801 = tpu.vector_load %arg14[%swap3A_1798, %swap3A_1799, %swap3A_1800] {strides = array<i32>} : memref<2x8x1024xf32, #tpu.memory_space<vmem>>, vector<1x1x16xf32>,
      %swap3A_1802 = vector.shape_cast %swap3A_1801 : vector<1x1x16xf32> to vector<16xf32>
      %swap3A_1803 = vector.shape_cast %add3A_1795 : vector<16xf32> to vector<1x1x16xf32>
      tpu.vector_store %arg14[%swap3A_1798, %swap3A_1799, %swap3A_1800], %swap3A_1803 {strides = array<i32>} : memref<2x8x1024xf32, #tpu.memory_space<vmem>>, vector<1x1x16xf32>,
      %mul3A_1804 = arith.mulf %select_n3A_1792, %get3A_1591 : vector<16xf32>
      %mul3A_1805 = arith.mulf %select_n3A_1791, %get3A_1597 : vector<16xf32>
      %sub3A_1806 = arith.subf %mul3A_1804, %mul3A_1805 : vector<16xf32>
      %swap3A_1807 = arith.constant 1 : i32
      %swap3A_1808 = arith.constant 4 : i32
      %swap3A_1809 = arith.index_cast %swap3A_1807 : i32 to index
      %swap3A_1810 = arith.index_cast %swap3A_1808 : i32 to index
      %swap3A_1811 = arith.index_cast %multiple_of3A : i32 to index
      %swap3A_1812 = tpu.vector_load %arg15[%swap3A_1809, %swap3A_1810, %swap3A_1811] {strides = array<i32>} : memref<2x8x1024xf32, #tpu.memory_space<vmem>>, vector<1x1x16xf32>,
      %swap3A_1813 = vector.shape_cast %swap3A_1812 : vector<1x1x16xf32> to vector<16xf32>
      %swap3A_1814 = vector.shape_cast %sub3A_1806 : vector<16xf32> to vector<1x1x16xf32>
      tpu.vector_store %arg15[%swap3A_1809, %swap3A_1810, %swap3A_1811], %swap3A_1814 {strides = array<i32>} : memref<2x8x1024xf32, #tpu.memory_space<vmem>>, vector<1x1x16xf32>,
      %get3A_1815 = arith.constant 1 : i32
      %get3A_1816 = arith.constant 5 : i32
      %get3A_1817 = arith.index_cast %get3A_1815 : i32 to index
      %get3A_1818 = arith.index_cast %get3A_1816 : i32 to index
      %get3A_1819 = arith.index_cast %multiple_of3A_1585 : i32 to index
      %get3A_1820 = tpu.vector_load %arg12[%get3A_1817, %get3A_1818, %get3A_1819] {strides = array<i32>} : memref<2x8x1152xf32, #tpu.memory_space<vmem>>, vector<1x1x16xf32>,
      %get3A_1821 = vector.shape_cast %get3A_1820 : vector<1x1x16xf32> to vector<16xf32>
      %broadcast_in_dim3A_1822 = vector.shape_cast %and3A_104 : vector<16xi32> to vector<16x1xi32>
      %gather3A_1823 = vector.shape_cast %broadcast_in_dim3A_1822 : vector<16x1xi32> to vector<16xi32>
      %gather3A_1824 = tpu.dynamic_gather %get3A_1821[%gather3A_1823] in [0] : vector<16xf32>, vector<16xi32> -> vector<16xf32>
      %get3A_1825 = arith.constant 1 : i32
      %get3A_1826 = arith.constant 5 : i32
      %get3A_1827 = arith.index_cast %get3A_1825 : i32 to index
      %get3A_1828 = arith.index_cast %get3A_1826 : i32 to index
      %get3A_1829 = arith.index_cast %multiple_of3A_1585 : i32 to index
      %get3A_1830 = tpu.vector_load %arg13[%get3A_1827, %get3A_1828, %get3A_1829] {strides = array<i32>} : memref<2x8x1152xf32, #tpu.memory_space<vmem>>, vector<1x1x16xf32>,
      %get3A_1831 = vector.shape_cast %get3A_1830 : vector<1x1x16xf32> to vector<16xf32>
      %broadcast_in_dim3A_1832 = vector.shape_cast %and3A_104 : vector<16xi32> to vector<16x1xi32>
      %gather3A_1833 = vector.shape_cast %broadcast_in_dim3A_1832 : vector<16x1xi32> to vector<16xi32>
      %gather3A_1834 = tpu.dynamic_gather %get3A_1831[%gather3A_1833] in [0] : vector<16xf32>, vector<16xi32> -> vector<16xf32>
      %select_n3A_1835 = arith.select %eq3A_106, %gather3A_1824, %scan3A_1573 : vector<16xi1>, vector<16xf32>
      %select_n3A_1836 = arith.select %eq3A_106, %gather3A_1834, %scan3A_1574 : vector<16xi1>, vector<16xf32>
      %mul3A_1837 = arith.mulf %select_n3A_1835, %get3A_1591 : vector<16xf32>
      %mul3A_1838 = arith.mulf %select_n3A_1836, %get3A_1597 : vector<16xf32>
      %add3A_1839 = arith.addf %mul3A_1837, %mul3A_1838 : vector<16xf32>
      %swap3A_1840 = arith.constant 1 : i32
      %swap3A_1841 = arith.constant 5 : i32
      %swap3A_1842 = arith.index_cast %swap3A_1840 : i32 to index
      %swap3A_1843 = arith.index_cast %swap3A_1841 : i32 to index
      %swap3A_1844 = arith.index_cast %multiple_of3A : i32 to index
      %swap3A_1845 = tpu.vector_load %arg14[%swap3A_1842, %swap3A_1843, %swap3A_1844] {strides = array<i32>} : memref<2x8x1024xf32, #tpu.memory_space<vmem>>, vector<1x1x16xf32>,
      %swap3A_1846 = vector.shape_cast %swap3A_1845 : vector<1x1x16xf32> to vector<16xf32>
      %swap3A_1847 = vector.shape_cast %add3A_1839 : vector<16xf32> to vector<1x1x16xf32>
      tpu.vector_store %arg14[%swap3A_1842, %swap3A_1843, %swap3A_1844], %swap3A_1847 {strides = array<i32>} : memref<2x8x1024xf32, #tpu.memory_space<vmem>>, vector<1x1x16xf32>,
      %mul3A_1848 = arith.mulf %select_n3A_1836, %get3A_1591 : vector<16xf32>
      %mul3A_1849 = arith.mulf %select_n3A_1835, %get3A_1597 : vector<16xf32>
      %sub3A_1850 = arith.subf %mul3A_1848, %mul3A_1849 : vector<16xf32>
      %swap3A_1851 = arith.constant 1 : i32
      %swap3A_1852 = arith.constant 5 : i32
      %swap3A_1853 = arith.index_cast %swap3A_1851 : i32 to index
      %swap3A_1854 = arith.index_cast %swap3A_1852 : i32 to index
      %swap3A_1855 = arith.index_cast %multiple_of3A : i32 to index
      %swap3A_1856 = tpu.vector_load %arg15[%swap3A_1853, %swap3A_1854, %swap3A_1855] {strides = array<i32>} : memref<2x8x1024xf32, #tpu.memory_space<vmem>>, vector<1x1x16xf32>,
      %swap3A_1857 = vector.shape_cast %swap3A_1856 : vector<1x1x16xf32> to vector<16xf32>
      %swap3A_1858 = vector.shape_cast %sub3A_1850 : vector<16xf32> to vector<1x1x16xf32>
      tpu.vector_store %arg15[%swap3A_1853, %swap3A_1854, %swap3A_1855], %swap3A_1858 {strides = array<i32>} : memref<2x8x1024xf32, #tpu.memory_space<vmem>>, vector<1x1x16xf32>,
      %get3A_1859 = arith.constant 1 : i32
      %get3A_1860 = arith.constant 6 : i32
      %get3A_1861 = arith.index_cast %get3A_1859 : i32 to index
      %get3A_1862 = arith.index_cast %get3A_1860 : i32 to index
      %get3A_1863 = arith.index_cast %multiple_of3A_1585 : i32 to index
      %get3A_1864 = tpu.vector_load %arg12[%get3A_1861, %get3A_1862, %get3A_1863] {strides = array<i32>} : memref<2x8x1152xf32, #tpu.memory_space<vmem>>, vector<1x1x16xf32>,
      %get3A_1865 = vector.shape_cast %get3A_1864 : vector<1x1x16xf32> to vector<16xf32>
      %broadcast_in_dim3A_1866 = vector.shape_cast %and3A_104 : vector<16xi32> to vector<16x1xi32>
      %gather3A_1867 = vector.shape_cast %broadcast_in_dim3A_1866 : vector<16x1xi32> to vector<16xi32>
      %gather3A_1868 = tpu.dynamic_gather %get3A_1865[%gather3A_1867] in [0] : vector<16xf32>, vector<16xi32> -> vector<16xf32>
      %get3A_1869 = arith.constant 1 : i32
      %get3A_1870 = arith.constant 6 : i32
      %get3A_1871 = arith.index_cast %get3A_1869 : i32 to index
      %get3A_1872 = arith.index_cast %get3A_1870 : i32 to index
      %get3A_1873 = arith.index_cast %multiple_of3A_1585 : i32 to index
      %get3A_1874 = tpu.vector_load %arg13[%get3A_1871, %get3A_1872, %get3A_1873] {strides = array<i32>} : memref<2x8x1152xf32, #tpu.memory_space<vmem>>, vector<1x1x16xf32>,
      %get3A_1875 = vector.shape_cast %get3A_1874 : vector<1x1x16xf32> to vector<16xf32>
      %broadcast_in_dim3A_1876 = vector.shape_cast %and3A_104 : vector<16xi32> to vector<16x1xi32>
      %gather3A_1877 = vector.shape_cast %broadcast_in_dim3A_1876 : vector<16x1xi32> to vector<16xi32>
      %gather3A_1878 = tpu.dynamic_gather %get3A_1875[%gather3A_1877] in [0] : vector<16xf32>, vector<16xi32> -> vector<16xf32>
      %select_n3A_1879 = arith.select %eq3A_106, %gather3A_1868, %scan3A_1575 : vector<16xi1>, vector<16xf32>
      %select_n3A_1880 = arith.select %eq3A_106, %gather3A_1878, %scan3A_1576 : vector<16xi1>, vector<16xf32>
      %mul3A_1881 = arith.mulf %select_n3A_1879, %get3A_1591 : vector<16xf32>
      %mul3A_1882 = arith.mulf %select_n3A_1880, %get3A_1597 : vector<16xf32>
      %add3A_1883 = arith.addf %mul3A_1881, %mul3A_1882 : vector<16xf32>
      %swap3A_1884 = arith.constant 1 : i32
      %swap3A_1885 = arith.constant 6 : i32
      %swap3A_1886 = arith.index_cast %swap3A_1884 : i32 to index
      %swap3A_1887 = arith.index_cast %swap3A_1885 : i32 to index
      %swap3A_1888 = arith.index_cast %multiple_of3A : i32 to index
      %swap3A_1889 = tpu.vector_load %arg14[%swap3A_1886, %swap3A_1887, %swap3A_1888] {strides = array<i32>} : memref<2x8x1024xf32, #tpu.memory_space<vmem>>, vector<1x1x16xf32>,
      %swap3A_1890 = vector.shape_cast %swap3A_1889 : vector<1x1x16xf32> to vector<16xf32>
      %swap3A_1891 = vector.shape_cast %add3A_1883 : vector<16xf32> to vector<1x1x16xf32>
      tpu.vector_store %arg14[%swap3A_1886, %swap3A_1887, %swap3A_1888], %swap3A_1891 {strides = array<i32>} : memref<2x8x1024xf32, #tpu.memory_space<vmem>>, vector<1x1x16xf32>,
      %mul3A_1892 = arith.mulf %select_n3A_1880, %get3A_1591 : vector<16xf32>
      %mul3A_1893 = arith.mulf %select_n3A_1879, %get3A_1597 : vector<16xf32>
      %sub3A_1894 = arith.subf %mul3A_1892, %mul3A_1893 : vector<16xf32>
      %swap3A_1895 = arith.constant 1 : i32
      %swap3A_1896 = arith.constant 6 : i32
      %swap3A_1897 = arith.index_cast %swap3A_1895 : i32 to index
      %swap3A_1898 = arith.index_cast %swap3A_1896 : i32 to index
      %swap3A_1899 = arith.index_cast %multiple_of3A : i32 to index
      %swap3A_1900 = tpu.vector_load %arg15[%swap3A_1897, %swap3A_1898, %swap3A_1899] {strides = array<i32>} : memref<2x8x1024xf32, #tpu.memory_space<vmem>>, vector<1x1x16xf32>,
      %swap3A_1901 = vector.shape_cast %swap3A_1900 : vector<1x1x16xf32> to vector<16xf32>
      %swap3A_1902 = vector.shape_cast %sub3A_1894 : vector<16xf32> to vector<1x1x16xf32>
      tpu.vector_store %arg15[%swap3A_1897, %swap3A_1898, %swap3A_1899], %swap3A_1902 {strides = array<i32>} : memref<2x8x1024xf32, #tpu.memory_space<vmem>>, vector<1x1x16xf32>,
      %get3A_1903 = arith.constant 1 : i32
      %get3A_1904 = arith.constant 7 : i32
      %get3A_1905 = arith.index_cast %get3A_1903 : i32 to index
      %get3A_1906 = arith.index_cast %get3A_1904 : i32 to index
      %get3A_1907 = arith.index_cast %multiple_of3A_1585 : i32 to index
      %get3A_1908 = tpu.vector_load %arg12[%get3A_1905, %get3A_1906, %get3A_1907] {strides = array<i32>} : memref<2x8x1152xf32, #tpu.memory_space<vmem>>, vector<1x1x16xf32>,
      %get3A_1909 = vector.shape_cast %get3A_1908 : vector<1x1x16xf32> to vector<16xf32>
      %broadcast_in_dim3A_1910 = vector.shape_cast %and3A_104 : vector<16xi32> to vector<16x1xi32>
      %gather3A_1911 = vector.shape_cast %broadcast_in_dim3A_1910 : vector<16x1xi32> to vector<16xi32>
      %gather3A_1912 = tpu.dynamic_gather %get3A_1909[%gather3A_1911] in [0] : vector<16xf32>, vector<16xi32> -> vector<16xf32>
      %get3A_1913 = arith.constant 1 : i32
      %get3A_1914 = arith.constant 7 : i32
      %get3A_1915 = arith.index_cast %get3A_1913 : i32 to index
      %get3A_1916 = arith.index_cast %get3A_1914 : i32 to index
      %get3A_1917 = arith.index_cast %multiple_of3A_1585 : i32 to index
      %get3A_1918 = tpu.vector_load %arg13[%get3A_1915, %get3A_1916, %get3A_1917] {strides = array<i32>} : memref<2x8x1152xf32, #tpu.memory_space<vmem>>, vector<1x1x16xf32>,
      %get3A_1919 = vector.shape_cast %get3A_1918 : vector<1x1x16xf32> to vector<16xf32>
      %broadcast_in_dim3A_1920 = vector.shape_cast %and3A_104 : vector<16xi32> to vector<16x1xi32>
      %gather3A_1921 = vector.shape_cast %broadcast_in_dim3A_1920 : vector<16x1xi32> to vector<16xi32>
      %gather3A_1922 = tpu.dynamic_gather %get3A_1919[%gather3A_1921] in [0] : vector<16xf32>, vector<16xi32> -> vector<16xf32>
      %select_n3A_1923 = arith.select %eq3A_106, %gather3A_1912, %scan3A_1577 : vector<16xi1>, vector<16xf32>
      %select_n3A_1924 = arith.select %eq3A_106, %gather3A_1922, %scan3A_1578 : vector<16xi1>, vector<16xf32>
      %mul3A_1925 = arith.mulf %select_n3A_1923, %get3A_1591 : vector<16xf32>
      %mul3A_1926 = arith.mulf %select_n3A_1924, %get3A_1597 : vector<16xf32>
      %add3A_1927 = arith.addf %mul3A_1925, %mul3A_1926 : vector<16xf32>
      %swap3A_1928 = arith.constant 1 : i32
      %swap3A_1929 = arith.constant 7 : i32
      %swap3A_1930 = arith.index_cast %swap3A_1928 : i32 to index
      %swap3A_1931 = arith.index_cast %swap3A_1929 : i32 to index
      %swap3A_1932 = arith.index_cast %multiple_of3A : i32 to index
      %swap3A_1933 = tpu.vector_load %arg14[%swap3A_1930, %swap3A_1931, %swap3A_1932] {strides = array<i32>} : memref<2x8x1024xf32, #tpu.memory_space<vmem>>, vector<1x1x16xf32>,
      %swap3A_1934 = vector.shape_cast %swap3A_1933 : vector<1x1x16xf32> to vector<16xf32>
      %swap3A_1935 = vector.shape_cast %add3A_1927 : vector<16xf32> to vector<1x1x16xf32>
      tpu.vector_store %arg14[%swap3A_1930, %swap3A_1931, %swap3A_1932], %swap3A_1935 {strides = array<i32>} : memref<2x8x1024xf32, #tpu.memory_space<vmem>>, vector<1x1x16xf32>,
      %mul3A_1936 = arith.mulf %select_n3A_1924, %get3A_1591 : vector<16xf32>
      %mul3A_1937 = arith.mulf %select_n3A_1923, %get3A_1597 : vector<16xf32>
      %sub3A_1938 = arith.subf %mul3A_1936, %mul3A_1937 : vector<16xf32>
      %swap3A_1939 = arith.constant 1 : i32
      %swap3A_1940 = arith.constant 7 : i32
      %swap3A_1941 = arith.index_cast %swap3A_1939 : i32 to index
      %swap3A_1942 = arith.index_cast %swap3A_1940 : i32 to index
      %swap3A_1943 = arith.index_cast %multiple_of3A : i32 to index
      %swap3A_1944 = tpu.vector_load %arg15[%swap3A_1941, %swap3A_1942, %swap3A_1943] {strides = array<i32>} : memref<2x8x1024xf32, #tpu.memory_space<vmem>>, vector<1x1x16xf32>,
      %swap3A_1945 = vector.shape_cast %swap3A_1944 : vector<1x1x16xf32> to vector<16xf32>
      %swap3A_1946 = vector.shape_cast %sub3A_1938 : vector<16xf32> to vector<1x1x16xf32>
      tpu.vector_store %arg15[%swap3A_1941, %swap3A_1942, %swap3A_1943], %swap3A_1946 {strides = array<i32>} : memref<2x8x1024xf32, #tpu.memory_space<vmem>>, vector<1x1x16xf32>,
      scf.yield %gather3A_1607, %gather3A_1617, %gather3A_1648, %gather3A_1658, %gather3A_1692, %gather3A_1702, %gather3A_1736, %gather3A_1746, %gather3A_1780, %gather3A_1790, %gather3A_1824, %gather3A_1834, %gather3A_1868, %gather3A_1878, %gather3A_1912, %gather3A_1922 : vector<16xf32>, vector<16xf32>, vector<16xf32>, vector<16xf32>, vector<16xf32>, vector<16xf32>, vector<16xf32>, vector<16xf32>, vector<16xf32>, vector<16xf32>, vector<16xf32>, vector<16xf32>, vector<16xf32>, vector<16xf32>, vector<16xf32>, vector<16xf32>
    }
    %scan3A_825 = arith.constant 32 : i32
    %mul3A_826 = arith.constant 8 : i32
    %mul3A_827 = arith.muli %add3A, %mul3A_826 : i32
    %add3A_828 = arith.constant 0 : i32
    %add3A_829 = arith.addi %mul3A_827, %add3A_828 : i32
    %mul3A_830 = arith.constant 2048 : i32
    %mul3A_831 = arith.muli %add3A_829, %mul3A_830 : i32
    %add3A_832 = arith.constant 1024 : i32
    %add3A_833 = arith.addi %mul3A_831, %add3A_832 : i32
    %dma_start3A_834 = arith.constant 1 : i32
    %dma_start3A_835 = arith.constant 0 : i32
    %dma_start3A_836 = arith.constant 1 : i32
    %dma_start3A_837 = arith.constant 0 : i32
    %dma_start3A_838 = arith.constant 0 : i32
    %dma_start3A_839 = tpu.memref_slice %arg14[%dma_start3A_834, %dma_start3A_835, %dma_start3A_838] : memref<2x8x1024xf32, #tpu.memory_space<vmem>> -> memref<1x1x1024xf32, #tpu.memory_space<vmem>>
    %dma_start3A_840 = tpu.memref_squeeze %dma_start3A_839 : memref<1x1x1024xf32, #tpu.memory_space<vmem>> -> memref<1024xf32, #tpu.memory_space<vmem>>
    %dma_start3A_841 = tpu.memref_slice %arg7[%add3A_833] : memref<524288xf32, #tpu.memory_space<hbm>> -> memref<1024xf32, #tpu.memory_space<hbm>>
    %dma_start3A_842 = tpu.memref_slice %arg19[%dma_start3A_836, %dma_start3A_837] : memref<2x2x!tpu.dma_semaphore, #tpu.memory_space<semaphore_mem>> -> memref<1x1x!tpu.dma_semaphore, #tpu.memory_space<semaphore_mem>>
    %dma_start3A_843 = tpu.memref_squeeze %dma_start3A_842 : memref<1x1x!tpu.dma_semaphore, #tpu.memory_space<semaphore_mem>> -> memref<!tpu.dma_semaphore, #tpu.memory_space<semaphore_mem>>
    %dma_start3A_844 = tpu.memref_slice %arg7[%add3A_833] : memref<524288xf32, #tpu.memory_space<hbm>> -> memref<1024xf32, #tpu.memory_space<hbm>>
    %dma_start3A_845 = arith.constant 0 : i32
    %dma_start3A_846 = tpu.memref_slice %arg14[%dma_start3A_834, %dma_start3A_835, %dma_start3A_845] : memref<2x8x1024xf32, #tpu.memory_space<vmem>> -> memref<1x1x1024xf32, #tpu.memory_space<vmem>>
    %dma_start3A_847 = tpu.memref_squeeze %dma_start3A_846 : memref<1x1x1024xf32, #tpu.memory_space<vmem>> -> memref<1024xf32, #tpu.memory_space<vmem>>
    tpu.enqueue_dma source(%dma_start3A_847 : memref<1024xf32, #tpu.memory_space<vmem>>) target(%dma_start3A_844 : memref<1024xf32, #tpu.memory_space<hbm>>) target_semaphore(%dma_start3A_843 : memref<!tpu.dma_semaphore, #tpu.memory_space<semaphore_mem>>)
    %dma_start3A_848 = arith.constant 1 : i32
    %dma_start3A_849 = arith.constant 0 : i32
    %dma_start3A_850 = arith.constant 1 : i32
    %dma_start3A_851 = arith.constant 1 : i32
    %dma_start3A_852 = arith.constant 0 : i32
    %dma_start3A_853 = tpu.memref_slice %arg15[%dma_start3A_848, %dma_start3A_849, %dma_start3A_852] : memref<2x8x1024xf32, #tpu.memory_space<vmem>> -> memref<1x1x1024xf32, #tpu.memory_space<vmem>>
    %dma_start3A_854 = tpu.memref_squeeze %dma_start3A_853 : memref<1x1x1024xf32, #tpu.memory_space<vmem>> -> memref<1024xf32, #tpu.memory_space<vmem>>
    %dma_start3A_855 = tpu.memref_slice %arg8[%add3A_833] : memref<524288xf32, #tpu.memory_space<hbm>> -> memref<1024xf32, #tpu.memory_space<hbm>>
    %dma_start3A_856 = tpu.memref_slice %arg19[%dma_start3A_850, %dma_start3A_851] : memref<2x2x!tpu.dma_semaphore, #tpu.memory_space<semaphore_mem>> -> memref<1x1x!tpu.dma_semaphore, #tpu.memory_space<semaphore_mem>>
    %dma_start3A_857 = tpu.memref_squeeze %dma_start3A_856 : memref<1x1x!tpu.dma_semaphore, #tpu.memory_space<semaphore_mem>> -> memref<!tpu.dma_semaphore, #tpu.memory_space<semaphore_mem>>
    %dma_start3A_858 = tpu.memref_slice %arg8[%add3A_833] : memref<524288xf32, #tpu.memory_space<hbm>> -> memref<1024xf32, #tpu.memory_space<hbm>>
    %dma_start3A_859 = arith.constant 0 : i32
    %dma_start3A_860 = tpu.memref_slice %arg15[%dma_start3A_848, %dma_start3A_849, %dma_start3A_859] : memref<2x8x1024xf32, #tpu.memory_space<vmem>> -> memref<1x1x1024xf32, #tpu.memory_space<vmem>>
    %dma_start3A_861 = tpu.memref_squeeze %dma_start3A_860 : memref<1x1x1024xf32, #tpu.memory_space<vmem>> -> memref<1024xf32, #tpu.memory_space<vmem>>
    tpu.enqueue_dma source(%dma_start3A_861 : memref<1024xf32, #tpu.memory_space<vmem>>) target(%dma_start3A_858 : memref<1024xf32, #tpu.memory_space<hbm>>) target_semaphore(%dma_start3A_857 : memref<!tpu.dma_semaphore, #tpu.memory_space<semaphore_mem>>)
    %mul3A_862 = arith.constant 8 : i32
    %mul3A_863 = arith.muli %add3A, %mul3A_862 : i32
    %add3A_864 = arith.constant 1 : i32
    %add3A_865 = arith.addi %mul3A_863, %add3A_864 : i32
    %mul3A_866 = arith.constant 2048 : i32
    %mul3A_867 = arith.muli %add3A_865, %mul3A_866 : i32
    %add3A_868 = arith.constant 1024 : i32
    %add3A_869 = arith.addi %mul3A_867, %add3A_868 : i32
    %dma_start3A_870 = arith.constant 1 : i32
    %dma_start3A_871 = arith.constant 1 : i32
    %dma_start3A_872 = arith.constant 1 : i32
    %dma_start3A_873 = arith.constant 0 : i32
    %dma_start3A_874 = arith.constant 0 : i32
    %dma_start3A_875 = tpu.memref_slice %arg14[%dma_start3A_870, %dma_start3A_871, %dma_start3A_874] : memref<2x8x1024xf32, #tpu.memory_space<vmem>> -> memref<1x1x1024xf32, #tpu.memory_space<vmem>>
    %dma_start3A_876 = tpu.memref_squeeze %dma_start3A_875 : memref<1x1x1024xf32, #tpu.memory_space<vmem>> -> memref<1024xf32, #tpu.memory_space<vmem>>
    %dma_start3A_877 = tpu.memref_slice %arg7[%add3A_869] : memref<524288xf32, #tpu.memory_space<hbm>> -> memref<1024xf32, #tpu.memory_space<hbm>>
    %dma_start3A_878 = tpu.memref_slice %arg19[%dma_start3A_872, %dma_start3A_873] : memref<2x2x!tpu.dma_semaphore, #tpu.memory_space<semaphore_mem>> -> memref<1x1x!tpu.dma_semaphore, #tpu.memory_space<semaphore_mem>>
    %dma_start3A_879 = tpu.memref_squeeze %dma_start3A_878 : memref<1x1x!tpu.dma_semaphore, #tpu.memory_space<semaphore_mem>> -> memref<!tpu.dma_semaphore, #tpu.memory_space<semaphore_mem>>
    %dma_start3A_880 = tpu.memref_slice %arg7[%add3A_869] : memref<524288xf32, #tpu.memory_space<hbm>> -> memref<1024xf32, #tpu.memory_space<hbm>>
    %dma_start3A_881 = arith.constant 0 : i32
    %dma_start3A_882 = tpu.memref_slice %arg14[%dma_start3A_870, %dma_start3A_871, %dma_start3A_881] : memref<2x8x1024xf32, #tpu.memory_space<vmem>> -> memref<1x1x1024xf32, #tpu.memory_space<vmem>>
    %dma_start3A_883 = tpu.memref_squeeze %dma_start3A_882 : memref<1x1x1024xf32, #tpu.memory_space<vmem>> -> memref<1024xf32, #tpu.memory_space<vmem>>
    tpu.enqueue_dma source(%dma_start3A_883 : memref<1024xf32, #tpu.memory_space<vmem>>) target(%dma_start3A_880 : memref<1024xf32, #tpu.memory_space<hbm>>) target_semaphore(%dma_start3A_879 : memref<!tpu.dma_semaphore, #tpu.memory_space<semaphore_mem>>)
    %dma_start3A_884 = arith.constant 1 : i32
    %dma_start3A_885 = arith.constant 1 : i32
    %dma_start3A_886 = arith.constant 1 : i32
    %dma_start3A_887 = arith.constant 1 : i32
    %dma_start3A_888 = arith.constant 0 : i32
    %dma_start3A_889 = tpu.memref_slice %arg15[%dma_start3A_884, %dma_start3A_885, %dma_start3A_888] : memref<2x8x1024xf32, #tpu.memory_space<vmem>> -> memref<1x1x1024xf32, #tpu.memory_space<vmem>>
    %dma_start3A_890 = tpu.memref_squeeze %dma_start3A_889 : memref<1x1x1024xf32, #tpu.memory_space<vmem>> -> memref<1024xf32, #tpu.memory_space<vmem>>
    %dma_start3A_891 = tpu.memref_slice %arg8[%add3A_869] : memref<524288xf32, #tpu.memory_space<hbm>> -> memref<1024xf32, #tpu.memory_space<hbm>>
    %dma_start3A_892 = tpu.memref_slice %arg19[%dma_start3A_886, %dma_start3A_887] : memref<2x2x!tpu.dma_semaphore, #tpu.memory_space<semaphore_mem>> -> memref<1x1x!tpu.dma_semaphore, #tpu.memory_space<semaphore_mem>>
    %dma_start3A_893 = tpu.memref_squeeze %dma_start3A_892 : memref<1x1x!tpu.dma_semaphore, #tpu.memory_space<semaphore_mem>> -> memref<!tpu.dma_semaphore, #tpu.memory_space<semaphore_mem>>
    %dma_start3A_894 = tpu.memref_slice %arg8[%add3A_869] : memref<524288xf32, #tpu.memory_space<hbm>> -> memref<1024xf32, #tpu.memory_space<hbm>>
    %dma_start3A_895 = arith.constant 0 : i32
    %dma_start3A_896 = tpu.memref_slice %arg15[%dma_start3A_884, %dma_start3A_885, %dma_start3A_895] : memref<2x8x1024xf32, #tpu.memory_space<vmem>> -> memref<1x1x1024xf32, #tpu.memory_space<vmem>>
    %dma_start3A_897 = tpu.memref_squeeze %dma_start3A_896 : memref<1x1x1024xf32, #tpu.memory_space<vmem>> -> memref<1024xf32, #tpu.memory_space<vmem>>
    tpu.enqueue_dma source(%dma_start3A_897 : memref<1024xf32, #tpu.memory_space<vmem>>) target(%dma_start3A_894 : memref<1024xf32, #tpu.memory_space<hbm>>) target_semaphore(%dma_start3A_893 : memref<!tpu.dma_semaphore, #tpu.memory_space<semaphore_mem>>)
    %mul3A_898 = arith.constant 8 : i32
    %mul3A_899 = arith.muli %add3A, %mul3A_898 : i32
    %add3A_900 = arith.constant 2 : i32
    %add3A_901 = arith.addi %mul3A_899, %add3A_900 : i32
    %mul3A_902 = arith.constant 2048 : i32
    %mul3A_903 = arith.muli %add3A_901, %mul3A_902 : i32
    %add3A_904 = arith.constant 1024 : i32
    %add3A_905 = arith.addi %mul3A_903, %add3A_904 : i32
    %dma_start3A_906 = arith.constant 1 : i32
    %dma_start3A_907 = arith.constant 2 : i32
    %dma_start3A_908 = arith.constant 1 : i32
    %dma_start3A_909 = arith.constant 0 : i32
    %dma_start3A_910 = arith.constant 0 : i32
    %dma_start3A_911 = tpu.memref_slice %arg14[%dma_start3A_906, %dma_start3A_907, %dma_start3A_910] : memref<2x8x1024xf32, #tpu.memory_space<vmem>> -> memref<1x1x1024xf32, #tpu.memory_space<vmem>>
    %dma_start3A_912 = tpu.memref_squeeze %dma_start3A_911 : memref<1x1x1024xf32, #tpu.memory_space<vmem>> -> memref<1024xf32, #tpu.memory_space<vmem>>
    %dma_start3A_913 = tpu.memref_slice %arg7[%add3A_905] : memref<524288xf32, #tpu.memory_space<hbm>> -> memref<1024xf32, #tpu.memory_space<hbm>>
    %dma_start3A_914 = tpu.memref_slice %arg19[%dma_start3A_908, %dma_start3A_909] : memref<2x2x!tpu.dma_semaphore, #tpu.memory_space<semaphore_mem>> -> memref<1x1x!tpu.dma_semaphore, #tpu.memory_space<semaphore_mem>>
    %dma_start3A_915 = tpu.memref_squeeze %dma_start3A_914 : memref<1x1x!tpu.dma_semaphore, #tpu.memory_space<semaphore_mem>> -> memref<!tpu.dma_semaphore, #tpu.memory_space<semaphore_mem>>
    %dma_start3A_916 = tpu.memref_slice %arg7[%add3A_905] : memref<524288xf32, #tpu.memory_space<hbm>> -> memref<1024xf32, #tpu.memory_space<hbm>>
    %dma_start3A_917 = arith.constant 0 : i32
    %dma_start3A_918 = tpu.memref_slice %arg14[%dma_start3A_906, %dma_start3A_907, %dma_start3A_917] : memref<2x8x1024xf32, #tpu.memory_space<vmem>> -> memref<1x1x1024xf32, #tpu.memory_space<vmem>>
    %dma_start3A_919 = tpu.memref_squeeze %dma_start3A_918 : memref<1x1x1024xf32, #tpu.memory_space<vmem>> -> memref<1024xf32, #tpu.memory_space<vmem>>
    tpu.enqueue_dma source(%dma_start3A_919 : memref<1024xf32, #tpu.memory_space<vmem>>) target(%dma_start3A_916 : memref<1024xf32, #tpu.memory_space<hbm>>) target_semaphore(%dma_start3A_915 : memref<!tpu.dma_semaphore, #tpu.memory_space<semaphore_mem>>)
    %dma_start3A_920 = arith.constant 1 : i32
    %dma_start3A_921 = arith.constant 2 : i32
    %dma_start3A_922 = arith.constant 1 : i32
    %dma_start3A_923 = arith.constant 1 : i32
    %dma_start3A_924 = arith.constant 0 : i32
    %dma_start3A_925 = tpu.memref_slice %arg15[%dma_start3A_920, %dma_start3A_921, %dma_start3A_924] : memref<2x8x1024xf32, #tpu.memory_space<vmem>> -> memref<1x1x1024xf32, #tpu.memory_space<vmem>>
    %dma_start3A_926 = tpu.memref_squeeze %dma_start3A_925 : memref<1x1x1024xf32, #tpu.memory_space<vmem>> -> memref<1024xf32, #tpu.memory_space<vmem>>
    %dma_start3A_927 = tpu.memref_slice %arg8[%add3A_905] : memref<524288xf32, #tpu.memory_space<hbm>> -> memref<1024xf32, #tpu.memory_space<hbm>>
    %dma_start3A_928 = tpu.memref_slice %arg19[%dma_start3A_922, %dma_start3A_923] : memref<2x2x!tpu.dma_semaphore, #tpu.memory_space<semaphore_mem>> -> memref<1x1x!tpu.dma_semaphore, #tpu.memory_space<semaphore_mem>>
    %dma_start3A_929 = tpu.memref_squeeze %dma_start3A_928 : memref<1x1x!tpu.dma_semaphore, #tpu.memory_space<semaphore_mem>> -> memref<!tpu.dma_semaphore, #tpu.memory_space<semaphore_mem>>
    %dma_start3A_930 = tpu.memref_slice %arg8[%add3A_905] : memref<524288xf32, #tpu.memory_space<hbm>> -> memref<1024xf32, #tpu.memory_space<hbm>>
    %dma_start3A_931 = arith.constant 0 : i32
    %dma_start3A_932 = tpu.memref_slice %arg15[%dma_start3A_920, %dma_start3A_921, %dma_start3A_931] : memref<2x8x1024xf32, #tpu.memory_space<vmem>> -> memref<1x1x1024xf32, #tpu.memory_space<vmem>>
    %dma_start3A_933 = tpu.memref_squeeze %dma_start3A_932 : memref<1x1x1024xf32, #tpu.memory_space<vmem>> -> memref<1024xf32, #tpu.memory_space<vmem>>
    tpu.enqueue_dma source(%dma_start3A_933 : memref<1024xf32, #tpu.memory_space<vmem>>) target(%dma_start3A_930 : memref<1024xf32, #tpu.memory_space<hbm>>) target_semaphore(%dma_start3A_929 : memref<!tpu.dma_semaphore, #tpu.memory_space<semaphore_mem>>)
    %mul3A_934 = arith.constant 8 : i32
    %mul3A_935 = arith.muli %add3A, %mul3A_934 : i32
    %add3A_936 = arith.constant 3 : i32
    %add3A_937 = arith.addi %mul3A_935, %add3A_936 : i32
    %mul3A_938 = arith.constant 2048 : i32
    %mul3A_939 = arith.muli %add3A_937, %mul3A_938 : i32
    %add3A_940 = arith.constant 1024 : i32
    %add3A_941 = arith.addi %mul3A_939, %add3A_940 : i32
    %dma_start3A_942 = arith.constant 1 : i32
    %dma_start3A_943 = arith.constant 3 : i32
    %dma_start3A_944 = arith.constant 1 : i32
    %dma_start3A_945 = arith.constant 0 : i32
    %dma_start3A_946 = arith.constant 0 : i32
    %dma_start3A_947 = tpu.memref_slice %arg14[%dma_start3A_942, %dma_start3A_943, %dma_start3A_946] : memref<2x8x1024xf32, #tpu.memory_space<vmem>> -> memref<1x1x1024xf32, #tpu.memory_space<vmem>>
    %dma_start3A_948 = tpu.memref_squeeze %dma_start3A_947 : memref<1x1x1024xf32, #tpu.memory_space<vmem>> -> memref<1024xf32, #tpu.memory_space<vmem>>
    %dma_start3A_949 = tpu.memref_slice %arg7[%add3A_941] : memref<524288xf32, #tpu.memory_space<hbm>> -> memref<1024xf32, #tpu.memory_space<hbm>>
    %dma_start3A_950 = tpu.memref_slice %arg19[%dma_start3A_944, %dma_start3A_945] : memref<2x2x!tpu.dma_semaphore, #tpu.memory_space<semaphore_mem>> -> memref<1x1x!tpu.dma_semaphore, #tpu.memory_space<semaphore_mem>>
    %dma_start3A_951 = tpu.memref_squeeze %dma_start3A_950 : memref<1x1x!tpu.dma_semaphore, #tpu.memory_space<semaphore_mem>> -> memref<!tpu.dma_semaphore, #tpu.memory_space<semaphore_mem>>
    %dma_start3A_952 = tpu.memref_slice %arg7[%add3A_941] : memref<524288xf32, #tpu.memory_space<hbm>> -> memref<1024xf32, #tpu.memory_space<hbm>>
    %dma_start3A_953 = arith.constant 0 : i32
    %dma_start3A_954 = tpu.memref_slice %arg14[%dma_start3A_942, %dma_start3A_943, %dma_start3A_953] : memref<2x8x1024xf32, #tpu.memory_space<vmem>> -> memref<1x1x1024xf32, #tpu.memory_space<vmem>>
    %dma_start3A_955 = tpu.memref_squeeze %dma_start3A_954 : memref<1x1x1024xf32, #tpu.memory_space<vmem>> -> memref<1024xf32, #tpu.memory_space<vmem>>
    tpu.enqueue_dma source(%dma_start3A_955 : memref<1024xf32, #tpu.memory_space<vmem>>) target(%dma_start3A_952 : memref<1024xf32, #tpu.memory_space<hbm>>) target_semaphore(%dma_start3A_951 : memref<!tpu.dma_semaphore, #tpu.memory_space<semaphore_mem>>)
    %dma_start3A_956 = arith.constant 1 : i32
    %dma_start3A_957 = arith.constant 3 : i32
    %dma_start3A_958 = arith.constant 1 : i32
    %dma_start3A_959 = arith.constant 1 : i32
    %dma_start3A_960 = arith.constant 0 : i32
    %dma_start3A_961 = tpu.memref_slice %arg15[%dma_start3A_956, %dma_start3A_957, %dma_start3A_960] : memref<2x8x1024xf32, #tpu.memory_space<vmem>> -> memref<1x1x1024xf32, #tpu.memory_space<vmem>>
    %dma_start3A_962 = tpu.memref_squeeze %dma_start3A_961 : memref<1x1x1024xf32, #tpu.memory_space<vmem>> -> memref<1024xf32, #tpu.memory_space<vmem>>
    %dma_start3A_963 = tpu.memref_slice %arg8[%add3A_941] : memref<524288xf32, #tpu.memory_space<hbm>> -> memref<1024xf32, #tpu.memory_space<hbm>>
    %dma_start3A_964 = tpu.memref_slice %arg19[%dma_start3A_958, %dma_start3A_959] : memref<2x2x!tpu.dma_semaphore, #tpu.memory_space<semaphore_mem>> -> memref<1x1x!tpu.dma_semaphore, #tpu.memory_space<semaphore_mem>>
    %dma_start3A_965 = tpu.memref_squeeze %dma_start3A_964 : memref<1x1x!tpu.dma_semaphore, #tpu.memory_space<semaphore_mem>> -> memref<!tpu.dma_semaphore, #tpu.memory_space<semaphore_mem>>
    %dma_start3A_966 = tpu.memref_slice %arg8[%add3A_941] : memref<524288xf32, #tpu.memory_space<hbm>> -> memref<1024xf32, #tpu.memory_space<hbm>>
    %dma_start3A_967 = arith.constant 0 : i32
    %dma_start3A_968 = tpu.memref_slice %arg15[%dma_start3A_956, %dma_start3A_957, %dma_start3A_967] : memref<2x8x1024xf32, #tpu.memory_space<vmem>> -> memref<1x1x1024xf32, #tpu.memory_space<vmem>>
    %dma_start3A_969 = tpu.memref_squeeze %dma_start3A_968 : memref<1x1x1024xf32, #tpu.memory_space<vmem>> -> memref<1024xf32, #tpu.memory_space<vmem>>
    tpu.enqueue_dma source(%dma_start3A_969 : memref<1024xf32, #tpu.memory_space<vmem>>) target(%dma_start3A_966 : memref<1024xf32, #tpu.memory_space<hbm>>) target_semaphore(%dma_start3A_965 : memref<!tpu.dma_semaphore, #tpu.memory_space<semaphore_mem>>)
    %mul3A_970 = arith.constant 8 : i32
    %mul3A_971 = arith.muli %add3A, %mul3A_970 : i32
    %add3A_972 = arith.constant 4 : i32
    %add3A_973 = arith.addi %mul3A_971, %add3A_972 : i32
    %mul3A_974 = arith.constant 2048 : i32
    %mul3A_975 = arith.muli %add3A_973, %mul3A_974 : i32
    %add3A_976 = arith.constant 1024 : i32
    %add3A_977 = arith.addi %mul3A_975, %add3A_976 : i32
    %dma_start3A_978 = arith.constant 1 : i32
    %dma_start3A_979 = arith.constant 4 : i32
    %dma_start3A_980 = arith.constant 1 : i32
    %dma_start3A_981 = arith.constant 0 : i32
    %dma_start3A_982 = arith.constant 0 : i32
    %dma_start3A_983 = tpu.memref_slice %arg14[%dma_start3A_978, %dma_start3A_979, %dma_start3A_982] : memref<2x8x1024xf32, #tpu.memory_space<vmem>> -> memref<1x1x1024xf32, #tpu.memory_space<vmem>>
    %dma_start3A_984 = tpu.memref_squeeze %dma_start3A_983 : memref<1x1x1024xf32, #tpu.memory_space<vmem>> -> memref<1024xf32, #tpu.memory_space<vmem>>
    %dma_start3A_985 = tpu.memref_slice %arg7[%add3A_977] : memref<524288xf32, #tpu.memory_space<hbm>> -> memref<1024xf32, #tpu.memory_space<hbm>>
    %dma_start3A_986 = tpu.memref_slice %arg19[%dma_start3A_980, %dma_start3A_981] : memref<2x2x!tpu.dma_semaphore, #tpu.memory_space<semaphore_mem>> -> memref<1x1x!tpu.dma_semaphore, #tpu.memory_space<semaphore_mem>>
    %dma_start3A_987 = tpu.memref_squeeze %dma_start3A_986 : memref<1x1x!tpu.dma_semaphore, #tpu.memory_space<semaphore_mem>> -> memref<!tpu.dma_semaphore, #tpu.memory_space<semaphore_mem>>
    %dma_start3A_988 = tpu.memref_slice %arg7[%add3A_977] : memref<524288xf32, #tpu.memory_space<hbm>> -> memref<1024xf32, #tpu.memory_space<hbm>>
    %dma_start3A_989 = arith.constant 0 : i32
    %dma_start3A_990 = tpu.memref_slice %arg14[%dma_start3A_978, %dma_start3A_979, %dma_start3A_989] : memref<2x8x1024xf32, #tpu.memory_space<vmem>> -> memref<1x1x1024xf32, #tpu.memory_space<vmem>>
    %dma_start3A_991 = tpu.memref_squeeze %dma_start3A_990 : memref<1x1x1024xf32, #tpu.memory_space<vmem>> -> memref<1024xf32, #tpu.memory_space<vmem>>
    tpu.enqueue_dma source(%dma_start3A_991 : memref<1024xf32, #tpu.memory_space<vmem>>) target(%dma_start3A_988 : memref<1024xf32, #tpu.memory_space<hbm>>) target_semaphore(%dma_start3A_987 : memref<!tpu.dma_semaphore, #tpu.memory_space<semaphore_mem>>)
    %dma_start3A_992 = arith.constant 1 : i32
    %dma_start3A_993 = arith.constant 4 : i32
    %dma_start3A_994 = arith.constant 1 : i32
    %dma_start3A_995 = arith.constant 1 : i32
    %dma_start3A_996 = arith.constant 0 : i32
    %dma_start3A_997 = tpu.memref_slice %arg15[%dma_start3A_992, %dma_start3A_993, %dma_start3A_996] : memref<2x8x1024xf32, #tpu.memory_space<vmem>> -> memref<1x1x1024xf32, #tpu.memory_space<vmem>>
    %dma_start3A_998 = tpu.memref_squeeze %dma_start3A_997 : memref<1x1x1024xf32, #tpu.memory_space<vmem>> -> memref<1024xf32, #tpu.memory_space<vmem>>
    %dma_start3A_999 = tpu.memref_slice %arg8[%add3A_977] : memref<524288xf32, #tpu.memory_space<hbm>> -> memref<1024xf32, #tpu.memory_space<hbm>>
    %dma_start3A_1000 = tpu.memref_slice %arg19[%dma_start3A_994, %dma_start3A_995] : memref<2x2x!tpu.dma_semaphore, #tpu.memory_space<semaphore_mem>> -> memref<1x1x!tpu.dma_semaphore, #tpu.memory_space<semaphore_mem>>
    %dma_start3A_1001 = tpu.memref_squeeze %dma_start3A_1000 : memref<1x1x!tpu.dma_semaphore, #tpu.memory_space<semaphore_mem>> -> memref<!tpu.dma_semaphore, #tpu.memory_space<semaphore_mem>>
    %dma_start3A_1002 = tpu.memref_slice %arg8[%add3A_977] : memref<524288xf32, #tpu.memory_space<hbm>> -> memref<1024xf32, #tpu.memory_space<hbm>>
    %dma_start3A_1003 = arith.constant 0 : i32
    %dma_start3A_1004 = tpu.memref_slice %arg15[%dma_start3A_992, %dma_start3A_993, %dma_start3A_1003] : memref<2x8x1024xf32, #tpu.memory_space<vmem>> -> memref<1x1x1024xf32, #tpu.memory_space<vmem>>
    %dma_start3A_1005 = tpu.memref_squeeze %dma_start3A_1004 : memref<1x1x1024xf32, #tpu.memory_space<vmem>> -> memref<1024xf32, #tpu.memory_space<vmem>>
    tpu.enqueue_dma source(%dma_start3A_1005 : memref<1024xf32, #tpu.memory_space<vmem>>) target(%dma_start3A_1002 : memref<1024xf32, #tpu.memory_space<hbm>>) target_semaphore(%dma_start3A_1001 : memref<!tpu.dma_semaphore, #tpu.memory_space<semaphore_mem>>)
    %mul3A_1006 = arith.constant 8 : i32
    %mul3A_1007 = arith.muli %add3A, %mul3A_1006 : i32
    %add3A_1008 = arith.constant 5 : i32
    %add3A_1009 = arith.addi %mul3A_1007, %add3A_1008 : i32
    %mul3A_1010 = arith.constant 2048 : i32
    %mul3A_1011 = arith.muli %add3A_1009, %mul3A_1010 : i32
    %add3A_1012 = arith.constant 1024 : i32
    %add3A_1013 = arith.addi %mul3A_1011, %add3A_1012 : i32
    %dma_start3A_1014 = arith.constant 1 : i32
    %dma_start3A_1015 = arith.constant 5 : i32
    %dma_start3A_1016 = arith.constant 1 : i32
    %dma_start3A_1017 = arith.constant 0 : i32
    %dma_start3A_1018 = arith.constant 0 : i32
    %dma_start3A_1019 = tpu.memref_slice %arg14[%dma_start3A_1014, %dma_start3A_1015, %dma_start3A_1018] : memref<2x8x1024xf32, #tpu.memory_space<vmem>> -> memref<1x1x1024xf32, #tpu.memory_space<vmem>>
    %dma_start3A_1020 = tpu.memref_squeeze %dma_start3A_1019 : memref<1x1x1024xf32, #tpu.memory_space<vmem>> -> memref<1024xf32, #tpu.memory_space<vmem>>
    %dma_start3A_1021 = tpu.memref_slice %arg7[%add3A_1013] : memref<524288xf32, #tpu.memory_space<hbm>> -> memref<1024xf32, #tpu.memory_space<hbm>>
    %dma_start3A_1022 = tpu.memref_slice %arg19[%dma_start3A_1016, %dma_start3A_1017] : memref<2x2x!tpu.dma_semaphore, #tpu.memory_space<semaphore_mem>> -> memref<1x1x!tpu.dma_semaphore, #tpu.memory_space<semaphore_mem>>
    %dma_start3A_1023 = tpu.memref_squeeze %dma_start3A_1022 : memref<1x1x!tpu.dma_semaphore, #tpu.memory_space<semaphore_mem>> -> memref<!tpu.dma_semaphore, #tpu.memory_space<semaphore_mem>>
    %dma_start3A_1024 = tpu.memref_slice %arg7[%add3A_1013] : memref<524288xf32, #tpu.memory_space<hbm>> -> memref<1024xf32, #tpu.memory_space<hbm>>
    %dma_start3A_1025 = arith.constant 0 : i32
    %dma_start3A_1026 = tpu.memref_slice %arg14[%dma_start3A_1014, %dma_start3A_1015, %dma_start3A_1025] : memref<2x8x1024xf32, #tpu.memory_space<vmem>> -> memref<1x1x1024xf32, #tpu.memory_space<vmem>>
    %dma_start3A_1027 = tpu.memref_squeeze %dma_start3A_1026 : memref<1x1x1024xf32, #tpu.memory_space<vmem>> -> memref<1024xf32, #tpu.memory_space<vmem>>
    tpu.enqueue_dma source(%dma_start3A_1027 : memref<1024xf32, #tpu.memory_space<vmem>>) target(%dma_start3A_1024 : memref<1024xf32, #tpu.memory_space<hbm>>) target_semaphore(%dma_start3A_1023 : memref<!tpu.dma_semaphore, #tpu.memory_space<semaphore_mem>>)
    %dma_start3A_1028 = arith.constant 1 : i32
    %dma_start3A_1029 = arith.constant 5 : i32
    %dma_start3A_1030 = arith.constant 1 : i32
    %dma_start3A_1031 = arith.constant 1 : i32
    %dma_start3A_1032 = arith.constant 0 : i32
    %dma_start3A_1033 = tpu.memref_slice %arg15[%dma_start3A_1028, %dma_start3A_1029, %dma_start3A_1032] : memref<2x8x1024xf32, #tpu.memory_space<vmem>> -> memref<1x1x1024xf32, #tpu.memory_space<vmem>>
    %dma_start3A_1034 = tpu.memref_squeeze %dma_start3A_1033 : memref<1x1x1024xf32, #tpu.memory_space<vmem>> -> memref<1024xf32, #tpu.memory_space<vmem>>
    %dma_start3A_1035 = tpu.memref_slice %arg8[%add3A_1013] : memref<524288xf32, #tpu.memory_space<hbm>> -> memref<1024xf32, #tpu.memory_space<hbm>>
    %dma_start3A_1036 = tpu.memref_slice %arg19[%dma_start3A_1030, %dma_start3A_1031] : memref<2x2x!tpu.dma_semaphore, #tpu.memory_space<semaphore_mem>> -> memref<1x1x!tpu.dma_semaphore, #tpu.memory_space<semaphore_mem>>
    %dma_start3A_1037 = tpu.memref_squeeze %dma_start3A_1036 : memref<1x1x!tpu.dma_semaphore, #tpu.memory_space<semaphore_mem>> -> memref<!tpu.dma_semaphore, #tpu.memory_space<semaphore_mem>>
    %dma_start3A_1038 = tpu.memref_slice %arg8[%add3A_1013] : memref<524288xf32, #tpu.memory_space<hbm>> -> memref<1024xf32, #tpu.memory_space<hbm>>
    %dma_start3A_1039 = arith.constant 0 : i32
    %dma_start3A_1040 = tpu.memref_slice %arg15[%dma_start3A_1028, %dma_start3A_1029, %dma_start3A_1039] : memref<2x8x1024xf32, #tpu.memory_space<vmem>> -> memref<1x1x1024xf32, #tpu.memory_space<vmem>>
    %dma_start3A_1041 = tpu.memref_squeeze %dma_start3A_1040 : memref<1x1x1024xf32, #tpu.memory_space<vmem>> -> memref<1024xf32, #tpu.memory_space<vmem>>
    tpu.enqueue_dma source(%dma_start3A_1041 : memref<1024xf32, #tpu.memory_space<vmem>>) target(%dma_start3A_1038 : memref<1024xf32, #tpu.memory_space<hbm>>) target_semaphore(%dma_start3A_1037 : memref<!tpu.dma_semaphore, #tpu.memory_space<semaphore_mem>>)
    %mul3A_1042 = arith.constant 8 : i32
    %mul3A_1043 = arith.muli %add3A, %mul3A_1042 : i32
    %add3A_1044 = arith.constant 6 : i32
    %add3A_1045 = arith.addi %mul3A_1043, %add3A_1044 : i32
    %mul3A_1046 = arith.constant 2048 : i32
    %mul3A_1047 = arith.muli %add3A_1045, %mul3A_1046 : i32
    %add3A_1048 = arith.constant 1024 : i32
    %add3A_1049 = arith.addi %mul3A_1047, %add3A_1048 : i32
    %dma_start3A_1050 = arith.constant 1 : i32
    %dma_start3A_1051 = arith.constant 6 : i32
    %dma_start3A_1052 = arith.constant 1 : i32
    %dma_start3A_1053 = arith.constant 0 : i32
    %dma_start3A_1054 = arith.constant 0 : i32
    %dma_start3A_1055 = tpu.memref_slice %arg14[%dma_start3A_1050, %dma_start3A_1051, %dma_start3A_1054] : memref<2x8x1024xf32, #tpu.memory_space<vmem>> -> memref<1x1x1024xf32, #tpu.memory_space<vmem>>
    %dma_start3A_1056 = tpu.memref_squeeze %dma_start3A_1055 : memref<1x1x1024xf32, #tpu.memory_space<vmem>> -> memref<1024xf32, #tpu.memory_space<vmem>>
    %dma_start3A_1057 = tpu.memref_slice %arg7[%add3A_1049] : memref<524288xf32, #tpu.memory_space<hbm>> -> memref<1024xf32, #tpu.memory_space<hbm>>
    %dma_start3A_1058 = tpu.memref_slice %arg19[%dma_start3A_1052, %dma_start3A_1053] : memref<2x2x!tpu.dma_semaphore, #tpu.memory_space<semaphore_mem>> -> memref<1x1x!tpu.dma_semaphore, #tpu.memory_space<semaphore_mem>>
    %dma_start3A_1059 = tpu.memref_squeeze %dma_start3A_1058 : memref<1x1x!tpu.dma_semaphore, #tpu.memory_space<semaphore_mem>> -> memref<!tpu.dma_semaphore, #tpu.memory_space<semaphore_mem>>
    %dma_start3A_1060 = tpu.memref_slice %arg7[%add3A_1049] : memref<524288xf32, #tpu.memory_space<hbm>> -> memref<1024xf32, #tpu.memory_space<hbm>>
    %dma_start3A_1061 = arith.constant 0 : i32
    %dma_start3A_1062 = tpu.memref_slice %arg14[%dma_start3A_1050, %dma_start3A_1051, %dma_start3A_1061] : memref<2x8x1024xf32, #tpu.memory_space<vmem>> -> memref<1x1x1024xf32, #tpu.memory_space<vmem>>
    %dma_start3A_1063 = tpu.memref_squeeze %dma_start3A_1062 : memref<1x1x1024xf32, #tpu.memory_space<vmem>> -> memref<1024xf32, #tpu.memory_space<vmem>>
    tpu.enqueue_dma source(%dma_start3A_1063 : memref<1024xf32, #tpu.memory_space<vmem>>) target(%dma_start3A_1060 : memref<1024xf32, #tpu.memory_space<hbm>>) target_semaphore(%dma_start3A_1059 : memref<!tpu.dma_semaphore, #tpu.memory_space<semaphore_mem>>)
    %dma_start3A_1064 = arith.constant 1 : i32
    %dma_start3A_1065 = arith.constant 6 : i32
    %dma_start3A_1066 = arith.constant 1 : i32
    %dma_start3A_1067 = arith.constant 1 : i32
    %dma_start3A_1068 = arith.constant 0 : i32
    %dma_start3A_1069 = tpu.memref_slice %arg15[%dma_start3A_1064, %dma_start3A_1065, %dma_start3A_1068] : memref<2x8x1024xf32, #tpu.memory_space<vmem>> -> memref<1x1x1024xf32, #tpu.memory_space<vmem>>
    %dma_start3A_1070 = tpu.memref_squeeze %dma_start3A_1069 : memref<1x1x1024xf32, #tpu.memory_space<vmem>> -> memref<1024xf32, #tpu.memory_space<vmem>>
    %dma_start3A_1071 = tpu.memref_slice %arg8[%add3A_1049] : memref<524288xf32, #tpu.memory_space<hbm>> -> memref<1024xf32, #tpu.memory_space<hbm>>
    %dma_start3A_1072 = tpu.memref_slice %arg19[%dma_start3A_1066, %dma_start3A_1067] : memref<2x2x!tpu.dma_semaphore, #tpu.memory_space<semaphore_mem>> -> memref<1x1x!tpu.dma_semaphore, #tpu.memory_space<semaphore_mem>>
    %dma_start3A_1073 = tpu.memref_squeeze %dma_start3A_1072 : memref<1x1x!tpu.dma_semaphore, #tpu.memory_space<semaphore_mem>> -> memref<!tpu.dma_semaphore, #tpu.memory_space<semaphore_mem>>
    %dma_start3A_1074 = tpu.memref_slice %arg8[%add3A_1049] : memref<524288xf32, #tpu.memory_space<hbm>> -> memref<1024xf32, #tpu.memory_space<hbm>>
    %dma_start3A_1075 = arith.constant 0 : i32
    %dma_start3A_1076 = tpu.memref_slice %arg15[%dma_start3A_1064, %dma_start3A_1065, %dma_start3A_1075] : memref<2x8x1024xf32, #tpu.memory_space<vmem>> -> memref<1x1x1024xf32, #tpu.memory_space<vmem>>
    %dma_start3A_1077 = tpu.memref_squeeze %dma_start3A_1076 : memref<1x1x1024xf32, #tpu.memory_space<vmem>> -> memref<1024xf32, #tpu.memory_space<vmem>>
    tpu.enqueue_dma source(%dma_start3A_1077 : memref<1024xf32, #tpu.memory_space<vmem>>) target(%dma_start3A_1074 : memref<1024xf32, #tpu.memory_space<hbm>>) target_semaphore(%dma_start3A_1073 : memref<!tpu.dma_semaphore, #tpu.memory_space<semaphore_mem>>)
    %mul3A_1078 = arith.constant 8 : i32
    %mul3A_1079 = arith.muli %add3A, %mul3A_1078 : i32
    %add3A_1080 = arith.constant 7 : i32
    %add3A_1081 = arith.addi %mul3A_1079, %add3A_1080 : i32
    %mul3A_1082 = arith.constant 2048 : i32
    %mul3A_1083 = arith.muli %add3A_1081, %mul3A_1082 : i32
    %add3A_1084 = arith.constant 1024 : i32
    %add3A_1085 = arith.addi %mul3A_1083, %add3A_1084 : i32
    %dma_start3A_1086 = arith.constant 1 : i32
    %dma_start3A_1087 = arith.constant 7 : i32
    %dma_start3A_1088 = arith.constant 1 : i32
    %dma_start3A_1089 = arith.constant 0 : i32
    %dma_start3A_1090 = arith.constant 0 : i32
    %dma_start3A_1091 = tpu.memref_slice %arg14[%dma_start3A_1086, %dma_start3A_1087, %dma_start3A_1090] : memref<2x8x1024xf32, #tpu.memory_space<vmem>> -> memref<1x1x1024xf32, #tpu.memory_space<vmem>>
    %dma_start3A_1092 = tpu.memref_squeeze %dma_start3A_1091 : memref<1x1x1024xf32, #tpu.memory_space<vmem>> -> memref<1024xf32, #tpu.memory_space<vmem>>
    %dma_start3A_1093 = tpu.memref_slice %arg7[%add3A_1085] : memref<524288xf32, #tpu.memory_space<hbm>> -> memref<1024xf32, #tpu.memory_space<hbm>>
    %dma_start3A_1094 = tpu.memref_slice %arg19[%dma_start3A_1088, %dma_start3A_1089] : memref<2x2x!tpu.dma_semaphore, #tpu.memory_space<semaphore_mem>> -> memref<1x1x!tpu.dma_semaphore, #tpu.memory_space<semaphore_mem>>
    %dma_start3A_1095 = tpu.memref_squeeze %dma_start3A_1094 : memref<1x1x!tpu.dma_semaphore, #tpu.memory_space<semaphore_mem>> -> memref<!tpu.dma_semaphore, #tpu.memory_space<semaphore_mem>>
    %dma_start3A_1096 = tpu.memref_slice %arg7[%add3A_1085] : memref<524288xf32, #tpu.memory_space<hbm>> -> memref<1024xf32, #tpu.memory_space<hbm>>
    %dma_start3A_1097 = arith.constant 0 : i32
    %dma_start3A_1098 = tpu.memref_slice %arg14[%dma_start3A_1086, %dma_start3A_1087, %dma_start3A_1097] : memref<2x8x1024xf32, #tpu.memory_space<vmem>> -> memref<1x1x1024xf32, #tpu.memory_space<vmem>>
    %dma_start3A_1099 = tpu.memref_squeeze %dma_start3A_1098 : memref<1x1x1024xf32, #tpu.memory_space<vmem>> -> memref<1024xf32, #tpu.memory_space<vmem>>
    tpu.enqueue_dma source(%dma_start3A_1099 : memref<1024xf32, #tpu.memory_space<vmem>>) target(%dma_start3A_1096 : memref<1024xf32, #tpu.memory_space<hbm>>) target_semaphore(%dma_start3A_1095 : memref<!tpu.dma_semaphore, #tpu.memory_space<semaphore_mem>>)
    %dma_start3A_1100 = arith.constant 1 : i32
    %dma_start3A_1101 = arith.constant 7 : i32
    %dma_start3A_1102 = arith.constant 1 : i32
    %dma_start3A_1103 = arith.constant 1 : i32
    %dma_start3A_1104 = arith.constant 0 : i32
    %dma_start3A_1105 = tpu.memref_slice %arg15[%dma_start3A_1100, %dma_start3A_1101, %dma_start3A_1104] : memref<2x8x1024xf32, #tpu.memory_space<vmem>> -> memref<1x1x1024xf32, #tpu.memory_space<vmem>>
    %dma_start3A_1106 = tpu.memref_squeeze %dma_start3A_1105 : memref<1x1x1024xf32, #tpu.memory_space<vmem>> -> memref<1024xf32, #tpu.memory_space<vmem>>
    %dma_start3A_1107 = tpu.memref_slice %arg8[%add3A_1085] : memref<524288xf32, #tpu.memory_space<hbm>> -> memref<1024xf32, #tpu.memory_space<hbm>>
    %dma_start3A_1108 = tpu.memref_slice %arg19[%dma_start3A_1102, %dma_start3A_1103] : memref<2x2x!tpu.dma_semaphore, #tpu.memory_space<semaphore_mem>> -> memref<1x1x!tpu.dma_semaphore, #tpu.memory_space<semaphore_mem>>
    %dma_start3A_1109 = tpu.memref_squeeze %dma_start3A_1108 : memref<1x1x!tpu.dma_semaphore, #tpu.memory_space<semaphore_mem>> -> memref<!tpu.dma_semaphore, #tpu.memory_space<semaphore_mem>>
    %dma_start3A_1110 = tpu.memref_slice %arg8[%add3A_1085] : memref<524288xf32, #tpu.memory_space<hbm>> -> memref<1024xf32, #tpu.memory_space<hbm>>
    %dma_start3A_1111 = arith.constant 0 : i32
    %dma_start3A_1112 = tpu.memref_slice %arg15[%dma_start3A_1100, %dma_start3A_1101, %dma_start3A_1111] : memref<2x8x1024xf32, #tpu.memory_space<vmem>> -> memref<1x1x1024xf32, #tpu.memory_space<vmem>>
    %dma_start3A_1113 = tpu.memref_squeeze %dma_start3A_1112 : memref<1x1x1024xf32, #tpu.memory_space<vmem>> -> memref<1024xf32, #tpu.memory_space<vmem>>
    tpu.enqueue_dma source(%dma_start3A_1113 : memref<1024xf32, #tpu.memory_space<vmem>>) target(%dma_start3A_1110 : memref<1024xf32, #tpu.memory_space<hbm>>) target_semaphore(%dma_start3A_1109 : memref<!tpu.dma_semaphore, #tpu.memory_space<semaphore_mem>>)
    %dma_wait3A_1114 = arith.constant 0 : i32
    %dma_wait3A_1115 = arith.constant 0 : i32
    %dma_wait3A_1116 = arith.constant 0 : i32
    %dma_wait3A_1117 = arith.constant 0 : i32
    %dma_wait3A_1118 = arith.constant 0 : i32
    %dma_wait3A_1119 = tpu.memref_slice %arg14[%dma_wait3A_1114, %dma_wait3A_1115, %dma_wait3A_1118] : memref<2x8x1024xf32, #tpu.memory_space<vmem>> -> memref<1x1x1024xf32, #tpu.memory_space<vmem>>
    %dma_wait3A_1120 = tpu.memref_squeeze %dma_wait3A_1119 : memref<1x1x1024xf32, #tpu.memory_space<vmem>> -> memref<1024xf32, #tpu.memory_space<vmem>>
    %dma_wait3A_1121 = tpu.memref_slice %arg7[%add3A_328] : memref<524288xf32, #tpu.memory_space<hbm>> -> memref<1024xf32, #tpu.memory_space<hbm>>
    %dma_wait3A_1122 = tpu.memref_slice %arg19[%dma_wait3A_1116, %dma_wait3A_1117] : memref<2x2x!tpu.dma_semaphore, #tpu.memory_space<semaphore_mem>> -> memref<1x1x!tpu.dma_semaphore, #tpu.memory_space<semaphore_mem>>
    %dma_wait3A_1123 = tpu.memref_squeeze %dma_wait3A_1122 : memref<1x1x!tpu.dma_semaphore, #tpu.memory_space<semaphore_mem>> -> memref<!tpu.dma_semaphore, #tpu.memory_space<semaphore_mem>>
    %dma_wait3A_1124 = tpu.memref_slice %arg7[%add3A_328] : memref<524288xf32, #tpu.memory_space<hbm>> -> memref<1024xf32, #tpu.memory_space<hbm>>
    %dma_wait3A_1125 = arith.constant 0 : i32
    %dma_wait3A_1126 = tpu.memref_slice %arg14[%dma_wait3A_1114, %dma_wait3A_1115, %dma_wait3A_1125] : memref<2x8x1024xf32, #tpu.memory_space<vmem>> -> memref<1x1x1024xf32, #tpu.memory_space<vmem>>
    %dma_wait3A_1127 = tpu.memref_squeeze %dma_wait3A_1126 : memref<1x1x1024xf32, #tpu.memory_space<vmem>> -> memref<1024xf32, #tpu.memory_space<vmem>>
    tpu.wait_dma2 semaphore(%dma_wait3A_1123 : memref<!tpu.dma_semaphore, #tpu.memory_space<semaphore_mem>>) src(%dma_wait3A_1127 : memref<1024xf32, #tpu.memory_space<vmem>>) dst(%dma_wait3A_1124 : memref<1024xf32, #tpu.memory_space<hbm>>)
    %dma_wait3A_1128 = arith.constant 0 : i32
    %dma_wait3A_1129 = arith.constant 0 : i32
    %dma_wait3A_1130 = arith.constant 0 : i32
    %dma_wait3A_1131 = arith.constant 1 : i32
    %dma_wait3A_1132 = arith.constant 0 : i32
    %dma_wait3A_1133 = tpu.memref_slice %arg15[%dma_wait3A_1128, %dma_wait3A_1129, %dma_wait3A_1132] : memref<2x8x1024xf32, #tpu.memory_space<vmem>> -> memref<1x1x1024xf32, #tpu.memory_space<vmem>>
    %dma_wait3A_1134 = tpu.memref_squeeze %dma_wait3A_1133 : memref<1x1x1024xf32, #tpu.memory_space<vmem>> -> memref<1024xf32, #tpu.memory_space<vmem>>
    %dma_wait3A_1135 = tpu.memref_slice %arg8[%add3A_328] : memref<524288xf32, #tpu.memory_space<hbm>> -> memref<1024xf32, #tpu.memory_space<hbm>>
    %dma_wait3A_1136 = tpu.memref_slice %arg19[%dma_wait3A_1130, %dma_wait3A_1131] : memref<2x2x!tpu.dma_semaphore, #tpu.memory_space<semaphore_mem>> -> memref<1x1x!tpu.dma_semaphore, #tpu.memory_space<semaphore_mem>>
    %dma_wait3A_1137 = tpu.memref_squeeze %dma_wait3A_1136 : memref<1x1x!tpu.dma_semaphore, #tpu.memory_space<semaphore_mem>> -> memref<!tpu.dma_semaphore, #tpu.memory_space<semaphore_mem>>
    %dma_wait3A_1138 = tpu.memref_slice %arg8[%add3A_328] : memref<524288xf32, #tpu.memory_space<hbm>> -> memref<1024xf32, #tpu.memory_space<hbm>>
    %dma_wait3A_1139 = arith.constant 0 : i32
    %dma_wait3A_1140 = tpu.memref_slice %arg15[%dma_wait3A_1128, %dma_wait3A_1129, %dma_wait3A_1139] : memref<2x8x1024xf32, #tpu.memory_space<vmem>> -> memref<1x1x1024xf32, #tpu.memory_space<vmem>>
    %dma_wait3A_1141 = tpu.memref_squeeze %dma_wait3A_1140 : memref<1x1x1024xf32, #tpu.memory_space<vmem>> -> memref<1024xf32, #tpu.memory_space<vmem>>
    tpu.wait_dma2 semaphore(%dma_wait3A_1137 : memref<!tpu.dma_semaphore, #tpu.memory_space<semaphore_mem>>) src(%dma_wait3A_1141 : memref<1024xf32, #tpu.memory_space<vmem>>) dst(%dma_wait3A_1138 : memref<1024xf32, #tpu.memory_space<hbm>>)
    %dma_wait3A_1142 = arith.constant 0 : i32
    %dma_wait3A_1143 = arith.constant 1 : i32
    %dma_wait3A_1144 = arith.constant 0 : i32
    %dma_wait3A_1145 = arith.constant 0 : i32
    %dma_wait3A_1146 = arith.constant 0 : i32
    %dma_wait3A_1147 = tpu.memref_slice %arg14[%dma_wait3A_1142, %dma_wait3A_1143, %dma_wait3A_1146] : memref<2x8x1024xf32, #tpu.memory_space<vmem>> -> memref<1x1x1024xf32, #tpu.memory_space<vmem>>
    %dma_wait3A_1148 = tpu.memref_squeeze %dma_wait3A_1147 : memref<1x1x1024xf32, #tpu.memory_space<vmem>> -> memref<1024xf32, #tpu.memory_space<vmem>>
    %dma_wait3A_1149 = tpu.memref_slice %arg7[%add3A_364] : memref<524288xf32, #tpu.memory_space<hbm>> -> memref<1024xf32, #tpu.memory_space<hbm>>
    %dma_wait3A_1150 = tpu.memref_slice %arg19[%dma_wait3A_1144, %dma_wait3A_1145] : memref<2x2x!tpu.dma_semaphore, #tpu.memory_space<semaphore_mem>> -> memref<1x1x!tpu.dma_semaphore, #tpu.memory_space<semaphore_mem>>
    %dma_wait3A_1151 = tpu.memref_squeeze %dma_wait3A_1150 : memref<1x1x!tpu.dma_semaphore, #tpu.memory_space<semaphore_mem>> -> memref<!tpu.dma_semaphore, #tpu.memory_space<semaphore_mem>>
    %dma_wait3A_1152 = tpu.memref_slice %arg7[%add3A_364] : memref<524288xf32, #tpu.memory_space<hbm>> -> memref<1024xf32, #tpu.memory_space<hbm>>
    %dma_wait3A_1153 = arith.constant 0 : i32
    %dma_wait3A_1154 = tpu.memref_slice %arg14[%dma_wait3A_1142, %dma_wait3A_1143, %dma_wait3A_1153] : memref<2x8x1024xf32, #tpu.memory_space<vmem>> -> memref<1x1x1024xf32, #tpu.memory_space<vmem>>
    %dma_wait3A_1155 = tpu.memref_squeeze %dma_wait3A_1154 : memref<1x1x1024xf32, #tpu.memory_space<vmem>> -> memref<1024xf32, #tpu.memory_space<vmem>>
    tpu.wait_dma2 semaphore(%dma_wait3A_1151 : memref<!tpu.dma_semaphore, #tpu.memory_space<semaphore_mem>>) src(%dma_wait3A_1155 : memref<1024xf32, #tpu.memory_space<vmem>>) dst(%dma_wait3A_1152 : memref<1024xf32, #tpu.memory_space<hbm>>)
    %dma_wait3A_1156 = arith.constant 0 : i32
    %dma_wait3A_1157 = arith.constant 1 : i32
    %dma_wait3A_1158 = arith.constant 0 : i32
    %dma_wait3A_1159 = arith.constant 1 : i32
    %dma_wait3A_1160 = arith.constant 0 : i32
    %dma_wait3A_1161 = tpu.memref_slice %arg15[%dma_wait3A_1156, %dma_wait3A_1157, %dma_wait3A_1160] : memref<2x8x1024xf32, #tpu.memory_space<vmem>> -> memref<1x1x1024xf32, #tpu.memory_space<vmem>>
    %dma_wait3A_1162 = tpu.memref_squeeze %dma_wait3A_1161 : memref<1x1x1024xf32, #tpu.memory_space<vmem>> -> memref<1024xf32, #tpu.memory_space<vmem>>
    %dma_wait3A_1163 = tpu.memref_slice %arg8[%add3A_364] : memref<524288xf32, #tpu.memory_space<hbm>> -> memref<1024xf32, #tpu.memory_space<hbm>>
    %dma_wait3A_1164 = tpu.memref_slice %arg19[%dma_wait3A_1158, %dma_wait3A_1159] : memref<2x2x!tpu.dma_semaphore, #tpu.memory_space<semaphore_mem>> -> memref<1x1x!tpu.dma_semaphore, #tpu.memory_space<semaphore_mem>>
    %dma_wait3A_1165 = tpu.memref_squeeze %dma_wait3A_1164 : memref<1x1x!tpu.dma_semaphore, #tpu.memory_space<semaphore_mem>> -> memref<!tpu.dma_semaphore, #tpu.memory_space<semaphore_mem>>
    %dma_wait3A_1166 = tpu.memref_slice %arg8[%add3A_364] : memref<524288xf32, #tpu.memory_space<hbm>> -> memref<1024xf32, #tpu.memory_space<hbm>>
    %dma_wait3A_1167 = arith.constant 0 : i32
    %dma_wait3A_1168 = tpu.memref_slice %arg15[%dma_wait3A_1156, %dma_wait3A_1157, %dma_wait3A_1167] : memref<2x8x1024xf32, #tpu.memory_space<vmem>> -> memref<1x1x1024xf32, #tpu.memory_space<vmem>>
    %dma_wait3A_1169 = tpu.memref_squeeze %dma_wait3A_1168 : memref<1x1x1024xf32, #tpu.memory_space<vmem>> -> memref<1024xf32, #tpu.memory_space<vmem>>
    tpu.wait_dma2 semaphore(%dma_wait3A_1165 : memref<!tpu.dma_semaphore, #tpu.memory_space<semaphore_mem>>) src(%dma_wait3A_1169 : memref<1024xf32, #tpu.memory_space<vmem>>) dst(%dma_wait3A_1166 : memref<1024xf32, #tpu.memory_space<hbm>>)
    %dma_wait3A_1170 = arith.constant 0 : i32
    %dma_wait3A_1171 = arith.constant 2 : i32
    %dma_wait3A_1172 = arith.constant 0 : i32
    %dma_wait3A_1173 = arith.constant 0 : i32
    %dma_wait3A_1174 = arith.constant 0 : i32
    %dma_wait3A_1175 = tpu.memref_slice %arg14[%dma_wait3A_1170, %dma_wait3A_1171, %dma_wait3A_1174] : memref<2x8x1024xf32, #tpu.memory_space<vmem>> -> memref<1x1x1024xf32, #tpu.memory_space<vmem>>
    %dma_wait3A_1176 = tpu.memref_squeeze %dma_wait3A_1175 : memref<1x1x1024xf32, #tpu.memory_space<vmem>> -> memref<1024xf32, #tpu.memory_space<vmem>>
    %dma_wait3A_1177 = tpu.memref_slice %arg7[%add3A_400] : memref<524288xf32, #tpu.memory_space<hbm>> -> memref<1024xf32, #tpu.memory_space<hbm>>
    %dma_wait3A_1178 = tpu.memref_slice %arg19[%dma_wait3A_1172, %dma_wait3A_1173] : memref<2x2x!tpu.dma_semaphore, #tpu.memory_space<semaphore_mem>> -> memref<1x1x!tpu.dma_semaphore, #tpu.memory_space<semaphore_mem>>
    %dma_wait3A_1179 = tpu.memref_squeeze %dma_wait3A_1178 : memref<1x1x!tpu.dma_semaphore, #tpu.memory_space<semaphore_mem>> -> memref<!tpu.dma_semaphore, #tpu.memory_space<semaphore_mem>>
    %dma_wait3A_1180 = tpu.memref_slice %arg7[%add3A_400] : memref<524288xf32, #tpu.memory_space<hbm>> -> memref<1024xf32, #tpu.memory_space<hbm>>
    %dma_wait3A_1181 = arith.constant 0 : i32
    %dma_wait3A_1182 = tpu.memref_slice %arg14[%dma_wait3A_1170, %dma_wait3A_1171, %dma_wait3A_1181] : memref<2x8x1024xf32, #tpu.memory_space<vmem>> -> memref<1x1x1024xf32, #tpu.memory_space<vmem>>
    %dma_wait3A_1183 = tpu.memref_squeeze %dma_wait3A_1182 : memref<1x1x1024xf32, #tpu.memory_space<vmem>> -> memref<1024xf32, #tpu.memory_space<vmem>>
    tpu.wait_dma2 semaphore(%dma_wait3A_1179 : memref<!tpu.dma_semaphore, #tpu.memory_space<semaphore_mem>>) src(%dma_wait3A_1183 : memref<1024xf32, #tpu.memory_space<vmem>>) dst(%dma_wait3A_1180 : memref<1024xf32, #tpu.memory_space<hbm>>)
    %dma_wait3A_1184 = arith.constant 0 : i32
    %dma_wait3A_1185 = arith.constant 2 : i32
    %dma_wait3A_1186 = arith.constant 0 : i32
    %dma_wait3A_1187 = arith.constant 1 : i32
    %dma_wait3A_1188 = arith.constant 0 : i32
    %dma_wait3A_1189 = tpu.memref_slice %arg15[%dma_wait3A_1184, %dma_wait3A_1185, %dma_wait3A_1188] : memref<2x8x1024xf32, #tpu.memory_space<vmem>> -> memref<1x1x1024xf32, #tpu.memory_space<vmem>>
    %dma_wait3A_1190 = tpu.memref_squeeze %dma_wait3A_1189 : memref<1x1x1024xf32, #tpu.memory_space<vmem>> -> memref<1024xf32, #tpu.memory_space<vmem>>
    %dma_wait3A_1191 = tpu.memref_slice %arg8[%add3A_400] : memref<524288xf32, #tpu.memory_space<hbm>> -> memref<1024xf32, #tpu.memory_space<hbm>>
    %dma_wait3A_1192 = tpu.memref_slice %arg19[%dma_wait3A_1186, %dma_wait3A_1187] : memref<2x2x!tpu.dma_semaphore, #tpu.memory_space<semaphore_mem>> -> memref<1x1x!tpu.dma_semaphore, #tpu.memory_space<semaphore_mem>>
    %dma_wait3A_1193 = tpu.memref_squeeze %dma_wait3A_1192 : memref<1x1x!tpu.dma_semaphore, #tpu.memory_space<semaphore_mem>> -> memref<!tpu.dma_semaphore, #tpu.memory_space<semaphore_mem>>
    %dma_wait3A_1194 = tpu.memref_slice %arg8[%add3A_400] : memref<524288xf32, #tpu.memory_space<hbm>> -> memref<1024xf32, #tpu.memory_space<hbm>>
    %dma_wait3A_1195 = arith.constant 0 : i32
    %dma_wait3A_1196 = tpu.memref_slice %arg15[%dma_wait3A_1184, %dma_wait3A_1185, %dma_wait3A_1195] : memref<2x8x1024xf32, #tpu.memory_space<vmem>> -> memref<1x1x1024xf32, #tpu.memory_space<vmem>>
    %dma_wait3A_1197 = tpu.memref_squeeze %dma_wait3A_1196 : memref<1x1x1024xf32, #tpu.memory_space<vmem>> -> memref<1024xf32, #tpu.memory_space<vmem>>
    tpu.wait_dma2 semaphore(%dma_wait3A_1193 : memref<!tpu.dma_semaphore, #tpu.memory_space<semaphore_mem>>) src(%dma_wait3A_1197 : memref<1024xf32, #tpu.memory_space<vmem>>) dst(%dma_wait3A_1194 : memref<1024xf32, #tpu.memory_space<hbm>>)
    %dma_wait3A_1198 = arith.constant 0 : i32
    %dma_wait3A_1199 = arith.constant 3 : i32
    %dma_wait3A_1200 = arith.constant 0 : i32
    %dma_wait3A_1201 = arith.constant 0 : i32
    %dma_wait3A_1202 = arith.constant 0 : i32
    %dma_wait3A_1203 = tpu.memref_slice %arg14[%dma_wait3A_1198, %dma_wait3A_1199, %dma_wait3A_1202] : memref<2x8x1024xf32, #tpu.memory_space<vmem>> -> memref<1x1x1024xf32, #tpu.memory_space<vmem>>
    %dma_wait3A_1204 = tpu.memref_squeeze %dma_wait3A_1203 : memref<1x1x1024xf32, #tpu.memory_space<vmem>> -> memref<1024xf32, #tpu.memory_space<vmem>>
    %dma_wait3A_1205 = tpu.memref_slice %arg7[%add3A_436] : memref<524288xf32, #tpu.memory_space<hbm>> -> memref<1024xf32, #tpu.memory_space<hbm>>
    %dma_wait3A_1206 = tpu.memref_slice %arg19[%dma_wait3A_1200, %dma_wait3A_1201] : memref<2x2x!tpu.dma_semaphore, #tpu.memory_space<semaphore_mem>> -> memref<1x1x!tpu.dma_semaphore, #tpu.memory_space<semaphore_mem>>
    %dma_wait3A_1207 = tpu.memref_squeeze %dma_wait3A_1206 : memref<1x1x!tpu.dma_semaphore, #tpu.memory_space<semaphore_mem>> -> memref<!tpu.dma_semaphore, #tpu.memory_space<semaphore_mem>>
    %dma_wait3A_1208 = tpu.memref_slice %arg7[%add3A_436] : memref<524288xf32, #tpu.memory_space<hbm>> -> memref<1024xf32, #tpu.memory_space<hbm>>
    %dma_wait3A_1209 = arith.constant 0 : i32
    %dma_wait3A_1210 = tpu.memref_slice %arg14[%dma_wait3A_1198, %dma_wait3A_1199, %dma_wait3A_1209] : memref<2x8x1024xf32, #tpu.memory_space<vmem>> -> memref<1x1x1024xf32, #tpu.memory_space<vmem>>
    %dma_wait3A_1211 = tpu.memref_squeeze %dma_wait3A_1210 : memref<1x1x1024xf32, #tpu.memory_space<vmem>> -> memref<1024xf32, #tpu.memory_space<vmem>>
    tpu.wait_dma2 semaphore(%dma_wait3A_1207 : memref<!tpu.dma_semaphore, #tpu.memory_space<semaphore_mem>>) src(%dma_wait3A_1211 : memref<1024xf32, #tpu.memory_space<vmem>>) dst(%dma_wait3A_1208 : memref<1024xf32, #tpu.memory_space<hbm>>)
    %dma_wait3A_1212 = arith.constant 0 : i32
    %dma_wait3A_1213 = arith.constant 3 : i32
    %dma_wait3A_1214 = arith.constant 0 : i32
    %dma_wait3A_1215 = arith.constant 1 : i32
    %dma_wait3A_1216 = arith.constant 0 : i32
    %dma_wait3A_1217 = tpu.memref_slice %arg15[%dma_wait3A_1212, %dma_wait3A_1213, %dma_wait3A_1216] : memref<2x8x1024xf32, #tpu.memory_space<vmem>> -> memref<1x1x1024xf32, #tpu.memory_space<vmem>>
    %dma_wait3A_1218 = tpu.memref_squeeze %dma_wait3A_1217 : memref<1x1x1024xf32, #tpu.memory_space<vmem>> -> memref<1024xf32, #tpu.memory_space<vmem>>
    %dma_wait3A_1219 = tpu.memref_slice %arg8[%add3A_436] : memref<524288xf32, #tpu.memory_space<hbm>> -> memref<1024xf32, #tpu.memory_space<hbm>>
    %dma_wait3A_1220 = tpu.memref_slice %arg19[%dma_wait3A_1214, %dma_wait3A_1215] : memref<2x2x!tpu.dma_semaphore, #tpu.memory_space<semaphore_mem>> -> memref<1x1x!tpu.dma_semaphore, #tpu.memory_space<semaphore_mem>>
    %dma_wait3A_1221 = tpu.memref_squeeze %dma_wait3A_1220 : memref<1x1x!tpu.dma_semaphore, #tpu.memory_space<semaphore_mem>> -> memref<!tpu.dma_semaphore, #tpu.memory_space<semaphore_mem>>
    %dma_wait3A_1222 = tpu.memref_slice %arg8[%add3A_436] : memref<524288xf32, #tpu.memory_space<hbm>> -> memref<1024xf32, #tpu.memory_space<hbm>>
    %dma_wait3A_1223 = arith.constant 0 : i32
    %dma_wait3A_1224 = tpu.memref_slice %arg15[%dma_wait3A_1212, %dma_wait3A_1213, %dma_wait3A_1223] : memref<2x8x1024xf32, #tpu.memory_space<vmem>> -> memref<1x1x1024xf32, #tpu.memory_space<vmem>>
    %dma_wait3A_1225 = tpu.memref_squeeze %dma_wait3A_1224 : memref<1x1x1024xf32, #tpu.memory_space<vmem>> -> memref<1024xf32, #tpu.memory_space<vmem>>
    tpu.wait_dma2 semaphore(%dma_wait3A_1221 : memref<!tpu.dma_semaphore, #tpu.memory_space<semaphore_mem>>) src(%dma_wait3A_1225 : memref<1024xf32, #tpu.memory_space<vmem>>) dst(%dma_wait3A_1222 : memref<1024xf32, #tpu.memory_space<hbm>>)
    %dma_wait3A_1226 = arith.constant 0 : i32
    %dma_wait3A_1227 = arith.constant 4 : i32
    %dma_wait3A_1228 = arith.constant 0 : i32
    %dma_wait3A_1229 = arith.constant 0 : i32
    %dma_wait3A_1230 = arith.constant 0 : i32
    %dma_wait3A_1231 = tpu.memref_slice %arg14[%dma_wait3A_1226, %dma_wait3A_1227, %dma_wait3A_1230] : memref<2x8x1024xf32, #tpu.memory_space<vmem>> -> memref<1x1x1024xf32, #tpu.memory_space<vmem>>
    %dma_wait3A_1232 = tpu.memref_squeeze %dma_wait3A_1231 : memref<1x1x1024xf32, #tpu.memory_space<vmem>> -> memref<1024xf32, #tpu.memory_space<vmem>>
    %dma_wait3A_1233 = tpu.memref_slice %arg7[%add3A_472] : memref<524288xf32, #tpu.memory_space<hbm>> -> memref<1024xf32, #tpu.memory_space<hbm>>
    %dma_wait3A_1234 = tpu.memref_slice %arg19[%dma_wait3A_1228, %dma_wait3A_1229] : memref<2x2x!tpu.dma_semaphore, #tpu.memory_space<semaphore_mem>> -> memref<1x1x!tpu.dma_semaphore, #tpu.memory_space<semaphore_mem>>
    %dma_wait3A_1235 = tpu.memref_squeeze %dma_wait3A_1234 : memref<1x1x!tpu.dma_semaphore, #tpu.memory_space<semaphore_mem>> -> memref<!tpu.dma_semaphore, #tpu.memory_space<semaphore_mem>>
    %dma_wait3A_1236 = tpu.memref_slice %arg7[%add3A_472] : memref<524288xf32, #tpu.memory_space<hbm>> -> memref<1024xf32, #tpu.memory_space<hbm>>
    %dma_wait3A_1237 = arith.constant 0 : i32
    %dma_wait3A_1238 = tpu.memref_slice %arg14[%dma_wait3A_1226, %dma_wait3A_1227, %dma_wait3A_1237] : memref<2x8x1024xf32, #tpu.memory_space<vmem>> -> memref<1x1x1024xf32, #tpu.memory_space<vmem>>
    %dma_wait3A_1239 = tpu.memref_squeeze %dma_wait3A_1238 : memref<1x1x1024xf32, #tpu.memory_space<vmem>> -> memref<1024xf32, #tpu.memory_space<vmem>>
    tpu.wait_dma2 semaphore(%dma_wait3A_1235 : memref<!tpu.dma_semaphore, #tpu.memory_space<semaphore_mem>>) src(%dma_wait3A_1239 : memref<1024xf32, #tpu.memory_space<vmem>>) dst(%dma_wait3A_1236 : memref<1024xf32, #tpu.memory_space<hbm>>)
    %dma_wait3A_1240 = arith.constant 0 : i32
    %dma_wait3A_1241 = arith.constant 4 : i32
    %dma_wait3A_1242 = arith.constant 0 : i32
    %dma_wait3A_1243 = arith.constant 1 : i32
    %dma_wait3A_1244 = arith.constant 0 : i32
    %dma_wait3A_1245 = tpu.memref_slice %arg15[%dma_wait3A_1240, %dma_wait3A_1241, %dma_wait3A_1244] : memref<2x8x1024xf32, #tpu.memory_space<vmem>> -> memref<1x1x1024xf32, #tpu.memory_space<vmem>>
    %dma_wait3A_1246 = tpu.memref_squeeze %dma_wait3A_1245 : memref<1x1x1024xf32, #tpu.memory_space<vmem>> -> memref<1024xf32, #tpu.memory_space<vmem>>
    %dma_wait3A_1247 = tpu.memref_slice %arg8[%add3A_472] : memref<524288xf32, #tpu.memory_space<hbm>> -> memref<1024xf32, #tpu.memory_space<hbm>>
    %dma_wait3A_1248 = tpu.memref_slice %arg19[%dma_wait3A_1242, %dma_wait3A_1243] : memref<2x2x!tpu.dma_semaphore, #tpu.memory_space<semaphore_mem>> -> memref<1x1x!tpu.dma_semaphore, #tpu.memory_space<semaphore_mem>>
    %dma_wait3A_1249 = tpu.memref_squeeze %dma_wait3A_1248 : memref<1x1x!tpu.dma_semaphore, #tpu.memory_space<semaphore_mem>> -> memref<!tpu.dma_semaphore, #tpu.memory_space<semaphore_mem>>
    %dma_wait3A_1250 = tpu.memref_slice %arg8[%add3A_472] : memref<524288xf32, #tpu.memory_space<hbm>> -> memref<1024xf32, #tpu.memory_space<hbm>>
    %dma_wait3A_1251 = arith.constant 0 : i32
    %dma_wait3A_1252 = tpu.memref_slice %arg15[%dma_wait3A_1240, %dma_wait3A_1241, %dma_wait3A_1251] : memref<2x8x1024xf32, #tpu.memory_space<vmem>> -> memref<1x1x1024xf32, #tpu.memory_space<vmem>>
    %dma_wait3A_1253 = tpu.memref_squeeze %dma_wait3A_1252 : memref<1x1x1024xf32, #tpu.memory_space<vmem>> -> memref<1024xf32, #tpu.memory_space<vmem>>
    tpu.wait_dma2 semaphore(%dma_wait3A_1249 : memref<!tpu.dma_semaphore, #tpu.memory_space<semaphore_mem>>) src(%dma_wait3A_1253 : memref<1024xf32, #tpu.memory_space<vmem>>) dst(%dma_wait3A_1250 : memref<1024xf32, #tpu.memory_space<hbm>>)
    %dma_wait3A_1254 = arith.constant 0 : i32
    %dma_wait3A_1255 = arith.constant 5 : i32
    %dma_wait3A_1256 = arith.constant 0 : i32
    %dma_wait3A_1257 = arith.constant 0 : i32
    %dma_wait3A_1258 = arith.constant 0 : i32
    %dma_wait3A_1259 = tpu.memref_slice %arg14[%dma_wait3A_1254, %dma_wait3A_1255, %dma_wait3A_1258] : memref<2x8x1024xf32, #tpu.memory_space<vmem>> -> memref<1x1x1024xf32, #tpu.memory_space<vmem>>
    %dma_wait3A_1260 = tpu.memref_squeeze %dma_wait3A_1259 : memref<1x1x1024xf32, #tpu.memory_space<vmem>> -> memref<1024xf32, #tpu.memory_space<vmem>>
    %dma_wait3A_1261 = tpu.memref_slice %arg7[%add3A_508] : memref<524288xf32, #tpu.memory_space<hbm>> -> memref<1024xf32, #tpu.memory_space<hbm>>
    %dma_wait3A_1262 = tpu.memref_slice %arg19[%dma_wait3A_1256, %dma_wait3A_1257] : memref<2x2x!tpu.dma_semaphore, #tpu.memory_space<semaphore_mem>> -> memref<1x1x!tpu.dma_semaphore, #tpu.memory_space<semaphore_mem>>
    %dma_wait3A_1263 = tpu.memref_squeeze %dma_wait3A_1262 : memref<1x1x!tpu.dma_semaphore, #tpu.memory_space<semaphore_mem>> -> memref<!tpu.dma_semaphore, #tpu.memory_space<semaphore_mem>>
    %dma_wait3A_1264 = tpu.memref_slice %arg7[%add3A_508] : memref<524288xf32, #tpu.memory_space<hbm>> -> memref<1024xf32, #tpu.memory_space<hbm>>
    %dma_wait3A_1265 = arith.constant 0 : i32
    %dma_wait3A_1266 = tpu.memref_slice %arg14[%dma_wait3A_1254, %dma_wait3A_1255, %dma_wait3A_1265] : memref<2x8x1024xf32, #tpu.memory_space<vmem>> -> memref<1x1x1024xf32, #tpu.memory_space<vmem>>
    %dma_wait3A_1267 = tpu.memref_squeeze %dma_wait3A_1266 : memref<1x1x1024xf32, #tpu.memory_space<vmem>> -> memref<1024xf32, #tpu.memory_space<vmem>>
    tpu.wait_dma2 semaphore(%dma_wait3A_1263 : memref<!tpu.dma_semaphore, #tpu.memory_space<semaphore_mem>>) src(%dma_wait3A_1267 : memref<1024xf32, #tpu.memory_space<vmem>>) dst(%dma_wait3A_1264 : memref<1024xf32, #tpu.memory_space<hbm>>)
    %dma_wait3A_1268 = arith.constant 0 : i32
    %dma_wait3A_1269 = arith.constant 5 : i32
    %dma_wait3A_1270 = arith.constant 0 : i32
    %dma_wait3A_1271 = arith.constant 1 : i32
    %dma_wait3A_1272 = arith.constant 0 : i32
    %dma_wait3A_1273 = tpu.memref_slice %arg15[%dma_wait3A_1268, %dma_wait3A_1269, %dma_wait3A_1272] : memref<2x8x1024xf32, #tpu.memory_space<vmem>> -> memref<1x1x1024xf32, #tpu.memory_space<vmem>>
    %dma_wait3A_1274 = tpu.memref_squeeze %dma_wait3A_1273 : memref<1x1x1024xf32, #tpu.memory_space<vmem>> -> memref<1024xf32, #tpu.memory_space<vmem>>
    %dma_wait3A_1275 = tpu.memref_slice %arg8[%add3A_508] : memref<524288xf32, #tpu.memory_space<hbm>> -> memref<1024xf32, #tpu.memory_space<hbm>>
    %dma_wait3A_1276 = tpu.memref_slice %arg19[%dma_wait3A_1270, %dma_wait3A_1271] : memref<2x2x!tpu.dma_semaphore, #tpu.memory_space<semaphore_mem>> -> memref<1x1x!tpu.dma_semaphore, #tpu.memory_space<semaphore_mem>>
    %dma_wait3A_1277 = tpu.memref_squeeze %dma_wait3A_1276 : memref<1x1x!tpu.dma_semaphore, #tpu.memory_space<semaphore_mem>> -> memref<!tpu.dma_semaphore, #tpu.memory_space<semaphore_mem>>
    %dma_wait3A_1278 = tpu.memref_slice %arg8[%add3A_508] : memref<524288xf32, #tpu.memory_space<hbm>> -> memref<1024xf32, #tpu.memory_space<hbm>>
    %dma_wait3A_1279 = arith.constant 0 : i32
    %dma_wait3A_1280 = tpu.memref_slice %arg15[%dma_wait3A_1268, %dma_wait3A_1269, %dma_wait3A_1279] : memref<2x8x1024xf32, #tpu.memory_space<vmem>> -> memref<1x1x1024xf32, #tpu.memory_space<vmem>>
    %dma_wait3A_1281 = tpu.memref_squeeze %dma_wait3A_1280 : memref<1x1x1024xf32, #tpu.memory_space<vmem>> -> memref<1024xf32, #tpu.memory_space<vmem>>
    tpu.wait_dma2 semaphore(%dma_wait3A_1277 : memref<!tpu.dma_semaphore, #tpu.memory_space<semaphore_mem>>) src(%dma_wait3A_1281 : memref<1024xf32, #tpu.memory_space<vmem>>) dst(%dma_wait3A_1278 : memref<1024xf32, #tpu.memory_space<hbm>>)
    %dma_wait3A_1282 = arith.constant 0 : i32
    %dma_wait3A_1283 = arith.constant 6 : i32
    %dma_wait3A_1284 = arith.constant 0 : i32
    %dma_wait3A_1285 = arith.constant 0 : i32
    %dma_wait3A_1286 = arith.constant 0 : i32
    %dma_wait3A_1287 = tpu.memref_slice %arg14[%dma_wait3A_1282, %dma_wait3A_1283, %dma_wait3A_1286] : memref<2x8x1024xf32, #tpu.memory_space<vmem>> -> memref<1x1x1024xf32, #tpu.memory_space<vmem>>
    %dma_wait3A_1288 = tpu.memref_squeeze %dma_wait3A_1287 : memref<1x1x1024xf32, #tpu.memory_space<vmem>> -> memref<1024xf32, #tpu.memory_space<vmem>>
    %dma_wait3A_1289 = tpu.memref_slice %arg7[%add3A_544] : memref<524288xf32, #tpu.memory_space<hbm>> -> memref<1024xf32, #tpu.memory_space<hbm>>
    %dma_wait3A_1290 = tpu.memref_slice %arg19[%dma_wait3A_1284, %dma_wait3A_1285] : memref<2x2x!tpu.dma_semaphore, #tpu.memory_space<semaphore_mem>> -> memref<1x1x!tpu.dma_semaphore, #tpu.memory_space<semaphore_mem>>
    %dma_wait3A_1291 = tpu.memref_squeeze %dma_wait3A_1290 : memref<1x1x!tpu.dma_semaphore, #tpu.memory_space<semaphore_mem>> -> memref<!tpu.dma_semaphore, #tpu.memory_space<semaphore_mem>>
    %dma_wait3A_1292 = tpu.memref_slice %arg7[%add3A_544] : memref<524288xf32, #tpu.memory_space<hbm>> -> memref<1024xf32, #tpu.memory_space<hbm>>
    %dma_wait3A_1293 = arith.constant 0 : i32
    %dma_wait3A_1294 = tpu.memref_slice %arg14[%dma_wait3A_1282, %dma_wait3A_1283, %dma_wait3A_1293] : memref<2x8x1024xf32, #tpu.memory_space<vmem>> -> memref<1x1x1024xf32, #tpu.memory_space<vmem>>
    %dma_wait3A_1295 = tpu.memref_squeeze %dma_wait3A_1294 : memref<1x1x1024xf32, #tpu.memory_space<vmem>> -> memref<1024xf32, #tpu.memory_space<vmem>>
    tpu.wait_dma2 semaphore(%dma_wait3A_1291 : memref<!tpu.dma_semaphore, #tpu.memory_space<semaphore_mem>>) src(%dma_wait3A_1295 : memref<1024xf32, #tpu.memory_space<vmem>>) dst(%dma_wait3A_1292 : memref<1024xf32, #tpu.memory_space<hbm>>)
    %dma_wait3A_1296 = arith.constant 0 : i32
    %dma_wait3A_1297 = arith.constant 6 : i32
    %dma_wait3A_1298 = arith.constant 0 : i32
    %dma_wait3A_1299 = arith.constant 1 : i32
    %dma_wait3A_1300 = arith.constant 0 : i32
    %dma_wait3A_1301 = tpu.memref_slice %arg15[%dma_wait3A_1296, %dma_wait3A_1297, %dma_wait3A_1300] : memref<2x8x1024xf32, #tpu.memory_space<vmem>> -> memref<1x1x1024xf32, #tpu.memory_space<vmem>>
    %dma_wait3A_1302 = tpu.memref_squeeze %dma_wait3A_1301 : memref<1x1x1024xf32, #tpu.memory_space<vmem>> -> memref<1024xf32, #tpu.memory_space<vmem>>
    %dma_wait3A_1303 = tpu.memref_slice %arg8[%add3A_544] : memref<524288xf32, #tpu.memory_space<hbm>> -> memref<1024xf32, #tpu.memory_space<hbm>>
    %dma_wait3A_1304 = tpu.memref_slice %arg19[%dma_wait3A_1298, %dma_wait3A_1299] : memref<2x2x!tpu.dma_semaphore, #tpu.memory_space<semaphore_mem>> -> memref<1x1x!tpu.dma_semaphore, #tpu.memory_space<semaphore_mem>>
    %dma_wait3A_1305 = tpu.memref_squeeze %dma_wait3A_1304 : memref<1x1x!tpu.dma_semaphore, #tpu.memory_space<semaphore_mem>> -> memref<!tpu.dma_semaphore, #tpu.memory_space<semaphore_mem>>
    %dma_wait3A_1306 = tpu.memref_slice %arg8[%add3A_544] : memref<524288xf32, #tpu.memory_space<hbm>> -> memref<1024xf32, #tpu.memory_space<hbm>>
    %dma_wait3A_1307 = arith.constant 0 : i32
    %dma_wait3A_1308 = tpu.memref_slice %arg15[%dma_wait3A_1296, %dma_wait3A_1297, %dma_wait3A_1307] : memref<2x8x1024xf32, #tpu.memory_space<vmem>> -> memref<1x1x1024xf32, #tpu.memory_space<vmem>>
    %dma_wait3A_1309 = tpu.memref_squeeze %dma_wait3A_1308 : memref<1x1x1024xf32, #tpu.memory_space<vmem>> -> memref<1024xf32, #tpu.memory_space<vmem>>
    tpu.wait_dma2 semaphore(%dma_wait3A_1305 : memref<!tpu.dma_semaphore, #tpu.memory_space<semaphore_mem>>) src(%dma_wait3A_1309 : memref<1024xf32, #tpu.memory_space<vmem>>) dst(%dma_wait3A_1306 : memref<1024xf32, #tpu.memory_space<hbm>>)
    %dma_wait3A_1310 = arith.constant 0 : i32
    %dma_wait3A_1311 = arith.constant 7 : i32
    %dma_wait3A_1312 = arith.constant 0 : i32
    %dma_wait3A_1313 = arith.constant 0 : i32
    %dma_wait3A_1314 = arith.constant 0 : i32
    %dma_wait3A_1315 = tpu.memref_slice %arg14[%dma_wait3A_1310, %dma_wait3A_1311, %dma_wait3A_1314] : memref<2x8x1024xf32, #tpu.memory_space<vmem>> -> memref<1x1x1024xf32, #tpu.memory_space<vmem>>
    %dma_wait3A_1316 = tpu.memref_squeeze %dma_wait3A_1315 : memref<1x1x1024xf32, #tpu.memory_space<vmem>> -> memref<1024xf32, #tpu.memory_space<vmem>>
    %dma_wait3A_1317 = tpu.memref_slice %arg7[%add3A_580] : memref<524288xf32, #tpu.memory_space<hbm>> -> memref<1024xf32, #tpu.memory_space<hbm>>
    %dma_wait3A_1318 = tpu.memref_slice %arg19[%dma_wait3A_1312, %dma_wait3A_1313] : memref<2x2x!tpu.dma_semaphore, #tpu.memory_space<semaphore_mem>> -> memref<1x1x!tpu.dma_semaphore, #tpu.memory_space<semaphore_mem>>
    %dma_wait3A_1319 = tpu.memref_squeeze %dma_wait3A_1318 : memref<1x1x!tpu.dma_semaphore, #tpu.memory_space<semaphore_mem>> -> memref<!tpu.dma_semaphore, #tpu.memory_space<semaphore_mem>>
    %dma_wait3A_1320 = tpu.memref_slice %arg7[%add3A_580] : memref<524288xf32, #tpu.memory_space<hbm>> -> memref<1024xf32, #tpu.memory_space<hbm>>
    %dma_wait3A_1321 = arith.constant 0 : i32
    %dma_wait3A_1322 = tpu.memref_slice %arg14[%dma_wait3A_1310, %dma_wait3A_1311, %dma_wait3A_1321] : memref<2x8x1024xf32, #tpu.memory_space<vmem>> -> memref<1x1x1024xf32, #tpu.memory_space<vmem>>
    %dma_wait3A_1323 = tpu.memref_squeeze %dma_wait3A_1322 : memref<1x1x1024xf32, #tpu.memory_space<vmem>> -> memref<1024xf32, #tpu.memory_space<vmem>>
    tpu.wait_dma2 semaphore(%dma_wait3A_1319 : memref<!tpu.dma_semaphore, #tpu.memory_space<semaphore_mem>>) src(%dma_wait3A_1323 : memref<1024xf32, #tpu.memory_space<vmem>>) dst(%dma_wait3A_1320 : memref<1024xf32, #tpu.memory_space<hbm>>)
    %dma_wait3A_1324 = arith.constant 0 : i32
    %dma_wait3A_1325 = arith.constant 7 : i32
    %dma_wait3A_1326 = arith.constant 0 : i32
    %dma_wait3A_1327 = arith.constant 1 : i32
    %dma_wait3A_1328 = arith.constant 0 : i32
    %dma_wait3A_1329 = tpu.memref_slice %arg15[%dma_wait3A_1324, %dma_wait3A_1325, %dma_wait3A_1328] : memref<2x8x1024xf32, #tpu.memory_space<vmem>> -> memref<1x1x1024xf32, #tpu.memory_space<vmem>>
    %dma_wait3A_1330 = tpu.memref_squeeze %dma_wait3A_1329 : memref<1x1x1024xf32, #tpu.memory_space<vmem>> -> memref<1024xf32, #tpu.memory_space<vmem>>
    %dma_wait3A_1331 = tpu.memref_slice %arg8[%add3A_580] : memref<524288xf32, #tpu.memory_space<hbm>> -> memref<1024xf32, #tpu.memory_space<hbm>>
    %dma_wait3A_1332 = tpu.memref_slice %arg19[%dma_wait3A_1326, %dma_wait3A_1327] : memref<2x2x!tpu.dma_semaphore, #tpu.memory_space<semaphore_mem>> -> memref<1x1x!tpu.dma_semaphore, #tpu.memory_space<semaphore_mem>>
    %dma_wait3A_1333 = tpu.memref_squeeze %dma_wait3A_1332 : memref<1x1x!tpu.dma_semaphore, #tpu.memory_space<semaphore_mem>> -> memref<!tpu.dma_semaphore, #tpu.memory_space<semaphore_mem>>
    %dma_wait3A_1334 = tpu.memref_slice %arg8[%add3A_580] : memref<524288xf32, #tpu.memory_space<hbm>> -> memref<1024xf32, #tpu.memory_space<hbm>>
    %dma_wait3A_1335 = arith.constant 0 : i32
    %dma_wait3A_1336 = tpu.memref_slice %arg15[%dma_wait3A_1324, %dma_wait3A_1325, %dma_wait3A_1335] : memref<2x8x1024xf32, #tpu.memory_space<vmem>> -> memref<1x1x1024xf32, #tpu.memory_space<vmem>>
    %dma_wait3A_1337 = tpu.memref_squeeze %dma_wait3A_1336 : memref<1x1x1024xf32, #tpu.memory_space<vmem>> -> memref<1024xf32, #tpu.memory_space<vmem>>
    tpu.wait_dma2 semaphore(%dma_wait3A_1333 : memref<!tpu.dma_semaphore, #tpu.memory_space<semaphore_mem>>) src(%dma_wait3A_1337 : memref<1024xf32, #tpu.memory_space<vmem>>) dst(%dma_wait3A_1334 : memref<1024xf32, #tpu.memory_space<hbm>>)
    %dma_wait3A_1338 = arith.constant 1 : i32
    %dma_wait3A_1339 = arith.constant 0 : i32
    %dma_wait3A_1340 = arith.constant 1 : i32
    %dma_wait3A_1341 = arith.constant 0 : i32
    %dma_wait3A_1342 = arith.constant 0 : i32
    %dma_wait3A_1343 = tpu.memref_slice %arg14[%dma_wait3A_1338, %dma_wait3A_1339, %dma_wait3A_1342] : memref<2x8x1024xf32, #tpu.memory_space<vmem>> -> memref<1x1x1024xf32, #tpu.memory_space<vmem>>
    %dma_wait3A_1344 = tpu.memref_squeeze %dma_wait3A_1343 : memref<1x1x1024xf32, #tpu.memory_space<vmem>> -> memref<1024xf32, #tpu.memory_space<vmem>>
    %dma_wait3A_1345 = tpu.memref_slice %arg7[%add3A_833] : memref<524288xf32, #tpu.memory_space<hbm>> -> memref<1024xf32, #tpu.memory_space<hbm>>
    %dma_wait3A_1346 = tpu.memref_slice %arg19[%dma_wait3A_1340, %dma_wait3A_1341] : memref<2x2x!tpu.dma_semaphore, #tpu.memory_space<semaphore_mem>> -> memref<1x1x!tpu.dma_semaphore, #tpu.memory_space<semaphore_mem>>
    %dma_wait3A_1347 = tpu.memref_squeeze %dma_wait3A_1346 : memref<1x1x!tpu.dma_semaphore, #tpu.memory_space<semaphore_mem>> -> memref<!tpu.dma_semaphore, #tpu.memory_space<semaphore_mem>>
    %dma_wait3A_1348 = tpu.memref_slice %arg7[%add3A_833] : memref<524288xf32, #tpu.memory_space<hbm>> -> memref<1024xf32, #tpu.memory_space<hbm>>
    %dma_wait3A_1349 = arith.constant 0 : i32
    %dma_wait3A_1350 = tpu.memref_slice %arg14[%dma_wait3A_1338, %dma_wait3A_1339, %dma_wait3A_1349] : memref<2x8x1024xf32, #tpu.memory_space<vmem>> -> memref<1x1x1024xf32, #tpu.memory_space<vmem>>
    %dma_wait3A_1351 = tpu.memref_squeeze %dma_wait3A_1350 : memref<1x1x1024xf32, #tpu.memory_space<vmem>> -> memref<1024xf32, #tpu.memory_space<vmem>>
    tpu.wait_dma2 semaphore(%dma_wait3A_1347 : memref<!tpu.dma_semaphore, #tpu.memory_space<semaphore_mem>>) src(%dma_wait3A_1351 : memref<1024xf32, #tpu.memory_space<vmem>>) dst(%dma_wait3A_1348 : memref<1024xf32, #tpu.memory_space<hbm>>)
    %dma_wait3A_1352 = arith.constant 1 : i32
    %dma_wait3A_1353 = arith.constant 0 : i32
    %dma_wait3A_1354 = arith.constant 1 : i32
    %dma_wait3A_1355 = arith.constant 1 : i32
    %dma_wait3A_1356 = arith.constant 0 : i32
    %dma_wait3A_1357 = tpu.memref_slice %arg15[%dma_wait3A_1352, %dma_wait3A_1353, %dma_wait3A_1356] : memref<2x8x1024xf32, #tpu.memory_space<vmem>> -> memref<1x1x1024xf32, #tpu.memory_space<vmem>>
    %dma_wait3A_1358 = tpu.memref_squeeze %dma_wait3A_1357 : memref<1x1x1024xf32, #tpu.memory_space<vmem>> -> memref<1024xf32, #tpu.memory_space<vmem>>
    %dma_wait3A_1359 = tpu.memref_slice %arg8[%add3A_833] : memref<524288xf32, #tpu.memory_space<hbm>> -> memref<1024xf32, #tpu.memory_space<hbm>>
    %dma_wait3A_1360 = tpu.memref_slice %arg19[%dma_wait3A_1354, %dma_wait3A_1355] : memref<2x2x!tpu.dma_semaphore, #tpu.memory_space<semaphore_mem>> -> memref<1x1x!tpu.dma_semaphore, #tpu.memory_space<semaphore_mem>>
    %dma_wait3A_1361 = tpu.memref_squeeze %dma_wait3A_1360 : memref<1x1x!tpu.dma_semaphore, #tpu.memory_space<semaphore_mem>> -> memref<!tpu.dma_semaphore, #tpu.memory_space<semaphore_mem>>
    %dma_wait3A_1362 = tpu.memref_slice %arg8[%add3A_833] : memref<524288xf32, #tpu.memory_space<hbm>> -> memref<1024xf32, #tpu.memory_space<hbm>>
    %dma_wait3A_1363 = arith.constant 0 : i32
    %dma_wait3A_1364 = tpu.memref_slice %arg15[%dma_wait3A_1352, %dma_wait3A_1353, %dma_wait3A_1363] : memref<2x8x1024xf32, #tpu.memory_space<vmem>> -> memref<1x1x1024xf32, #tpu.memory_space<vmem>>
    %dma_wait3A_1365 = tpu.memref_squeeze %dma_wait3A_1364 : memref<1x1x1024xf32, #tpu.memory_space<vmem>> -> memref<1024xf32, #tpu.memory_space<vmem>>
    tpu.wait_dma2 semaphore(%dma_wait3A_1361 : memref<!tpu.dma_semaphore, #tpu.memory_space<semaphore_mem>>) src(%dma_wait3A_1365 : memref<1024xf32, #tpu.memory_space<vmem>>) dst(%dma_wait3A_1362 : memref<1024xf32, #tpu.memory_space<hbm>>)
    %dma_wait3A_1366 = arith.constant 1 : i32
    %dma_wait3A_1367 = arith.constant 1 : i32
    %dma_wait3A_1368 = arith.constant 1 : i32
    %dma_wait3A_1369 = arith.constant 0 : i32
    %dma_wait3A_1370 = arith.constant 0 : i32
    %dma_wait3A_1371 = tpu.memref_slice %arg14[%dma_wait3A_1366, %dma_wait3A_1367, %dma_wait3A_1370] : memref<2x8x1024xf32, #tpu.memory_space<vmem>> -> memref<1x1x1024xf32, #tpu.memory_space<vmem>>
    %dma_wait3A_1372 = tpu.memref_squeeze %dma_wait3A_1371 : memref<1x1x1024xf32, #tpu.memory_space<vmem>> -> memref<1024xf32, #tpu.memory_space<vmem>>
    %dma_wait3A_1373 = tpu.memref_slice %arg7[%add3A_869] : memref<524288xf32, #tpu.memory_space<hbm>> -> memref<1024xf32, #tpu.memory_space<hbm>>
    %dma_wait3A_1374 = tpu.memref_slice %arg19[%dma_wait3A_1368, %dma_wait3A_1369] : memref<2x2x!tpu.dma_semaphore, #tpu.memory_space<semaphore_mem>> -> memref<1x1x!tpu.dma_semaphore, #tpu.memory_space<semaphore_mem>>
    %dma_wait3A_1375 = tpu.memref_squeeze %dma_wait3A_1374 : memref<1x1x!tpu.dma_semaphore, #tpu.memory_space<semaphore_mem>> -> memref<!tpu.dma_semaphore, #tpu.memory_space<semaphore_mem>>
    %dma_wait3A_1376 = tpu.memref_slice %arg7[%add3A_869] : memref<524288xf32, #tpu.memory_space<hbm>> -> memref<1024xf32, #tpu.memory_space<hbm>>
    %dma_wait3A_1377 = arith.constant 0 : i32
    %dma_wait3A_1378 = tpu.memref_slice %arg14[%dma_wait3A_1366, %dma_wait3A_1367, %dma_wait3A_1377] : memref<2x8x1024xf32, #tpu.memory_space<vmem>> -> memref<1x1x1024xf32, #tpu.memory_space<vmem>>
    %dma_wait3A_1379 = tpu.memref_squeeze %dma_wait3A_1378 : memref<1x1x1024xf32, #tpu.memory_space<vmem>> -> memref<1024xf32, #tpu.memory_space<vmem>>
    tpu.wait_dma2 semaphore(%dma_wait3A_1375 : memref<!tpu.dma_semaphore, #tpu.memory_space<semaphore_mem>>) src(%dma_wait3A_1379 : memref<1024xf32, #tpu.memory_space<vmem>>) dst(%dma_wait3A_1376 : memref<1024xf32, #tpu.memory_space<hbm>>)
    %dma_wait3A_1380 = arith.constant 1 : i32
    %dma_wait3A_1381 = arith.constant 1 : i32
    %dma_wait3A_1382 = arith.constant 1 : i32
    %dma_wait3A_1383 = arith.constant 1 : i32
    %dma_wait3A_1384 = arith.constant 0 : i32
    %dma_wait3A_1385 = tpu.memref_slice %arg15[%dma_wait3A_1380, %dma_wait3A_1381, %dma_wait3A_1384] : memref<2x8x1024xf32, #tpu.memory_space<vmem>> -> memref<1x1x1024xf32, #tpu.memory_space<vmem>>
    %dma_wait3A_1386 = tpu.memref_squeeze %dma_wait3A_1385 : memref<1x1x1024xf32, #tpu.memory_space<vmem>> -> memref<1024xf32, #tpu.memory_space<vmem>>
    %dma_wait3A_1387 = tpu.memref_slice %arg8[%add3A_869] : memref<524288xf32, #tpu.memory_space<hbm>> -> memref<1024xf32, #tpu.memory_space<hbm>>
    %dma_wait3A_1388 = tpu.memref_slice %arg19[%dma_wait3A_1382, %dma_wait3A_1383] : memref<2x2x!tpu.dma_semaphore, #tpu.memory_space<semaphore_mem>> -> memref<1x1x!tpu.dma_semaphore, #tpu.memory_space<semaphore_mem>>
    %dma_wait3A_1389 = tpu.memref_squeeze %dma_wait3A_1388 : memref<1x1x!tpu.dma_semaphore, #tpu.memory_space<semaphore_mem>> -> memref<!tpu.dma_semaphore, #tpu.memory_space<semaphore_mem>>
    %dma_wait3A_1390 = tpu.memref_slice %arg8[%add3A_869] : memref<524288xf32, #tpu.memory_space<hbm>> -> memref<1024xf32, #tpu.memory_space<hbm>>
    %dma_wait3A_1391 = arith.constant 0 : i32
    %dma_wait3A_1392 = tpu.memref_slice %arg15[%dma_wait3A_1380, %dma_wait3A_1381, %dma_wait3A_1391] : memref<2x8x1024xf32, #tpu.memory_space<vmem>> -> memref<1x1x1024xf32, #tpu.memory_space<vmem>>
    %dma_wait3A_1393 = tpu.memref_squeeze %dma_wait3A_1392 : memref<1x1x1024xf32, #tpu.memory_space<vmem>> -> memref<1024xf32, #tpu.memory_space<vmem>>
    tpu.wait_dma2 semaphore(%dma_wait3A_1389 : memref<!tpu.dma_semaphore, #tpu.memory_space<semaphore_mem>>) src(%dma_wait3A_1393 : memref<1024xf32, #tpu.memory_space<vmem>>) dst(%dma_wait3A_1390 : memref<1024xf32, #tpu.memory_space<hbm>>)
    %dma_wait3A_1394 = arith.constant 1 : i32
    %dma_wait3A_1395 = arith.constant 2 : i32
    %dma_wait3A_1396 = arith.constant 1 : i32
    %dma_wait3A_1397 = arith.constant 0 : i32
    %dma_wait3A_1398 = arith.constant 0 : i32
    %dma_wait3A_1399 = tpu.memref_slice %arg14[%dma_wait3A_1394, %dma_wait3A_1395, %dma_wait3A_1398] : memref<2x8x1024xf32, #tpu.memory_space<vmem>> -> memref<1x1x1024xf32, #tpu.memory_space<vmem>>
    %dma_wait3A_1400 = tpu.memref_squeeze %dma_wait3A_1399 : memref<1x1x1024xf32, #tpu.memory_space<vmem>> -> memref<1024xf32, #tpu.memory_space<vmem>>
    %dma_wait3A_1401 = tpu.memref_slice %arg7[%add3A_905] : memref<524288xf32, #tpu.memory_space<hbm>> -> memref<1024xf32, #tpu.memory_space<hbm>>
    %dma_wait3A_1402 = tpu.memref_slice %arg19[%dma_wait3A_1396, %dma_wait3A_1397] : memref<2x2x!tpu.dma_semaphore, #tpu.memory_space<semaphore_mem>> -> memref<1x1x!tpu.dma_semaphore, #tpu.memory_space<semaphore_mem>>
    %dma_wait3A_1403 = tpu.memref_squeeze %dma_wait3A_1402 : memref<1x1x!tpu.dma_semaphore, #tpu.memory_space<semaphore_mem>> -> memref<!tpu.dma_semaphore, #tpu.memory_space<semaphore_mem>>
    %dma_wait3A_1404 = tpu.memref_slice %arg7[%add3A_905] : memref<524288xf32, #tpu.memory_space<hbm>> -> memref<1024xf32, #tpu.memory_space<hbm>>
    %dma_wait3A_1405 = arith.constant 0 : i32
    %dma_wait3A_1406 = tpu.memref_slice %arg14[%dma_wait3A_1394, %dma_wait3A_1395, %dma_wait3A_1405] : memref<2x8x1024xf32, #tpu.memory_space<vmem>> -> memref<1x1x1024xf32, #tpu.memory_space<vmem>>
    %dma_wait3A_1407 = tpu.memref_squeeze %dma_wait3A_1406 : memref<1x1x1024xf32, #tpu.memory_space<vmem>> -> memref<1024xf32, #tpu.memory_space<vmem>>
    tpu.wait_dma2 semaphore(%dma_wait3A_1403 : memref<!tpu.dma_semaphore, #tpu.memory_space<semaphore_mem>>) src(%dma_wait3A_1407 : memref<1024xf32, #tpu.memory_space<vmem>>) dst(%dma_wait3A_1404 : memref<1024xf32, #tpu.memory_space<hbm>>)
    %dma_wait3A_1408 = arith.constant 1 : i32
    %dma_wait3A_1409 = arith.constant 2 : i32
    %dma_wait3A_1410 = arith.constant 1 : i32
    %dma_wait3A_1411 = arith.constant 1 : i32
    %dma_wait3A_1412 = arith.constant 0 : i32
    %dma_wait3A_1413 = tpu.memref_slice %arg15[%dma_wait3A_1408, %dma_wait3A_1409, %dma_wait3A_1412] : memref<2x8x1024xf32, #tpu.memory_space<vmem>> -> memref<1x1x1024xf32, #tpu.memory_space<vmem>>
    %dma_wait3A_1414 = tpu.memref_squeeze %dma_wait3A_1413 : memref<1x1x1024xf32, #tpu.memory_space<vmem>> -> memref<1024xf32, #tpu.memory_space<vmem>>
    %dma_wait3A_1415 = tpu.memref_slice %arg8[%add3A_905] : memref<524288xf32, #tpu.memory_space<hbm>> -> memref<1024xf32, #tpu.memory_space<hbm>>
    %dma_wait3A_1416 = tpu.memref_slice %arg19[%dma_wait3A_1410, %dma_wait3A_1411] : memref<2x2x!tpu.dma_semaphore, #tpu.memory_space<semaphore_mem>> -> memref<1x1x!tpu.dma_semaphore, #tpu.memory_space<semaphore_mem>>
    %dma_wait3A_1417 = tpu.memref_squeeze %dma_wait3A_1416 : memref<1x1x!tpu.dma_semaphore, #tpu.memory_space<semaphore_mem>> -> memref<!tpu.dma_semaphore, #tpu.memory_space<semaphore_mem>>
    %dma_wait3A_1418 = tpu.memref_slice %arg8[%add3A_905] : memref<524288xf32, #tpu.memory_space<hbm>> -> memref<1024xf32, #tpu.memory_space<hbm>>
    %dma_wait3A_1419 = arith.constant 0 : i32
    %dma_wait3A_1420 = tpu.memref_slice %arg15[%dma_wait3A_1408, %dma_wait3A_1409, %dma_wait3A_1419] : memref<2x8x1024xf32, #tpu.memory_space<vmem>> -> memref<1x1x1024xf32, #tpu.memory_space<vmem>>
    %dma_wait3A_1421 = tpu.memref_squeeze %dma_wait3A_1420 : memref<1x1x1024xf32, #tpu.memory_space<vmem>> -> memref<1024xf32, #tpu.memory_space<vmem>>
    tpu.wait_dma2 semaphore(%dma_wait3A_1417 : memref<!tpu.dma_semaphore, #tpu.memory_space<semaphore_mem>>) src(%dma_wait3A_1421 : memref<1024xf32, #tpu.memory_space<vmem>>) dst(%dma_wait3A_1418 : memref<1024xf32, #tpu.memory_space<hbm>>)
    %dma_wait3A_1422 = arith.constant 1 : i32
    %dma_wait3A_1423 = arith.constant 3 : i32
    %dma_wait3A_1424 = arith.constant 1 : i32
    %dma_wait3A_1425 = arith.constant 0 : i32
    %dma_wait3A_1426 = arith.constant 0 : i32
    %dma_wait3A_1427 = tpu.memref_slice %arg14[%dma_wait3A_1422, %dma_wait3A_1423, %dma_wait3A_1426] : memref<2x8x1024xf32, #tpu.memory_space<vmem>> -> memref<1x1x1024xf32, #tpu.memory_space<vmem>>
    %dma_wait3A_1428 = tpu.memref_squeeze %dma_wait3A_1427 : memref<1x1x1024xf32, #tpu.memory_space<vmem>> -> memref<1024xf32, #tpu.memory_space<vmem>>
    %dma_wait3A_1429 = tpu.memref_slice %arg7[%add3A_941] : memref<524288xf32, #tpu.memory_space<hbm>> -> memref<1024xf32, #tpu.memory_space<hbm>>
    %dma_wait3A_1430 = tpu.memref_slice %arg19[%dma_wait3A_1424, %dma_wait3A_1425] : memref<2x2x!tpu.dma_semaphore, #tpu.memory_space<semaphore_mem>> -> memref<1x1x!tpu.dma_semaphore, #tpu.memory_space<semaphore_mem>>
    %dma_wait3A_1431 = tpu.memref_squeeze %dma_wait3A_1430 : memref<1x1x!tpu.dma_semaphore, #tpu.memory_space<semaphore_mem>> -> memref<!tpu.dma_semaphore, #tpu.memory_space<semaphore_mem>>
    %dma_wait3A_1432 = tpu.memref_slice %arg7[%add3A_941] : memref<524288xf32, #tpu.memory_space<hbm>> -> memref<1024xf32, #tpu.memory_space<hbm>>
    %dma_wait3A_1433 = arith.constant 0 : i32
    %dma_wait3A_1434 = tpu.memref_slice %arg14[%dma_wait3A_1422, %dma_wait3A_1423, %dma_wait3A_1433] : memref<2x8x1024xf32, #tpu.memory_space<vmem>> -> memref<1x1x1024xf32, #tpu.memory_space<vmem>>
    %dma_wait3A_1435 = tpu.memref_squeeze %dma_wait3A_1434 : memref<1x1x1024xf32, #tpu.memory_space<vmem>> -> memref<1024xf32, #tpu.memory_space<vmem>>
    tpu.wait_dma2 semaphore(%dma_wait3A_1431 : memref<!tpu.dma_semaphore, #tpu.memory_space<semaphore_mem>>) src(%dma_wait3A_1435 : memref<1024xf32, #tpu.memory_space<vmem>>) dst(%dma_wait3A_1432 : memref<1024xf32, #tpu.memory_space<hbm>>)
    %dma_wait3A_1436 = arith.constant 1 : i32
    %dma_wait3A_1437 = arith.constant 3 : i32
    %dma_wait3A_1438 = arith.constant 1 : i32
    %dma_wait3A_1439 = arith.constant 1 : i32
    %dma_wait3A_1440 = arith.constant 0 : i32
    %dma_wait3A_1441 = tpu.memref_slice %arg15[%dma_wait3A_1436, %dma_wait3A_1437, %dma_wait3A_1440] : memref<2x8x1024xf32, #tpu.memory_space<vmem>> -> memref<1x1x1024xf32, #tpu.memory_space<vmem>>
    %dma_wait3A_1442 = tpu.memref_squeeze %dma_wait3A_1441 : memref<1x1x1024xf32, #tpu.memory_space<vmem>> -> memref<1024xf32, #tpu.memory_space<vmem>>
    %dma_wait3A_1443 = tpu.memref_slice %arg8[%add3A_941] : memref<524288xf32, #tpu.memory_space<hbm>> -> memref<1024xf32, #tpu.memory_space<hbm>>
    %dma_wait3A_1444 = tpu.memref_slice %arg19[%dma_wait3A_1438, %dma_wait3A_1439] : memref<2x2x!tpu.dma_semaphore, #tpu.memory_space<semaphore_mem>> -> memref<1x1x!tpu.dma_semaphore, #tpu.memory_space<semaphore_mem>>
    %dma_wait3A_1445 = tpu.memref_squeeze %dma_wait3A_1444 : memref<1x1x!tpu.dma_semaphore, #tpu.memory_space<semaphore_mem>> -> memref<!tpu.dma_semaphore, #tpu.memory_space<semaphore_mem>>
    %dma_wait3A_1446 = tpu.memref_slice %arg8[%add3A_941] : memref<524288xf32, #tpu.memory_space<hbm>> -> memref<1024xf32, #tpu.memory_space<hbm>>
    %dma_wait3A_1447 = arith.constant 0 : i32
    %dma_wait3A_1448 = tpu.memref_slice %arg15[%dma_wait3A_1436, %dma_wait3A_1437, %dma_wait3A_1447] : memref<2x8x1024xf32, #tpu.memory_space<vmem>> -> memref<1x1x1024xf32, #tpu.memory_space<vmem>>
    %dma_wait3A_1449 = tpu.memref_squeeze %dma_wait3A_1448 : memref<1x1x1024xf32, #tpu.memory_space<vmem>> -> memref<1024xf32, #tpu.memory_space<vmem>>
    tpu.wait_dma2 semaphore(%dma_wait3A_1445 : memref<!tpu.dma_semaphore, #tpu.memory_space<semaphore_mem>>) src(%dma_wait3A_1449 : memref<1024xf32, #tpu.memory_space<vmem>>) dst(%dma_wait3A_1446 : memref<1024xf32, #tpu.memory_space<hbm>>)
    %dma_wait3A_1450 = arith.constant 1 : i32
    %dma_wait3A_1451 = arith.constant 4 : i32
    %dma_wait3A_1452 = arith.constant 1 : i32
    %dma_wait3A_1453 = arith.constant 0 : i32
    %dma_wait3A_1454 = arith.constant 0 : i32
    %dma_wait3A_1455 = tpu.memref_slice %arg14[%dma_wait3A_1450, %dma_wait3A_1451, %dma_wait3A_1454] : memref<2x8x1024xf32, #tpu.memory_space<vmem>> -> memref<1x1x1024xf32, #tpu.memory_space<vmem>>
    %dma_wait3A_1456 = tpu.memref_squeeze %dma_wait3A_1455 : memref<1x1x1024xf32, #tpu.memory_space<vmem>> -> memref<1024xf32, #tpu.memory_space<vmem>>
    %dma_wait3A_1457 = tpu.memref_slice %arg7[%add3A_977] : memref<524288xf32, #tpu.memory_space<hbm>> -> memref<1024xf32, #tpu.memory_space<hbm>>
    %dma_wait3A_1458 = tpu.memref_slice %arg19[%dma_wait3A_1452, %dma_wait3A_1453] : memref<2x2x!tpu.dma_semaphore, #tpu.memory_space<semaphore_mem>> -> memref<1x1x!tpu.dma_semaphore, #tpu.memory_space<semaphore_mem>>
    %dma_wait3A_1459 = tpu.memref_squeeze %dma_wait3A_1458 : memref<1x1x!tpu.dma_semaphore, #tpu.memory_space<semaphore_mem>> -> memref<!tpu.dma_semaphore, #tpu.memory_space<semaphore_mem>>
    %dma_wait3A_1460 = tpu.memref_slice %arg7[%add3A_977] : memref<524288xf32, #tpu.memory_space<hbm>> -> memref<1024xf32, #tpu.memory_space<hbm>>
    %dma_wait3A_1461 = arith.constant 0 : i32
    %dma_wait3A_1462 = tpu.memref_slice %arg14[%dma_wait3A_1450, %dma_wait3A_1451, %dma_wait3A_1461] : memref<2x8x1024xf32, #tpu.memory_space<vmem>> -> memref<1x1x1024xf32, #tpu.memory_space<vmem>>
    %dma_wait3A_1463 = tpu.memref_squeeze %dma_wait3A_1462 : memref<1x1x1024xf32, #tpu.memory_space<vmem>> -> memref<1024xf32, #tpu.memory_space<vmem>>
    tpu.wait_dma2 semaphore(%dma_wait3A_1459 : memref<!tpu.dma_semaphore, #tpu.memory_space<semaphore_mem>>) src(%dma_wait3A_1463 : memref<1024xf32, #tpu.memory_space<vmem>>) dst(%dma_wait3A_1460 : memref<1024xf32, #tpu.memory_space<hbm>>)
    %dma_wait3A_1464 = arith.constant 1 : i32
    %dma_wait3A_1465 = arith.constant 4 : i32
    %dma_wait3A_1466 = arith.constant 1 : i32
    %dma_wait3A_1467 = arith.constant 1 : i32
    %dma_wait3A_1468 = arith.constant 0 : i32
    %dma_wait3A_1469 = tpu.memref_slice %arg15[%dma_wait3A_1464, %dma_wait3A_1465, %dma_wait3A_1468] : memref<2x8x1024xf32, #tpu.memory_space<vmem>> -> memref<1x1x1024xf32, #tpu.memory_space<vmem>>
    %dma_wait3A_1470 = tpu.memref_squeeze %dma_wait3A_1469 : memref<1x1x1024xf32, #tpu.memory_space<vmem>> -> memref<1024xf32, #tpu.memory_space<vmem>>
    %dma_wait3A_1471 = tpu.memref_slice %arg8[%add3A_977] : memref<524288xf32, #tpu.memory_space<hbm>> -> memref<1024xf32, #tpu.memory_space<hbm>>
    %dma_wait3A_1472 = tpu.memref_slice %arg19[%dma_wait3A_1466, %dma_wait3A_1467] : memref<2x2x!tpu.dma_semaphore, #tpu.memory_space<semaphore_mem>> -> memref<1x1x!tpu.dma_semaphore, #tpu.memory_space<semaphore_mem>>
    %dma_wait3A_1473 = tpu.memref_squeeze %dma_wait3A_1472 : memref<1x1x!tpu.dma_semaphore, #tpu.memory_space<semaphore_mem>> -> memref<!tpu.dma_semaphore, #tpu.memory_space<semaphore_mem>>
    %dma_wait3A_1474 = tpu.memref_slice %arg8[%add3A_977] : memref<524288xf32, #tpu.memory_space<hbm>> -> memref<1024xf32, #tpu.memory_space<hbm>>
    %dma_wait3A_1475 = arith.constant 0 : i32
    %dma_wait3A_1476 = tpu.memref_slice %arg15[%dma_wait3A_1464, %dma_wait3A_1465, %dma_wait3A_1475] : memref<2x8x1024xf32, #tpu.memory_space<vmem>> -> memref<1x1x1024xf32, #tpu.memory_space<vmem>>
    %dma_wait3A_1477 = tpu.memref_squeeze %dma_wait3A_1476 : memref<1x1x1024xf32, #tpu.memory_space<vmem>> -> memref<1024xf32, #tpu.memory_space<vmem>>
    tpu.wait_dma2 semaphore(%dma_wait3A_1473 : memref<!tpu.dma_semaphore, #tpu.memory_space<semaphore_mem>>) src(%dma_wait3A_1477 : memref<1024xf32, #tpu.memory_space<vmem>>) dst(%dma_wait3A_1474 : memref<1024xf32, #tpu.memory_space<hbm>>)
    %dma_wait3A_1478 = arith.constant 1 : i32
    %dma_wait3A_1479 = arith.constant 5 : i32
    %dma_wait3A_1480 = arith.constant 1 : i32
    %dma_wait3A_1481 = arith.constant 0 : i32
    %dma_wait3A_1482 = arith.constant 0 : i32
    %dma_wait3A_1483 = tpu.memref_slice %arg14[%dma_wait3A_1478, %dma_wait3A_1479, %dma_wait3A_1482] : memref<2x8x1024xf32, #tpu.memory_space<vmem>> -> memref<1x1x1024xf32, #tpu.memory_space<vmem>>
    %dma_wait3A_1484 = tpu.memref_squeeze %dma_wait3A_1483 : memref<1x1x1024xf32, #tpu.memory_space<vmem>> -> memref<1024xf32, #tpu.memory_space<vmem>>
    %dma_wait3A_1485 = tpu.memref_slice %arg7[%add3A_1013] : memref<524288xf32, #tpu.memory_space<hbm>> -> memref<1024xf32, #tpu.memory_space<hbm>>
    %dma_wait3A_1486 = tpu.memref_slice %arg19[%dma_wait3A_1480, %dma_wait3A_1481] : memref<2x2x!tpu.dma_semaphore, #tpu.memory_space<semaphore_mem>> -> memref<1x1x!tpu.dma_semaphore, #tpu.memory_space<semaphore_mem>>
    %dma_wait3A_1487 = tpu.memref_squeeze %dma_wait3A_1486 : memref<1x1x!tpu.dma_semaphore, #tpu.memory_space<semaphore_mem>> -> memref<!tpu.dma_semaphore, #tpu.memory_space<semaphore_mem>>
    %dma_wait3A_1488 = tpu.memref_slice %arg7[%add3A_1013] : memref<524288xf32, #tpu.memory_space<hbm>> -> memref<1024xf32, #tpu.memory_space<hbm>>
    %dma_wait3A_1489 = arith.constant 0 : i32
    %dma_wait3A_1490 = tpu.memref_slice %arg14[%dma_wait3A_1478, %dma_wait3A_1479, %dma_wait3A_1489] : memref<2x8x1024xf32, #tpu.memory_space<vmem>> -> memref<1x1x1024xf32, #tpu.memory_space<vmem>>
    %dma_wait3A_1491 = tpu.memref_squeeze %dma_wait3A_1490 : memref<1x1x1024xf32, #tpu.memory_space<vmem>> -> memref<1024xf32, #tpu.memory_space<vmem>>
    tpu.wait_dma2 semaphore(%dma_wait3A_1487 : memref<!tpu.dma_semaphore, #tpu.memory_space<semaphore_mem>>) src(%dma_wait3A_1491 : memref<1024xf32, #tpu.memory_space<vmem>>) dst(%dma_wait3A_1488 : memref<1024xf32, #tpu.memory_space<hbm>>)
    %dma_wait3A_1492 = arith.constant 1 : i32
    %dma_wait3A_1493 = arith.constant 5 : i32
    %dma_wait3A_1494 = arith.constant 1 : i32
    %dma_wait3A_1495 = arith.constant 1 : i32
    %dma_wait3A_1496 = arith.constant 0 : i32
    %dma_wait3A_1497 = tpu.memref_slice %arg15[%dma_wait3A_1492, %dma_wait3A_1493, %dma_wait3A_1496] : memref<2x8x1024xf32, #tpu.memory_space<vmem>> -> memref<1x1x1024xf32, #tpu.memory_space<vmem>>
    %dma_wait3A_1498 = tpu.memref_squeeze %dma_wait3A_1497 : memref<1x1x1024xf32, #tpu.memory_space<vmem>> -> memref<1024xf32, #tpu.memory_space<vmem>>
    %dma_wait3A_1499 = tpu.memref_slice %arg8[%add3A_1013] : memref<524288xf32, #tpu.memory_space<hbm>> -> memref<1024xf32, #tpu.memory_space<hbm>>
    %dma_wait3A_1500 = tpu.memref_slice %arg19[%dma_wait3A_1494, %dma_wait3A_1495] : memref<2x2x!tpu.dma_semaphore, #tpu.memory_space<semaphore_mem>> -> memref<1x1x!tpu.dma_semaphore, #tpu.memory_space<semaphore_mem>>
    %dma_wait3A_1501 = tpu.memref_squeeze %dma_wait3A_1500 : memref<1x1x!tpu.dma_semaphore, #tpu.memory_space<semaphore_mem>> -> memref<!tpu.dma_semaphore, #tpu.memory_space<semaphore_mem>>
    %dma_wait3A_1502 = tpu.memref_slice %arg8[%add3A_1013] : memref<524288xf32, #tpu.memory_space<hbm>> -> memref<1024xf32, #tpu.memory_space<hbm>>
    %dma_wait3A_1503 = arith.constant 0 : i32
    %dma_wait3A_1504 = tpu.memref_slice %arg15[%dma_wait3A_1492, %dma_wait3A_1493, %dma_wait3A_1503] : memref<2x8x1024xf32, #tpu.memory_space<vmem>> -> memref<1x1x1024xf32, #tpu.memory_space<vmem>>
    %dma_wait3A_1505 = tpu.memref_squeeze %dma_wait3A_1504 : memref<1x1x1024xf32, #tpu.memory_space<vmem>> -> memref<1024xf32, #tpu.memory_space<vmem>>
    tpu.wait_dma2 semaphore(%dma_wait3A_1501 : memref<!tpu.dma_semaphore, #tpu.memory_space<semaphore_mem>>) src(%dma_wait3A_1505 : memref<1024xf32, #tpu.memory_space<vmem>>) dst(%dma_wait3A_1502 : memref<1024xf32, #tpu.memory_space<hbm>>)
    %dma_wait3A_1506 = arith.constant 1 : i32
    %dma_wait3A_1507 = arith.constant 6 : i32
    %dma_wait3A_1508 = arith.constant 1 : i32
    %dma_wait3A_1509 = arith.constant 0 : i32
    %dma_wait3A_1510 = arith.constant 0 : i32
    %dma_wait3A_1511 = tpu.memref_slice %arg14[%dma_wait3A_1506, %dma_wait3A_1507, %dma_wait3A_1510] : memref<2x8x1024xf32, #tpu.memory_space<vmem>> -> memref<1x1x1024xf32, #tpu.memory_space<vmem>>
    %dma_wait3A_1512 = tpu.memref_squeeze %dma_wait3A_1511 : memref<1x1x1024xf32, #tpu.memory_space<vmem>> -> memref<1024xf32, #tpu.memory_space<vmem>>
    %dma_wait3A_1513 = tpu.memref_slice %arg7[%add3A_1049] : memref<524288xf32, #tpu.memory_space<hbm>> -> memref<1024xf32, #tpu.memory_space<hbm>>
    %dma_wait3A_1514 = tpu.memref_slice %arg19[%dma_wait3A_1508, %dma_wait3A_1509] : memref<2x2x!tpu.dma_semaphore, #tpu.memory_space<semaphore_mem>> -> memref<1x1x!tpu.dma_semaphore, #tpu.memory_space<semaphore_mem>>
    %dma_wait3A_1515 = tpu.memref_squeeze %dma_wait3A_1514 : memref<1x1x!tpu.dma_semaphore, #tpu.memory_space<semaphore_mem>> -> memref<!tpu.dma_semaphore, #tpu.memory_space<semaphore_mem>>
    %dma_wait3A_1516 = tpu.memref_slice %arg7[%add3A_1049] : memref<524288xf32, #tpu.memory_space<hbm>> -> memref<1024xf32, #tpu.memory_space<hbm>>
    %dma_wait3A_1517 = arith.constant 0 : i32
    %dma_wait3A_1518 = tpu.memref_slice %arg14[%dma_wait3A_1506, %dma_wait3A_1507, %dma_wait3A_1517] : memref<2x8x1024xf32, #tpu.memory_space<vmem>> -> memref<1x1x1024xf32, #tpu.memory_space<vmem>>
    %dma_wait3A_1519 = tpu.memref_squeeze %dma_wait3A_1518 : memref<1x1x1024xf32, #tpu.memory_space<vmem>> -> memref<1024xf32, #tpu.memory_space<vmem>>
    tpu.wait_dma2 semaphore(%dma_wait3A_1515 : memref<!tpu.dma_semaphore, #tpu.memory_space<semaphore_mem>>) src(%dma_wait3A_1519 : memref<1024xf32, #tpu.memory_space<vmem>>) dst(%dma_wait3A_1516 : memref<1024xf32, #tpu.memory_space<hbm>>)
    %dma_wait3A_1520 = arith.constant 1 : i32
    %dma_wait3A_1521 = arith.constant 6 : i32
    %dma_wait3A_1522 = arith.constant 1 : i32
    %dma_wait3A_1523 = arith.constant 1 : i32
    %dma_wait3A_1524 = arith.constant 0 : i32
    %dma_wait3A_1525 = tpu.memref_slice %arg15[%dma_wait3A_1520, %dma_wait3A_1521, %dma_wait3A_1524] : memref<2x8x1024xf32, #tpu.memory_space<vmem>> -> memref<1x1x1024xf32, #tpu.memory_space<vmem>>
    %dma_wait3A_1526 = tpu.memref_squeeze %dma_wait3A_1525 : memref<1x1x1024xf32, #tpu.memory_space<vmem>> -> memref<1024xf32, #tpu.memory_space<vmem>>
    %dma_wait3A_1527 = tpu.memref_slice %arg8[%add3A_1049] : memref<524288xf32, #tpu.memory_space<hbm>> -> memref<1024xf32, #tpu.memory_space<hbm>>
    %dma_wait3A_1528 = tpu.memref_slice %arg19[%dma_wait3A_1522, %dma_wait3A_1523] : memref<2x2x!tpu.dma_semaphore, #tpu.memory_space<semaphore_mem>> -> memref<1x1x!tpu.dma_semaphore, #tpu.memory_space<semaphore_mem>>
    %dma_wait3A_1529 = tpu.memref_squeeze %dma_wait3A_1528 : memref<1x1x!tpu.dma_semaphore, #tpu.memory_space<semaphore_mem>> -> memref<!tpu.dma_semaphore, #tpu.memory_space<semaphore_mem>>
    %dma_wait3A_1530 = tpu.memref_slice %arg8[%add3A_1049] : memref<524288xf32, #tpu.memory_space<hbm>> -> memref<1024xf32, #tpu.memory_space<hbm>>
    %dma_wait3A_1531 = arith.constant 0 : i32
    %dma_wait3A_1532 = tpu.memref_slice %arg15[%dma_wait3A_1520, %dma_wait3A_1521, %dma_wait3A_1531] : memref<2x8x1024xf32, #tpu.memory_space<vmem>> -> memref<1x1x1024xf32, #tpu.memory_space<vmem>>
    %dma_wait3A_1533 = tpu.memref_squeeze %dma_wait3A_1532 : memref<1x1x1024xf32, #tpu.memory_space<vmem>> -> memref<1024xf32, #tpu.memory_space<vmem>>
    tpu.wait_dma2 semaphore(%dma_wait3A_1529 : memref<!tpu.dma_semaphore, #tpu.memory_space<semaphore_mem>>) src(%dma_wait3A_1533 : memref<1024xf32, #tpu.memory_space<vmem>>) dst(%dma_wait3A_1530 : memref<1024xf32, #tpu.memory_space<hbm>>)
    %dma_wait3A_1534 = arith.constant 1 : i32
    %dma_wait3A_1535 = arith.constant 7 : i32
    %dma_wait3A_1536 = arith.constant 1 : i32
    %dma_wait3A_1537 = arith.constant 0 : i32
    %dma_wait3A_1538 = arith.constant 0 : i32
    %dma_wait3A_1539 = tpu.memref_slice %arg14[%dma_wait3A_1534, %dma_wait3A_1535, %dma_wait3A_1538] : memref<2x8x1024xf32, #tpu.memory_space<vmem>> -> memref<1x1x1024xf32, #tpu.memory_space<vmem>>
    %dma_wait3A_1540 = tpu.memref_squeeze %dma_wait3A_1539 : memref<1x1x1024xf32, #tpu.memory_space<vmem>> -> memref<1024xf32, #tpu.memory_space<vmem>>
    %dma_wait3A_1541 = tpu.memref_slice %arg7[%add3A_1085] : memref<524288xf32, #tpu.memory_space<hbm>> -> memref<1024xf32, #tpu.memory_space<hbm>>
    %dma_wait3A_1542 = tpu.memref_slice %arg19[%dma_wait3A_1536, %dma_wait3A_1537] : memref<2x2x!tpu.dma_semaphore, #tpu.memory_space<semaphore_mem>> -> memref<1x1x!tpu.dma_semaphore, #tpu.memory_space<semaphore_mem>>
    %dma_wait3A_1543 = tpu.memref_squeeze %dma_wait3A_1542 : memref<1x1x!tpu.dma_semaphore, #tpu.memory_space<semaphore_mem>> -> memref<!tpu.dma_semaphore, #tpu.memory_space<semaphore_mem>>
    %dma_wait3A_1544 = tpu.memref_slice %arg7[%add3A_1085] : memref<524288xf32, #tpu.memory_space<hbm>> -> memref<1024xf32, #tpu.memory_space<hbm>>
    %dma_wait3A_1545 = arith.constant 0 : i32
    %dma_wait3A_1546 = tpu.memref_slice %arg14[%dma_wait3A_1534, %dma_wait3A_1535, %dma_wait3A_1545] : memref<2x8x1024xf32, #tpu.memory_space<vmem>> -> memref<1x1x1024xf32, #tpu.memory_space<vmem>>
    %dma_wait3A_1547 = tpu.memref_squeeze %dma_wait3A_1546 : memref<1x1x1024xf32, #tpu.memory_space<vmem>> -> memref<1024xf32, #tpu.memory_space<vmem>>
    tpu.wait_dma2 semaphore(%dma_wait3A_1543 : memref<!tpu.dma_semaphore, #tpu.memory_space<semaphore_mem>>) src(%dma_wait3A_1547 : memref<1024xf32, #tpu.memory_space<vmem>>) dst(%dma_wait3A_1544 : memref<1024xf32, #tpu.memory_space<hbm>>)
    %dma_wait3A_1548 = arith.constant 1 : i32
    %dma_wait3A_1549 = arith.constant 7 : i32
    %dma_wait3A_1550 = arith.constant 1 : i32
    %dma_wait3A_1551 = arith.constant 1 : i32
    %dma_wait3A_1552 = arith.constant 0 : i32
    %dma_wait3A_1553 = tpu.memref_slice %arg15[%dma_wait3A_1548, %dma_wait3A_1549, %dma_wait3A_1552] : memref<2x8x1024xf32, #tpu.memory_space<vmem>> -> memref<1x1x1024xf32, #tpu.memory_space<vmem>>
    %dma_wait3A_1554 = tpu.memref_squeeze %dma_wait3A_1553 : memref<1x1x1024xf32, #tpu.memory_space<vmem>> -> memref<1024xf32, #tpu.memory_space<vmem>>
    %dma_wait3A_1555 = tpu.memref_slice %arg8[%add3A_1085] : memref<524288xf32, #tpu.memory_space<hbm>> -> memref<1024xf32, #tpu.memory_space<hbm>>
    %dma_wait3A_1556 = tpu.memref_slice %arg19[%dma_wait3A_1550, %dma_wait3A_1551] : memref<2x2x!tpu.dma_semaphore, #tpu.memory_space<semaphore_mem>> -> memref<1x1x!tpu.dma_semaphore, #tpu.memory_space<semaphore_mem>>
    %dma_wait3A_1557 = tpu.memref_squeeze %dma_wait3A_1556 : memref<1x1x!tpu.dma_semaphore, #tpu.memory_space<semaphore_mem>> -> memref<!tpu.dma_semaphore, #tpu.memory_space<semaphore_mem>>
    %dma_wait3A_1558 = tpu.memref_slice %arg8[%add3A_1085] : memref<524288xf32, #tpu.memory_space<hbm>> -> memref<1024xf32, #tpu.memory_space<hbm>>
    %dma_wait3A_1559 = arith.constant 0 : i32
    %dma_wait3A_1560 = tpu.memref_slice %arg15[%dma_wait3A_1548, %dma_wait3A_1549, %dma_wait3A_1559] : memref<2x8x1024xf32, #tpu.memory_space<vmem>> -> memref<1x1x1024xf32, #tpu.memory_space<vmem>>
    %dma_wait3A_1561 = tpu.memref_squeeze %dma_wait3A_1560 : memref<1x1x1024xf32, #tpu.memory_space<vmem>> -> memref<1024xf32, #tpu.memory_space<vmem>>
    tpu.wait_dma2 semaphore(%dma_wait3A_1557 : memref<!tpu.dma_semaphore, #tpu.memory_space<semaphore_mem>>) src(%dma_wait3A_1561 : memref<1024xf32, #tpu.memory_space<vmem>>) dst(%dma_wait3A_1558 : memref<1024xf32, #tpu.memory_space<hbm>>)
    return
  }
}

</mosaic_0001>

<sc_bundles>
// kernel: kernel.3.cloned.1.call-start
scs
__scs_entry_jumppad:
0x0: {  	(pc) =	sbr.rel $0x88, $3  }
0x1: {  	(tag) =	ssettag $0x0;
	lr =	simm.s32 $0x1  }
0x2: {  	[smem:$0x3F9C] =	sst lr;
	_ =	strace $0xD0000000  }
0x3: {  	_ = 	snop  }
0x4: {  	_ = 	snop  }
0x5: {  	_ = 	snop  }
0x6: {  	_ = 	snop  }
0x7: {  	_ = 	snop  }
__scs_overlays_trampoline_lowered:
0x8: {  	[smem:$0x3FAB] =	sst s0  }
0x9: {  	[smem:$0x3FAC] =	sst s1  }
0xa: {  	[smem:$0x3FAD] =	sst s2  }
0xb: {  	[smem:$0x3FAE] =	sst s3  }
0xc: {  	[smem:$0x3FAF] =	sst s4  }
0xd: {  	[smem:$0x3FB0] =	sst s5  }
0xe: {  	[smem:$0x3FB1] =	sst s6  }
0xf: {  	[smem:$0x3FB2] =	sst s7  }
0x10: {  	[smem:$0x3FB3] =	sst s8  }
0x11: {  	[smem:$0x3FB4] =	sst s9;
	s0 =	simm.s32 @!p0 $0x0  }
0x12: {  	s1 =	sld [smem:$0x3F9A];
	s0 =	simm.s32 @p0 $0x1  }
0x13: {  	[smem:$0x3FB5] =	sst s0;
	s0 =	simm.s32 @!p1 $0x0  }
0x14: {  	s2 =	sld [smem:$0x3F99];
	s0 =	simm.s32 @p1 $0x1  }
0x15: {  	[smem:$0x3FB6] =	sst s0;
	s0 =	simm.s32 @!p2 $0x0  }
0x16: {  	s3 =	sld [smem:$0x3FDB];
	s0 =	simm.s32 @p2 $0x1  }
0x17: {  	s4 =	simm.s32 $0x1BF5;
	[smem:$0x3FB8] =	sst s0  }
0x18: {  	s0 =	sld [smem:$0x3F9B];
	_ =	swait.ge [sflag:s4], $0x0  }
0x19: {  	s7 =	sld [smem:$0x3F9C]  }
0x1a: {  	s8 =	sadd.s32 $0xFFFFE003, lr  }
0x1b: {  	s9 =	sadd.s32 $0xFFFFFEF7, lr;
	s5 =	simm.s32 $0xFFFFFFFF;
	p2 =	slt.u32 s8, $0xFFFFF086  }
0x1c: {  	p1 =	slt.u32 s9, $0xF7A;
	s5 =	simm.s32 @!p2 $0x0  }
0x1d: {  	s5 =	simm.s32 @p1 $0x1;
	p0 =	seq.s32 s7, s2  }
0x1e: {  	s7 =	smul.u32 @!p0 $0xF7A, s2;
	p2 =	seq.s32 @!p0 s5, $0x0  }
0x1f: {  	s9 =	smul.u32 $0xF7A, s1;
	s8 =	simm.s32 @!p0 $0x1BF5;
	p2 =	por !p2, p0  }
0x20: {  	[sflag:s8] =	ssyncset.s32 @!p0 $0xFFFFF086;
	s6 =	sadd.s32 @!p0 s3, s7;
	s7 =	simm.s32 @!p0 $0x108  }
0x21: {  	s3 =	sadd.s32 s3, s9;
	s6 =	sadd.s32 @!p0 $0x88, s6;
	s7 =	simm.s32 @p2 $0x1082  }
0x22: {  	[simem:s7], [sflag:s8] =	dma.local @!p0 [hbm:s6], $0xF7A  }
0x23: {  	s9 =	sor.u32 $0xD0000000, s2;
	s6 =	simm.s32 $0x108;
	_ =	swait.ge @!p0 [sflag:s8], $0x0  }
0x24: {  	s3 =	sadd.s32 $0x88, s3;
	s6 =	simm.s32 @!p1 $0x1082;
	[sflag:s4] =	ssyncset.s32 $0xFFFFF086  }
0x25: {  	[simem:s6], [sflag:s4] =	dma.local [hbm:s3], $0xF7A  }
0x26: {  	[smem:$0x3F9C] =	sst s1;
	(tag) =	ssettag s2;
	_ =	strace s9  }
0x27: {  	s1 =	sld [smem:$0x3FAC]  }
0x28: {  	s2 =	sld [smem:$0x3FAD]  }
0x29: {  	s4 =	sld [smem:$0x3FAF]  }
0x2a: {  	p0 =	seq.s32 s5, $0x0;
	s5 =	sld [smem:$0x3FB0]  }
0x2b: {  	s6 =	sld [smem:$0x3FB1]  }
0x2c: {  	s7 =	sld [smem:$0x3FB2]  }
0x2d: {  	s3 =	simm.s32 $0x108;
	s8 =	sld [smem:$0x3FB3]  }
0x2e: {  	s3 =	simm.s32 @!p0 $0x1082;
	s9 =	sld [smem:$0x3FB4]  }
0x2f: {  	lr =	sadd.s32 s0, s3;
	s0 =	sld [smem:$0x3FAB]  }
0x30: {  	s3 =	sld [smem:$0x3FAE]  }
0x31: {  	[smem:$0x3FB7] =	sst s10  }
0x32: {  	s10 =	sld [smem:$0x3FB5];
	_ =	sdelay $0x3  }
0x33: {  	p0 =	seq.s32 s10, $0x1;
	s10 =	sld [smem:$0x3FB7];
	_ =	sdelay $0x3  }
0x34: {  	[smem:$0x3FB7] =	sst s10  }
0x35: {  	s10 =	sld [smem:$0x3FB6];
	_ =	sdelay $0x3  }
0x36: {  	p1 =	seq.s32 s10, $0x1;
	s10 =	sld [smem:$0x3FB7];
	_ =	sdelay $0x3  }
0x37: {  	[smem:$0x3FB7] =	sst s10  }
0x38: {  	s10 =	sld [smem:$0x3FB8]  }
0x39: {  	_ = 	snop;
	(pc) =	sbr.ind lr, $3  }
0x3a: {  	_ = 	snop  }
0x3b: {  	_ = 	snop  }
0x3c: {  	p2 =	seq.s32 s10, $0x1;
	s10 =	sld [smem:$0x3FB7]  }
0x3d: {  	_ =	shalt  }
0x3e: {  	_ =	shalt  }
0x3f: {  	_ =	shalt  }
0x40: {  	_ =	shalt  }
0x41: {  	_ =	shalt  }
0x42: {  	_ =	shalt  }
0x43: {  	_ =	shalt  }
0x44: {  	_ =	shalt  }
0x45: {  	_ =	shalt  }
0x46: {  	_ =	shalt  }
0x47: {  	_ =	shalt  }
0x48: {  	_ =	shalt  }
0x49: {  	_ =	shalt  }
0x4a: {  	_ =	shalt  }
0x4b: {  	_ =	shalt  }
0x4c: {  	_ =	shalt  }
0x4d: {  	_ =	shalt  }
0x4e: {  	_ =	shalt  }
0x4f: {  	_ =	shalt  }
0x50: {  	_ =	shalt  }
0x51: {  	_ =	shalt  }
0x52: {  	_ =	shalt  }
0x53: {  	_ =	shalt  }
0x54: {  	_ =	shalt  }
0x55: {  	_ =	shalt  }
0x56: {  	_ =	shalt  }
0x57: {  	_ =	shalt  }
0x58: {  	_ =	shalt  }
0x59: {  	_ =	shalt  }
0x5a: {  	_ =	shalt  }
0x5b: {  	_ =	shalt  }
0x5c: {  	_ =	shalt  }
0x5d: {  	_ =	shalt  }
0x5e: {  	_ =	shalt  }
0x5f: {  	_ =	shalt  }
0x60: {  	_ =	shalt  }
0x61: {  	_ =	shalt  }
0x62: {  	_ =	shalt  }
0x63: {  	_ =	shalt  }
0x64: {  	_ =	shalt  }
0x65: {  	_ =	shalt  }
0x66: {  	_ =	shalt  }
0x67: {  	_ =	shalt  }
0x68: {  	_ =	shalt  }
0x69: {  	_ =	shalt  }
0x6a: {  	_ =	shalt  }
0x6b: {  	_ =	shalt  }
0x6c: {  	_ =	shalt  }
0x6d: {  	_ =	shalt  }
0x6e: {  	_ =	shalt  }
0x6f: {  	_ =	shalt  }
0x70: {  	_ =	shalt  }
0x71: {  	_ =	shalt  }
0x72: {  	_ =	shalt  }
0x73: {  	_ =	shalt  }
0x74: {  	_ =	shalt  }
0x75: {  	_ =	shalt  }
0x76: {  	_ =	shalt  }
0x77: {  	_ =	shalt  }
0x78: {  	_ =	shalt  }
0x79: {  	_ =	shalt  }
0x7a: {  	_ =	shalt  }
0x7b: {  	_ =	shalt  }
0x7c: {  	_ =	shalt  }
0x7d: {  	_ =	shalt  }
0x7e: {  	_ =	shalt  }
0x7f: {  	_ =	shalt  }
0x80: {  	_ =	shalt  }
0x81: {  	_ =	shalt  }
0x82: {  	_ =	shalt  }
0x83: {  	_ =	shalt  }
0x84: {  	_ =	shalt  }
0x85: {  	_ =	shalt  }
0x86: {  	_ =	shalt  }
0x87: {  	_ =	shalt  }
.Lfunc_end0:
.L_simem_size_0:
called_computation_lowered:
.L_overlay_start_0:
0x88: {  	s2 =	sld [smem:$0x3FD9]  }
0x89: {  	s3 =	sld [smem:$0x3FFE];
	_ =	sdelay $0x1  }
0x8a: {  	s1 =	srdreg.scid  }
0x8b: {  	s0 =	sand.u32 $0x1, s1  }
0x8c: {  	s14 =	sshll.u32 s0, $0xA;
	s2 =	sadd.s32 s3, s2  }
0x8d: {  	s2 =	sadd.s32 s2, s14  }
0x8e: {  	[smem:$0x3FC3] =	sst s2  }
0x8f: {  	_ = 	snop  }
0x90: {  	s2 =	sld [smem:$0x3FC9]  }
0x91: {  	s15 =	sld [smem:$0x3FD0]  }
0x92: {  	s4 =	sld [smem:$0x3FC8]  }
0x93: {  	s5 =	sld [smem:$0x3FC6]  }
0x94: {  	s7 =	simm.s32 $0xA;
	s8 =	simm.s32 $0x10;
	s6 =	sld [smem:$0x3FC5]  }
0x95: {  	[smem:s8], [sflag:s7] =	dma.local [hbm:s15], $0x1  }
0x96: {  	_ =	swait.eq [sflag:s7], $0x1  }
0x97: {  	[sflag:s7] =	ssyncset.done $0x0  }
0x98: {  	s16 =	sld [smem:$0x10];
	[sflag:s7] =	ssyncadd.s32 $0xFFFFFFFF  }
0x99: {  	s17 =	sld [smem:$0x11];
	(tm) =	ssettm $0x1  }
0x9a: {  	s18 =	sld [smem:$0x3FFB];
	_ =	sdelay $0x3  }
0x9b: {  	_ =	strace s18  }
0x9c: {  	s8 =	sld [smem:$0x3FFC];
	_ =	sdelay $0x3  }
0x9d: {  	_ =	strace s8  }
0x9e: {  	s8 =	sld [smem:$0x3FFD];
	_ =	sdelay $0x3  }
0x9f: {  	_ =	strace s8  }
0xa0: {  	_ =	strace $0x8FFFFFFF  }
0xa1: {  	s19 =	sld [smem:$0x3FDB];
	_ =	sdelay $0x1  }
0xa2: {  	s9 =	simm.s32 $_scs_section_size  }
0xa3: {  	s10 =	simm.s32 $_size__tile_overlayer_lowered;
	s11 =	simm.s32 $_tile_overlayer_lowered  }
0xa4: {  	s22 =	simm.s32 $0x1BFF;
	s21 =	sshll.u32 s11, $0x1;
	s8 =	sadd.s32 s9, s19  }
0xa5: {  	s12 =	simm.s32 $0x0;
	s20 =	sshll.u32 s10, $0x1;
	s10 =	sadd.s32 s21, s8  }
0xa6: {  	[timem:s12], [sflag:s22] =	dma.local [hbm:s10], s20  }
0xa7: {  	_ =	swait.ge [sflag:s22], s20  }
0xa8: {  	s9 =	ssub.s32 $0x0, s20;
	[sflag:s22] =	ssyncset.done $0x0  }
0xa9: {  	[sflag:s22] =	ssyncadd.s32 s9;
	_ =	sdelay $0x1  }
0xaa: {  	s23 =	simm.s32 $0x1B8B  }
0xab: {  	_ =	swait.ge [sflag:s23], $0x1  }
0xac: {  	[sflag:s23] =	ssyncset.done $0x0  }
0xad: {  	s25 =	simm.s32 $0x1B8E;
	s24 =	sld [smem:$0x3FFE];
	[sflag:s23] =	ssyncadd.s32 $0xFFFFFFFF  }
0xae: {  	s26 =	simm.s32 $execute0_lowered;
	[smem:$0x3FD2] =	sst s25  }
0xaf: {  	s10 =	sshll.u32 s26, $0x1;
	_ =	strace $0x80000046;
	[dreg:$0x1] =	wrdreg $0xFFFFFFFF  }
0xb0: {  	s28 =	simm.s32 $_size_execute0_lowered;
	s8 =	sadd.s32 s8, s10;
	[dreg:$0x0] =	wrdreg $0x0  }
0xb1: {  	s10 =	sshll.u32 s28, $0x1;
	[dreg:$0x2] =	wrdreg s8  }
0xb2: {  	[dreg:$0x3] =	wrdreg s10  }
0xb3: {  	[dreg:$0x4] =	wrdreg $0xC0  }
0xb4: {  	_ =	task [dreg:s12], $0x5FFFF  }
0xb5: {  	[dreg:$0x1] =	wrdreg $0xFFFFFFFF  }
0xb6: {  	[dreg:$0x0] =	wrdreg $0x60  }
0xb7: {  	[dreg:$0x2] =	wrdreg s2  }
0xb8: {  	[dreg:$0x3] =	wrdreg s4  }
0xb9: {  	[dreg:$0x4] =	wrdreg s24  }
0xba: {  	[dreg:$0x5] =	wrdreg s5  }
0xbb: {  	[dreg:$0x6] =	wrdreg s6  }
0xbc: {  	[dreg:$0x7] =	wrdreg s16  }
0xbd: {  	[dreg:$0x8] =	wrdreg s17  }
0xbe: {  	[dreg:$0x9] =	wrdreg $0x9  }
0xbf: {  	_ =	task.clear_ibuf [dreg:s12], $0xAFFFF;
	_ =	strace $0x90000046  }
0xc0: {  	s29 =	simm.s32 $0x9;
	_ =	strace $0x80000048  }
0xc1: {  	_ =	swait.ge [sflag:s29], $0x1  }
0xc2: {  	[sflag:s29] =	ssyncadd.s32 $0xFFFFFFFF  }
0xc3: {  	_ =	strace $0x90000048  }
0xc4: {  	_ =	sfence  }
0xc5: {  	s30 =	sld [smem:$0x0];
	_ =	sdelay $0x2  }
0xc6: {  	s31 =	sshll.u32 s1, $0xD;
	s1 =	sshrl.u32 s1, $0x2  }
0xc7: {  	s3 =	sand.u32 $0x4000, s31;
	s1 =	sadd.s32 s1, s30  }
0xc8: {  	s0 =	sor.u32 s3, s0;
	s1 =	sshll.u32 s1, $0x11  }
0xc9: {  	s0 =	sor.u32 s1, s0  }
0xca: {  	s0 =	sadd.s32 $0x8F2B, s0  }
0xcb: {  	[sflag:s0] =	ssyncadd.remote.s32 $0x1  }
0xcc: {  	_ =	sfence.sel $0xFFFF  }
0xcd: {  	[dreg:$0x0] =	wrdreg $0xFFFFFFFF;
	(pc) =	sbr.abs _section_cstart, $3  }
0xce: {  	[dreg:$0x1] =	wrdreg $0xFFFFFFFF  }
0xcf: {  	_ =	task.clear_ibuf [dreg:s12], $0x2FFFF;
	_ =	strace $0x9FFFFFFF  }
0xd0: {  	(tm) =	ssettm $0x7FFFFFFF  }
0xd1: {  	_ =	shalt  }
tec
execute0_lowered:
.L_overlay_start_1:
0x0: {  	(tag) =	ssettag $0x1  }
0x1: {  	s0 =	rddreg [dreg:$0x0]  }
0x2: {  	s1 =	srdreg.scid;
	s2 =	rddreg [dreg:$0x1]  }
0x3: {  	s4 =	stileid.u32;
	s9 =	rddreg [dreg:$0x2]  }
0x4: {  	s7 =	rddreg [dreg:$0x5];
	s3 =	sand.u32 $0x1, s1;
	s14 =	sshll.u32 s4, $0x1  }
0x5: {  	s6 =	rddreg [dreg:$0x6];
	s1 =	simm.s32 $0x0;
	s4 =	sor.u32 s3, s14  }
0x6: {  	s10 =	sadd.s32 $0xC00, s9;
	s3 =	ssub.s32 $0x2, s3;
	s5 =	smul.u32 $0x38000, s4  }
0x7: {  	s9 =	sadd.s32 $0xA00, s9;
	[smem:$0x7FF] =	sst s1;
	s8 =	sshrl.u32 s3, $0x1  }
0x8: {  	s18 =	sshll.u32 s4, $0x3;
	s11 =	ssub.s32 s3, s8;
	s5 =	sshrl.u32 s5, $0x3  }
0x9: {  	s15 =	sadd.s32 $0x1200, s5;
	s17 =	sadd.s32 $0x5A00, s5;
	s5 =	sshll.u32 s4, $0xB  }
0xa: {  	s16 =	sadd.s32 s0, s15;
	s3 =	sadd.s32 s2, s15;
	s0 =	sadd.s32 s0, s17  }
0xb: {  	s2 =	sadd.s32 s2, s17;
	s19 =	sor.u32 $0x100, s5;
	[dreg:$0x8] =	wrdreg s16  }
0xc: {  	s21 =	sor.u32 $0x200, s5;
	s23 =	sor.u32 $0x300, s5;
	[dreg:$0x9] =	wrdreg s3  }
0xd: {  	s25 =	sor.u32 $0x400, s5;
	s12 =	sor.u32 $0x700, s5;
	[dreg:$0xa] =	wrdreg s0  }
0xe: {  	s14 =	sor.u32 $0x80, s5;
	[dreg:$0xb] =	wrdreg s2;
	s0 =	sadd.s32 s6, s18  }
0xf: {  	s20 =	sadd.s32 s7, s19;
	s22 =	sadd.s32 s7, s21;
	[dreg:$0xc] =	wrdreg s0  }
0x10: {  	s24 =	sadd.s32 s7, s23;
	s26 =	sadd.s32 s7, s25;
	[dreg:$0xd] =	wrdreg s20  }
0x11: {  	s3 =	sor.u32 $0x500, s5;
	s6 =	sor.u32 $0x600, s5;
	[dreg:$0xf] =	wrdreg s22  }
0x12: {  	s13 =	sadd.s32 s7, s12;
	s15 =	sadd.s32 s7, s14;
	[dreg:$0x11] =	wrdreg s24  }
0x13: {  	s16 =	sor.u32 $0x180, s5;
	s18 =	sor.u32 $0x280, s5;
	[dreg:$0x13] =	wrdreg s26  }
0x14: {  	s0 =	sadd.s32 s10, s19;
	s4 =	sadd.s32 s7, s3;
	[dreg:$0x19] =	wrdreg s13  }
0x15: {  	s8 =	sadd.s32 s7, s6;
	[dreg:$0x1b] =	wrdreg s15;
	s17 =	sadd.s32 s7, s16  }
0x16: {  	s26 =	sadd.s32 s10, s18;
	s19 =	sor.u32 $0x380, s5;
	[dreg:$0xe] =	wrdreg s0  }
0x17: {  	s20 =	sor.u32 $0x480, s5;
	s22 =	sor.u32 $0x680, s5;
	[dreg:$0x15] =	wrdreg s4  }
0x18: {  	s24 =	smax.u32 s11, $0x1;
	s11 =	simm.s32 $0x7;
	[dreg:$0x17] =	wrdreg s8  }
0x19: {  	s13 =	simm.s32 $0x0;
	s0 =	sadd.s32 s10, s21;
	[dreg:$0x1d] =	wrdreg s17  }
0x1a: {  	s28 =	sadd.s32 s7, s19;
	s29 =	sadd.s32 s10, s19;
	s30 =	sadd.s32 s7, s20  }
0x1b: {  	s31 =	sadd.s32 s10, s20;
	s21 =	sor.u32 $0x580, s5;
	s4 =	sadd.s32 s10, s5  }
0x1c: {  	[dreg:$0x10] =	wrdreg s0;
	s0 =	sadd.s32 s10, s23;
	s2 =	sadd.s32 s10, s21  }
0x1d: {  	s23 =	sor.u32 $0x780, s5;
	[dreg:$0x12] =	wrdreg s0;
	s0 =	sadd.s32 s10, s25  }
0x1e: {  	v0 =	vimm.s32 $0xFEDCBA9;
	v1 =	vimm.s32 $0x87654321;
	s25 =	sadd.s32 s7, s18;
	[dreg:$0x14] =	wrdreg s0;
	s0 =	sadd.s32 s10, s3  }
0x1f: {  	v0 =	vunpack.c.l.s4.s8 v0;
	v1 =	vunpack.c.l.s4.s8 v1;
	s8 =	sadd.s32 s10, s23;
	[dreg:$0x16] =	wrdreg s0;
	s0 =	sadd.s32 s10, s6  }
0x20: {  	s3 =	sadd.s32 s7, s5;
	[dreg:$0x18] =	wrdreg s0;
	s0 =	sadd.s32 s10, s12  }
0x21: {  	v0 =	vunpack.c.0.s8.s32 v0;
	v1 =	vunpack.c.0.s8.s32 v1;
	s5 =	sadd.s32 s7, s22;
	[dreg:$0x1a] =	wrdreg s0;
	s0 =	sadd.s32 s10, s14  }
0x22: {  	s6 =	sadd.s32 s10, s22;
	[dreg:$0x1c] =	wrdreg s0;
	s0 =	sadd.s32 s10, s16  }
0x23: {  	v0 =	vcombine.low v1, v0;
	s12 =	simm.s32 $0x8;
	s10 =	simm.s32 $0x6;
	[dreg:$0x1e] =	wrdreg s0  }
0x24: {  	s0 =	sadd.s32 s7, s21;
	_ =	strace $0x80000047;
	[dreg:$0x1f] =	wrdreg s9  }
0x25: {  	vm0 =	vmmov $0x7fff;
	v0 =	vand.u32 $0xF, v0;
	s7 =	sadd.s32 s7, s23;
	[smem:$0x7FD] =	sst s24;
	s9 =	simm.s32 $0x5  }
.LBB2_1:
0x26: {  	s14 =	rddreg [dreg:$0x8];
	s15 =	simm.s32 $0x1000  }
0x27: {  	[tilespmem:s15], [sflag:$0x1] =	stream.linear.gather [hbm4b:s14+s1], $0x2400, $0x38;
	[tilespmem:$0x12100] =	vst v63  }
0x28: {  	s19 =	rddreg [dreg:$0x9];
	s20 =	simm.s32 $0x5800  }
0x29: {  	[tilespmem:s20], [sflag:$0x2] =	stream.linear.gather [hbm4b:s19+s1], $0x2400, $0x38;
	[tilespmem:$0x12100] =	vst v63  }
0x2a: {  	s21 =	rddreg [dreg:$0xa];
	s22 =	simm.s32 $0x3400  }
0x2b: {  	[tilespmem:s22], [sflag:$0x3] =	stream.linear.gather [hbm4b:s21+s1], $0x2400, $0x38;
	[tilespmem:$0x12100] =	vst v63  }
0x2c: {  	s23 =	rddreg [dreg:$0xb];
	s24 =	simm.s32 $0x7C00  }
0x2d: {  	[tilespmem:s24], [sflag:$0x4] =	stream.linear.gather [hbm4b:s23+s1], $0x2400, $0x38;
	[tilespmem:$0x12100] =	vst v63  }
0x2e: {  	s16 =	rddreg [dreg:$0x3]  }
0x2f: {  	[tilespmem:s1], [sflag:$0x9] =	stream.linear.gather [hbm4b:s16+s1], $0x800, $0x38;
	[tilespmem:$0x12100] =	vst v63  }
0x30: {  	s16 =	simm.s32 $0x9  }
0x31: {  	_ =	swait.ge [sflag:s16], $0x800  }
0x32: {  	[sflag:s16] =	ssyncset.done $0x0  }
0x33: {  	[sflag:s16] =	ssyncadd.s32 $0xFFFFF800  }
0x34: {  	s14 =	simm.s32 $0x800;
	s17 =	rddreg [dreg:$0x4]  }
0x35: {  	[tilespmem:s14], [sflag:$0x9] =	stream.linear.gather [hbm4b:s17+s1], $0x800, $0x38;
	[tilespmem:$0x12100] =	vst v63  }
0x36: {  	_ =	swait.ge [sflag:s16], $0x800  }
0x37: {  	[sflag:s16] =	ssyncset.done $0x0  }
0x38: {  	s17 =	simm.s32 $0x12000;
	s18 =	rddreg [dreg:$0x1f];
	[sflag:s16] =	ssyncadd.s32 $0xFFFFF800  }
0x39: {  	[tilespmem:s17], [sflag:$0x9] =	stream.linear.gather [hbm4b:s18+s1], $0x80, $0x38;
	[tilespmem:$0x12100] =	vst v63  }
0x3a: {  	_ =	swait.ge [sflag:s16], $0x80  }
0x3b: {  	[sflag:s16] =	ssyncset.done $0x0  }
0x3c: {  	[sflag:s16] =	ssyncadd.s32 $0xFFFFFF80  }
0x3d: {  	v1 =	vld [tilespmem:$0x12000];
	_ =	sdelay $0x4  }
0x3e: {  	[tilespmem:$0x12080] =	vst v1  }
0x3f: {  	[tilespmem:$0x12090] =	vst v1  }
0x40: {  	[tilespmem:$0x120A0] =	vst v1  }
0x41: {  	s20 =	simm.s32 $0x12080;
	s19 =	rddreg [dreg:$0xc];
	[tilespmem:$0x120B0] =	vst v1  }
0x42: {  	[hbm4b:s19+s1] =	stream.linear.scatter [tilespmem:s20], [sflag:$0x9], $0x40, $0x38;
	[tilespmem:$0x12100] =	vst v63  }
0x43: {  	_ =	swait.ge [sflag:s16], $0x40  }
0x44: {  	[sflag:s16] =	ssyncset.done $0x0  }
0x45: {  	s21 =	simm.s32 $0x1;
	[sflag:s16] =	ssyncadd.s32 $0xFFFFFFC0  }
0x46: {  	_ =	swait.ge [sflag:s21], $0x2400  }
0x47: {  	[sflag:s21] =	ssyncset.done $0x0  }
0x48: {  	s22 =	simm.s32 $0x2;
	[sflag:s21] =	ssyncadd.s32 $0xFFFFDC00  }
0x49: {  	_ =	swait.ge [sflag:s22], $0x2400  }
0x4a: {  	[sflag:s22] =	ssyncset.done $0x0  }
0x4b: {  	[sflag:s22] =	ssyncadd.s32 $0xFFFFDC00  }
0x4c: {  	s23 =	sand.u32 $0x70, s1;
	s24 =	sand.u32 $0xC00, s1;
	v1 =	vld [tilespmem:s14+$0x0]  }
0x4d: {  	s15 =	sor.u32 s23, s24;
	v2 =	vld [tilespmem:s1+$0x0]  }
0x4e: {  	v3 =	vld [tilespmem:s15+$0x5900]  }
0x4f: {  	v4 =	vld [tilespmem:s15+$0x1100]  }
0x50: {  	v5 =	vld [tilespmem:s15+$0x1000]  }
0x51: {  	v6 =	vld [tilespmem:s15+$0x5800]  }
0x52: {  	v7 =	vld [tilespmem:s15+$0x5880]  }
0x53: {  	v8 =	vld [tilespmem:s15+$0x1080]  }
0x54: {  	v9 =	vmul.f32 v3, v1;
	v10 =	vmul.f32 v4, v2  }
0x55: {  	v3 =	vmul.f32 v3, v2;
	v4 =	vmul.f32 v4, v1  }
0x56: {  	v11 =	vmul.f32 v5, v2;
	v9 =	vadd.f32 v9, v10;
	v10 =	vmul.f32 v6, v1  }
0x57: {  	v5 =	vmul.f32 v5, v1;
	v6 =	vmul.f32 v6, v2;
	v3 =	vsub.f32 v3, v4  }
0x58: {  	v12 =	vmul.f32 v8, v1;
	v4 =	vmul.f32 v7, v2;
	[tilespmem:s15+$0xA100] =	vst v9;
	v9 =	vadd.f32 v10, v11  }
0x59: {  	v8 =	vmul.f32 v8, v2;
	v5 =	vsub.f32 v6, v5;
	v6 =	vmul.f32 v7, v1;
	[tilespmem:s15+$0xE100] =	vst v3  }
0x5a: {  	v3 =	vsub.f32 v4, v12;
	[tilespmem:s15+$0xA000] =	vst v9  }
0x5b: {  	v4 =	vadd.f32 v6, v8;
	[tilespmem:s15+$0xE000] =	vst v5  }
0x5c: {  	s16 =	sor.u32 s24, s1;
	[tilespmem:s15+$0xE080] =	vst v3  }
0x5d: {  	s16 =	sor.u32 $0x180, s16;
	[tilespmem:s15+$0xA080] =	vst v4  }
0x5e: {  	v3 =	vld [tilespmem:s16+$0x1000]  }
0x5f: {  	v4 =	vld [tilespmem:s16+$0x5800];
	_ =	sdelay $0x4  }
0x60: {  	v5 =	vmul.f32 v3, v2;
	v6 =	vmul.f32 v4, v1  }
0x61: {  	v3 =	vmul.f32 v3, v1;
	v4 =	vmul.f32 v4, v2  }
0x62: {  	v5 =	vadd.f32 v6, v5  }
0x63: {  	v3 =	vsub.f32 v4, v3  }
0x64: {  	[tilespmem:s16+$0xA000] =	vst v5  }
0x65: {  	[tilespmem:s16+$0xE000] =	vst v3  }
0x66: {  	v3 =	vld [tilespmem:s15+$0x1200]  }
0x67: {  	v4 =	vld [tilespmem:s15+$0x5A00]  }
0x68: {  	v5 =	vld [tilespmem:s15+$0x1280]  }
0x69: {  	v6 =	vld [tilespmem:s15+$0x5A80];
	_ =	sdelay $0x1  }
0x6a: {  	v9 =	vld [tilespmem:s15+$0x1300];
	v7 =	vmul.f32 v3, v2;
	v10 =	vmul.f32 v3, v1  }
0x6b: {  	v8 =	vmul.f32 v4, v1;
	v11 =	vmul.f32 v4, v2  }
0x6c: {  	v4 =	vmul.f32 v5, v2;
	v3 =	vmul.f32 v5, v1  }
0x6d: {  	v5 =	vadd.f32 v8, v7;
	v8 =	vmul.f32 v6, v1;
	v7 =	vmul.f32 v6, v2;
	v6 =	vld [tilespmem:s15+$0x5B00]  }
0x6e: {  	s17 =	simm.s32 $0x10  }
0x6f: {  	s18 =	simm.s32 $0x0;
	s19 =	simm.s32 $0x0;
	s16 =	sor.u32 s1, s1;
	v11 =	vsub.f32 v11, v10;
	v10 =	vmul.f32 v9, v2;
	v9 =	vmul.f32 v9, v1  }
.LBB2_2:
0x70: {  	s18 =	sadd.s32 $0x80, s18  }
0x71: {  	s19 =	sadd.s32 $0x10, s19;
	s14 =	sadd.s32 $0x10, s14;
	s20 =	smov.u32 s17  }
0x72: {  	p0 =	sne.s32 s17, $0x1F0;
	s17 =	sadd.s32 $0x10, s17;
	s21 =	sor.u32 s18, s20;
	[tilespmem:s15+$0xE200] =	vst v11;
	v11 =	vmul.f32 v6, v1;
	v6 =	vmul.f32 v6, v2  }
0x73: {  	v4 =	vadd.f32 v8, v4;
	v3 =	vsub.f32 v7, v3  }
0x74: {  	[tilespmem:s15+$0xA200] =	vst v5;
	v5 =	vadd.f32 v11, v10;
	v6 =	vsub.f32 v6, v9  }
0x75: {  	[tilespmem:s15+$0xA280] =	vst v4  }
0x76: {  	[tilespmem:s15+$0xA300] =	vst v5  }
0x77: {  	[tilespmem:s15+$0xE280] =	vst v3  }
0x78: {  	[tilespmem:s15+$0xE300] =	vst v6;
	s15 =	sor.u32 $0x380, s16;
	s16 =	smov.u32 s21  }
0x79: {  	v3 =	vld [tilespmem:s15+$0x1000]  }
0x7a: {  	v4 =	vld [tilespmem:s15+$0x5800];
	_ =	sdelay $0x3  }
0x7b: {  	v5 =	vmul.f32 v3, v2;
	v3 =	vmul.f32 v3, v1  }
0x7c: {  	v1 =	vmul.f32 v4, v1;
	v2 =	vmul.f32 v4, v2;
	_ =	sdelay $0x1  }
0x7d: {  	v1 =	vadd.f32 v1, v5;
	v2 =	vsub.f32 v2, v3;
	_ =	sdelay $0x1  }
0x7e: {  	[tilespmem:s15+$0xA000] =	vst v1  }
0x7f: {  	[tilespmem:s15+$0xE000] =	vst v2  }
0x80: {  	s21 =	sand.u32 $0xC00, s18;
	s15 =	sand.u32 $0x70, s20;
	v1 =	vld [tilespmem:s14+$0x0]  }
0x81: {  	s20 =	sor.u32 s21, s20;
	s15 =	sor.u32 s15, s21;
	v2 =	vld [tilespmem:s19+$0x0]  }
0x82: {  	v3 =	vld [tilespmem:s15+$0x5900]  }
0x83: {  	v4 =	vld [tilespmem:s15+$0x1100]  }
0x84: {  	v5 =	vld [tilespmem:s15+$0x1000]  }
0x85: {  	v6 =	vld [tilespmem:s15+$0x5800]  }
0x86: {  	v7 =	vld [tilespmem:s15+$0x5880]  }
0x87: {  	v8 =	vld [tilespmem:s15+$0x1080];
	v9 =	vmul.f32 v3, v1;
	v3 =	vmul.f32 v3, v2  }
0x88: {  	v10 =	vmul.f32 v4, v2;
	v4 =	vmul.f32 v4, v1  }
0x89: {  	v11 =	vmul.f32 v5, v2;
	v5 =	vmul.f32 v5, v1  }
0x8a: {  	v12 =	vmul.f32 v6, v2;
	v9 =	vadd.f32 v9, v10;
	v3 =	vsub.f32 v3, v4  }
0x8b: {  	v4 =	vmul.f32 v6, v1;
	v6 =	vmul.f32 v7, v2  }
0x8c: {  	v10 =	vmul.f32 v8, v2;
	v8 =	vmul.f32 v8, v1;
	[tilespmem:s15+$0xA100] =	vst v9  }
0x8d: {  	v7 =	vmul.f32 v7, v1;
	v4 =	vadd.f32 v4, v11;
	v5 =	vsub.f32 v12, v5  }
0x8e: {  	v6 =	vsub.f32 v6, v8;
	[tilespmem:s15+$0xE100] =	vst v3  }
0x8f: {  	v3 =	vadd.f32 v7, v10;
	[tilespmem:s15+$0xA000] =	vst v4  }
0x90: {  	[tilespmem:s15+$0xE000] =	vst v5  }
0x91: {  	[tilespmem:s15+$0xE080] =	vst v6  }
0x92: {  	s20 =	sor.u32 $0x180, s20;
	[tilespmem:s15+$0xA080] =	vst v3  }
0x93: {  	v3 =	vld [tilespmem:s20+$0x1000]  }
0x94: {  	v4 =	vld [tilespmem:s20+$0x5800];
	_ =	sdelay $0x3  }
0x95: {  	v5 =	vmul.f32 v3, v2;
	v3 =	vmul.f32 v3, v1  }
0x96: {  	v6 =	vmul.f32 v4, v1;
	v4 =	vmul.f32 v4, v2;
	_ =	sdelay $0x1  }
0x97: {  	v5 =	vadd.f32 v6, v5;
	v3 =	vsub.f32 v4, v3;
	_ =	sdelay $0x1  }
0x98: {  	[tilespmem:s20+$0xA000] =	vst v5  }
0x99: {  	[tilespmem:s20+$0xE000] =	vst v3  }
0x9a: {  	v3 =	vld [tilespmem:s15+$0x1200]  }
0x9b: {  	v4 =	vld [tilespmem:s15+$0x5A00]  }
0x9c: {  	v5 =	vld [tilespmem:s15+$0x1280]  }
0x9d: {  	v7 =	vld [tilespmem:s15+$0x5A80]  }
0x9e: {  	v9 =	vld [tilespmem:s15+$0x1300]  }
.Ltmp0:
0x9f: {  	v8 =	vmul.f32 v3, v2;
	v10 =	vmul.f32 v3, v1;
	v6 =	vld [tilespmem:s15+$0x5B00];
	(pc) =	sbr.rel @p0 .LBB2_2-.Ltmp0, $4  }
0xa0: {  	v11 =	vmul.f32 v4, v1;
	v12 =	vmul.f32 v4, v2  }
0xa1: {  	v4 =	vmul.f32 v5, v2;
	v3 =	vmul.f32 v5, v1  }
0xa2: {  	v5 =	vadd.f32 v11, v8;
	v8 =	vmul.f32 v7, v1;
	v7 =	vmul.f32 v7, v2  }
0xa3: {  	v11 =	vsub.f32 v12, v10;
	v10 =	vmul.f32 v9, v2;
	v9 =	vmul.f32 v9, v1  }
0xa4: {  	v12 =	vmul.f32 v6, v1;
	v4 =	vadd.f32 v8, v4;
	[tilespmem:s15+$0xA200] =	vst v5  }
0xa5: {  	v6 =	vmul.f32 v6, v2;
	v3 =	vsub.f32 v7, v3;
	[tilespmem:s15+$0xE200] =	vst v11  }
0xa6: {  	v5 =	vadd.f32 v12, v10;
	[tilespmem:s15+$0xA280] =	vst v4  }
0xa7: {  	v4 =	vsub.f32 v6, v9;
	[tilespmem:s15+$0xE280] =	vst v3  }
0xa8: {  	[tilespmem:s15+$0xA300] =	vst v5  }
0xa9: {  	s14 =	sor.u32 $0x380, s16;
	[tilespmem:s15+$0xE300] =	vst v4  }
0xaa: {  	v3 =	vld [tilespmem:s14+$0x1000]  }
0xab: {  	v4 =	vld [tilespmem:s14+$0x5800];
	_ =	sdelay $0x4  }
0xac: {  	v5 =	vmul.f32 v3, v2;
	v6 =	vmul.f32 v4, v1  }
0xad: {  	v1 =	vmul.f32 v3, v1;
	v2 =	vmul.f32 v4, v2  }
0xae: {  	v3 =	vadd.f32 v6, v5  }
0xaf: {  	v1 =	vsub.f32 v2, v1  }
0xb0: {  	[tilespmem:s14+$0xA000] =	vst v3  }
0xb1: {  	[tilespmem:s14+$0xE000] =	vst v1  }
0xb2: {  	v3 =	vld [tilespmem:$0x2000]  }
0xb3: {  	v4 =	vld [tilespmem:$0x6800]  }
0xb4: {  	v5 =	vld [tilespmem:$0x2080]  }
0xb5: {  	s23 =	simm.s32 $0x1080;
	s18 =	simm.s32 $0x210;
	v6 =	vld [tilespmem:$0x6880]  }
0xb6: {  	s19 =	sand.u32 $0x3C00, s23;
	s15 =	sand.u32 $0x70, s18;
	v9 =	vld [tilespmem:$0x2100]  }
0xb7: {  	s17 =	sor.u32 s15, s19;
	v10 =	vld [tilespmem:$0x6900]  }
0xb8: {  	v7 =	vld [tilespmem:s17+$0x5800]  }
0xb9: {  	v8 =	vld [tilespmem:s17+$0x1000]  }
0xba: {  	s20 =	simm.s32 $0xA00;
	v11 =	vld [tilespmem:$0x2180]  }
0xbb: {  	s21 =	simm.s32 $0x200;
	v1 =	vld [tilespmem:s20+$0x0]  }
0xbc: {  	v2 =	vld [tilespmem:s21+$0x0]  }
0xbd: {  	v12 =	vld [tilespmem:$0x6980];
	v13 =	vperm.xlane v3, v0;
	v14 =	vperm.xlane v4, v0  }
0xbe: {  	v17 =	vld [tilespmem:$0x2200];
	v3 =	vperm.xlane v7, v0;
	v4 =	vperm.xlane v8, v0  }
0xbf: {  	v18 =	vld [tilespmem:$0x6A00]  }
0xc0: {  	v19 =	vld [tilespmem:$0x2280];
	v7 =	vsel vm0, v14, v3;
	v8 =	vsel vm0, v13, v4  }
0xc1: {  	v20 =	vld [tilespmem:$0x6A80];
	v14 =	vmul.f32 v7, v1;
	v15 =	vmul.f32 v8, v2  }
0xc2: {  	s18 =	simm.s32 $0x1000;
	s15 =	simm.s32 $0x0;
	v23 =	vld [tilespmem:$0x6B00];
	v7 =	vmul.f32 v7, v2;
	v8 =	vmul.f32 v8, v1  }
0xc3: {  	s19 =	sand.u32 $0x1C00, s18;
	s22 =	sand.u32 $0x70, s15;
	v24 =	vld [tilespmem:$0x2380];
	v14 =	vadd.f32 v14, v15  }
0xc4: {  	s16 =	sor.u32 s22, s19;
	v29 =	vld [tilespmem:$0x6B80];
	v7 =	vsub.f32 v7, v8  }
0xc5: {  	v13 =	vld [tilespmem:$0x2300];
	[tilespmem:s16+$0xA000] =	vst v14  }
0xc6: {  	[tilespmem:s16+$0xE000] =	vst v7  }
0xc7: {  	v7 =	vld [tilespmem:s17+$0x1080]  }
0xc8: {  	v8 =	vld [tilespmem:s17+$0x5880];
	_ =	sdelay $0x3  }
0xc9: {  	v5 =	vperm.xlane v5, v0;
	v6 =	vperm.xlane v6, v0  }
0xca: {  	v7 =	vperm.xlane v7, v0;
	v8 =	vperm.xlane v8, v0;
	_ =	sdelay $0x1  }
0xcb: {  	v5 =	vsel vm0, v5, v7;
	v6 =	vsel vm0, v6, v8  }
0xcc: {  	v14 =	vmul.f32 v5, v2;
	v15 =	vmul.f32 v6, v1  }
0xcd: {  	v5 =	vmul.f32 v5, v1;
	v6 =	vmul.f32 v6, v2  }
0xce: {  	v14 =	vadd.f32 v15, v14  }
0xcf: {  	v5 =	vsub.f32 v6, v5  }
0xd0: {  	[tilespmem:s16+$0xA080] =	vst v14  }
0xd1: {  	[tilespmem:s16+$0xE080] =	vst v5  }
0xd2: {  	v5 =	vld [tilespmem:s17+$0x1100]  }
0xd3: {  	v6 =	vld [tilespmem:s17+$0x5900];
	_ =	sdelay $0x3  }
0xd4: {  	v15 =	vperm.xlane v10, v0;
	v14 =	vperm.xlane v9, v0  }
0xd5: {  	v9 =	vperm.xlane v5, v0;
	v10 =	vperm.xlane v6, v0;
	_ =	sdelay $0x1  }
0xd6: {  	v5 =	vsel vm0, v14, v9;
	v6 =	vsel vm0, v15, v10  }
0xd7: {  	v14 =	vmul.f32 v5, v2;
	v15 =	vmul.f32 v6, v1  }
0xd8: {  	v5 =	vmul.f32 v5, v1;
	v6 =	vmul.f32 v6, v2  }
0xd9: {  	v14 =	vadd.f32 v15, v14  }
0xda: {  	v5 =	vsub.f32 v6, v5  }
0xdb: {  	[tilespmem:s16+$0xA100] =	vst v14  }
0xdc: {  	[tilespmem:s16+$0xE100] =	vst v5  }
0xdd: {  	v5 =	vld [tilespmem:s17+$0x1180]  }
0xde: {  	v6 =	vld [tilespmem:s17+$0x5980];
	_ =	sdelay $0x3  }
0xdf: {  	v11 =	vperm.xlane v11, v0;
	v12 =	vperm.xlane v12, v0  }
0xe0: {  	v15 =	vperm.xlane v5, v0;
	v16 =	vperm.xlane v6, v0;
	_ =	sdelay $0x1  }
0xe1: {  	v5 =	vsel vm0, v11, v15;
	v6 =	vsel vm0, v12, v16  }
0xe2: {  	v11 =	vmul.f32 v5, v2;
	v12 =	vmul.f32 v6, v1  }
0xe3: {  	v5 =	vmul.f32 v5, v1;
	v6 =	vmul.f32 v6, v2  }
0xe4: {  	s19 =	sor.u32 s19, s15;
	v11 =	vadd.f32 v12, v11  }
0xe5: {  	s19 =	sor.u32 $0x180, s19;
	v5 =	vsub.f32 v6, v5  }
0xe6: {  	[tilespmem:s19+$0xA000] =	vst v11  }
0xe7: {  	[tilespmem:s19+$0xE000] =	vst v5  }
0xe8: {  	v5 =	vld [tilespmem:s17+$0x1200]  }
0xe9: {  	v6 =	vld [tilespmem:s17+$0x5A00];
	_ =	sdelay $0x3  }
0xea: {  	v12 =	vperm.xlane v18, v0;
	v11 =	vperm.xlane v17, v0  }
0xeb: {  	v21 =	vperm.xlane v5, v0;
	v22 =	vperm.xlane v6, v0;
	_ =	sdelay $0x1  }
0xec: {  	v5 =	vsel vm0, v11, v21;
	v6 =	vsel vm0, v12, v22  }
0xed: {  	v11 =	vmul.f32 v5, v2;
	v12 =	vmul.f32 v6, v1  }
0xee: {  	v5 =	vmul.f32 v5, v1;
	v6 =	vmul.f32 v6, v2  }
0xef: {  	v11 =	vadd.f32 v12, v11  }
0xf0: {  	v5 =	vsub.f32 v6, v5  }
0xf1: {  	[tilespmem:s16+$0xA200] =	vst v11  }
0xf2: {  	[tilespmem:s16+$0xE200] =	vst v5  }
0xf3: {  	v5 =	vld [tilespmem:s17+$0x1280]  }
0xf4: {  	v6 =	vld [tilespmem:s17+$0x5A80];
	_ =	sdelay $0x3  }
0xf5: {  	v12 =	vperm.xlane v20, v0;
	v11 =	vperm.xlane v19, v0  }
0xf6: {  	v25 =	vperm.xlane v5, v0;
	v26 =	vperm.xlane v6, v0;
	_ =	sdelay $0x1  }
0xf7: {  	v5 =	vsel vm0, v11, v25;
	v6 =	vsel vm0, v12, v26  }
0xf8: {  	v11 =	vmul.f32 v5, v2;
	v12 =	vmul.f32 v6, v1  }
0xf9: {  	v5 =	vmul.f32 v5, v1;
	v6 =	vmul.f32 v6, v2  }
0xfa: {  	v11 =	vadd.f32 v12, v11  }
0xfb: {  	v5 =	vsub.f32 v6, v5  }
0xfc: {  	[tilespmem:s16+$0xA280] =	vst v11  }
0xfd: {  	[tilespmem:s16+$0xE280] =	vst v5  }
0xfe: {  	v5 =	vld [tilespmem:s17+$0x1300]  }
0xff: {  	v6 =	vld [tilespmem:s17+$0x5B00];
	_ =	sdelay $0x3  }
0x100: {  	v11 =	vperm.xlane v13, v0;
	v27 =	vperm.xlane v5, v0  }
0x101: {  	v5 =	vperm.xlane v23, v0;
	v28 =	vperm.xlane v6, v0  }
0x102: {  	v6 =	vsel vm0, v11, v27  }
0x103: {  	s24 =	simm.s32 $0x1;
	v5 =	vsel vm0, v5, v28;
	v11 =	vmul.f32 v6, v2;
	v13 =	vmul.f32 v6, v1  }
0x104: {  	s19 =	sand.u32 $0x7, s24;
	v12 =	vmul.f32 v5, v1;
	v14 =	vmul.f32 v5, v2  }
0x105: {  	s20 =	simm.s32 $0xA10;
	s21 =	sshll.u32 s19, $0x4;
	v5 =	vperm.xlane v24, v0  }
0x106: {  	s19 =	simm.s32 $0x210;
	s17 =	sor.u32 s18, s15;
	s18 =	simm.s32 $0x2;
	v6 =	vperm.xlane v29, v0;
	v12 =	vadd.f32 v12, v11;
	v11 =	vsub.f32 v14, v13  }
.LBB2_4:
0x107: {  	s14 =	smov.u32 s23;
	s21 =	sadd.s32 s21, s23;
	v29 =	vmovc v3;
	v30 =	vmovc v4;
	v31 =	vmov v7;
	v32 =	vmov v8;
	v24 =	vmov v9  }
0x108: {  	s15 =	sadd.s32 $0x10, s15;
	v23 =	vmovc v10;
	v20 =	vmovc v15;
	v19 =	vmov v16;
	v18 =	vmov v21;
	v17 =	vmov v22;
	s22 =	smov.u32 s23;
	s23 =	sadd.s32 $0x80, s23;
	[tilespmem:s16+$0xA300] =	vst v12  }
0x109: {  	v14 =	vmovc v25;
	v13 =	vmov v26;
	s24 =	sor.u32 s22, s15;
	p0 =	sne.s32 s14, $0x1F80;
	s14 =	sor.u32 $0x380, s21;
	v12 =	vmov v27;
	[tilespmem:s16+$0xE300] =	vst v11;
	v11 =	vmov v28  }
0x10a: {  	v3 =	vld [tilespmem:s14+$0x1000]  }
0x10b: {  	v4 =	vld [tilespmem:s14+$0x5800];
	_ =	sdelay $0x3  }
0x10c: {  	v3 =	vperm.xlane v3, v0  }
0x10d: {  	v4 =	vperm.xlane v4, v0  }
0x10e: {  	v7 =	vsel vm0, v5, v3;
	v5 =	vmov v3  }
0x10f: {  	v3 =	vsel vm0, v6, v4;
	v8 =	vmul.f32 v7, v2;
	v7 =	vmul.f32 v7, v1;
	v6 =	vmovc v4  }
0x110: {  	v1 =	vmul.f32 v3, v1;
	v2 =	vmul.f32 v3, v2;
	_ =	sdelay $0x1  }
0x111: {  	v1 =	vadd.f32 v1, v8;
	v2 =	vsub.f32 v2, v7  }
0x112: {  	s16 =	sor.u32 $0x380, s17;
	s17 =	smov.u32 s24;
	s14 =	sadd.s32 $0x210, s15  }
0x113: {  	s21 =	sand.u32 $0x3C00, s23;
	s14 =	sand.u32 $0x70, s14;
	[tilespmem:s16+$0xA000] =	vst v1  }
0x114: {  	s21 =	sor.u32 s14, s21;
	[tilespmem:s16+$0xE000] =	vst v2  }
0x115: {  	v3 =	vld [tilespmem:s21+$0x5800]  }
0x116: {  	v4 =	vld [tilespmem:s21+$0x1000]  }
0x117: {  	v1 =	vld [tilespmem:s20+$0x0]  }
0x118: {  	v2 =	vld [tilespmem:s19+$0x0];
	_ =	sdelay $0x1  }
0x119: {  	v3 =	vperm.xlane v3, v0  }
0x11a: {  	v4 =	vperm.xlane v4, v0  }
0x11b: {  	v7 =	vsel vm0, v29, v3  }
0x11c: {  	v8 =	vsel vm0, v30, v4;
	v9 =	vmul.f32 v7, v1;
	v7 =	vmul.f32 v7, v2  }
0x11d: {  	v10 =	vmul.f32 v8, v2;
	v8 =	vmul.f32 v8, v1;
	_ =	sdelay $0x1  }
0x11e: {  	s22 =	sand.u32 $0x1C00, s22;
	s14 =	sand.u32 $0x70, s15;
	v9 =	vadd.f32 v9, v10;
	v7 =	vsub.f32 v7, v8  }
0x11f: {  	s16 =	sor.u32 s14, s22;
	s22 =	sor.u32 s22, s15  }
0x120: {  	[tilespmem:s16+$0xA000] =	vst v9  }
0x121: {  	[tilespmem:s16+$0xE000] =	vst v7  }
0x122: {  	v7 =	vld [tilespmem:s21+$0x1080]  }
0x123: {  	v8 =	vld [tilespmem:s21+$0x5880];
	_ =	sdelay $0x3  }
0x124: {  	v7 =	vperm.xlane v7, v0  }
0x125: {  	v8 =	vperm.xlane v8, v0  }
0x126: {  	v9 =	vsel vm0, v31, v7  }
0x127: {  	v10 =	vsel vm0, v32, v8;
	v15 =	vmul.f32 v9, v2;
	v9 =	vmul.f32 v9, v1  }
0x128: {  	v16 =	vmul.f32 v10, v1;
	v10 =	vmul.f32 v10, v2;
	_ =	sdelay $0x1  }
0x129: {  	v15 =	vadd.f32 v16, v15;
	v9 =	vsub.f32 v10, v9;
	_ =	sdelay $0x1  }
0x12a: {  	[tilespmem:s16+$0xA080] =	vst v15  }
0x12b: {  	[tilespmem:s16+$0xE080] =	vst v9  }
0x12c: {  	v9 =	vld [tilespmem:s21+$0x1100]  }
0x12d: {  	v10 =	vld [tilespmem:s21+$0x5900];
	_ =	sdelay $0x3  }
0x12e: {  	v9 =	vperm.xlane v9, v0  }
0x12f: {  	v10 =	vperm.xlane v10, v0  }
0x130: {  	v15 =	vsel vm0, v24, v9  }
0x131: {  	v16 =	vsel vm0, v23, v10;
	v21 =	vmul.f32 v15, v2;
	v15 =	vmul.f32 v15, v1  }
0x132: {  	v22 =	vmul.f32 v16, v1;
	v16 =	vmul.f32 v16, v2;
	_ =	sdelay $0x1  }
0x133: {  	v21 =	vadd.f32 v22, v21;
	v15 =	vsub.f32 v16, v15;
	_ =	sdelay $0x1  }
0x134: {  	[tilespmem:s16+$0xA100] =	vst v21  }
0x135: {  	[tilespmem:s16+$0xE100] =	vst v15  }
0x136: {  	v15 =	vld [tilespmem:s21+$0x1180]  }
0x137: {  	v16 =	vld [tilespmem:s21+$0x5980];
	_ =	sdelay $0x3  }
0x138: {  	v15 =	vperm.xlane v15, v0  }
0x139: {  	v16 =	vperm.xlane v16, v0  }
0x13a: {  	v20 =	vsel vm0, v20, v15  }
0x13b: {  	v19 =	vsel vm0, v19, v16;
	v21 =	vmul.f32 v20, v2;
	v20 =	vmul.f32 v20, v1  }
0x13c: {  	v22 =	vmul.f32 v19, v1;
	v19 =	vmul.f32 v19, v2;
	_ =	sdelay $0x1  }
0x13d: {  	v21 =	vadd.f32 v22, v21;
	v19 =	vsub.f32 v19, v20  }
0x13e: {  	s14 =	sor.u32 $0x180, s22  }
0x13f: {  	[tilespmem:s14+$0xA000] =	vst v21  }
0x140: {  	[tilespmem:s14+$0xE000] =	vst v19  }
0x141: {  	v19 =	vld [tilespmem:s21+$0x1200]  }
0x142: {  	v20 =	vld [tilespmem:s21+$0x5A00];
	_ =	sdelay $0x3  }
0x143: {  	v21 =	vperm.xlane v19, v0  }
0x144: {  	v22 =	vperm.xlane v20, v0  }
0x145: {  	v18 =	vsel vm0, v18, v21  }
0x146: {  	v17 =	vsel vm0, v17, v22;
	v19 =	vmul.f32 v18, v2;
	v18 =	vmul.f32 v18, v1  }
0x147: {  	v20 =	vmul.f32 v17, v1;
	v17 =	vmul.f32 v17, v2;
	_ =	sdelay $0x1  }
0x148: {  	v19 =	vadd.f32 v20, v19;
	v17 =	vsub.f32 v17, v18;
	_ =	sdelay $0x1  }
0x149: {  	[tilespmem:s16+$0xA200] =	vst v19  }
0x14a: {  	[tilespmem:s16+$0xE200] =	vst v17  }
0x14b: {  	v17 =	vld [tilespmem:s21+$0x1280]  }
0x14c: {  	v18 =	vld [tilespmem:s21+$0x5A80];
	_ =	sdelay $0x3  }
0x14d: {  	v25 =	vperm.xlane v17, v0  }
0x14e: {  	v26 =	vperm.xlane v18, v0  }
0x14f: {  	v14 =	vsel vm0, v14, v25  }
0x150: {  	v13 =	vsel vm0, v13, v26;
	v17 =	vmul.f32 v14, v2;
	v14 =	vmul.f32 v14, v1  }
0x151: {  	v18 =	vmul.f32 v13, v1;
	v13 =	vmul.f32 v13, v2;
	_ =	sdelay $0x1  }
0x152: {  	v17 =	vadd.f32 v18, v17;
	v13 =	vsub.f32 v13, v14;
	_ =	sdelay $0x1  }
0x153: {  	[tilespmem:s16+$0xA280] =	vst v17  }
0x154: {  	[tilespmem:s16+$0xE280] =	vst v13  }
0x155: {  	v13 =	vld [tilespmem:s21+$0x1300]  }
0x156: {  	v14 =	vld [tilespmem:s21+$0x5B00];
	_ =	sdelay $0x3  }
0x157: {  	v27 =	vperm.xlane v13, v0  }
0x158: {  	v28 =	vperm.xlane v14, v0  }
0x159: {  	v12 =	vsel vm0, v12, v27  }
.Ltmp1:
0x15a: {  	v11 =	vsel vm0, v11, v28;
	v13 =	vmul.f32 v12, v2;
	v14 =	vmul.f32 v12, v1;
	(pc) =	sbr.rel @p0 .LBB2_4-.Ltmp1, $3  }
0x15b: {  	v12 =	vmul.f32 v11, v1;
	v11 =	vmul.f32 v11, v2;
	_ =	sdelay $0x1  }
0x15c: {  	s14 =	sand.u32 $0x7, s18;
	s18 =	sadd.s32 $0x1, s18;
	v12 =	vadd.f32 v12, v13;
	v11 =	vsub.f32 v11, v14  }
0x15d: {  	s20 =	sadd.s32 $0x10, s20;
	s19 =	sadd.s32 $0x10, s19;
	s21 =	sshll.u32 s14, $0x4  }
0x15e: {  	[tilespmem:s16+$0xA300] =	vst v12;
	s14 =	sadd.s32 s21, s23  }
0x15f: {  	[tilespmem:s16+$0xE300] =	vst v11;
	s14 =	sor.u32 $0x380, s14  }
0x160: {  	v3 =	vld [tilespmem:s14+$0x1000]  }
0x161: {  	v4 =	vld [tilespmem:s14+$0x5800];
	_ =	sdelay $0x4  }
0x162: {  	v3 =	vperm.xlane v3, v0;
	v4 =	vperm.xlane v4, v0;
	_ =	sdelay $0x1  }
0x163: {  	v3 =	vsel vm0, v5, v3;
	v4 =	vsel vm0, v6, v4  }
0x164: {  	v5 =	vmul.f32 v3, v2;
	v6 =	vmul.f32 v4, v1  }
0x165: {  	v1 =	vmul.f32 v3, v1;
	v2 =	vmul.f32 v4, v2  }
0x166: {  	v3 =	vadd.f32 v6, v5  }
0x167: {  	s18 =	sor.u32 $0x380, s17;
	v1 =	vsub.f32 v2, v1  }
0x168: {  	[tilespmem:s18+$0xA000] =	vst v3  }
0x169: {  	s15 =	simm.s32 $0xA000;
	s14 =	simm.s32 $0x0;
	[tilespmem:s18+$0xE000] =	vst v1  }
0x16a: {  	[hbm4b:s3+s14] =	stream.linear.scatter [tilespmem:s15], [sflag:$0x5], $0x80, $0x38;
	[tilespmem:$0x12100] =	vst v63  }
0x16b: {  	s19 =	sadd.s32 $0x10, s3;
	s20 =	simm.s32 $0xA400  }
0x16c: {  	[hbm4b:s19+s14] =	stream.linear.scatter [tilespmem:s20], [sflag:$0x5], $0x80, $0x38;
	[tilespmem:$0x12100] =	vst v63  }
0x16d: {  	s21 =	sadd.s32 $0x20, s3;
	s22 =	simm.s32 $0xA800  }
0x16e: {  	[hbm4b:s21+s14] =	stream.linear.scatter [tilespmem:s22], [sflag:$0x5], $0x80, $0x38;
	[tilespmem:$0x12100] =	vst v63  }
0x16f: {  	s23 =	sadd.s32 $0x30, s3;
	s24 =	simm.s32 $0xAC00  }
0x170: {  	[hbm4b:s23+s14] =	stream.linear.scatter [tilespmem:s24], [sflag:$0x5], $0x80, $0x38;
	[tilespmem:$0x12100] =	vst v63  }
0x171: {  	s17 =	sadd.s32 $0x40, s3;
	s18 =	simm.s32 $0xB000  }
0x172: {  	[hbm4b:s17+s14] =	stream.linear.scatter [tilespmem:s18], [sflag:$0x5], $0x80, $0x38;
	[tilespmem:$0x12100] =	vst v63  }
0x173: {  	s19 =	sadd.s32 $0x50, s3;
	s20 =	simm.s32 $0xB400  }
0x174: {  	[hbm4b:s19+s14] =	stream.linear.scatter [tilespmem:s20], [sflag:$0x5], $0x80, $0x38;
	[tilespmem:$0x12100] =	vst v63  }
0x175: {  	s21 =	sadd.s32 $0x60, s3;
	s22 =	simm.s32 $0xB800  }
0x176: {  	[hbm4b:s21+s14] =	stream.linear.scatter [tilespmem:s22], [sflag:$0x5], $0x80, $0x38;
	[tilespmem:$0x12100] =	vst v63  }
0x177: {  	s23 =	sadd.s32 $0x70, s3;
	s24 =	simm.s32 $0xBC00  }
0x178: {  	[hbm4b:s23+s14] =	stream.linear.scatter [tilespmem:s24], [sflag:$0x5], $0x80, $0x38;
	[tilespmem:$0x12100] =	vst v63  }
0x179: {  	s16 =	simm.s32 $0xE000  }
0x17a: {  	[hbm4b:s4+s14] =	stream.linear.scatter [tilespmem:s16], [sflag:$0x6], $0x80, $0x38;
	[tilespmem:$0x12100] =	vst v63  }
0x17b: {  	s17 =	sadd.s32 $0x10, s4;
	s18 =	simm.s32 $0xE400  }
0x17c: {  	[hbm4b:s17+s14] =	stream.linear.scatter [tilespmem:s18], [sflag:$0x6], $0x80, $0x38;
	[tilespmem:$0x12100] =	vst v63  }
0x17d: {  	s19 =	sadd.s32 $0x20, s4;
	s20 =	simm.s32 $0xE800  }
0x17e: {  	[hbm4b:s19+s14] =	stream.linear.scatter [tilespmem:s20], [sflag:$0x6], $0x80, $0x38;
	[tilespmem:$0x12100] =	vst v63  }
0x17f: {  	s21 =	sadd.s32 $0x30, s4;
	s22 =	simm.s32 $0xEC00  }
0x180: {  	[hbm4b:s21+s14] =	stream.linear.scatter [tilespmem:s22], [sflag:$0x6], $0x80, $0x38;
	[tilespmem:$0x12100] =	vst v63  }
0x181: {  	s23 =	sadd.s32 $0x40, s4;
	s24 =	simm.s32 $0xF000  }
0x182: {  	[hbm4b:s23+s14] =	stream.linear.scatter [tilespmem:s24], [sflag:$0x6], $0x80, $0x38;
	[tilespmem:$0x12100] =	vst v63  }
0x183: {  	s16 =	sadd.s32 $0x50, s4;
	s17 =	simm.s32 $0xF400  }
0x184: {  	[hbm4b:s16+s14] =	stream.linear.scatter [tilespmem:s17], [sflag:$0x6], $0x80, $0x38;
	[tilespmem:$0x12100] =	vst v63  }
0x185: {  	s18 =	sadd.s32 $0x60, s4;
	s19 =	simm.s32 $0xF800  }
0x186: {  	[hbm4b:s18+s14] =	stream.linear.scatter [tilespmem:s19], [sflag:$0x6], $0x80, $0x38;
	[tilespmem:$0x12100] =	vst v63  }
0x187: {  	s20 =	sadd.s32 $0x70, s4;
	s21 =	simm.s32 $0xFC00  }
0x188: {  	[hbm4b:s20+s14] =	stream.linear.scatter [tilespmem:s21], [sflag:$0x6], $0x80, $0x38;
	[tilespmem:$0x12100] =	vst v63  }
0x189: {  	s22 =	simm.s32 $0xA080;
	s16 =	rddreg [dreg:$0xd]  }
0x18a: {  	[hbm4b:s16+s14] =	stream.linear.scatter [tilespmem:s22], [sflag:$0x5], $0x80, $0x38;
	[tilespmem:$0x12100] =	vst v63  }
0x18b: {  	s24 =	simm.s32 $0xA480;
	s23 =	sadd.s32 $0x10, s16  }
0x18c: {  	[hbm4b:s23+s14] =	stream.linear.scatter [tilespmem:s24], [sflag:$0x5], $0x80, $0x38;
	[tilespmem:$0x12100] =	vst v63  }
0x18d: {  	s17 =	sadd.s32 $0x20, s16;
	s18 =	simm.s32 $0xA880  }
0x18e: {  	[hbm4b:s17+s14] =	stream.linear.scatter [tilespmem:s18], [sflag:$0x5], $0x80, $0x38;
	[tilespmem:$0x12100] =	vst v63  }
0x18f: {  	s19 =	sadd.s32 $0x30, s16;
	s20 =	simm.s32 $0xAC80  }
0x190: {  	[hbm4b:s19+s14] =	stream.linear.scatter [tilespmem:s20], [sflag:$0x5], $0x80, $0x38;
	[tilespmem:$0x12100] =	vst v63  }
0x191: {  	s21 =	sadd.s32 $0x40, s16;
	s22 =	simm.s32 $0xB080  }
0x192: {  	[hbm4b:s21+s14] =	stream.linear.scatter [tilespmem:s22], [sflag:$0x5], $0x80, $0x38;
	[tilespmem:$0x12100] =	vst v63  }
0x193: {  	s23 =	sadd.s32 $0x50, s16;
	s24 =	simm.s32 $0xB480  }
0x194: {  	[hbm4b:s23+s14] =	stream.linear.scatter [tilespmem:s24], [sflag:$0x5], $0x80, $0x38;
	[tilespmem:$0x12100] =	vst v63  }
0x195: {  	s18 =	sadd.s32 $0x60, s16;
	s19 =	simm.s32 $0xB880  }
0x196: {  	[hbm4b:s18+s14] =	stream.linear.scatter [tilespmem:s19], [sflag:$0x5], $0x80, $0x38;
	[tilespmem:$0x12100] =	vst v63  }
0x197: {  	s20 =	sadd.s32 $0x70, s16;
	s21 =	simm.s32 $0xBC80  }
0x198: {  	[hbm4b:s20+s14] =	stream.linear.scatter [tilespmem:s21], [sflag:$0x5], $0x80, $0x38;
	[tilespmem:$0x12100] =	vst v63  }
0x199: {  	s16 =	rddreg [dreg:$0xe];
	s22 =	simm.s32 $0xE080  }
0x19a: {  	[hbm4b:s16+s14] =	stream.linear.scatter [tilespmem:s22], [sflag:$0x6], $0x80, $0x38;
	[tilespmem:$0x12100] =	vst v63  }
0x19b: {  	s23 =	sadd.s32 $0x10, s16;
	s24 =	simm.s32 $0xE480  }
0x19c: {  	[hbm4b:s23+s14] =	stream.linear.scatter [tilespmem:s24], [sflag:$0x6], $0x80, $0x38;
	[tilespmem:$0x12100] =	vst v63  }
0x19d: {  	s17 =	sadd.s32 $0x20, s16;
	s18 =	simm.s32 $0xE880  }
0x19e: {  	[hbm4b:s17+s14] =	stream.linear.scatter [tilespmem:s18], [sflag:$0x6], $0x80, $0x38;
	[tilespmem:$0x12100] =	vst v63  }
0x19f: {  	s19 =	sadd.s32 $0x30, s16;
	s20 =	simm.s32 $0xEC80  }
0x1a0: {  	[hbm4b:s19+s14] =	stream.linear.scatter [tilespmem:s20], [sflag:$0x6], $0x80, $0x38;
	[tilespmem:$0x12100] =	vst v63  }
0x1a1: {  	s21 =	sadd.s32 $0x40, s16;
	s22 =	simm.s32 $0xF080  }
0x1a2: {  	[hbm4b:s21+s14] =	stream.linear.scatter [tilespmem:s22], [sflag:$0x6], $0x80, $0x38;
	[tilespmem:$0x12100] =	vst v63  }
0x1a3: {  	s23 =	sadd.s32 $0x50, s16;
	s24 =	simm.s32 $0xF480  }
0x1a4: {  	[hbm4b:s23+s14] =	stream.linear.scatter [tilespmem:s24], [sflag:$0x6], $0x80, $0x38;
	[tilespmem:$0x12100] =	vst v63  }
0x1a5: {  	s18 =	sadd.s32 $0x60, s16;
	s19 =	simm.s32 $0xF880  }
0x1a6: {  	[hbm4b:s18+s14] =	stream.linear.scatter [tilespmem:s19], [sflag:$0x6], $0x80, $0x38;
	[tilespmem:$0x12100] =	vst v63  }
0x1a7: {  	s20 =	sadd.s32 $0x70, s16;
	s21 =	simm.s32 $0xFC80  }
0x1a8: {  	[hbm4b:s20+s14] =	stream.linear.scatter [tilespmem:s21], [sflag:$0x6], $0x80, $0x38;
	[tilespmem:$0x12100] =	vst v63  }
0x1a9: {  	s16 =	rddreg [dreg:$0xf];
	s22 =	simm.s32 $0xA100  }
0x1aa: {  	[hbm4b:s16+s14] =	stream.linear.scatter [tilespmem:s22], [sflag:$0x5], $0x80, $0x38;
	[tilespmem:$0x12100] =	vst v63  }
0x1ab: {  	s23 =	sadd.s32 $0x10, s16;
	s24 =	simm.s32 $0xA500  }
0x1ac: {  	[hbm4b:s23+s14] =	stream.linear.scatter [tilespmem:s24], [sflag:$0x5], $0x80, $0x38;
	[tilespmem:$0x12100] =	vst v63  }
0x1ad: {  	s17 =	sadd.s32 $0x20, s16;
	s18 =	simm.s32 $0xA900  }
0x1ae: {  	[hbm4b:s17+s14] =	stream.linear.scatter [tilespmem:s18], [sflag:$0x5], $0x80, $0x38;
	[tilespmem:$0x12100] =	vst v63  }
0x1af: {  	s19 =	sadd.s32 $0x30, s16;
	s20 =	simm.s32 $0xAD00  }
0x1b0: {  	[hbm4b:s19+s14] =	stream.linear.scatter [tilespmem:s20], [sflag:$0x5], $0x80, $0x38;
	[tilespmem:$0x12100] =	vst v63  }
0x1b1: {  	s21 =	sadd.s32 $0x40, s16;
	s22 =	simm.s32 $0xB100  }
0x1b2: {  	[hbm4b:s21+s14] =	stream.linear.scatter [tilespmem:s22], [sflag:$0x5], $0x80, $0x38;
	[tilespmem:$0x12100] =	vst v63  }
0x1b3: {  	s23 =	sadd.s32 $0x50, s16;
	s24 =	simm.s32 $0xB500  }
0x1b4: {  	[hbm4b:s23+s14] =	stream.linear.scatter [tilespmem:s24], [sflag:$0x5], $0x80, $0x38;
	[tilespmem:$0x12100] =	vst v63  }
0x1b5: {  	s18 =	sadd.s32 $0x60, s16;
	s19 =	simm.s32 $0xB900  }
0x1b6: {  	[hbm4b:s18+s14] =	stream.linear.scatter [tilespmem:s19], [sflag:$0x5], $0x80, $0x38;
	[tilespmem:$0x12100] =	vst v63  }
0x1b7: {  	s20 =	sadd.s32 $0x70, s16;
	s21 =	simm.s32 $0xBD00  }
0x1b8: {  	[hbm4b:s20+s14] =	stream.linear.scatter [tilespmem:s21], [sflag:$0x5], $0x80, $0x38;
	[tilespmem:$0x12100] =	vst v63  }
0x1b9: {  	s16 =	rddreg [dreg:$0x10];
	s22 =	simm.s32 $0xE100  }
0x1ba: {  	[hbm4b:s16+s14] =	stream.linear.scatter [tilespmem:s22], [sflag:$0x6], $0x80, $0x38;
	[tilespmem:$0x12100] =	vst v63  }
0x1bb: {  	s23 =	sadd.s32 $0x10, s16;
	s24 =	simm.s32 $0xE500  }
0x1bc: {  	[hbm4b:s23+s14] =	stream.linear.scatter [tilespmem:s24], [sflag:$0x6], $0x80, $0x38;
	[tilespmem:$0x12100] =	vst v63  }
0x1bd: {  	s17 =	sadd.s32 $0x20, s16;
	s18 =	simm.s32 $0xE900  }
0x1be: {  	[hbm4b:s17+s14] =	stream.linear.scatter [tilespmem:s18], [sflag:$0x6], $0x80, $0x38;
	[tilespmem:$0x12100] =	vst v63  }
0x1bf: {  	s19 =	sadd.s32 $0x30, s16;
	s20 =	simm.s32 $0xED00  }
0x1c0: {  	[hbm4b:s19+s14] =	stream.linear.scatter [tilespmem:s20], [sflag:$0x6], $0x80, $0x38;
	[tilespmem:$0x12100] =	vst v63  }
0x1c1: {  	s21 =	sadd.s32 $0x40, s16;
	s22 =	simm.s32 $0xF100  }
0x1c2: {  	[hbm4b:s21+s14] =	stream.linear.scatter [tilespmem:s22], [sflag:$0x6], $0x80, $0x38;
	[tilespmem:$0x12100] =	vst v63  }
0x1c3: {  	s23 =	sadd.s32 $0x50, s16;
	s24 =	simm.s32 $0xF500  }
0x1c4: {  	[hbm4b:s23+s14] =	stream.linear.scatter [tilespmem:s24], [sflag:$0x6], $0x80, $0x38;
	[tilespmem:$0x12100] =	vst v63  }
0x1c5: {  	s18 =	sadd.s32 $0x60, s16;
	s19 =	simm.s32 $0xF900  }
0x1c6: {  	[hbm4b:s18+s14] =	stream.linear.scatter [tilespmem:s19], [sflag:$0x6], $0x80, $0x38;
	[tilespmem:$0x12100] =	vst v63  }
0x1c7: {  	s20 =	sadd.s32 $0x70, s16;
	s21 =	simm.s32 $0xFD00  }
0x1c8: {  	[hbm4b:s20+s14] =	stream.linear.scatter [tilespmem:s21], [sflag:$0x6], $0x80, $0x38;
	[tilespmem:$0x12100] =	vst v63  }
0x1c9: {  	s16 =	rddreg [dreg:$0x11];
	s22 =	simm.s32 $0xA180  }
0x1ca: {  	[hbm4b:s16+s14] =	stream.linear.scatter [tilespmem:s22], [sflag:$0x5], $0x80, $0x38;
	[tilespmem:$0x12100] =	vst v63  }
0x1cb: {  	s23 =	sadd.s32 $0x10, s16;
	s24 =	simm.s32 $0xA580  }
0x1cc: {  	[hbm4b:s23+s14] =	stream.linear.scatter [tilespmem:s24], [sflag:$0x5], $0x80, $0x38;
	[tilespmem:$0x12100] =	vst v63  }
0x1cd: {  	s17 =	sadd.s32 $0x20, s16;
	s18 =	simm.s32 $0xA980  }
0x1ce: {  	[hbm4b:s17+s14] =	stream.linear.scatter [tilespmem:s18], [sflag:$0x5], $0x80, $0x38;
	[tilespmem:$0x12100] =	vst v63  }
0x1cf: {  	s19 =	sadd.s32 $0x30, s16;
	s20 =	simm.s32 $0xAD80  }
0x1d0: {  	[hbm4b:s19+s14] =	stream.linear.scatter [tilespmem:s20], [sflag:$0x5], $0x80, $0x38;
	[tilespmem:$0x12100] =	vst v63  }
0x1d1: {  	s21 =	sadd.s32 $0x40, s16;
	s22 =	simm.s32 $0xB180  }
0x1d2: {  	[hbm4b:s21+s14] =	stream.linear.scatter [tilespmem:s22], [sflag:$0x5], $0x80, $0x38;
	[tilespmem:$0x12100] =	vst v63  }
0x1d3: {  	s23 =	sadd.s32 $0x50, s16;
	s24 =	simm.s32 $0xB580  }
0x1d4: {  	[hbm4b:s23+s14] =	stream.linear.scatter [tilespmem:s24], [sflag:$0x5], $0x80, $0x38;
	[tilespmem:$0x12100] =	vst v63  }
0x1d5: {  	s18 =	sadd.s32 $0x60, s16;
	s19 =	simm.s32 $0xB980  }
0x1d6: {  	[hbm4b:s18+s14] =	stream.linear.scatter [tilespmem:s19], [sflag:$0x5], $0x80, $0x38;
	[tilespmem:$0x12100] =	vst v63  }
0x1d7: {  	s20 =	sadd.s32 $0x70, s16;
	s21 =	simm.s32 $0xBD80  }
0x1d8: {  	[hbm4b:s20+s14] =	stream.linear.scatter [tilespmem:s21], [sflag:$0x5], $0x80, $0x38;
	[tilespmem:$0x12100] =	vst v63  }
0x1d9: {  	s16 =	rddreg [dreg:$0x12];
	s22 =	simm.s32 $0xE180  }
0x1da: {  	[hbm4b:s16+s14] =	stream.linear.scatter [tilespmem:s22], [sflag:$0x6], $0x80, $0x38;
	[tilespmem:$0x12100] =	vst v63  }
0x1db: {  	s23 =	sadd.s32 $0x10, s16;
	s24 =	simm.s32 $0xE580  }
0x1dc: {  	[hbm4b:s23+s14] =	stream.linear.scatter [tilespmem:s24], [sflag:$0x6], $0x80, $0x38;
	[tilespmem:$0x12100] =	vst v63  }
0x1dd: {  	s17 =	sadd.s32 $0x20, s16;
	s18 =	simm.s32 $0xE980  }
0x1de: {  	[hbm4b:s17+s14] =	stream.linear.scatter [tilespmem:s18], [sflag:$0x6], $0x80, $0x38;
	[tilespmem:$0x12100] =	vst v63  }
0x1df: {  	s19 =	sadd.s32 $0x30, s16;
	s20 =	simm.s32 $0xED80  }
0x1e0: {  	[hbm4b:s19+s14] =	stream.linear.scatter [tilespmem:s20], [sflag:$0x6], $0x80, $0x38;
	[tilespmem:$0x12100] =	vst v63  }
0x1e1: {  	s21 =	sadd.s32 $0x40, s16;
	s22 =	simm.s32 $0xF180  }
0x1e2: {  	[hbm4b:s21+s14] =	stream.linear.scatter [tilespmem:s22], [sflag:$0x6], $0x80, $0x38;
	[tilespmem:$0x12100] =	vst v63  }
0x1e3: {  	s23 =	sadd.s32 $0x50, s16;
	s24 =	simm.s32 $0xF580  }
0x1e4: {  	[hbm4b:s23+s14] =	stream.linear.scatter [tilespmem:s24], [sflag:$0x6], $0x80, $0x38;
	[tilespmem:$0x12100] =	vst v63  }
0x1e5: {  	s18 =	sadd.s32 $0x60, s16;
	s19 =	simm.s32 $0xF980  }
0x1e6: {  	[hbm4b:s18+s14] =	stream.linear.scatter [tilespmem:s19], [sflag:$0x6], $0x80, $0x38;
	[tilespmem:$0x12100] =	vst v63  }
0x1e7: {  	s20 =	sadd.s32 $0x70, s16;
	s21 =	simm.s32 $0xFD80  }
0x1e8: {  	[hbm4b:s20+s14] =	stream.linear.scatter [tilespmem:s21], [sflag:$0x6], $0x80, $0x38;
	[tilespmem:$0x12100] =	vst v63  }
0x1e9: {  	s16 =	rddreg [dreg:$0x13];
	s22 =	simm.s32 $0xA200  }
0x1ea: {  	[hbm4b:s16+s14] =	stream.linear.scatter [tilespmem:s22], [sflag:$0x5], $0x80, $0x38;
	[tilespmem:$0x12100] =	vst v63  }
0x1eb: {  	s23 =	sadd.s32 $0x10, s16;
	s24 =	simm.s32 $0xA600  }
0x1ec: {  	[hbm4b:s23+s14] =	stream.linear.scatter [tilespmem:s24], [sflag:$0x5], $0x80, $0x38;
	[tilespmem:$0x12100] =	vst v63  }
0x1ed: {  	s17 =	sadd.s32 $0x20, s16;
	s18 =	simm.s32 $0xAA00  }
0x1ee: {  	[hbm4b:s17+s14] =	stream.linear.scatter [tilespmem:s18], [sflag:$0x5], $0x80, $0x38;
	[tilespmem:$0x12100] =	vst v63  }
0x1ef: {  	s19 =	sadd.s32 $0x30, s16;
	s20 =	simm.s32 $0xAE00  }
0x1f0: {  	[hbm4b:s19+s14] =	stream.linear.scatter [tilespmem:s20], [sflag:$0x5], $0x80, $0x38;
	[tilespmem:$0x12100] =	vst v63  }
0x1f1: {  	s21 =	sadd.s32 $0x40, s16;
	s22 =	simm.s32 $0xB200  }
0x1f2: {  	[hbm4b:s21+s14] =	stream.linear.scatter [tilespmem:s22], [sflag:$0x5], $0x80, $0x38;
	[tilespmem:$0x12100] =	vst v63  }
0x1f3: {  	s23 =	sadd.s32 $0x50, s16;
	s24 =	simm.s32 $0xB600  }
0x1f4: {  	[hbm4b:s23+s14] =	stream.linear.scatter [tilespmem:s24], [sflag:$0x5], $0x80, $0x38;
	[tilespmem:$0x12100] =	vst v63  }
0x1f5: {  	s18 =	sadd.s32 $0x60, s16;
	s19 =	simm.s32 $0xBA00  }
0x1f6: {  	[hbm4b:s18+s14] =	stream.linear.scatter [tilespmem:s19], [sflag:$0x5], $0x80, $0x38;
	[tilespmem:$0x12100] =	vst v63  }
0x1f7: {  	s20 =	sadd.s32 $0x70, s16;
	s21 =	simm.s32 $0xBE00  }
0x1f8: {  	[hbm4b:s20+s14] =	stream.linear.scatter [tilespmem:s21], [sflag:$0x5], $0x80, $0x38;
	[tilespmem:$0x12100] =	vst v63  }
0x1f9: {  	s16 =	rddreg [dreg:$0x14];
	s22 =	simm.s32 $0xE200  }
0x1fa: {  	[hbm4b:s16+s14] =	stream.linear.scatter [tilespmem:s22], [sflag:$0x6], $0x80, $0x38;
	[tilespmem:$0x12100] =	vst v63  }
0x1fb: {  	s23 =	sadd.s32 $0x10, s16;
	s24 =	simm.s32 $0xE600  }
0x1fc: {  	[hbm4b:s23+s14] =	stream.linear.scatter [tilespmem:s24], [sflag:$0x6], $0x80, $0x38;
	[tilespmem:$0x12100] =	vst v63  }
0x1fd: {  	s17 =	sadd.s32 $0x20, s16;
	s18 =	simm.s32 $0xEA00  }
0x1fe: {  	[hbm4b:s17+s14] =	stream.linear.scatter [tilespmem:s18], [sflag:$0x6], $0x80, $0x38;
	[tilespmem:$0x12100] =	vst v63  }
0x1ff: {  	s19 =	sadd.s32 $0x30, s16;
	s20 =	simm.s32 $0xEE00  }
0x200: {  	[hbm4b:s19+s14] =	stream.linear.scatter [tilespmem:s20], [sflag:$0x6], $0x80, $0x38;
	[tilespmem:$0x12100] =	vst v63  }
0x201: {  	s21 =	sadd.s32 $0x40, s16;
	s22 =	simm.s32 $0xF200  }
0x202: {  	[hbm4b:s21+s14] =	stream.linear.scatter [tilespmem:s22], [sflag:$0x6], $0x80, $0x38;
	[tilespmem:$0x12100] =	vst v63  }
0x203: {  	s23 =	sadd.s32 $0x50, s16;
	s24 =	simm.s32 $0xF600  }
0x204: {  	[hbm4b:s23+s14] =	stream.linear.scatter [tilespmem:s24], [sflag:$0x6], $0x80, $0x38;
	[tilespmem:$0x12100] =	vst v63  }
0x205: {  	s18 =	sadd.s32 $0x60, s16;
	s19 =	simm.s32 $0xFA00  }
0x206: {  	[hbm4b:s18+s14] =	stream.linear.scatter [tilespmem:s19], [sflag:$0x6], $0x80, $0x38;
	[tilespmem:$0x12100] =	vst v63  }
0x207: {  	s20 =	sadd.s32 $0x70, s16;
	s21 =	simm.s32 $0xFE00  }
0x208: {  	[hbm4b:s20+s14] =	stream.linear.scatter [tilespmem:s21], [sflag:$0x6], $0x80, $0x38;
	[tilespmem:$0x12100] =	vst v63  }
0x209: {  	s16 =	rddreg [dreg:$0x15];
	s22 =	simm.s32 $0xA280  }
0x20a: {  	[hbm4b:s16+s14] =	stream.linear.scatter [tilespmem:s22], [sflag:$0x5], $0x80, $0x38;
	[tilespmem:$0x12100] =	vst v63  }
0x20b: {  	s23 =	sadd.s32 $0x10, s16;
	s24 =	simm.s32 $0xA680  }
0x20c: {  	[hbm4b:s23+s14] =	stream.linear.scatter [tilespmem:s24], [sflag:$0x5], $0x80, $0x38;
	[tilespmem:$0x12100] =	vst v63  }
0x20d: {  	s17 =	sadd.s32 $0x20, s16;
	s18 =	simm.s32 $0xAA80  }
0x20e: {  	[hbm4b:s17+s14] =	stream.linear.scatter [tilespmem:s18], [sflag:$0x5], $0x80, $0x38;
	[tilespmem:$0x12100] =	vst v63  }
0x20f: {  	s19 =	sadd.s32 $0x30, s16;
	s20 =	simm.s32 $0xAE80  }
0x210: {  	[hbm4b:s19+s14] =	stream.linear.scatter [tilespmem:s20], [sflag:$0x5], $0x80, $0x38;
	[tilespmem:$0x12100] =	vst v63  }
0x211: {  	s21 =	sadd.s32 $0x40, s16;
	s22 =	simm.s32 $0xB280  }
0x212: {  	[hbm4b:s21+s14] =	stream.linear.scatter [tilespmem:s22], [sflag:$0x5], $0x80, $0x38;
	[tilespmem:$0x12100] =	vst v63  }
0x213: {  	s23 =	sadd.s32 $0x50, s16;
	s24 =	simm.s32 $0xB680  }
0x214: {  	[hbm4b:s23+s14] =	stream.linear.scatter [tilespmem:s24], [sflag:$0x5], $0x80, $0x38;
	[tilespmem:$0x12100] =	vst v63  }
0x215: {  	s18 =	sadd.s32 $0x60, s16;
	s19 =	simm.s32 $0xBA80  }
0x216: {  	[hbm4b:s18+s14] =	stream.linear.scatter [tilespmem:s19], [sflag:$0x5], $0x80, $0x38;
	[tilespmem:$0x12100] =	vst v63  }
0x217: {  	s20 =	sadd.s32 $0x70, s16;
	s21 =	simm.s32 $0xBE80  }
0x218: {  	[hbm4b:s20+s14] =	stream.linear.scatter [tilespmem:s21], [sflag:$0x5], $0x80, $0x38;
	[tilespmem:$0x12100] =	vst v63  }
0x219: {  	s16 =	rddreg [dreg:$0x16];
	s22 =	simm.s32 $0xE280  }
0x21a: {  	[hbm4b:s16+s14] =	stream.linear.scatter [tilespmem:s22], [sflag:$0x6], $0x80, $0x38;
	[tilespmem:$0x12100] =	vst v63  }
0x21b: {  	s23 =	sadd.s32 $0x10, s16;
	s24 =	simm.s32 $0xE680  }
0x21c: {  	[hbm4b:s23+s14] =	stream.linear.scatter [tilespmem:s24], [sflag:$0x6], $0x80, $0x38;
	[tilespmem:$0x12100] =	vst v63  }
0x21d: {  	s17 =	sadd.s32 $0x20, s16;
	s18 =	simm.s32 $0xEA80  }
0x21e: {  	[hbm4b:s17+s14] =	stream.linear.scatter [tilespmem:s18], [sflag:$0x6], $0x80, $0x38;
	[tilespmem:$0x12100] =	vst v63  }
0x21f: {  	s19 =	sadd.s32 $0x30, s16;
	s20 =	simm.s32 $0xEE80  }
0x220: {  	[hbm4b:s19+s14] =	stream.linear.scatter [tilespmem:s20], [sflag:$0x6], $0x80, $0x38;
	[tilespmem:$0x12100] =	vst v63  }
0x221: {  	s21 =	sadd.s32 $0x40, s16;
	s22 =	simm.s32 $0xF280  }
0x222: {  	[hbm4b:s21+s14] =	stream.linear.scatter [tilespmem:s22], [sflag:$0x6], $0x80, $0x38;
	[tilespmem:$0x12100] =	vst v63  }
0x223: {  	s23 =	sadd.s32 $0x50, s16;
	s24 =	simm.s32 $0xF680  }
0x224: {  	[hbm4b:s23+s14] =	stream.linear.scatter [tilespmem:s24], [sflag:$0x6], $0x80, $0x38;
	[tilespmem:$0x12100] =	vst v63  }
0x225: {  	s18 =	sadd.s32 $0x60, s16;
	s19 =	simm.s32 $0xFA80  }
0x226: {  	[hbm4b:s18+s14] =	stream.linear.scatter [tilespmem:s19], [sflag:$0x6], $0x80, $0x38;
	[tilespmem:$0x12100] =	vst v63  }
0x227: {  	s20 =	sadd.s32 $0x70, s16;
	s21 =	simm.s32 $0xFE80  }
0x228: {  	[hbm4b:s20+s14] =	stream.linear.scatter [tilespmem:s21], [sflag:$0x6], $0x80, $0x38;
	[tilespmem:$0x12100] =	vst v63  }
0x229: {  	s16 =	rddreg [dreg:$0x17];
	s22 =	simm.s32 $0xA300  }
0x22a: {  	[hbm4b:s16+s14] =	stream.linear.scatter [tilespmem:s22], [sflag:$0x5], $0x80, $0x38;
	[tilespmem:$0x12100] =	vst v63  }
0x22b: {  	s23 =	sadd.s32 $0x10, s16;
	s24 =	simm.s32 $0xA700  }
0x22c: {  	[hbm4b:s23+s14] =	stream.linear.scatter [tilespmem:s24], [sflag:$0x5], $0x80, $0x38;
	[tilespmem:$0x12100] =	vst v63  }
0x22d: {  	s17 =	sadd.s32 $0x20, s16;
	s18 =	simm.s32 $0xAB00  }
0x22e: {  	[hbm4b:s17+s14] =	stream.linear.scatter [tilespmem:s18], [sflag:$0x5], $0x80, $0x38;
	[tilespmem:$0x12100] =	vst v63  }
0x22f: {  	s19 =	sadd.s32 $0x30, s16;
	s20 =	simm.s32 $0xAF00  }
0x230: {  	[hbm4b:s19+s14] =	stream.linear.scatter [tilespmem:s20], [sflag:$0x5], $0x80, $0x38;
	[tilespmem:$0x12100] =	vst v63  }
0x231: {  	s21 =	sadd.s32 $0x40, s16;
	s22 =	simm.s32 $0xB300  }
0x232: {  	[hbm4b:s21+s14] =	stream.linear.scatter [tilespmem:s22], [sflag:$0x5], $0x80, $0x38;
	[tilespmem:$0x12100] =	vst v63  }
0x233: {  	s23 =	sadd.s32 $0x50, s16;
	s24 =	simm.s32 $0xB700  }
0x234: {  	[hbm4b:s23+s14] =	stream.linear.scatter [tilespmem:s24], [sflag:$0x5], $0x80, $0x38;
	[tilespmem:$0x12100] =	vst v63  }
0x235: {  	s18 =	sadd.s32 $0x60, s16;
	s19 =	simm.s32 $0xBB00  }
0x236: {  	[hbm4b:s18+s14] =	stream.linear.scatter [tilespmem:s19], [sflag:$0x5], $0x80, $0x38;
	[tilespmem:$0x12100] =	vst v63  }
0x237: {  	s20 =	sadd.s32 $0x70, s16;
	s21 =	simm.s32 $0xBF00  }
0x238: {  	[hbm4b:s20+s14] =	stream.linear.scatter [tilespmem:s21], [sflag:$0x5], $0x80, $0x38;
	[tilespmem:$0x12100] =	vst v63  }
0x239: {  	s16 =	rddreg [dreg:$0x18];
	s22 =	simm.s32 $0xE300  }
0x23a: {  	[hbm4b:s16+s14] =	stream.linear.scatter [tilespmem:s22], [sflag:$0x6], $0x80, $0x38;
	[tilespmem:$0x12100] =	vst v63  }
0x23b: {  	s23 =	sadd.s32 $0x10, s16;
	s24 =	simm.s32 $0xE700  }
0x23c: {  	[hbm4b:s23+s14] =	stream.linear.scatter [tilespmem:s24], [sflag:$0x6], $0x80, $0x38;
	[tilespmem:$0x12100] =	vst v63  }
0x23d: {  	s17 =	sadd.s32 $0x20, s16;
	s18 =	simm.s32 $0xEB00  }
0x23e: {  	[hbm4b:s17+s14] =	stream.linear.scatter [tilespmem:s18], [sflag:$0x6], $0x80, $0x38;
	[tilespmem:$0x12100] =	vst v63  }
0x23f: {  	s19 =	sadd.s32 $0x30, s16;
	s20 =	simm.s32 $0xEF00  }
0x240: {  	[hbm4b:s19+s14] =	stream.linear.scatter [tilespmem:s20], [sflag:$0x6], $0x80, $0x38;
	[tilespmem:$0x12100] =	vst v63  }
0x241: {  	s21 =	sadd.s32 $0x40, s16;
	s22 =	simm.s32 $0xF300  }
0x242: {  	[hbm4b:s21+s14] =	stream.linear.scatter [tilespmem:s22], [sflag:$0x6], $0x80, $0x38;
	[tilespmem:$0x12100] =	vst v63  }
0x243: {  	s23 =	sadd.s32 $0x50, s16;
	s24 =	simm.s32 $0xF700  }
0x244: {  	[hbm4b:s23+s14] =	stream.linear.scatter [tilespmem:s24], [sflag:$0x6], $0x80, $0x38;
	[tilespmem:$0x12100] =	vst v63  }
0x245: {  	s18 =	sadd.s32 $0x60, s16;
	s19 =	simm.s32 $0xFB00  }
0x246: {  	[hbm4b:s18+s14] =	stream.linear.scatter [tilespmem:s19], [sflag:$0x6], $0x80, $0x38;
	[tilespmem:$0x12100] =	vst v63  }
0x247: {  	s20 =	sadd.s32 $0x70, s16;
	s21 =	simm.s32 $0xFF00  }
0x248: {  	[hbm4b:s20+s14] =	stream.linear.scatter [tilespmem:s21], [sflag:$0x6], $0x80, $0x38;
	[tilespmem:$0x12100] =	vst v63  }
0x249: {  	s16 =	rddreg [dreg:$0x19];
	s22 =	simm.s32 $0xA380  }
0x24a: {  	[hbm4b:s16+s14] =	stream.linear.scatter [tilespmem:s22], [sflag:$0x5], $0x80, $0x38;
	[tilespmem:$0x12100] =	vst v63  }
0x24b: {  	s23 =	sadd.s32 $0x10, s16;
	s24 =	simm.s32 $0xA780  }
0x24c: {  	[hbm4b:s23+s14] =	stream.linear.scatter [tilespmem:s24], [sflag:$0x5], $0x80, $0x38;
	[tilespmem:$0x12100] =	vst v63  }
0x24d: {  	s17 =	sadd.s32 $0x20, s16;
	s18 =	simm.s32 $0xAB80  }
0x24e: {  	[hbm4b:s17+s14] =	stream.linear.scatter [tilespmem:s18], [sflag:$0x5], $0x80, $0x38;
	[tilespmem:$0x12100] =	vst v63  }
0x24f: {  	s19 =	sadd.s32 $0x30, s16;
	s20 =	simm.s32 $0xAF80  }
0x250: {  	[hbm4b:s19+s14] =	stream.linear.scatter [tilespmem:s20], [sflag:$0x5], $0x80, $0x38;
	[tilespmem:$0x12100] =	vst v63  }
0x251: {  	s21 =	sadd.s32 $0x40, s16;
	s22 =	simm.s32 $0xB380  }
0x252: {  	[hbm4b:s21+s14] =	stream.linear.scatter [tilespmem:s22], [sflag:$0x5], $0x80, $0x38;
	[tilespmem:$0x12100] =	vst v63  }
0x253: {  	s23 =	sadd.s32 $0x50, s16;
	s24 =	simm.s32 $0xB780  }
0x254: {  	[hbm4b:s23+s14] =	stream.linear.scatter [tilespmem:s24], [sflag:$0x5], $0x80, $0x38;
	[tilespmem:$0x12100] =	vst v63  }
0x255: {  	s18 =	sadd.s32 $0x60, s16;
	s19 =	simm.s32 $0xBB80  }
0x256: {  	[hbm4b:s18+s14] =	stream.linear.scatter [tilespmem:s19], [sflag:$0x5], $0x80, $0x38;
	[tilespmem:$0x12100] =	vst v63  }
0x257: {  	s20 =	sadd.s32 $0x70, s16;
	s21 =	simm.s32 $0xBF80  }
0x258: {  	[hbm4b:s20+s14] =	stream.linear.scatter [tilespmem:s21], [sflag:$0x5], $0x80, $0x38;
	[tilespmem:$0x12100] =	vst v63  }
0x259: {  	s16 =	rddreg [dreg:$0x1a];
	s22 =	simm.s32 $0xE380  }
0x25a: {  	[hbm4b:s16+s14] =	stream.linear.scatter [tilespmem:s22], [sflag:$0x6], $0x80, $0x38;
	[tilespmem:$0x12100] =	vst v63  }
0x25b: {  	s23 =	sadd.s32 $0x10, s16;
	s24 =	simm.s32 $0xE780  }
0x25c: {  	[hbm4b:s23+s14] =	stream.linear.scatter [tilespmem:s24], [sflag:$0x6], $0x80, $0x38;
	[tilespmem:$0x12100] =	vst v63  }
0x25d: {  	s17 =	sadd.s32 $0x20, s16;
	s18 =	simm.s32 $0xEB80  }
0x25e: {  	[hbm4b:s17+s14] =	stream.linear.scatter [tilespmem:s18], [sflag:$0x6], $0x80, $0x38;
	[tilespmem:$0x12100] =	vst v63  }
0x25f: {  	s19 =	sadd.s32 $0x30, s16;
	s20 =	simm.s32 $0xEF80  }
0x260: {  	[hbm4b:s19+s14] =	stream.linear.scatter [tilespmem:s20], [sflag:$0x6], $0x80, $0x38;
	[tilespmem:$0x12100] =	vst v63  }
0x261: {  	s21 =	sadd.s32 $0x40, s16;
	s22 =	simm.s32 $0xF380  }
0x262: {  	[hbm4b:s21+s14] =	stream.linear.scatter [tilespmem:s22], [sflag:$0x6], $0x80, $0x38;
	[tilespmem:$0x12100] =	vst v63  }
0x263: {  	s23 =	sadd.s32 $0x50, s16;
	s24 =	simm.s32 $0xF780  }
0x264: {  	[hbm4b:s23+s14] =	stream.linear.scatter [tilespmem:s24], [sflag:$0x6], $0x80, $0x38;
	[tilespmem:$0x12100] =	vst v63  }
0x265: {  	s18 =	sadd.s32 $0x60, s16;
	s19 =	simm.s32 $0xFB80  }
0x266: {  	[hbm4b:s18+s14] =	stream.linear.scatter [tilespmem:s19], [sflag:$0x6], $0x80, $0x38;
	[tilespmem:$0x12100] =	vst v63  }
0x267: {  	s20 =	sadd.s32 $0x70, s16;
	s21 =	simm.s32 $0xFF80;
	s22 =	simm.s32 $0x3  }
0x268: {  	[hbm4b:s20+s14] =	stream.linear.scatter [tilespmem:s21], [sflag:$0x6], $0x80, $0x38;
	[tilespmem:$0x12100] =	vst v63  }
0x269: {  	_ =	swait.ge [sflag:s22], $0x2400  }
0x26a: {  	[sflag:s22] =	ssyncset.done $0x0  }
0x26b: {  	s23 =	simm.s32 $0x4;
	[sflag:s22] =	ssyncadd.s32 $0xFFFFDC00  }
0x26c: {  	_ =	swait.ge [sflag:s23], $0x2400  }
0x26d: {  	[sflag:s23] =	ssyncset.done $0x0  }
0x26e: {  	s16 =	simm.s32 $0x400;
	[sflag:s23] =	ssyncadd.s32 $0xFFFFDC00  }
0x26f: {  	s17 =	simm.s32 $0xC00;
	s24 =	sand.u32 $0x70, s14;
	s18 =	sand.u32 $0xC00, s14;
	v1 =	vld [tilespmem:s16+$0x0]  }
0x270: {  	s15 =	sor.u32 s24, s18;
	v2 =	vld [tilespmem:s17+$0x0]  }
0x271: {  	v3 =	vld [tilespmem:s15+$0x7D00]  }
0x272: {  	v4 =	vld [tilespmem:s15+$0x3500]  }
0x273: {  	v5 =	vld [tilespmem:s15+$0x3400]  }
0x274: {  	v6 =	vld [tilespmem:s15+$0x7C00]  }
0x275: {  	v7 =	vld [tilespmem:s15+$0x7C80]  }
0x276: {  	v8 =	vld [tilespmem:s15+$0x3480];
	_ =	sdelay $0x1  }
0x277: {  	v58 =	vld [tilespmem:s15+$0x7D80];
	v9 =	vmul.f32 v3, v2;
	v10 =	vmul.f32 v4, v1  }
0x278: {  	v59 =	vld [tilespmem:s15+$0x3580];
	v3 =	vmul.f32 v3, v1;
	v4 =	vmul.f32 v4, v2  }
0x279: {  	v13 =	vmul.f32 v5, v1;
	v60 =	vmul.f32 v6, v2;
	v9 =	vadd.f32 v9, v10  }
0x27a: {  	v14 =	vmul.f32 v8, v2;
	v3 =	vsub.f32 v3, v4;
	v4 =	vmul.f32 v7, v1  }
0x27b: {  	v5 =	vmul.f32 v5, v2;
	v6 =	vmul.f32 v6, v1;
	v61 =	vadd.f32 v60, v13;
	[tilespmem:s15+$0xC100] =	vst v9  }
0x27c: {  	v8 =	vmul.f32 v8, v1;
	v7 =	vmul.f32 v7, v2;
	v4 =	vsub.f32 v4, v14;
	[tilespmem:s15+$0x10100] =	vst v3  }
0x27d: {  	v3 =	vsub.f32 v6, v5;
	v5 =	vmul.f32 v58, v2;
	[tilespmem:s15+$0xC000] =	vst v61;
	v6 =	vmul.f32 v59, v1  }
0x27e: {  	v62 =	vmul.f32 v58, v1;
	v63 =	vmul.f32 v59, v2;
	v7 =	vadd.f32 v7, v8;
	[tilespmem:s15+$0x10080] =	vst v4  }
0x27f: {  	s18 =	sor.u32 s18, s14;
	[tilespmem:s15+$0x10000] =	vst v3;
	v3 =	vadd.f32 v5, v6  }
0x280: {  	s18 =	sor.u32 $0x2180, s18;
	[tilespmem:s15+$0xC080] =	vst v7;
	v4 =	vsub.f32 v62, v63  }
0x281: {  	[tilespmem:s18+$0xA000] =	vst v3  }
0x282: {  	[tilespmem:s18+$0xE000] =	vst v4  }
0x283: {  	v3 =	vld [tilespmem:s15+$0x3680]  }
0x284: {  	s19 =	simm.s32 $0x10;
	s18 =	sor.u32 s14, s14;
	v4 =	vld [tilespmem:s15+$0x7F00]  }
.LBB2_6:
0x285: {  	s14 =	sadd.s32 $0x80, s14  }
0x286: {  	v5 =	vld [tilespmem:s15+$0x7E80];
	s17 =	sadd.s32 $0x10, s17;
	s16 =	sadd.s32 $0x10, s16;
	s20 =	smov.u32 s19  }
0x287: {  	p0 =	sne.s32 s19, $0x1F0;
	s19 =	sadd.s32 $0x10, s19;
	s21 =	sor.u32 s14, s20;
	v6 =	vld [tilespmem:s15+$0x3600]  }
0x288: {  	v7 =	vld [tilespmem:s15+$0x3700]  }
0x289: {  	v8 =	vld [tilespmem:s15+$0x7E00]  }
0x28a: {  	v9 =	vmul.f32 v4, v2;
	v4 =	vmul.f32 v4, v1;
	v10 =	vld [tilespmem:s15+$0x3780]  }
0x28b: {  	v11 =	vmul.f32 v3, v1;
	v3 =	vmul.f32 v3, v2;
	v12 =	vld [tilespmem:s15+$0x7F80]  }
0x28c: {  	v13 =	vmul.f32 v5, v2;
	v5 =	vmul.f32 v5, v1  }
0x28d: {  	v14 =	vmul.f32 v6, v1;
	v15 =	vmul.f32 v7, v2  }
0x28e: {  	v11 =	vadd.f32 v13, v11;
	v3 =	vsub.f32 v5, v3;
	v5 =	vmul.f32 v7, v1  }
0x28f: {  	v6 =	vmul.f32 v6, v2;
	v7 =	vmul.f32 v8, v1;
	v4 =	vsub.f32 v4, v15  }
0x290: {  	v8 =	vmul.f32 v8, v2;
	v5 =	vadd.f32 v9, v5;
	[tilespmem:s15+$0xC280] =	vst v11;
	v9 =	vmul.f32 v12, v1  }
0x291: {  	v6 =	vsub.f32 v7, v6;
	v1 =	vmul.f32 v10, v1;
	[tilespmem:s15+$0x10300] =	vst v4;
	v4 =	vmul.f32 v12, v2  }
0x292: {  	v2 =	vmul.f32 v10, v2;
	[tilespmem:s15+$0xC300] =	vst v5  }
0x293: {  	v5 =	vadd.f32 v8, v14;
	[tilespmem:s15+$0x10200] =	vst v6;
	v1 =	vadd.f32 v4, v1  }
0x294: {  	v2 =	vsub.f32 v9, v2;
	[tilespmem:s15+$0x10280] =	vst v3  }
0x295: {  	[tilespmem:s15+$0xC200] =	vst v5;
	s15 =	sor.u32 $0x2380, s18;
	s18 =	smov.u32 s21  }
0x296: {  	[tilespmem:s15+$0xA000] =	vst v1  }
0x297: {  	[tilespmem:s15+$0xE000] =	vst v2  }
0x298: {  	s21 =	sand.u32 $0xC00, s14;
	s15 =	sand.u32 $0x70, s20;
	v1 =	vld [tilespmem:s16+$0x0]  }
0x299: {  	s20 =	sor.u32 s21, s20;
	s15 =	sor.u32 s15, s21;
	v2 =	vld [tilespmem:s17+$0x0]  }
0x29a: {  	v3 =	vld [tilespmem:s15+$0x7D00]  }
0x29b: {  	v4 =	vld [tilespmem:s15+$0x3500]  }
0x29c: {  	v5 =	vld [tilespmem:s15+$0x3400]  }
0x29d: {  	v6 =	vld [tilespmem:s15+$0x7C00]  }
0x29e: {  	v7 =	vld [tilespmem:s15+$0x7C80]  }
0x29f: {  	v8 =	vld [tilespmem:s15+$0x3480];
	v9 =	vmul.f32 v3, v2;
	v3 =	vmul.f32 v3, v1  }
0x2a0: {  	v10 =	vmul.f32 v4, v1;
	v4 =	vmul.f32 v4, v2  }
0x2a1: {  	v11 =	vmul.f32 v5, v1;
	v5 =	vmul.f32 v5, v2;
	v12 =	vld [tilespmem:s15+$0x7D80]  }
0x2a2: {  	v13 =	vmul.f32 v6, v1;
	v9 =	vadd.f32 v9, v10;
	v3 =	vsub.f32 v3, v4;
	v4 =	vld [tilespmem:s15+$0x3580]  }
0x2a3: {  	v6 =	vmul.f32 v6, v2;
	v10 =	vmul.f32 v7, v1  }
0x2a4: {  	v14 =	vmul.f32 v8, v1;
	v8 =	vmul.f32 v8, v2;
	[tilespmem:s15+$0xC100] =	vst v9  }
0x2a5: {  	v7 =	vmul.f32 v7, v2;
	v6 =	vadd.f32 v6, v11;
	v5 =	vsub.f32 v13, v5  }
0x2a6: {  	v8 =	vsub.f32 v10, v8;
	[tilespmem:s15+$0x10100] =	vst v3;
	v3 =	vmul.f32 v12, v2;
	v9 =	vmul.f32 v12, v1  }
0x2a7: {  	[tilespmem:s15+$0xC000] =	vst v6;
	v6 =	vadd.f32 v7, v14;
	v7 =	vmul.f32 v4, v1;
	v4 =	vmul.f32 v4, v2  }
0x2a8: {  	[tilespmem:s15+$0x10080] =	vst v8  }
0x2a9: {  	[tilespmem:s15+$0x10000] =	vst v5;
	v3 =	vadd.f32 v3, v7  }
.Ltmp2:
0x2aa: {  	s20 =	sor.u32 $0x2180, s20;
	v4 =	vsub.f32 v9, v4;
	[tilespmem:s15+$0xC080] =	vst v6;
	(pc) =	sbr.rel @p0 .LBB2_6-.Ltmp2, $4  }
0x2ab: {  	[tilespmem:s20+$0xA000] =	vst v3  }
0x2ac: {  	[tilespmem:s20+$0xE000] =	vst v4  }
0x2ad: {  	v3 =	vld [tilespmem:s15+$0x3680]  }
0x2ae: {  	v4 =	vld [tilespmem:s15+$0x7F00]  }
0x2af: {  	v5 =	vld [tilespmem:s15+$0x7E80]  }
0x2b0: {  	v6 =	vld [tilespmem:s15+$0x3700];
	_ =	sdelay $0x1  }
0x2b1: {  	v7 =	vld [tilespmem:s15+$0x3600]  }
0x2b2: {  	v8 =	vld [tilespmem:s15+$0x7E00]  }
0x2b3: {  	v9 =	vld [tilespmem:s15+$0x3780];
	v10 =	vmul.f32 v3, v1;
	v11 =	vmul.f32 v5, v2  }
0x2b4: {  	v13 =	vld [tilespmem:s15+$0x7F80];
	v12 =	vmul.f32 v4, v1;
	v14 =	vmul.f32 v6, v2  }
0x2b5: {  	v4 =	vmul.f32 v4, v2;
	v6 =	vmul.f32 v6, v1;
	v10 =	vadd.f32 v11, v10  }
0x2b6: {  	v3 =	vmul.f32 v3, v2;
	v5 =	vmul.f32 v5, v1;
	v12 =	vsub.f32 v12, v14  }
0x2b7: {  	v15 =	vmul.f32 v7, v2;
	v11 =	vmul.f32 v8, v1;
	v4 =	vadd.f32 v4, v6;
	[tilespmem:s15+$0xC280] =	vst v10  }
0x2b8: {  	v6 =	vmul.f32 v7, v1;
	v7 =	vmul.f32 v8, v2;
	v3 =	vsub.f32 v5, v3;
	[tilespmem:s15+$0x10300] =	vst v12  }
0x2b9: {  	v5 =	vmul.f32 v9, v1;
	v8 =	vsub.f32 v11, v15;
	v10 =	vmul.f32 v13, v2;
	[tilespmem:s15+$0xC300] =	vst v4  }
0x2ba: {  	v1 =	vmul.f32 v13, v1;
	v2 =	vmul.f32 v9, v2;
	v4 =	vadd.f32 v7, v6;
	[tilespmem:s15+$0x10280] =	vst v3  }
0x2bb: {  	[tilespmem:s15+$0x10200] =	vst v8;
	v5 =	vadd.f32 v10, v5  }
0x2bc: {  	s14 =	sor.u32 $0x2380, s18;
	v1 =	vsub.f32 v1, v2;
	[tilespmem:s15+$0xC200] =	vst v4  }
0x2bd: {  	[tilespmem:s14+$0xA000] =	vst v5  }
0x2be: {  	[tilespmem:s14+$0xE000] =	vst v1  }
0x2bf: {  	v3 =	vld [tilespmem:$0x4400]  }
0x2c0: {  	v4 =	vld [tilespmem:$0x8C00]  }
0x2c1: {  	v5 =	vld [tilespmem:$0x4480]  }
0x2c2: {  	s22 =	simm.s32 $0x210;
	s23 =	simm.s32 $0x1080;
	v6 =	vld [tilespmem:$0x8C80]  }
0x2c3: {  	s15 =	sand.u32 $0x3C00, s23;
	s14 =	sand.u32 $0x70, s22;
	v9 =	vld [tilespmem:$0x4500]  }
0x2c4: {  	v10 =	vld [tilespmem:$0x8D00];
	s17 =	sor.u32 s14, s15  }
0x2c5: {  	v7 =	vld [tilespmem:s17+$0x3400]  }
0x2c6: {  	v8 =	vld [tilespmem:s17+$0x7C00]  }
0x2c7: {  	v13 =	vld [tilespmem:$0x4580];
	s14 =	simm.s32 $0xE00  }
0x2c8: {  	s15 =	simm.s32 $0x600;
	v1 =	vld [tilespmem:s14+$0x0]  }
0x2c9: {  	v2 =	vld [tilespmem:s15+$0x0]  }
0x2ca: {  	v14 =	vld [tilespmem:$0x8D80];
	v11 =	vperm.xlane v3, v0;
	v12 =	vperm.xlane v4, v0  }
0x2cb: {  	v15 =	vld [tilespmem:$0x4600];
	v3 =	vperm.xlane v7, v0;
	v4 =	vperm.xlane v8, v0  }
0x2cc: {  	v16 =	vld [tilespmem:$0x8E00]  }
0x2cd: {  	v19 =	vld [tilespmem:$0x4680];
	v7 =	vsel vm0, v11, v3;
	v8 =	vsel vm0, v12, v4  }
0x2ce: {  	v20 =	vld [tilespmem:$0x8E80];
	v11 =	vmul.f32 v7, v2;
	v12 =	vmul.f32 v8, v1  }
0x2cf: {  	s16 =	simm.s32 $0x0;
	v23 =	vld [tilespmem:$0x4700];
	v7 =	vmul.f32 v7, v1;
	v8 =	vmul.f32 v8, v2  }
0x2d0: {  	s24 =	sand.u32 $0x70, s16;
	s19 =	sand.u32 $0xC00, s16;
	v24 =	vld [tilespmem:$0x8F00];
	v11 =	vadd.f32 v12, v11  }
0x2d1: {  	s18 =	sor.u32 s24, s19;
	v29 =	vld [tilespmem:$0x4780];
	v7 =	vsub.f32 v8, v7  }
0x2d2: {  	v30 =	vld [tilespmem:$0x8F80];
	[tilespmem:s18+$0xD000] =	vst v11  }
0x2d3: {  	[tilespmem:s18+$0x11000] =	vst v7  }
0x2d4: {  	v7 =	vld [tilespmem:s17+$0x3480]  }
0x2d5: {  	v8 =	vld [tilespmem:s17+$0x7C80];
	_ =	sdelay $0x3  }
0x2d6: {  	v5 =	vperm.xlane v5, v0;
	v6 =	vperm.xlane v6, v0  }
0x2d7: {  	v7 =	vperm.xlane v7, v0;
	v8 =	vperm.xlane v8, v0;
	_ =	sdelay $0x1  }
0x2d8: {  	v5 =	vsel vm0, v5, v7;
	v6 =	vsel vm0, v6, v8  }
0x2d9: {  	v11 =	vmul.f32 v5, v2;
	v12 =	vmul.f32 v6, v1  }
0x2da: {  	v5 =	vmul.f32 v5, v1;
	v6 =	vmul.f32 v6, v2  }
0x2db: {  	v11 =	vadd.f32 v12, v11  }
0x2dc: {  	v5 =	vsub.f32 v6, v5  }
0x2dd: {  	[tilespmem:s18+$0xD080] =	vst v11  }
0x2de: {  	[tilespmem:s18+$0x11080] =	vst v5  }
0x2df: {  	v5 =	vld [tilespmem:s17+$0x3500]  }
0x2e0: {  	v6 =	vld [tilespmem:s17+$0x7D00];
	_ =	sdelay $0x3  }
0x2e1: {  	v9 =	vperm.xlane v9, v0;
	v10 =	vperm.xlane v10, v0  }
0x2e2: {  	v11 =	vperm.xlane v5, v0;
	v12 =	vperm.xlane v6, v0;
	_ =	sdelay $0x1  }
0x2e3: {  	v5 =	vsel vm0, v9, v11;
	v6 =	vsel vm0, v10, v12  }
0x2e4: {  	v9 =	vmul.f32 v5, v2;
	v10 =	vmul.f32 v6, v1  }
0x2e5: {  	v5 =	vmul.f32 v5, v1;
	v6 =	vmul.f32 v6, v2  }
0x2e6: {  	v9 =	vadd.f32 v10, v9  }
0x2e7: {  	v5 =	vsub.f32 v6, v5  }
0x2e8: {  	[tilespmem:s18+$0xD100] =	vst v9  }
0x2e9: {  	[tilespmem:s18+$0x11100] =	vst v5  }
0x2ea: {  	v5 =	vld [tilespmem:s17+$0x3580]  }
0x2eb: {  	v6 =	vld [tilespmem:s17+$0x7D80];
	_ =	sdelay $0x3  }
0x2ec: {  	v10 =	vperm.xlane v14, v0;
	v9 =	vperm.xlane v13, v0  }
0x2ed: {  	v17 =	vperm.xlane v5, v0;
	v18 =	vperm.xlane v6, v0;
	_ =	sdelay $0x1  }
0x2ee: {  	v5 =	vsel vm0, v9, v17;
	v6 =	vsel vm0, v10, v18  }
0x2ef: {  	v9 =	vmul.f32 v5, v2;
	v10 =	vmul.f32 v6, v1  }
0x2f0: {  	v5 =	vmul.f32 v5, v1;
	v6 =	vmul.f32 v6, v2  }
0x2f1: {  	s19 =	sor.u32 s19, s16;
	v9 =	vadd.f32 v10, v9  }
0x2f2: {  	s19 =	sor.u32 $0x3180, s19;
	v5 =	vsub.f32 v6, v5  }
0x2f3: {  	[tilespmem:s19+$0xA000] =	vst v9  }
0x2f4: {  	[tilespmem:s19+$0xE000] =	vst v5  }
0x2f5: {  	v5 =	vld [tilespmem:s17+$0x3600]  }
0x2f6: {  	v6 =	vld [tilespmem:s17+$0x7E00];
	_ =	sdelay $0x3  }
0x2f7: {  	v10 =	vperm.xlane v16, v0;
	v9 =	vperm.xlane v15, v0  }
0x2f8: {  	v21 =	vperm.xlane v5, v0;
	v22 =	vperm.xlane v6, v0;
	_ =	sdelay $0x1  }
0x2f9: {  	v5 =	vsel vm0, v9, v21;
	v6 =	vsel vm0, v10, v22  }
0x2fa: {  	v9 =	vmul.f32 v5, v2;
	v10 =	vmul.f32 v6, v1  }
0x2fb: {  	v5 =	vmul.f32 v5, v1;
	v6 =	vmul.f32 v6, v2  }
0x2fc: {  	v9 =	vadd.f32 v10, v9  }
0x2fd: {  	v5 =	vsub.f32 v6, v5  }
0x2fe: {  	[tilespmem:s18+$0xD200] =	vst v9  }
0x2ff: {  	[tilespmem:s18+$0x11200] =	vst v5  }
0x300: {  	v5 =	vld [tilespmem:s17+$0x3680]  }
0x301: {  	v6 =	vld [tilespmem:s17+$0x7E80];
	_ =	sdelay $0x3  }
0x302: {  	v10 =	vperm.xlane v20, v0;
	v9 =	vperm.xlane v19, v0  }
0x303: {  	v25 =	vperm.xlane v5, v0;
	v26 =	vperm.xlane v6, v0;
	_ =	sdelay $0x1  }
0x304: {  	v5 =	vsel vm0, v9, v25;
	v6 =	vsel vm0, v10, v26  }
0x305: {  	v9 =	vmul.f32 v5, v2;
	v10 =	vmul.f32 v6, v1  }
0x306: {  	v5 =	vmul.f32 v5, v1;
	v6 =	vmul.f32 v6, v2  }
0x307: {  	v9 =	vadd.f32 v10, v9  }
0x308: {  	v5 =	vsub.f32 v6, v5  }
0x309: {  	[tilespmem:s18+$0xD280] =	vst v9  }
0x30a: {  	[tilespmem:s18+$0x11280] =	vst v5  }
0x30b: {  	v5 =	vld [tilespmem:s17+$0x3700]  }
0x30c: {  	v6 =	vld [tilespmem:s17+$0x7F00];
	_ =	sdelay $0x3  }
0x30d: {  	v9 =	vperm.xlane v23, v0;
	v27 =	vperm.xlane v5, v0  }
0x30e: {  	v5 =	vperm.xlane v24, v0;
	v28 =	vperm.xlane v6, v0  }
0x30f: {  	v6 =	vsel vm0, v9, v27  }
0x310: {  	v5 =	vsel vm0, v5, v28;
	v9 =	vmul.f32 v6, v2;
	v13 =	vmul.f32 v6, v1  }
0x311: {  	v10 =	vmul.f32 v5, v1;
	v14 =	vmul.f32 v5, v2  }
0x312: {  	v5 =	vperm.xlane v29, v0  }
0x313: {  	s20 =	simm.s32 $0x10;
	s19 =	sor.u32 s16, s16;
	v6 =	vperm.xlane v30, v0;
	v10 =	vadd.f32 v10, v9;
	v9 =	vsub.f32 v14, v13  }
.LBB2_8:
0x314: {  	s16 =	sadd.s32 $0x80, s16;
	v29 =	vmovc v3;
	v30 =	vmovc v4;
	v31 =	vmov v7;
	v32 =	vmov v8;
	v24 =	vmov v11  }
0x315: {  	s14 =	sadd.s32 $0x10, s14;
	s15 =	sadd.s32 $0x10, s15;
	v23 =	vmovc v12;
	v20 =	vmovc v17;
	v19 =	vmov v18;
	v16 =	vmov v21;
	v15 =	vmov v22;
	s21 =	smov.u32 s20;
	[tilespmem:s18+$0xD300] =	vst v10  }
0x316: {  	p0 =	sne.s32 s20, $0x1F0;
	s20 =	sadd.s32 $0x10, s20;
	v14 =	vmovc v25;
	v13 =	vmov v26;
	s22 =	sor.u32 s16, s21;
	v10 =	vmov v27;
	[tilespmem:s18+$0x11300] =	vst v9;
	v9 =	vmov v28  }
0x317: {  	v3 =	vld [tilespmem:s17+$0x3780]  }
0x318: {  	v4 =	vld [tilespmem:s17+$0x7F80];
	_ =	sdelay $0x3  }
0x319: {  	v3 =	vperm.xlane v3, v0  }
0x31a: {  	v4 =	vperm.xlane v4, v0  }
0x31b: {  	v7 =	vsel vm0, v5, v3;
	v5 =	vmov v3  }
0x31c: {  	v3 =	vsel vm0, v6, v4;
	v8 =	vmul.f32 v7, v2;
	v7 =	vmul.f32 v7, v1;
	v6 =	vmovc v4  }
0x31d: {  	v1 =	vmul.f32 v3, v1;
	v2 =	vmul.f32 v3, v2;
	_ =	sdelay $0x1  }
0x31e: {  	v1 =	vadd.f32 v1, v8;
	v2 =	vsub.f32 v2, v7  }
0x31f: {  	s23 =	sor.u32 $0x3380, s19;
	s18 =	sadd.s32 $0x1080, s16;
	s17 =	sadd.s32 $0x210, s21  }
0x320: {  	s19 =	smov.u32 s22;
	s18 =	sand.u32 $0x3C00, s18;
	s17 =	sand.u32 $0x70, s17;
	[tilespmem:s23+$0xA000] =	vst v1  }
0x321: {  	s17 =	sor.u32 s17, s18;
	[tilespmem:s23+$0xE000] =	vst v2  }
0x322: {  	v3 =	vld [tilespmem:s17+$0x3400]  }
0x323: {  	v4 =	vld [tilespmem:s17+$0x7C00]  }
0x324: {  	v1 =	vld [tilespmem:s14+$0x0]  }
0x325: {  	v2 =	vld [tilespmem:s15+$0x0];
	_ =	sdelay $0x1  }
0x326: {  	v3 =	vperm.xlane v3, v0  }
0x327: {  	v4 =	vperm.xlane v4, v0  }
0x328: {  	v7 =	vsel vm0, v29, v3  }
0x329: {  	v8 =	vsel vm0, v30, v4;
	v11 =	vmul.f32 v7, v2;
	v7 =	vmul.f32 v7, v1  }
0x32a: {  	v12 =	vmul.f32 v8, v1;
	v8 =	vmul.f32 v8, v2;
	_ =	sdelay $0x1  }
0x32b: {  	s22 =	sand.u32 $0xC00, s16;
	s18 =	sand.u32 $0x70, s21;
	v11 =	vadd.f32 v12, v11;
	v7 =	vsub.f32 v8, v7  }
0x32c: {  	s21 =	sor.u32 s22, s21;
	s18 =	sor.u32 s18, s22  }
0x32d: {  	[tilespmem:s18+$0xD000] =	vst v11  }
0x32e: {  	[tilespmem:s18+$0x11000] =	vst v7  }
0x32f: {  	v7 =	vld [tilespmem:s17+$0x3480]  }
0x330: {  	v8 =	vld [tilespmem:s17+$0x7C80];
	_ =	sdelay $0x3  }
0x331: {  	v7 =	vperm.xlane v7, v0  }
0x332: {  	v8 =	vperm.xlane v8, v0  }
0x333: {  	v11 =	vsel vm0, v31, v7  }
0x334: {  	v12 =	vsel vm0, v32, v8;
	v17 =	vmul.f32 v11, v2;
	v11 =	vmul.f32 v11, v1  }
0x335: {  	v18 =	vmul.f32 v12, v1;
	v12 =	vmul.f32 v12, v2;
	_ =	sdelay $0x1  }
0x336: {  	v17 =	vadd.f32 v18, v17;
	v11 =	vsub.f32 v12, v11;
	_ =	sdelay $0x1  }
0x337: {  	[tilespmem:s18+$0xD080] =	vst v17  }
0x338: {  	[tilespmem:s18+$0x11080] =	vst v11  }
0x339: {  	v11 =	vld [tilespmem:s17+$0x3500]  }
0x33a: {  	v12 =	vld [tilespmem:s17+$0x7D00];
	_ =	sdelay $0x3  }
0x33b: {  	v11 =	vperm.xlane v11, v0  }
0x33c: {  	v12 =	vperm.xlane v12, v0  }
0x33d: {  	v17 =	vsel vm0, v24, v11  }
0x33e: {  	v18 =	vsel vm0, v23, v12;
	v21 =	vmul.f32 v17, v2;
	v17 =	vmul.f32 v17, v1  }
0x33f: {  	v22 =	vmul.f32 v18, v1;
	v18 =	vmul.f32 v18, v2;
	_ =	sdelay $0x1  }
0x340: {  	v21 =	vadd.f32 v22, v21;
	v17 =	vsub.f32 v18, v17;
	_ =	sdelay $0x1  }
0x341: {  	[tilespmem:s18+$0xD100] =	vst v21  }
0x342: {  	[tilespmem:s18+$0x11100] =	vst v17  }
0x343: {  	v17 =	vld [tilespmem:s17+$0x3580]  }
0x344: {  	v18 =	vld [tilespmem:s17+$0x7D80];
	_ =	sdelay $0x3  }
0x345: {  	v17 =	vperm.xlane v17, v0  }
0x346: {  	v18 =	vperm.xlane v18, v0  }
0x347: {  	v20 =	vsel vm0, v20, v17  }
0x348: {  	v19 =	vsel vm0, v19, v18;
	v21 =	vmul.f32 v20, v2;
	v20 =	vmul.f32 v20, v1  }
0x349: {  	v22 =	vmul.f32 v19, v1;
	v19 =	vmul.f32 v19, v2;
	_ =	sdelay $0x1  }
0x34a: {  	v21 =	vadd.f32 v22, v21;
	v19 =	vsub.f32 v19, v20  }
0x34b: {  	s21 =	sor.u32 $0x3180, s21  }
0x34c: {  	[tilespmem:s21+$0xA000] =	vst v21  }
0x34d: {  	[tilespmem:s21+$0xE000] =	vst v19  }
0x34e: {  	v19 =	vld [tilespmem:s17+$0x3600]  }
0x34f: {  	v20 =	vld [tilespmem:s17+$0x7E00];
	_ =	sdelay $0x3  }
0x350: {  	v21 =	vperm.xlane v19, v0  }
0x351: {  	v22 =	vperm.xlane v20, v0  }
0x352: {  	v16 =	vsel vm0, v16, v21  }
0x353: {  	v15 =	vsel vm0, v15, v22;
	v19 =	vmul.f32 v16, v2;
	v16 =	vmul.f32 v16, v1  }
0x354: {  	v20 =	vmul.f32 v15, v1;
	v15 =	vmul.f32 v15, v2;
	_ =	sdelay $0x1  }
0x355: {  	v19 =	vadd.f32 v20, v19;
	v15 =	vsub.f32 v15, v16;
	_ =	sdelay $0x1  }
0x356: {  	[tilespmem:s18+$0xD200] =	vst v19  }
0x357: {  	[tilespmem:s18+$0x11200] =	vst v15  }
0x358: {  	v15 =	vld [tilespmem:s17+$0x3680]  }
0x359: {  	v16 =	vld [tilespmem:s17+$0x7E80];
	_ =	sdelay $0x3  }
0x35a: {  	v25 =	vperm.xlane v15, v0  }
0x35b: {  	v26 =	vperm.xlane v16, v0  }
0x35c: {  	v14 =	vsel vm0, v14, v25  }
0x35d: {  	v13 =	vsel vm0, v13, v26;
	v15 =	vmul.f32 v14, v2;
	v14 =	vmul.f32 v14, v1  }
0x35e: {  	v16 =	vmul.f32 v13, v1;
	v13 =	vmul.f32 v13, v2;
	_ =	sdelay $0x1  }
0x35f: {  	v15 =	vadd.f32 v16, v15;
	v13 =	vsub.f32 v13, v14;
	_ =	sdelay $0x1  }
0x360: {  	[tilespmem:s18+$0xD280] =	vst v15  }
0x361: {  	[tilespmem:s18+$0x11280] =	vst v13  }
0x362: {  	v13 =	vld [tilespmem:s17+$0x3700]  }
0x363: {  	v14 =	vld [tilespmem:s17+$0x7F00];
	_ =	sdelay $0x3  }
0x364: {  	v27 =	vperm.xlane v13, v0  }
0x365: {  	v28 =	vperm.xlane v14, v0  }
.Ltmp3:
0x366: {  	v10 =	vsel vm0, v10, v27;
	(pc) =	sbr.rel @p0 .LBB2_8-.Ltmp3, $3  }
0x367: {  	v9 =	vsel vm0, v9, v28;
	v13 =	vmul.f32 v10, v2;
	v14 =	vmul.f32 v10, v1  }
0x368: {  	v10 =	vmul.f32 v9, v1;
	v9 =	vmul.f32 v9, v2;
	_ =	sdelay $0x1  }
0x369: {  	v10 =	vadd.f32 v10, v13;
	v9 =	vsub.f32 v9, v14  }
0x36a: {  	_ = 	snop  }
0x36b: {  	[tilespmem:s18+$0xD300] =	vst v10  }
0x36c: {  	[tilespmem:s18+$0x11300] =	vst v9  }
0x36d: {  	v3 =	vld [tilespmem:s17+$0x3780]  }
0x36e: {  	v4 =	vld [tilespmem:s17+$0x7F80];
	_ =	sdelay $0x4  }
0x36f: {  	v3 =	vperm.xlane v3, v0;
	v4 =	vperm.xlane v4, v0;
	_ =	sdelay $0x1  }
0x370: {  	v3 =	vsel vm0, v5, v3;
	v4 =	vsel vm0, v6, v4  }
0x371: {  	v5 =	vmul.f32 v3, v2;
	v6 =	vmul.f32 v4, v1  }
0x372: {  	v1 =	vmul.f32 v3, v1;
	v2 =	vmul.f32 v4, v2  }
0x373: {  	v3 =	vadd.f32 v6, v5  }
0x374: {  	s14 =	sor.u32 $0x3380, s19;
	v1 =	vsub.f32 v2, v1  }
0x375: {  	[tilespmem:s14+$0xA000] =	vst v3  }
0x376: {  	s15 =	rddreg [dreg:$0x1b];
	s23 =	simm.s32 $0xC000;
	[tilespmem:s14+$0xE000] =	vst v1  }
0x377: {  	[hbm4b:s15+s1] =	stream.linear.scatter [tilespmem:s23], [sflag:$0x7], $0x80, $0x38;
	[tilespmem:$0x12100] =	vst v63  }
0x378: {  	s16 =	simm.s32 $0xC400;
	s24 =	sadd.s32 $0x10, s15  }
0x379: {  	[hbm4b:s24+s1] =	stream.linear.scatter [tilespmem:s16], [sflag:$0x7], $0x80, $0x38;
	[tilespmem:$0x12100] =	vst v63  }
0x37a: {  	s18 =	simm.s32 $0xC800;
	s17 =	sadd.s32 $0x20, s15  }
0x37b: {  	[hbm4b:s17+s1] =	stream.linear.scatter [tilespmem:s18], [sflag:$0x7], $0x80, $0x38;
	[tilespmem:$0x12100] =	vst v63  }
0x37c: {  	s20 =	simm.s32 $0xCC00;
	s19 =	sadd.s32 $0x30, s15  }
0x37d: {  	[hbm4b:s19+s1] =	stream.linear.scatter [tilespmem:s20], [sflag:$0x7], $0x80, $0x38;
	[tilespmem:$0x12100] =	vst v63  }
0x37e: {  	s22 =	simm.s32 $0xD000;
	s21 =	sadd.s32 $0x40, s15  }
0x37f: {  	[hbm4b:s21+s1] =	stream.linear.scatter [tilespmem:s22], [sflag:$0x7], $0x80, $0x38;
	[tilespmem:$0x12100] =	vst v63  }
0x380: {  	s23 =	sadd.s32 $0x50, s15;
	s24 =	simm.s32 $0xD400  }
0x381: {  	[hbm4b:s23+s1] =	stream.linear.scatter [tilespmem:s24], [sflag:$0x7], $0x80, $0x38;
	[tilespmem:$0x12100] =	vst v63  }
0x382: {  	s16 =	sadd.s32 $0x60, s15;
	s17 =	simm.s32 $0xD800  }
0x383: {  	[hbm4b:s16+s1] =	stream.linear.scatter [tilespmem:s17], [sflag:$0x7], $0x80, $0x38;
	[tilespmem:$0x12100] =	vst v63  }
0x384: {  	s18 =	sadd.s32 $0x70, s15;
	s19 =	simm.s32 $0xDC00  }
0x385: {  	[hbm4b:s18+s1] =	stream.linear.scatter [tilespmem:s19], [sflag:$0x7], $0x80, $0x38;
	[tilespmem:$0x12100] =	vst v63  }
0x386: {  	s15 =	rddreg [dreg:$0x1c];
	s20 =	simm.s32 $0x10000  }
0x387: {  	[hbm4b:s15+s1] =	stream.linear.scatter [tilespmem:s20], [sflag:$0x8], $0x80, $0x38;
	[tilespmem:$0x12100] =	vst v63  }
0x388: {  	s21 =	sadd.s32 $0x10, s15;
	s22 =	simm.s32 $0x10400  }
0x389: {  	[hbm4b:s21+s1] =	stream.linear.scatter [tilespmem:s22], [sflag:$0x8], $0x80, $0x38;
	[tilespmem:$0x12100] =	vst v63  }
0x38a: {  	s23 =	sadd.s32 $0x20, s15;
	s24 =	simm.s32 $0x10800  }
0x38b: {  	[hbm4b:s23+s1] =	stream.linear.scatter [tilespmem:s24], [sflag:$0x8], $0x80, $0x38;
	[tilespmem:$0x12100] =	vst v63  }
0x38c: {  	s17 =	sadd.s32 $0x30, s15;
	s18 =	simm.s32 $0x10C00  }
0x38d: {  	[hbm4b:s17+s1] =	stream.linear.scatter [tilespmem:s18], [sflag:$0x8], $0x80, $0x38;
	[tilespmem:$0x12100] =	vst v63  }
0x38e: {  	s19 =	sadd.s32 $0x40, s15;
	s20 =	simm.s32 $0x11000  }
0x38f: {  	[hbm4b:s19+s1] =	stream.linear.scatter [tilespmem:s20], [sflag:$0x8], $0x80, $0x38;
	[tilespmem:$0x12100] =	vst v63  }
0x390: {  	s21 =	sadd.s32 $0x50, s15;
	s22 =	simm.s32 $0x11400  }
0x391: {  	[hbm4b:s21+s1] =	stream.linear.scatter [tilespmem:s22], [sflag:$0x8], $0x80, $0x38;
	[tilespmem:$0x12100] =	vst v63  }
0x392: {  	s23 =	sadd.s32 $0x60, s15;
	s24 =	simm.s32 $0x11800  }
0x393: {  	[hbm4b:s23+s1] =	stream.linear.scatter [tilespmem:s24], [sflag:$0x8], $0x80, $0x38;
	[tilespmem:$0x12100] =	vst v63  }
0x394: {  	s16 =	sadd.s32 $0x70, s15;
	s17 =	simm.s32 $0x11C00  }
0x395: {  	[hbm4b:s16+s1] =	stream.linear.scatter [tilespmem:s17], [sflag:$0x8], $0x80, $0x38;
	[tilespmem:$0x12100] =	vst v63  }
0x396: {  	s15 =	rddreg [dreg:$0x1d];
	s18 =	simm.s32 $0xC080  }
0x397: {  	[hbm4b:s15+s1] =	stream.linear.scatter [tilespmem:s18], [sflag:$0x7], $0x80, $0x38;
	[tilespmem:$0x12100] =	vst v63  }
0x398: {  	s19 =	sadd.s32 $0x10, s15;
	s20 =	simm.s32 $0xC480  }
0x399: {  	[hbm4b:s19+s1] =	stream.linear.scatter [tilespmem:s20], [sflag:$0x7], $0x80, $0x38;
	[tilespmem:$0x12100] =	vst v63  }
0x39a: {  	s21 =	sadd.s32 $0x20, s15;
	s22 =	simm.s32 $0xC880  }
0x39b: {  	[hbm4b:s21+s1] =	stream.linear.scatter [tilespmem:s22], [sflag:$0x7], $0x80, $0x38;
	[tilespmem:$0x12100] =	vst v63  }
0x39c: {  	s23 =	sadd.s32 $0x30, s15;
	s24 =	simm.s32 $0xCC80  }
0x39d: {  	[hbm4b:s23+s1] =	stream.linear.scatter [tilespmem:s24], [sflag:$0x7], $0x80, $0x38;
	[tilespmem:$0x12100] =	vst v63  }
0x39e: {  	s17 =	sadd.s32 $0x40, s15;
	s18 =	simm.s32 $0xD080  }
0x39f: {  	[hbm4b:s17+s1] =	stream.linear.scatter [tilespmem:s18], [sflag:$0x7], $0x80, $0x38;
	[tilespmem:$0x12100] =	vst v63  }
0x3a0: {  	s19 =	sadd.s32 $0x50, s15;
	s20 =	simm.s32 $0xD480  }
0x3a1: {  	[hbm4b:s19+s1] =	stream.linear.scatter [tilespmem:s20], [sflag:$0x7], $0x80, $0x38;
	[tilespmem:$0x12100] =	vst v63  }
0x3a2: {  	s21 =	sadd.s32 $0x60, s15;
	s22 =	simm.s32 $0xD880  }
0x3a3: {  	[hbm4b:s21+s1] =	stream.linear.scatter [tilespmem:s22], [sflag:$0x7], $0x80, $0x38;
	[tilespmem:$0x12100] =	vst v63  }
0x3a4: {  	s23 =	sadd.s32 $0x70, s15;
	s24 =	simm.s32 $0xDC80  }
0x3a5: {  	[hbm4b:s23+s1] =	stream.linear.scatter [tilespmem:s24], [sflag:$0x7], $0x80, $0x38;
	[tilespmem:$0x12100] =	vst v63  }
0x3a6: {  	s16 =	simm.s32 $0x10080;
	s15 =	rddreg [dreg:$0x1e]  }
0x3a7: {  	[hbm4b:s15+s1] =	stream.linear.scatter [tilespmem:s16], [sflag:$0x8], $0x80, $0x38;
	[tilespmem:$0x12100] =	vst v63  }
0x3a8: {  	s17 =	sadd.s32 $0x10, s15;
	s18 =	simm.s32 $0x10480  }
0x3a9: {  	[hbm4b:s17+s1] =	stream.linear.scatter [tilespmem:s18], [sflag:$0x8], $0x80, $0x38;
	[tilespmem:$0x12100] =	vst v63  }
0x3aa: {  	s19 =	sadd.s32 $0x20, s15;
	s20 =	simm.s32 $0x10880  }
0x3ab: {  	[hbm4b:s19+s1] =	stream.linear.scatter [tilespmem:s20], [sflag:$0x8], $0x80, $0x38;
	[tilespmem:$0x12100] =	vst v63  }
0x3ac: {  	s21 =	sadd.s32 $0x30, s15;
	s22 =	simm.s32 $0x10C80  }
0x3ad: {  	[hbm4b:s21+s1] =	stream.linear.scatter [tilespmem:s22], [sflag:$0x8], $0x80, $0x38;
	[tilespmem:$0x12100] =	vst v63  }
0x3ae: {  	s23 =	sadd.s32 $0x40, s15;
	s24 =	simm.s32 $0x11080  }
0x3af: {  	[hbm4b:s23+s1] =	stream.linear.scatter [tilespmem:s24], [sflag:$0x8], $0x80, $0x38;
	[tilespmem:$0x12100] =	vst v63  }
0x3b0: {  	s16 =	sadd.s32 $0x50, s15;
	s17 =	simm.s32 $0x11480  }
0x3b1: {  	[hbm4b:s16+s1] =	stream.linear.scatter [tilespmem:s17], [sflag:$0x8], $0x80, $0x38;
	[tilespmem:$0x12100] =	vst v63  }
0x3b2: {  	s18 =	sadd.s32 $0x60, s15;
	s19 =	simm.s32 $0x11880  }
0x3b3: {  	[hbm4b:s18+s1] =	stream.linear.scatter [tilespmem:s19], [sflag:$0x8], $0x80, $0x38;
	[tilespmem:$0x12100] =	vst v63  }
0x3b4: {  	s20 =	sadd.s32 $0x70, s15;
	s21 =	simm.s32 $0x11C80  }
0x3b5: {  	[hbm4b:s20+s1] =	stream.linear.scatter [tilespmem:s21], [sflag:$0x8], $0x80, $0x38;
	[tilespmem:$0x12100] =	vst v63  }
0x3b6: {  	s22 =	simm.s32 $0xC100  }
0x3b7: {  	[hbm4b:s25+s1] =	stream.linear.scatter [tilespmem:s22], [sflag:$0x7], $0x80, $0x38;
	[tilespmem:$0x12100] =	vst v63  }
0x3b8: {  	s23 =	sadd.s32 $0x10, s25;
	s24 =	simm.s32 $0xC500  }
0x3b9: {  	[hbm4b:s23+s1] =	stream.linear.scatter [tilespmem:s24], [sflag:$0x7], $0x80, $0x38;
	[tilespmem:$0x12100] =	vst v63  }
0x3ba: {  	s15 =	sadd.s32 $0x20, s25;
	s16 =	simm.s32 $0xC900  }
0x3bb: {  	[hbm4b:s15+s1] =	stream.linear.scatter [tilespmem:s16], [sflag:$0x7], $0x80, $0x38;
	[tilespmem:$0x12100] =	vst v63  }
0x3bc: {  	s17 =	sadd.s32 $0x30, s25;
	s18 =	simm.s32 $0xCD00  }
0x3bd: {  	[hbm4b:s17+s1] =	stream.linear.scatter [tilespmem:s18], [sflag:$0x7], $0x80, $0x38;
	[tilespmem:$0x12100] =	vst v63  }
0x3be: {  	s19 =	sadd.s32 $0x40, s25;
	s20 =	simm.s32 $0xD100  }
0x3bf: {  	[hbm4b:s19+s1] =	stream.linear.scatter [tilespmem:s20], [sflag:$0x7], $0x80, $0x38;
	[tilespmem:$0x12100] =	vst v63  }
0x3c0: {  	s21 =	sadd.s32 $0x50, s25;
	s22 =	simm.s32 $0xD500  }
0x3c1: {  	[hbm4b:s21+s1] =	stream.linear.scatter [tilespmem:s22], [sflag:$0x7], $0x80, $0x38;
	[tilespmem:$0x12100] =	vst v63  }
0x3c2: {  	s23 =	sadd.s32 $0x60, s25;
	s24 =	simm.s32 $0xD900  }
0x3c3: {  	[hbm4b:s23+s1] =	stream.linear.scatter [tilespmem:s24], [sflag:$0x7], $0x80, $0x38;
	[tilespmem:$0x12100] =	vst v63  }
0x3c4: {  	s16 =	sadd.s32 $0x70, s25;
	s17 =	simm.s32 $0xDD00  }
0x3c5: {  	[hbm4b:s16+s1] =	stream.linear.scatter [tilespmem:s17], [sflag:$0x7], $0x80, $0x38;
	[tilespmem:$0x12100] =	vst v63  }
0x3c6: {  	s18 =	simm.s32 $0x10100  }
0x3c7: {  	[hbm4b:s26+s1] =	stream.linear.scatter [tilespmem:s18], [sflag:$0x8], $0x80, $0x38;
	[tilespmem:$0x12100] =	vst v63  }
0x3c8: {  	s19 =	sadd.s32 $0x10, s26;
	s20 =	simm.s32 $0x10500  }
0x3c9: {  	[hbm4b:s19+s1] =	stream.linear.scatter [tilespmem:s20], [sflag:$0x8], $0x80, $0x38;
	[tilespmem:$0x12100] =	vst v63  }
0x3ca: {  	s21 =	sadd.s32 $0x20, s26;
	s22 =	simm.s32 $0x10900  }
0x3cb: {  	[hbm4b:s21+s1] =	stream.linear.scatter [tilespmem:s22], [sflag:$0x8], $0x80, $0x38;
	[tilespmem:$0x12100] =	vst v63  }
0x3cc: {  	s23 =	sadd.s32 $0x30, s26;
	s24 =	simm.s32 $0x10D00  }
0x3cd: {  	[hbm4b:s23+s1] =	stream.linear.scatter [tilespmem:s24], [sflag:$0x8], $0x80, $0x38;
	[tilespmem:$0x12100] =	vst v63  }
0x3ce: {  	s16 =	sadd.s32 $0x40, s26;
	s17 =	simm.s32 $0x11100  }
0x3cf: {  	[hbm4b:s16+s1] =	stream.linear.scatter [tilespmem:s17], [sflag:$0x8], $0x80, $0x38;
	[tilespmem:$0x12100] =	vst v63  }
0x3d0: {  	s18 =	sadd.s32 $0x50, s26;
	s19 =	simm.s32 $0x11500  }
0x3d1: {  	[hbm4b:s18+s1] =	stream.linear.scatter [tilespmem:s19], [sflag:$0x8], $0x80, $0x38;
	[tilespmem:$0x12100] =	vst v63  }
0x3d2: {  	s20 =	sadd.s32 $0x60, s26;
	s21 =	simm.s32 $0x11900  }
0x3d3: {  	[hbm4b:s20+s1] =	stream.linear.scatter [tilespmem:s21], [sflag:$0x8], $0x80, $0x38;
	[tilespmem:$0x12100] =	vst v63  }
0x3d4: {  	s22 =	sadd.s32 $0x70, s26;
	s23 =	simm.s32 $0x11D00  }
0x3d5: {  	[hbm4b:s22+s1] =	stream.linear.scatter [tilespmem:s23], [sflag:$0x8], $0x80, $0x38;
	[tilespmem:$0x12100] =	vst v63  }
0x3d6: {  	s24 =	simm.s32 $0xC180  }
0x3d7: {  	[hbm4b:s28+s1] =	stream.linear.scatter [tilespmem:s24], [sflag:$0x7], $0x80, $0x38;
	[tilespmem:$0x12100] =	vst v63  }
0x3d8: {  	s15 =	sadd.s32 $0x10, s28;
	s16 =	simm.s32 $0xC580  }
0x3d9: {  	[hbm4b:s15+s1] =	stream.linear.scatter [tilespmem:s16], [sflag:$0x7], $0x80, $0x38;
	[tilespmem:$0x12100] =	vst v63  }
0x3da: {  	s17 =	sadd.s32 $0x20, s28;
	s18 =	simm.s32 $0xC980  }
0x3db: {  	[hbm4b:s17+s1] =	stream.linear.scatter [tilespmem:s18], [sflag:$0x7], $0x80, $0x38;
	[tilespmem:$0x12100] =	vst v63  }
0x3dc: {  	s19 =	sadd.s32 $0x30, s28;
	s20 =	simm.s32 $0xCD80  }
0x3dd: {  	[hbm4b:s19+s1] =	stream.linear.scatter [tilespmem:s20], [sflag:$0x7], $0x80, $0x38;
	[tilespmem:$0x12100] =	vst v63  }
0x3de: {  	s21 =	sadd.s32 $0x40, s28;
	s22 =	simm.s32 $0xD180  }
0x3df: {  	[hbm4b:s21+s1] =	stream.linear.scatter [tilespmem:s22], [sflag:$0x7], $0x80, $0x38;
	[tilespmem:$0x12100] =	vst v63  }
0x3e0: {  	s23 =	sadd.s32 $0x50, s28;
	s24 =	simm.s32 $0xD580  }
0x3e1: {  	[hbm4b:s23+s1] =	stream.linear.scatter [tilespmem:s24], [sflag:$0x7], $0x80, $0x38;
	[tilespmem:$0x12100] =	vst v63  }
0x3e2: {  	s16 =	sadd.s32 $0x60, s28;
	s17 =	simm.s32 $0xD980  }
0x3e3: {  	[hbm4b:s16+s1] =	stream.linear.scatter [tilespmem:s17], [sflag:$0x7], $0x80, $0x38;
	[tilespmem:$0x12100] =	vst v63  }
0x3e4: {  	s18 =	sadd.s32 $0x70, s28;
	s19 =	simm.s32 $0xDD80  }
0x3e5: {  	[hbm4b:s18+s1] =	stream.linear.scatter [tilespmem:s19], [sflag:$0x7], $0x80, $0x38;
	[tilespmem:$0x12100] =	vst v63  }
0x3e6: {  	s20 =	simm.s32 $0x10180  }
0x3e7: {  	[hbm4b:s29+s1] =	stream.linear.scatter [tilespmem:s20], [sflag:$0x8], $0x80, $0x38;
	[tilespmem:$0x12100] =	vst v63  }
0x3e8: {  	s21 =	sadd.s32 $0x10, s29;
	s22 =	simm.s32 $0x10580  }
0x3e9: {  	[hbm4b:s21+s1] =	stream.linear.scatter [tilespmem:s22], [sflag:$0x8], $0x80, $0x38;
	[tilespmem:$0x12100] =	vst v63  }
0x3ea: {  	s23 =	sadd.s32 $0x20, s29;
	s24 =	simm.s32 $0x10980  }
0x3eb: {  	[hbm4b:s23+s1] =	stream.linear.scatter [tilespmem:s24], [sflag:$0x8], $0x80, $0x38;
	[tilespmem:$0x12100] =	vst v63  }
0x3ec: {  	s15 =	sadd.s32 $0x30, s29;
	s16 =	simm.s32 $0x10D80  }
0x3ed: {  	[hbm4b:s15+s1] =	stream.linear.scatter [tilespmem:s16], [sflag:$0x8], $0x80, $0x38;
	[tilespmem:$0x12100] =	vst v63  }
0x3ee: {  	s17 =	sadd.s32 $0x40, s29;
	s18 =	simm.s32 $0x11180  }
0x3ef: {  	[hbm4b:s17+s1] =	stream.linear.scatter [tilespmem:s18], [sflag:$0x8], $0x80, $0x38;
	[tilespmem:$0x12100] =	vst v63  }
0x3f0: {  	s19 =	sadd.s32 $0x50, s29;
	s20 =	simm.s32 $0x11580  }
0x3f1: {  	[hbm4b:s19+s1] =	stream.linear.scatter [tilespmem:s20], [sflag:$0x8], $0x80, $0x38;
	[tilespmem:$0x12100] =	vst v63  }
0x3f2: {  	s21 =	sadd.s32 $0x60, s29;
	s22 =	simm.s32 $0x11980  }
0x3f3: {  	[hbm4b:s21+s1] =	stream.linear.scatter [tilespmem:s22], [sflag:$0x8], $0x80, $0x38;
	[tilespmem:$0x12100] =	vst v63  }
0x3f4: {  	s23 =	sadd.s32 $0x70, s29;
	s24 =	simm.s32 $0x11D80  }
0x3f5: {  	[hbm4b:s23+s1] =	stream.linear.scatter [tilespmem:s24], [sflag:$0x8], $0x80, $0x38;
	[tilespmem:$0x12100] =	vst v63  }
0x3f6: {  	s16 =	simm.s32 $0xC200  }
0x3f7: {  	[hbm4b:s30+s1] =	stream.linear.scatter [tilespmem:s16], [sflag:$0x7], $0x80, $0x38;
	[tilespmem:$0x12100] =	vst v63  }
0x3f8: {  	s17 =	sadd.s32 $0x10, s30;
	s18 =	simm.s32 $0xC600  }
0x3f9: {  	[hbm4b:s17+s1] =	stream.linear.scatter [tilespmem:s18], [sflag:$0x7], $0x80, $0x38;
	[tilespmem:$0x12100] =	vst v63  }
0x3fa: {  	s19 =	sadd.s32 $0x20, s30;
	s20 =	simm.s32 $0xCA00  }
0x3fb: {  	[hbm4b:s19+s1] =	stream.linear.scatter [tilespmem:s20], [sflag:$0x7], $0x80, $0x38;
	[tilespmem:$0x12100] =	vst v63  }
0x3fc: {  	s21 =	sadd.s32 $0x30, s30;
	s22 =	simm.s32 $0xCE00  }
0x3fd: {  	[hbm4b:s21+s1] =	stream.linear.scatter [tilespmem:s22], [sflag:$0x7], $0x80, $0x38;
	[tilespmem:$0x12100] =	vst v63  }
0x3fe: {  	s23 =	sadd.s32 $0x40, s30;
	s24 =	simm.s32 $0xD200  }
0x3ff: {  	[hbm4b:s23+s1] =	stream.linear.scatter [tilespmem:s24], [sflag:$0x7], $0x80, $0x38;
	[tilespmem:$0x12100] =	vst v63  }
0x400: {  	s16 =	sadd.s32 $0x50, s30;
	s17 =	simm.s32 $0xD600  }
0x401: {  	[hbm4b:s16+s1] =	stream.linear.scatter [tilespmem:s17], [sflag:$0x7], $0x80, $0x38;
	[tilespmem:$0x12100] =	vst v63  }
0x402: {  	s18 =	sadd.s32 $0x60, s30;
	s19 =	simm.s32 $0xDA00  }
0x403: {  	[hbm4b:s18+s1] =	stream.linear.scatter [tilespmem:s19], [sflag:$0x7], $0x80, $0x38;
	[tilespmem:$0x12100] =	vst v63  }
0x404: {  	s20 =	sadd.s32 $0x70, s30;
	s21 =	simm.s32 $0xDE00  }
0x405: {  	[hbm4b:s20+s1] =	stream.linear.scatter [tilespmem:s21], [sflag:$0x7], $0x80, $0x38;
	[tilespmem:$0x12100] =	vst v63  }
0x406: {  	s22 =	simm.s32 $0x10200  }
0x407: {  	[hbm4b:s31+s1] =	stream.linear.scatter [tilespmem:s22], [sflag:$0x8], $0x80, $0x38;
	[tilespmem:$0x12100] =	vst v63  }
0x408: {  	s23 =	sadd.s32 $0x10, s31;
	s24 =	simm.s32 $0x10600  }
0x409: {  	[hbm4b:s23+s1] =	stream.linear.scatter [tilespmem:s24], [sflag:$0x8], $0x80, $0x38;
	[tilespmem:$0x12100] =	vst v63  }
0x40a: {  	s15 =	sadd.s32 $0x20, s31;
	s16 =	simm.s32 $0x10A00  }
0x40b: {  	[hbm4b:s15+s1] =	stream.linear.scatter [tilespmem:s16], [sflag:$0x8], $0x80, $0x38;
	[tilespmem:$0x12100] =	vst v63  }
0x40c: {  	s17 =	sadd.s32 $0x30, s31;
	s18 =	simm.s32 $0x10E00  }
0x40d: {  	[hbm4b:s17+s1] =	stream.linear.scatter [tilespmem:s18], [sflag:$0x8], $0x80, $0x38;
	[tilespmem:$0x12100] =	vst v63  }
0x40e: {  	s19 =	sadd.s32 $0x40, s31;
	s20 =	simm.s32 $0x11200  }
0x40f: {  	[hbm4b:s19+s1] =	stream.linear.scatter [tilespmem:s20], [sflag:$0x8], $0x80, $0x38;
	[tilespmem:$0x12100] =	vst v63  }
0x410: {  	s21 =	sadd.s32 $0x50, s31;
	s22 =	simm.s32 $0x11600  }
0x411: {  	[hbm4b:s21+s1] =	stream.linear.scatter [tilespmem:s22], [sflag:$0x8], $0x80, $0x38;
	[tilespmem:$0x12100] =	vst v63  }
0x412: {  	s23 =	sadd.s32 $0x60, s31;
	s24 =	simm.s32 $0x11A00  }
0x413: {  	[hbm4b:s23+s1] =	stream.linear.scatter [tilespmem:s24], [sflag:$0x8], $0x80, $0x38;
	[tilespmem:$0x12100] =	vst v63  }
0x414: {  	s16 =	sadd.s32 $0x70, s31;
	s17 =	simm.s32 $0x11E00  }
0x415: {  	[hbm4b:s16+s1] =	stream.linear.scatter [tilespmem:s17], [sflag:$0x8], $0x80, $0x38;
	[tilespmem:$0x12100] =	vst v63  }
0x416: {  	s18 =	simm.s32 $0xC280  }
0x417: {  	[hbm4b:s0+s1] =	stream.linear.scatter [tilespmem:s18], [sflag:$0x7], $0x80, $0x38;
	[tilespmem:$0x12100] =	vst v63  }
0x418: {  	s19 =	sadd.s32 $0x10, s0;
	s20 =	simm.s32 $0xC680  }
0x419: {  	[hbm4b:s19+s1] =	stream.linear.scatter [tilespmem:s20], [sflag:$0x7], $0x80, $0x38;
	[tilespmem:$0x12100] =	vst v63  }
0x41a: {  	s21 =	sadd.s32 $0x20, s0;
	s22 =	simm.s32 $0xCA80  }
0x41b: {  	[hbm4b:s21+s1] =	stream.linear.scatter [tilespmem:s22], [sflag:$0x7], $0x80, $0x38;
	[tilespmem:$0x12100] =	vst v63  }
0x41c: {  	s23 =	sadd.s32 $0x30, s0;
	s24 =	simm.s32 $0xCE80  }
0x41d: {  	[hbm4b:s23+s1] =	stream.linear.scatter [tilespmem:s24], [sflag:$0x7], $0x80, $0x38;
	[tilespmem:$0x12100] =	vst v63  }
0x41e: {  	s16 =	sadd.s32 $0x40, s0;
	s17 =	simm.s32 $0xD280  }
0x41f: {  	[hbm4b:s16+s1] =	stream.linear.scatter [tilespmem:s17], [sflag:$0x7], $0x80, $0x38;
	[tilespmem:$0x12100] =	vst v63  }
0x420: {  	s18 =	sadd.s32 $0x50, s0;
	s19 =	simm.s32 $0xD680  }
0x421: {  	[hbm4b:s18+s1] =	stream.linear.scatter [tilespmem:s19], [sflag:$0x7], $0x80, $0x38;
	[tilespmem:$0x12100] =	vst v63  }
0x422: {  	s20 =	sadd.s32 $0x60, s0;
	s21 =	simm.s32 $0xDA80  }
0x423: {  	[hbm4b:s20+s1] =	stream.linear.scatter [tilespmem:s21], [sflag:$0x7], $0x80, $0x38;
	[tilespmem:$0x12100] =	vst v63  }
0x424: {  	s22 =	sadd.s32 $0x70, s0;
	s23 =	simm.s32 $0xDE80  }
0x425: {  	[hbm4b:s22+s1] =	stream.linear.scatter [tilespmem:s23], [sflag:$0x7], $0x80, $0x38;
	[tilespmem:$0x12100] =	vst v63  }
0x426: {  	s24 =	simm.s32 $0x10280  }
0x427: {  	[hbm4b:s2+s1] =	stream.linear.scatter [tilespmem:s24], [sflag:$0x8], $0x80, $0x38;
	[tilespmem:$0x12100] =	vst v63  }
0x428: {  	s15 =	sadd.s32 $0x10, s2;
	s16 =	simm.s32 $0x10680  }
0x429: {  	[hbm4b:s15+s1] =	stream.linear.scatter [tilespmem:s16], [sflag:$0x8], $0x80, $0x38;
	[tilespmem:$0x12100] =	vst v63  }
0x42a: {  	s17 =	sadd.s32 $0x20, s2;
	s18 =	simm.s32 $0x10A80  }
0x42b: {  	[hbm4b:s17+s1] =	stream.linear.scatter [tilespmem:s18], [sflag:$0x8], $0x80, $0x38;
	[tilespmem:$0x12100] =	vst v63  }
0x42c: {  	s19 =	sadd.s32 $0x30, s2;
	s20 =	simm.s32 $0x10E80  }
0x42d: {  	[hbm4b:s19+s1] =	stream.linear.scatter [tilespmem:s20], [sflag:$0x8], $0x80, $0x38;
	[tilespmem:$0x12100] =	vst v63  }
0x42e: {  	s21 =	sadd.s32 $0x40, s2;
	s22 =	simm.s32 $0x11280  }
0x42f: {  	[hbm4b:s21+s1] =	stream.linear.scatter [tilespmem:s22], [sflag:$0x8], $0x80, $0x38;
	[tilespmem:$0x12100] =	vst v63  }
0x430: {  	s23 =	sadd.s32 $0x50, s2;
	s24 =	simm.s32 $0x11680  }
0x431: {  	[hbm4b:s23+s1] =	stream.linear.scatter [tilespmem:s24], [sflag:$0x8], $0x80, $0x38;
	[tilespmem:$0x12100] =	vst v63  }
0x432: {  	s16 =	sadd.s32 $0x60, s2;
	s17 =	simm.s32 $0x11A80  }
0x433: {  	[hbm4b:s16+s1] =	stream.linear.scatter [tilespmem:s17], [sflag:$0x8], $0x80, $0x38;
	[tilespmem:$0x12100] =	vst v63  }
0x434: {  	s18 =	sadd.s32 $0x70, s2;
	s19 =	simm.s32 $0x11E80  }
0x435: {  	[hbm4b:s18+s1] =	stream.linear.scatter [tilespmem:s19], [sflag:$0x8], $0x80, $0x38;
	[tilespmem:$0x12100] =	vst v63  }
0x436: {  	s20 =	simm.s32 $0xC300  }
0x437: {  	[hbm4b:s5+s1] =	stream.linear.scatter [tilespmem:s20], [sflag:$0x7], $0x80, $0x38;
	[tilespmem:$0x12100] =	vst v63  }
0x438: {  	s21 =	sadd.s32 $0x10, s5;
	s22 =	simm.s32 $0xC700  }
0x439: {  	[hbm4b:s21+s1] =	stream.linear.scatter [tilespmem:s22], [sflag:$0x7], $0x80, $0x38;
	[tilespmem:$0x12100] =	vst v63  }
0x43a: {  	s23 =	sadd.s32 $0x20, s5;
	s24 =	simm.s32 $0xCB00  }
0x43b: {  	[hbm4b:s23+s1] =	stream.linear.scatter [tilespmem:s24], [sflag:$0x7], $0x80, $0x38;
	[tilespmem:$0x12100] =	vst v63  }
0x43c: {  	s15 =	sadd.s32 $0x30, s5;
	s16 =	simm.s32 $0xCF00  }
0x43d: {  	[hbm4b:s15+s1] =	stream.linear.scatter [tilespmem:s16], [sflag:$0x7], $0x80, $0x38;
	[tilespmem:$0x12100] =	vst v63  }
0x43e: {  	s17 =	sadd.s32 $0x40, s5;
	s18 =	simm.s32 $0xD300  }
0x43f: {  	[hbm4b:s17+s1] =	stream.linear.scatter [tilespmem:s18], [sflag:$0x7], $0x80, $0x38;
	[tilespmem:$0x12100] =	vst v63  }
0x440: {  	s19 =	sadd.s32 $0x50, s5;
	s20 =	simm.s32 $0xD700  }
0x441: {  	[hbm4b:s19+s1] =	stream.linear.scatter [tilespmem:s20], [sflag:$0x7], $0x80, $0x38;
	[tilespmem:$0x12100] =	vst v63  }
0x442: {  	s21 =	sadd.s32 $0x60, s5;
	s22 =	simm.s32 $0xDB00  }
0x443: {  	[hbm4b:s21+s1] =	stream.linear.scatter [tilespmem:s22], [sflag:$0x7], $0x80, $0x38;
	[tilespmem:$0x12100] =	vst v63  }
0x444: {  	s23 =	sadd.s32 $0x70, s5;
	s24 =	simm.s32 $0xDF00  }
0x445: {  	[hbm4b:s23+s1] =	stream.linear.scatter [tilespmem:s24], [sflag:$0x7], $0x80, $0x38;
	[tilespmem:$0x12100] =	vst v63  }
0x446: {  	s16 =	simm.s32 $0x10300  }
0x447: {  	[hbm4b:s6+s1] =	stream.linear.scatter [tilespmem:s16], [sflag:$0x8], $0x80, $0x38;
	[tilespmem:$0x12100] =	vst v63  }
0x448: {  	s17 =	sadd.s32 $0x10, s6;
	s18 =	simm.s32 $0x10700  }
0x449: {  	[hbm4b:s17+s1] =	stream.linear.scatter [tilespmem:s18], [sflag:$0x8], $0x80, $0x38;
	[tilespmem:$0x12100] =	vst v63  }
0x44a: {  	s19 =	sadd.s32 $0x20, s6;
	s20 =	simm.s32 $0x10B00  }
0x44b: {  	[hbm4b:s19+s1] =	stream.linear.scatter [tilespmem:s20], [sflag:$0x8], $0x80, $0x38;
	[tilespmem:$0x12100] =	vst v63  }
0x44c: {  	s21 =	sadd.s32 $0x30, s6;
	s22 =	simm.s32 $0x10F00  }
0x44d: {  	[hbm4b:s21+s1] =	stream.linear.scatter [tilespmem:s22], [sflag:$0x8], $0x80, $0x38;
	[tilespmem:$0x12100] =	vst v63  }
0x44e: {  	s23 =	sadd.s32 $0x40, s6;
	s24 =	simm.s32 $0x11300  }
0x44f: {  	[hbm4b:s23+s1] =	stream.linear.scatter [tilespmem:s24], [sflag:$0x8], $0x80, $0x38;
	[tilespmem:$0x12100] =	vst v63  }
0x450: {  	s16 =	sadd.s32 $0x50, s6;
	s17 =	simm.s32 $0x11700  }
0x451: {  	[hbm4b:s16+s1] =	stream.linear.scatter [tilespmem:s17], [sflag:$0x8], $0x80, $0x38;
	[tilespmem:$0x12100] =	vst v63  }
0x452: {  	s18 =	sadd.s32 $0x60, s6;
	s19 =	simm.s32 $0x11B00  }
0x453: {  	[hbm4b:s18+s1] =	stream.linear.scatter [tilespmem:s19], [sflag:$0x8], $0x80, $0x38;
	[tilespmem:$0x12100] =	vst v63  }
0x454: {  	s20 =	sadd.s32 $0x70, s6;
	s21 =	simm.s32 $0x11F00  }
0x455: {  	[hbm4b:s20+s1] =	stream.linear.scatter [tilespmem:s21], [sflag:$0x8], $0x80, $0x38;
	[tilespmem:$0x12100] =	vst v63  }
0x456: {  	s22 =	simm.s32 $0xC380  }
0x457: {  	[hbm4b:s7+s1] =	stream.linear.scatter [tilespmem:s22], [sflag:$0x7], $0x80, $0x38;
	[tilespmem:$0x12100] =	vst v63  }
0x458: {  	s23 =	sadd.s32 $0x10, s7;
	s24 =	simm.s32 $0xC780  }
0x459: {  	[hbm4b:s23+s1] =	stream.linear.scatter [tilespmem:s24], [sflag:$0x7], $0x80, $0x38;
	[tilespmem:$0x12100] =	vst v63  }
0x45a: {  	s15 =	sadd.s32 $0x20, s7;
	s16 =	simm.s32 $0xCB80  }
0x45b: {  	[hbm4b:s15+s1] =	stream.linear.scatter [tilespmem:s16], [sflag:$0x7], $0x80, $0x38;
	[tilespmem:$0x12100] =	vst v63  }
0x45c: {  	s17 =	sadd.s32 $0x30, s7;
	s18 =	simm.s32 $0xCF80  }
0x45d: {  	[hbm4b:s17+s1] =	stream.linear.scatter [tilespmem:s18], [sflag:$0x7], $0x80, $0x38;
	[tilespmem:$0x12100] =	vst v63  }
0x45e: {  	s19 =	sadd.s32 $0x40, s7;
	s20 =	simm.s32 $0xD380  }
0x45f: {  	[hbm4b:s19+s1] =	stream.linear.scatter [tilespmem:s20], [sflag:$0x7], $0x80, $0x38;
	[tilespmem:$0x12100] =	vst v63  }
0x460: {  	s21 =	sadd.s32 $0x50, s7;
	s22 =	simm.s32 $0xD780  }
0x461: {  	[hbm4b:s21+s1] =	stream.linear.scatter [tilespmem:s22], [sflag:$0x7], $0x80, $0x38;
	[tilespmem:$0x12100] =	vst v63  }
0x462: {  	s23 =	sadd.s32 $0x60, s7;
	s24 =	simm.s32 $0xDB80  }
0x463: {  	[hbm4b:s23+s1] =	stream.linear.scatter [tilespmem:s24], [sflag:$0x7], $0x80, $0x38;
	[tilespmem:$0x12100] =	vst v63  }
0x464: {  	s16 =	sadd.s32 $0x70, s7;
	s17 =	simm.s32 $0xDF80  }
0x465: {  	[hbm4b:s16+s1] =	stream.linear.scatter [tilespmem:s17], [sflag:$0x7], $0x80, $0x38;
	[tilespmem:$0x12100] =	vst v63  }
0x466: {  	s18 =	simm.s32 $0x10380  }
0x467: {  	[hbm4b:s8+s1] =	stream.linear.scatter [tilespmem:s18], [sflag:$0x8], $0x80, $0x38;
	[tilespmem:$0x12100] =	vst v63  }
0x468: {  	s19 =	sadd.s32 $0x10, s8;
	s20 =	simm.s32 $0x10780  }
0x469: {  	[hbm4b:s19+s1] =	stream.linear.scatter [tilespmem:s20], [sflag:$0x8], $0x80, $0x38;
	[tilespmem:$0x12100] =	vst v63  }
0x46a: {  	s21 =	sadd.s32 $0x20, s8;
	s22 =	simm.s32 $0x10B80  }
0x46b: {  	[hbm4b:s21+s1] =	stream.linear.scatter [tilespmem:s22], [sflag:$0x8], $0x80, $0x38;
	[tilespmem:$0x12100] =	vst v63  }
0x46c: {  	s23 =	sadd.s32 $0x30, s8;
	s24 =	simm.s32 $0x10F80  }
0x46d: {  	[hbm4b:s23+s1] =	stream.linear.scatter [tilespmem:s24], [sflag:$0x8], $0x80, $0x38;
	[tilespmem:$0x12100] =	vst v63  }
0x46e: {  	s16 =	sadd.s32 $0x40, s8;
	s17 =	simm.s32 $0x11380  }
0x46f: {  	[hbm4b:s16+s1] =	stream.linear.scatter [tilespmem:s17], [sflag:$0x8], $0x80, $0x38;
	[tilespmem:$0x12100] =	vst v63  }
0x470: {  	s18 =	sadd.s32 $0x50, s8;
	s19 =	simm.s32 $0x11780  }
0x471: {  	[hbm4b:s18+s1] =	stream.linear.scatter [tilespmem:s19], [sflag:$0x8], $0x80, $0x38;
	[tilespmem:$0x12100] =	vst v63  }
0x472: {  	s20 =	sadd.s32 $0x60, s8;
	s21 =	simm.s32 $0x11B80  }
0x473: {  	[hbm4b:s20+s1] =	stream.linear.scatter [tilespmem:s21], [sflag:$0x8], $0x80, $0x38;
	[tilespmem:$0x12100] =	vst v63  }
0x474: {  	s22 =	sadd.s32 $0x70, s8;
	s23 =	simm.s32 $0x11F80  }
0x475: {  	[hbm4b:s22+s1] =	stream.linear.scatter [tilespmem:s23], [sflag:$0x8], $0x80, $0x38;
	[tilespmem:$0x12100] =	vst v63  }
0x476: {  	_ =	swait.ge [sflag:s9], $0x400  }
0x477: {  	[sflag:s9] =	ssyncset.done $0x0  }
0x478: {  	[sflag:s9] =	ssyncadd.s32 $0xFFFFFC00  }
0x479: {  	_ =	swait.ge [sflag:s10], $0x400  }
0x47a: {  	[sflag:s10] =	ssyncset.done $0x0  }
0x47b: {  	[sflag:s10] =	ssyncadd.s32 $0xFFFFFC00  }
0x47c: {  	_ =	swait.ge [sflag:s9], $0x400  }
0x47d: {  	[sflag:s9] =	ssyncset.done $0x0  }
0x47e: {  	[sflag:s9] =	ssyncadd.s32 $0xFFFFFC00  }
0x47f: {  	_ =	swait.ge [sflag:s10], $0x400  }
0x480: {  	[sflag:s10] =	ssyncset.done $0x0  }
0x481: {  	[sflag:s10] =	ssyncadd.s32 $0xFFFFFC00  }
0x482: {  	_ =	swait.ge [sflag:s9], $0x400  }
0x483: {  	[sflag:s9] =	ssyncset.done $0x0  }
0x484: {  	[sflag:s9] =	ssyncadd.s32 $0xFFFFFC00  }
0x485: {  	_ =	swait.ge [sflag:s10], $0x400  }
0x486: {  	[sflag:s10] =	ssyncset.done $0x0  }
0x487: {  	[sflag:s10] =	ssyncadd.s32 $0xFFFFFC00  }
0x488: {  	_ =	swait.ge [sflag:s9], $0x400  }
0x489: {  	[sflag:s9] =	ssyncset.done $0x0  }
0x48a: {  	[sflag:s9] =	ssyncadd.s32 $0xFFFFFC00  }
0x48b: {  	_ =	swait.ge [sflag:s10], $0x400  }
0x48c: {  	[sflag:s10] =	ssyncset.done $0x0  }
0x48d: {  	[sflag:s10] =	ssyncadd.s32 $0xFFFFFC00  }
0x48e: {  	_ =	swait.ge [sflag:s9], $0x400  }
0x48f: {  	[sflag:s9] =	ssyncset.done $0x0  }
0x490: {  	[sflag:s9] =	ssyncadd.s32 $0xFFFFFC00  }
0x491: {  	_ =	swait.ge [sflag:s10], $0x400  }
0x492: {  	[sflag:s10] =	ssyncset.done $0x0  }
0x493: {  	[sflag:s10] =	ssyncadd.s32 $0xFFFFFC00  }
0x494: {  	_ =	swait.ge [sflag:s9], $0x400  }
0x495: {  	[sflag:s9] =	ssyncset.done $0x0  }
0x496: {  	[sflag:s9] =	ssyncadd.s32 $0xFFFFFC00  }
0x497: {  	_ =	swait.ge [sflag:s10], $0x400  }
0x498: {  	[sflag:s10] =	ssyncset.done $0x0  }
0x499: {  	[sflag:s10] =	ssyncadd.s32 $0xFFFFFC00  }
0x49a: {  	_ =	swait.ge [sflag:s9], $0x400  }
0x49b: {  	[sflag:s9] =	ssyncset.done $0x0  }
0x49c: {  	[sflag:s9] =	ssyncadd.s32 $0xFFFFFC00  }
0x49d: {  	_ =	swait.ge [sflag:s10], $0x400  }
0x49e: {  	[sflag:s10] =	ssyncset.done $0x0  }
0x49f: {  	[sflag:s10] =	ssyncadd.s32 $0xFFFFFC00  }
0x4a0: {  	_ =	swait.ge [sflag:s9], $0x400  }
0x4a1: {  	[sflag:s9] =	ssyncset.done $0x0  }
0x4a2: {  	[sflag:s9] =	ssyncadd.s32 $0xFFFFFC00  }
0x4a3: {  	_ =	swait.ge [sflag:s10], $0x400  }
0x4a4: {  	[sflag:s10] =	ssyncset.done $0x0  }
0x4a5: {  	[sflag:s10] =	ssyncadd.s32 $0xFFFFFC00  }
0x4a6: {  	_ =	swait.ge [sflag:s11], $0x400  }
0x4a7: {  	[sflag:s11] =	ssyncset.done $0x0  }
0x4a8: {  	[sflag:s11] =	ssyncadd.s32 $0xFFFFFC00  }
0x4a9: {  	_ =	swait.ge [sflag:s12], $0x400  }
0x4aa: {  	[sflag:s12] =	ssyncset.done $0x0  }
0x4ab: {  	[sflag:s12] =	ssyncadd.s32 $0xFFFFFC00  }
0x4ac: {  	_ =	swait.ge [sflag:s11], $0x400  }
0x4ad: {  	[sflag:s11] =	ssyncset.done $0x0  }
0x4ae: {  	[sflag:s11] =	ssyncadd.s32 $0xFFFFFC00  }
0x4af: {  	_ =	swait.ge [sflag:s12], $0x400  }
0x4b0: {  	[sflag:s12] =	ssyncset.done $0x0  }
0x4b1: {  	[sflag:s12] =	ssyncadd.s32 $0xFFFFFC00  }
0x4b2: {  	_ =	swait.ge [sflag:s11], $0x400  }
0x4b3: {  	[sflag:s11] =	ssyncset.done $0x0  }
0x4b4: {  	[sflag:s11] =	ssyncadd.s32 $0xFFFFFC00  }
0x4b5: {  	_ =	swait.ge [sflag:s12], $0x400  }
0x4b6: {  	[sflag:s12] =	ssyncset.done $0x0  }
0x4b7: {  	[sflag:s12] =	ssyncadd.s32 $0xFFFFFC00  }
0x4b8: {  	_ =	swait.ge [sflag:s11], $0x400  }
0x4b9: {  	[sflag:s11] =	ssyncset.done $0x0  }
0x4ba: {  	[sflag:s11] =	ssyncadd.s32 $0xFFFFFC00  }
0x4bb: {  	_ =	swait.ge [sflag:s12], $0x400  }
0x4bc: {  	[sflag:s12] =	ssyncset.done $0x0  }
0x4bd: {  	[sflag:s12] =	ssyncadd.s32 $0xFFFFFC00  }
0x4be: {  	_ =	swait.ge [sflag:s11], $0x400  }
0x4bf: {  	[sflag:s11] =	ssyncset.done $0x0  }
0x4c0: {  	[sflag:s11] =	ssyncadd.s32 $0xFFFFFC00  }
0x4c1: {  	_ =	swait.ge [sflag:s12], $0x400  }
0x4c2: {  	[sflag:s12] =	ssyncset.done $0x0  }
0x4c3: {  	[sflag:s12] =	ssyncadd.s32 $0xFFFFFC00  }
0x4c4: {  	_ =	swait.ge [sflag:s11], $0x400  }
0x4c5: {  	[sflag:s11] =	ssyncset.done $0x0  }
0x4c6: {  	[sflag:s11] =	ssyncadd.s32 $0xFFFFFC00  }
0x4c7: {  	_ =	swait.ge [sflag:s12], $0x400  }
0x4c8: {  	[sflag:s12] =	ssyncset.done $0x0  }
0x4c9: {  	[sflag:s12] =	ssyncadd.s32 $0xFFFFFC00  }
0x4ca: {  	_ =	swait.ge [sflag:s11], $0x400  }
0x4cb: {  	[sflag:s11] =	ssyncset.done $0x0  }
0x4cc: {  	[sflag:s11] =	ssyncadd.s32 $0xFFFFFC00  }
0x4cd: {  	_ =	swait.ge [sflag:s12], $0x400  }
0x4ce: {  	[sflag:s12] =	ssyncset.done $0x0  }
0x4cf: {  	[sflag:s12] =	ssyncadd.s32 $0xFFFFFC00  }
0x4d0: {  	_ =	swait.ge [sflag:s11], $0x400  }
0x4d1: {  	[sflag:s11] =	ssyncset.done $0x0  }
0x4d2: {  	[sflag:s11] =	ssyncadd.s32 $0xFFFFFC00  }
0x4d3: {  	_ =	swait.ge [sflag:s12], $0x400  }
0x4d4: {  	s24 =	sld [smem:$0x7FD];
	_ =	sdelay $0x1  }
0x4d5: {  	s13 =	sadd.s32 $0x1, s13  }
0x4d6: {  	p0 =	sne.s32 s13, s24  }
.Ltmp4:
0x4d7: {  	_ = 	snop;
	(pc) =	sbr.rel @p0 .LBB2_1-.Ltmp4, $3  }
0x4d8: {  	_ =	sdelay $0x1  }
0x4d9: {  	[sflag:s12] =	ssyncset.done $0x0  }
0x4da: {  	[sflag:s12] =	ssyncadd.s32 $0xFFFFFC00  }
0x4db: {  	_ =	sfence.sel $0x180000  }
0x4dc: {  	[bflag:$0x0] =	sbarrier.arrive $0xFFFF  }
0x4dd: {  	_ =	strace $0x90000047  }
0x4de: {  	s0 =	stileid.u32;
	[bflag:$0x2] =	sbarrier.arrive $0xFFFF  }
0x4df: {  	p0 =	sne.s32 s0, $0x0;
	s0 =	rddreg [dreg:$0x7]  }
0x4e0: {  	s0 =	sadd.s32 @!p0 $0x100000, s0  }
0x4e1: {  	[sflag:s0] =	ssyncadd.tile.s32 @!p0 $0x1;
	_ =	shalt  }
.Lfunc_end2:
_tile_overlayer_lowered:
.L_overlay_start_2:
0x4e2: {  	(tag) =	ssettag $0x2  }
0x4e3: {  	s0 =	rddreg [dreg:$0x0];
	s2 =	stileid.u32  }
0x4e4: {  	s1 =	rddreg [dreg:$0x1];
	p0 =	sne.s32 s2, $0x0  }
0x4e5: {  	s3 =	rddreg [dreg:$0x2];
	[bflag:$0x3] =	sbarrier.arrive $0xFFFF;
	s2 =	simm.s32 @!p0 $0x1C09  }
0x4e6: {  	[timem:s3], [sflag:s2] =	dma.local @!p0 [hbm:s0], s1  }
0x4e7: {  	s0 =	simm.s32 @!p0 $0x9  }
0x4e8: {  	_ =	swait.ge @!p0 [sflag:s0], s1  }
0x4e9: {  	s1 =	ssub.s32 @!p0 $0x0, s1;
	[sflag:s0] =	ssyncset.done @!p0 $0x0  }
0x4ea: {  	[sflag:s0] =	ssyncadd.s32 @!p0 s1  }
0x4eb: {  	[bflag:$0x3] =	sbarrier.arrive $0xFFFF  }
0x4ec: {  	_ =	shalt  }

</sc_bundles>
